<compile_context>
chip_gen: v7x
topology: tpu7x:2x2x1
jax: 0.10.2.dev20260603
libtpu: 0.0.44.dev20260713+nightly
codegen_flags: <defaults>
</compile_context>

<pallas_src>
import functools

import jax
import jax.numpy as jnp
from jax import lax
from jax.experimental import pallas as pl
from jax.experimental.pallas import tpu as pltpu
from jax.experimental.pallas import tpu_sc as plsc

_PAD_ROW = 5
_NK = 6
_D = 128
_NC = 2
_NS = 16
_NW = _NC * _NS
_SW = 128
_CPC = 2
_CHUNK = _SW * _CPC
_L = 16


def _body(idx_hbm, table_hbm, out_hbm, idx_v, table_v, rows_v, osem):
    c = lax.axis_index("c")
    s = lax.axis_index("s")
    wid = s * _NC + c
    n_stage = idx_hbm.shape[0] // _NW
    n_chunks = n_stage // _CPC
    base = wid * n_stage

    pltpu.sync_copy(idx_hbm.at[pl.ds(base, n_stage)], idx_v)
    pltpu.sync_copy(table_hbm, table_v)
    zero = jnp.zeros((_L,), jnp.float32)
    for jb in range(_D // _L):
        table_v[pl.ds(_PAD_ROW * _D + jb * _L, _L)] = zero

    cw = _CHUNK * _D

    def start_out(i, slot):
        pltpu.make_async_copy(
            rows_v.at[pl.ds(slot * cw, cw)],
            out_hbm.at[pl.ds(base * (_SW * _D) + i * cw, cw)], osem).start()

    def wait_out():
        pltpu.make_async_copy(
            rows_v.at[pl.ds(0, cw)], out_hbm.at[pl.ds(0, cw)], osem).wait()

    def chunk(i, carry):
        slot = lax.rem(i, 2)

        @pl.when(i >= 2)
        def _():
            wait_out()

        for sr in range(_CPC):
            def group(g, carry2, sr=sr):
                ids = idx_v[i * _CPC + sr, pl.ds(g * _L, _L)]
                gbase = (slot * _CHUNK + sr * _SW + g * _L) * _D
                koffs = [lax.shift_left(ids[l], 7) for l in range(_L)]

                def load_row(l):
                    return [table_v[pl.ds(koffs[l] + jb * _L, _L)]
                            for jb in range(_D // _L)]

                def store_row(l, vals):
                    for jb in range(_D // _L):
                        rows_v[pl.ds(gbase + l * _D + jb * _L, _L)] = vals[jb]

                vals = load_row(0)
                for l in range(1, _L):
                    nxt = load_row(l)
                    store_row(l - 1, vals)
                    vals = nxt
                store_row(_L - 1, vals)
                return carry2

            lax.fori_loop(0, _SW // _L, group, 0)
        start_out(i, slot)
        return carry

    lax.fori_loop(0, n_chunks, chunk, 0)
    wait_out()
    wait_out()


def kernel(inputs, table):
    n_rows, n_cols = inputs.shape
    b_total = n_rows * n_cols
    idx = inputs.reshape(b_total // _SW, _SW).astype(jnp.int32)

    mesh = plsc.VectorSubcoreMesh(core_axis_name="c", subcore_axis_name="s")

    run = functools.partial(
        pl.kernel,
        out_type=jax.ShapeDtypeStruct((b_total * _D,), jnp.float32),
        mesh=mesh,
        scratch_types=[
            pltpu.VMEM((b_total // _SW // _NW, _SW), jnp.int32),
            pltpu.VMEM((_NK * _D,), jnp.float32),
            pltpu.VMEM((2 * _CHUNK * _D,), jnp.float32),
            pltpu.SemaphoreType.DMA,
        ],
    )(_body)

    out = run(idx, table.reshape(_NK * _D))
    return out.reshape(n_rows, n_cols, _D)

# --- scband reference (transcript-rebuilt; emitter-appended) ---
"""Pipeline reference for scband-cigar-embedding-layer-81088982548704 (READ-ONLY COPY).

The authoritative reference and input builder live on the scoring server;
editing this copy changes nothing except your own understanding.
"""

import jax, jax.numpy as jnp
import numpy as np

NUM_CIGAR_OPS = 5
EMBED_DIM = 128

def setup_inputs(seed: int = 0) -> dict:
    key = jax.random.key(seed)
    k1, k2 = jax.random.split(key)
    inputs = jax.random.randint(k1, (4096, 200), 0, NUM_CIGAR_OPS + 1, dtype=jnp.int64 if jax.config.jax_enable_x64 else jnp.int32)
    table = jax.random.normal(k2, (NUM_CIGAR_OPS + 1, EMBED_DIM), dtype=jnp.float32)
    # padding_idx = num_cigar_ops (nn.Embedding resolves padding_idx=-1 to last row), row zeroed at init
    table = table.at[NUM_CIGAR_OPS].set(0.0)
    return {"inputs": inputs, "table": table}

def reference(inputs, table):
    # nn.Embedding lookup; padding row is kept zero (gradient-blocked in bwd)
    table_masked = table.at[NUM_CIGAR_OPS].set(0.0)
    embeddings = jnp.take(table_masked, inputs, axis=0)
    return embeddings

if __name__ == "__main__":
    import jax
    _d = setup_inputs()
    print(jax.jit(kernel)(*tuple(_d.values())))

</pallas_src>

<mosaic_0001>
#map = affine_map<(d0, d1) -> (0, 0)>
#map1 = affine_map<(d0, d1) -> (0)>
module attributes {stable_mosaic.version = 14 : i64} {
  func.func @_body(%arg0: i32, %arg1: i32, %arg2: memref<6400x128xi32, #tpu.memory_space<hbm>>, %arg3: memref<768xf32, #tpu.memory_space<hbm>>, %arg4: memref<104857600xf32, #tpu.memory_space<hbm>>, %arg5: memref<200x128xi32, #tpu.memory_space<vmem>>, %arg6: memref<768xf32, #tpu.memory_space<vmem>>, %arg7: memref<65536xf32, #tpu.memory_space<vmem>>, %arg8: memref<!tpu.dma_semaphore, #tpu.memory_space<semaphore_mem>>) attributes {dimension_semantics = [#tpu.dimension_semantics<core_parallel>, #tpu.dimension_semantics<subcore_parallel>], iteration_bounds = array<i64: 2, 16>, scalar_prefetch = 0 : i64, scratch_operands = 4 : i64, tpu.core_type = #tpu.core_type<sc_vector_subcore>, window_params = [{transform_indices = #map}, {transform_indices = #map1}, {transform_indices = #map1}]} {
    %mul3A = arith.constant 2 : i32
    %mul3A_0 = arith.muli %arg1, %mul3A : i32
    %add3A = arith.addi %mul3A_0, %arg0 : i32
    %mul3A_1 = arith.constant 200 : i32
    %mul3A_2 = arith.muli %add3A, %mul3A_1 : i32
    "tpu.region"() ({
      %run_scoped3A = tpu.sem_alloc : memref<!tpu.dma_semaphore, #tpu.memory_space<semaphore_mem>>
      %dma_start3A = arith.constant 0 : i32
      %dma_start3A_55 = tpu.memref_slice %arg2[%mul3A_2, %dma_start3A] : memref<6400x128xi32, #tpu.memory_space<hbm>> -> memref<200x128xi32, #tpu.memory_space<hbm>>
      %dma_start3A_56 = arith.constant 0 : i32
      %dma_start3A_57 = tpu.memref_slice %arg2[%mul3A_2, %dma_start3A_56] : memref<6400x128xi32, #tpu.memory_space<hbm>> -> memref<200x128xi32, #tpu.memory_space<hbm>>
      tpu.enqueue_dma source(%dma_start3A_57 : memref<200x128xi32, #tpu.memory_space<hbm>>) target(%arg5 : memref<200x128xi32, #tpu.memory_space<vmem>>) target_semaphore(%run_scoped3A : memref<!tpu.dma_semaphore, #tpu.memory_space<semaphore_mem>>)
      %dma_wait3A_58 = arith.constant 0 : i32
      %dma_wait3A_59 = tpu.memref_slice %arg2[%mul3A_2, %dma_wait3A_58] : memref<6400x128xi32, #tpu.memory_space<hbm>> -> memref<200x128xi32, #tpu.memory_space<hbm>>
      %dma_wait3A_60 = arith.constant 0 : i32
      %dma_wait3A_61 = tpu.memref_slice %arg2[%mul3A_2, %dma_wait3A_60] : memref<6400x128xi32, #tpu.memory_space<hbm>> -> memref<200x128xi32, #tpu.memory_space<hbm>>
      tpu.wait_dma2 semaphore(%run_scoped3A : memref<!tpu.dma_semaphore, #tpu.memory_space<semaphore_mem>>) src(%dma_wait3A_61 : memref<200x128xi32, #tpu.memory_space<hbm>>) dst(%arg5 : memref<200x128xi32, #tpu.memory_space<vmem>>)
      tpu.yield
    }) : () -> ()
    "tpu.region"() ({
      %run_scoped3A = tpu.sem_alloc : memref<!tpu.dma_semaphore, #tpu.memory_space<semaphore_mem>>
      tpu.enqueue_dma source(%arg3 : memref<768xf32, #tpu.memory_space<hbm>>) target(%arg6 : memref<768xf32, #tpu.memory_space<vmem>>) target_semaphore(%run_scoped3A : memref<!tpu.dma_semaphore, #tpu.memory_space<semaphore_mem>>)
      tpu.wait_dma2 semaphore(%run_scoped3A : memref<!tpu.dma_semaphore, #tpu.memory_space<semaphore_mem>>) src(%arg3 : memref<768xf32, #tpu.memory_space<hbm>>) dst(%arg6 : memref<768xf32, #tpu.memory_space<vmem>>)
      tpu.yield
    }) : () -> ()
    %broadcast_in_dim3A = arith.constant 0.000000e+00 : f32
    %broadcast_in_dim3A_3 = vector.broadcast %broadcast_in_dim3A : f32 to vector<16xf32>
    %swap3A = arith.constant 640 : index
    %swap3A_4 = tpu.vector_load %arg6[%swap3A] {strides = array<i32>} : memref<768xf32, #tpu.memory_space<vmem>>, vector<16xf32>,
    %swap3A_5 = vector.shape_cast %swap3A_4 : vector<16xf32> to vector<16xf32>
    %swap3A_6 = vector.shape_cast %broadcast_in_dim3A_3 : vector<16xf32> to vector<16xf32>
    tpu.vector_store %arg6[%swap3A], %swap3A_6 {strides = array<i32>} : memref<768xf32, #tpu.memory_space<vmem>>, vector<16xf32>,
    %swap3A_7 = arith.constant 656 : index
    %swap3A_8 = tpu.vector_load %arg6[%swap3A_7] {strides = array<i32>} : memref<768xf32, #tpu.memory_space<vmem>>, vector<16xf32>,
    %swap3A_9 = vector.shape_cast %swap3A_8 : vector<16xf32> to vector<16xf32>
    %swap3A_10 = vector.shape_cast %broadcast_in_dim3A_3 : vector<16xf32> to vector<16xf32>
    tpu.vector_store %arg6[%swap3A_7], %swap3A_10 {strides = array<i32>} : memref<768xf32, #tpu.memory_space<vmem>>, vector<16xf32>,
    %swap3A_11 = arith.constant 672 : index
    %swap3A_12 = tpu.vector_load %arg6[%swap3A_11] {strides = array<i32>} : memref<768xf32, #tpu.memory_space<vmem>>, vector<16xf32>,
    %swap3A_13 = vector.shape_cast %swap3A_12 : vector<16xf32> to vector<16xf32>
    %swap3A_14 = vector.shape_cast %broadcast_in_dim3A_3 : vector<16xf32> to vector<16xf32>
    tpu.vector_store %arg6[%swap3A_11], %swap3A_14 {strides = array<i32>} : memref<768xf32, #tpu.memory_space<vmem>>, vector<16xf32>,
    %swap3A_15 = arith.constant 688 : index
    %swap3A_16 = tpu.vector_load %arg6[%swap3A_15] {strides = array<i32>} : memref<768xf32, #tpu.memory_space<vmem>>, vector<16xf32>,
    %swap3A_17 = vector.shape_cast %swap3A_16 : vector<16xf32> to vector<16xf32>
    %swap3A_18 = vector.shape_cast %broadcast_in_dim3A_3 : vector<16xf32> to vector<16xf32>
    tpu.vector_store %arg6[%swap3A_15], %swap3A_18 {strides = array<i32>} : memref<768xf32, #tpu.memory_space<vmem>>, vector<16xf32>,
    %swap3A_19 = arith.constant 704 : index
    %swap3A_20 = tpu.vector_load %arg6[%swap3A_19] {strides = array<i32>} : memref<768xf32, #tpu.memory_space<vmem>>, vector<16xf32>,
    %swap3A_21 = vector.shape_cast %swap3A_20 : vector<16xf32> to vector<16xf32>
    %swap3A_22 = vector.shape_cast %broadcast_in_dim3A_3 : vector<16xf32> to vector<16xf32>
    tpu.vector_store %arg6[%swap3A_19], %swap3A_22 {strides = array<i32>} : memref<768xf32, #tpu.memory_space<vmem>>, vector<16xf32>,
    %swap3A_23 = arith.constant 720 : index
    %swap3A_24 = tpu.vector_load %arg6[%swap3A_23] {strides = array<i32>} : memref<768xf32, #tpu.memory_space<vmem>>, vector<16xf32>,
    %swap3A_25 = vector.shape_cast %swap3A_24 : vector<16xf32> to vector<16xf32>
    %swap3A_26 = vector.shape_cast %broadcast_in_dim3A_3 : vector<16xf32> to vector<16xf32>
    tpu.vector_store %arg6[%swap3A_23], %swap3A_26 {strides = array<i32>} : memref<768xf32, #tpu.memory_space<vmem>>, vector<16xf32>,
    %swap3A_27 = arith.constant 736 : index
    %swap3A_28 = tpu.vector_load %arg6[%swap3A_27] {strides = array<i32>} : memref<768xf32, #tpu.memory_space<vmem>>, vector<16xf32>,
    %swap3A_29 = vector.shape_cast %swap3A_28 : vector<16xf32> to vector<16xf32>
    %swap3A_30 = vector.shape_cast %broadcast_in_dim3A_3 : vector<16xf32> to vector<16xf32>
    tpu.vector_store %arg6[%swap3A_27], %swap3A_30 {strides = array<i32>} : memref<768xf32, #tpu.memory_space<vmem>>, vector<16xf32>,
    %swap3A_31 = arith.constant 752 : index
    %swap3A_32 = tpu.vector_load %arg6[%swap3A_31] {strides = array<i32>} : memref<768xf32, #tpu.memory_space<vmem>>, vector<16xf32>,
    %swap3A_33 = vector.shape_cast %swap3A_32 : vector<16xf32> to vector<16xf32>
    %swap3A_34 = vector.shape_cast %broadcast_in_dim3A_3 : vector<16xf32> to vector<16xf32>
    tpu.vector_store %arg6[%swap3A_31], %swap3A_34 {strides = array<i32>} : memref<768xf32, #tpu.memory_space<vmem>>, vector<16xf32>,
    %scan3A = arith.constant 0 : i32
    %scan3A_35 = arith.constant 0 : i32
    %scan3A_36 = arith.constant 100 : i32
    %scan3A_37 = arith.addi %scan3A_35, %scan3A_36 : i32
    %scan3A_38 = arith.constant 1 : i32
    scf.for %scan3A_55 = %scan3A_35 to %scan3A_37 step %scan3A_38  : i32 {
      %rem3A = arith.constant 2 : i32
      %rem3A_56 = arith.remsi %scan3A_55, %rem3A : i32
      %ge3A = arith.constant 2 : i32
      %ge3A_57 = arith.cmpi sge, %scan3A_55, %ge3A : i32
      %convert_element_type3A = arith.extui %ge3A_57 : i1 to i32
      %cond3A = arith.constant 0 : i32
      %cond3A_58 = arith.cmpi ne, %convert_element_type3A, %cond3A : i32
      scf.if %cond3A_58 {
        %dma_wait3A_81 = arith.constant 0 : i32
        %dma_wait3A_82 = tpu.memref_slice %arg7[%dma_wait3A_81] : memref<65536xf32, #tpu.memory_space<vmem>> -> memref<32768xf32, #tpu.memory_space<vmem>>
        %dma_wait3A_83 = arith.constant 0 : i32
        %dma_wait3A_84 = tpu.memref_slice %arg4[%dma_wait3A_83] : memref<104857600xf32, #tpu.memory_space<hbm>> -> memref<32768xf32, #tpu.memory_space<hbm>>
        %dma_wait3A_85 = arith.constant 0 : i32
        %dma_wait3A_86 = tpu.memref_slice %arg4[%dma_wait3A_85] : memref<104857600xf32, #tpu.memory_space<hbm>> -> memref<32768xf32, #tpu.memory_space<hbm>>
        %dma_wait3A_87 = arith.constant 0 : i32
        %dma_wait3A_88 = tpu.memref_slice %arg7[%dma_wait3A_87] : memref<65536xf32, #tpu.memory_space<vmem>> -> memref<32768xf32, #tpu.memory_space<vmem>>
        tpu.wait_dma2 semaphore(%arg8 : memref<!tpu.dma_semaphore, #tpu.memory_space<semaphore_mem>>) src(%dma_wait3A_88 : memref<32768xf32, #tpu.memory_space<vmem>>) dst(%dma_wait3A_86 : memref<32768xf32, #tpu.memory_space<hbm>>)
      } else {
      }
      %scan3A_59 = arith.constant 0 : i32
      %scan3A_60 = arith.constant 0 : i32
      %scan3A_61 = arith.constant 8 : i32
      %scan3A_62 = arith.addi %scan3A_60, %scan3A_61 : i32
      %scan3A_63 = arith.constant 1 : i32
      scf.for %scan3A_81 = %scan3A_60 to %scan3A_62 step %scan3A_63  : i32 {
        %mul3A_82 = arith.constant 2 : i32
        %mul3A_83 = arith.muli %scan3A_55, %mul3A_82 : i32
        %add3A_84 = arith.constant 0 : i32
        %add3A_85 = arith.addi %mul3A_83, %add3A_84 : i32
        %mul3A_86 = arith.constant 16 : i32
        %mul3A_87 = arith.muli %scan3A_81, %mul3A_86 : i32
        %get3A = arith.index_cast %add3A_85 : i32 to index
        %get3A_88 = arith.index_cast %mul3A_87 : i32 to index
        %get3A_89 = tpu.vector_load %arg5[%get3A, %get3A_88] {strides = array<i32>} : memref<200x128xi32, #tpu.memory_space<vmem>>, vector<1x16xi32>,
        %get3A_90 = vector.shape_cast %get3A_89 : vector<1x16xi32> to vector<16xi32>
        %mul3A_91 = arith.constant 256 : i32
        %mul3A_92 = arith.muli %rem3A_56, %mul3A_91 : i32
        %add3A_93 = arith.constant 0 : i32
        %add3A_94 = arith.addi %mul3A_92, %add3A_93 : i32
        %mul3A_95 = arith.constant 16 : i32
        %mul3A_96 = arith.muli %scan3A_81, %mul3A_95 : i32
        %add3A_97 = arith.addi %add3A_94, %mul3A_96 : i32
        %mul3A_98 = arith.constant 128 : i32
        %mul3A_99 = arith.muli %add3A_97, %mul3A_98 : i32
        %slice3A = vector.extract_strided_slice %get3A_90 {offsets = [0], sizes = [1], strides = [1]} : vector<16xi32> to vector<1xi32>
        %squeeze3A = vector.extract %slice3A[0] : i32 from vector<1xi32>
        %shift_left3A = arith.constant 7 : i32
        %shift_left3A_100 = arith.shli %squeeze3A, %shift_left3A : i32
        %slice3A_101 = vector.extract_strided_slice %get3A_90 {offsets = [1], sizes = [1], strides = [1]} : vector<16xi32> to vector<1xi32>
        %squeeze3A_102 = vector.extract %slice3A_101[0] : i32 from vector<1xi32>
        %shift_left3A_103 = arith.constant 7 : i32
        %shift_left3A_104 = arith.shli %squeeze3A_102, %shift_left3A_103 : i32
        %slice3A_105 = vector.extract_strided_slice %get3A_90 {offsets = [2], sizes = [1], strides = [1]} : vector<16xi32> to vector<1xi32>
        %squeeze3A_106 = vector.extract %slice3A_105[0] : i32 from vector<1xi32>
        %shift_left3A_107 = arith.constant 7 : i32
        %shift_left3A_108 = arith.shli %squeeze3A_106, %shift_left3A_107 : i32
        %slice3A_109 = vector.extract_strided_slice %get3A_90 {offsets = [3], sizes = [1], strides = [1]} : vector<16xi32> to vector<1xi32>
        %squeeze3A_110 = vector.extract %slice3A_109[0] : i32 from vector<1xi32>
        %shift_left3A_111 = arith.constant 7 : i32
        %shift_left3A_112 = arith.shli %squeeze3A_110, %shift_left3A_111 : i32
        %slice3A_113 = vector.extract_strided_slice %get3A_90 {offsets = [4], sizes = [1], strides = [1]} : vector<16xi32> to vector<1xi32>
        %squeeze3A_114 = vector.extract %slice3A_113[0] : i32 from vector<1xi32>
        %shift_left3A_115 = arith.constant 7 : i32
        %shift_left3A_116 = arith.shli %squeeze3A_114, %shift_left3A_115 : i32
        %slice3A_117 = vector.extract_strided_slice %get3A_90 {offsets = [5], sizes = [1], strides = [1]} : vector<16xi32> to vector<1xi32>
        %squeeze3A_118 = vector.extract %slice3A_117[0] : i32 from vector<1xi32>
        %shift_left3A_119 = arith.constant 7 : i32
        %shift_left3A_120 = arith.shli %squeeze3A_118, %shift_left3A_119 : i32
        %slice3A_121 = vector.extract_strided_slice %get3A_90 {offsets = [6], sizes = [1], strides = [1]} : vector<16xi32> to vector<1xi32>
        %squeeze3A_122 = vector.extract %slice3A_121[0] : i32 from vector<1xi32>
        %shift_left3A_123 = arith.constant 7 : i32
        %shift_left3A_124 = arith.shli %squeeze3A_122, %shift_left3A_123 : i32
        %slice3A_125 = vector.extract_strided_slice %get3A_90 {offsets = [7], sizes = [1], strides = [1]} : vector<16xi32> to vector<1xi32>
        %squeeze3A_126 = vector.extract %slice3A_125[0] : i32 from vector<1xi32>
        %shift_left3A_127 = arith.constant 7 : i32
        %shift_left3A_128 = arith.shli %squeeze3A_126, %shift_left3A_127 : i32
        %slice3A_129 = vector.extract_strided_slice %get3A_90 {offsets = [8], sizes = [1], strides = [1]} : vector<16xi32> to vector<1xi32>
        %squeeze3A_130 = vector.extract %slice3A_129[0] : i32 from vector<1xi32>
        %shift_left3A_131 = arith.constant 7 : i32
        %shift_left3A_132 = arith.shli %squeeze3A_130, %shift_left3A_131 : i32
        %slice3A_133 = vector.extract_strided_slice %get3A_90 {offsets = [9], sizes = [1], strides = [1]} : vector<16xi32> to vector<1xi32>
        %squeeze3A_134 = vector.extract %slice3A_133[0] : i32 from vector<1xi32>
        %shift_left3A_135 = arith.constant 7 : i32
        %shift_left3A_136 = arith.shli %squeeze3A_134, %shift_left3A_135 : i32
        %slice3A_137 = vector.extract_strided_slice %get3A_90 {offsets = [10], sizes = [1], strides = [1]} : vector<16xi32> to vector<1xi32>
        %squeeze3A_138 = vector.extract %slice3A_137[0] : i32 from vector<1xi32>
        %shift_left3A_139 = arith.constant 7 : i32
        %shift_left3A_140 = arith.shli %squeeze3A_138, %shift_left3A_139 : i32
        %slice3A_141 = vector.extract_strided_slice %get3A_90 {offsets = [11], sizes = [1], strides = [1]} : vector<16xi32> to vector<1xi32>
        %squeeze3A_142 = vector.extract %slice3A_141[0] : i32 from vector<1xi32>
        %shift_left3A_143 = arith.constant 7 : i32
        %shift_left3A_144 = arith.shli %squeeze3A_142, %shift_left3A_143 : i32
        %slice3A_145 = vector.extract_strided_slice %get3A_90 {offsets = [12], sizes = [1], strides = [1]} : vector<16xi32> to vector<1xi32>
        %squeeze3A_146 = vector.extract %slice3A_145[0] : i32 from vector<1xi32>
        %shift_left3A_147 = arith.constant 7 : i32
        %shift_left3A_148 = arith.shli %squeeze3A_146, %shift_left3A_147 : i32
        %slice3A_149 = vector.extract_strided_slice %get3A_90 {offsets = [13], sizes = [1], strides = [1]} : vector<16xi32> to vector<1xi32>
        %squeeze3A_150 = vector.extract %slice3A_149[0] : i32 from vector<1xi32>
        %shift_left3A_151 = arith.constant 7 : i32
        %shift_left3A_152 = arith.shli %squeeze3A_150, %shift_left3A_151 : i32
        %slice3A_153 = vector.extract_strided_slice %get3A_90 {offsets = [14], sizes = [1], strides = [1]} : vector<16xi32> to vector<1xi32>
        %squeeze3A_154 = vector.extract %slice3A_153[0] : i32 from vector<1xi32>
        %shift_left3A_155 = arith.constant 7 : i32
        %shift_left3A_156 = arith.shli %squeeze3A_154, %shift_left3A_155 : i32
        %slice3A_157 = vector.extract_strided_slice %get3A_90 {offsets = [15], sizes = [1], strides = [1]} : vector<16xi32> to vector<1xi32>
        %squeeze3A_158 = vector.extract %slice3A_157[0] : i32 from vector<1xi32>
        %shift_left3A_159 = arith.constant 7 : i32
        %shift_left3A_160 = arith.shli %squeeze3A_158, %shift_left3A_159 : i32
        %add3A_161 = arith.constant 0 : i32
        %add3A_162 = arith.addi %shift_left3A_100, %add3A_161 : i32
        %get3A_163 = arith.index_cast %add3A_162 : i32 to index
        %get3A_164 = tpu.vector_load %arg6[%get3A_163] {strides = array<i32>} : memref<768xf32, #tpu.memory_space<vmem>>, vector<16xf32>,
        %get3A_165 = vector.shape_cast %get3A_164 : vector<16xf32> to vector<16xf32>
        %add3A_166 = arith.constant 16 : i32
        %add3A_167 = arith.addi %shift_left3A_100, %add3A_166 : i32
        %get3A_168 = arith.index_cast %add3A_167 : i32 to index
        %get3A_169 = tpu.vector_load %arg6[%get3A_168] {strides = array<i32>} : memref<768xf32, #tpu.memory_space<vmem>>, vector<16xf32>,
        %get3A_170 = vector.shape_cast %get3A_169 : vector<16xf32> to vector<16xf32>
        %add3A_171 = arith.constant 32 : i32
        %add3A_172 = arith.addi %shift_left3A_100, %add3A_171 : i32
        %get3A_173 = arith.index_cast %add3A_172 : i32 to index
        %get3A_174 = tpu.vector_load %arg6[%get3A_173] {strides = array<i32>} : memref<768xf32, #tpu.memory_space<vmem>>, vector<16xf32>,
        %get3A_175 = vector.shape_cast %get3A_174 : vector<16xf32> to vector<16xf32>
        %add3A_176 = arith.constant 48 : i32
        %add3A_177 = arith.addi %shift_left3A_100, %add3A_176 : i32
        %get3A_178 = arith.index_cast %add3A_177 : i32 to index
        %get3A_179 = tpu.vector_load %arg6[%get3A_178] {strides = array<i32>} : memref<768xf32, #tpu.memory_space<vmem>>, vector<16xf32>,
        %get3A_180 = vector.shape_cast %get3A_179 : vector<16xf32> to vector<16xf32>
        %add3A_181 = arith.constant 64 : i32
        %add3A_182 = arith.addi %shift_left3A_100, %add3A_181 : i32
        %get3A_183 = arith.index_cast %add3A_182 : i32 to index
        %get3A_184 = tpu.vector_load %arg6[%get3A_183] {strides = array<i32>} : memref<768xf32, #tpu.memory_space<vmem>>, vector<16xf32>,
        %get3A_185 = vector.shape_cast %get3A_184 : vector<16xf32> to vector<16xf32>
        %add3A_186 = arith.constant 80 : i32
        %add3A_187 = arith.addi %shift_left3A_100, %add3A_186 : i32
        %get3A_188 = arith.index_cast %add3A_187 : i32 to index
        %get3A_189 = tpu.vector_load %arg6[%get3A_188] {strides = array<i32>} : memref<768xf32, #tpu.memory_space<vmem>>, vector<16xf32>,
        %get3A_190 = vector.shape_cast %get3A_189 : vector<16xf32> to vector<16xf32>
        %add3A_191 = arith.constant 96 : i32
        %add3A_192 = arith.addi %shift_left3A_100, %add3A_191 : i32
        %get3A_193 = arith.index_cast %add3A_192 : i32 to index
        %get3A_194 = tpu.vector_load %arg6[%get3A_193] {strides = array<i32>} : memref<768xf32, #tpu.memory_space<vmem>>, vector<16xf32>,
        %get3A_195 = vector.shape_cast %get3A_194 : vector<16xf32> to vector<16xf32>
        %add3A_196 = arith.constant 112 : i32
        %add3A_197 = arith.addi %shift_left3A_100, %add3A_196 : i32
        %get3A_198 = arith.index_cast %add3A_197 : i32 to index
        %get3A_199 = tpu.vector_load %arg6[%get3A_198] {strides = array<i32>} : memref<768xf32, #tpu.memory_space<vmem>>, vector<16xf32>,
        %get3A_200 = vector.shape_cast %get3A_199 : vector<16xf32> to vector<16xf32>
        %add3A_201 = arith.constant 0 : i32
        %add3A_202 = arith.addi %shift_left3A_104, %add3A_201 : i32
        %get3A_203 = arith.index_cast %add3A_202 : i32 to index
        %get3A_204 = tpu.vector_load %arg6[%get3A_203] {strides = array<i32>} : memref<768xf32, #tpu.memory_space<vmem>>, vector<16xf32>,
        %get3A_205 = vector.shape_cast %get3A_204 : vector<16xf32> to vector<16xf32>
        %add3A_206 = arith.constant 16 : i32
        %add3A_207 = arith.addi %shift_left3A_104, %add3A_206 : i32
        %get3A_208 = arith.index_cast %add3A_207 : i32 to index
        %get3A_209 = tpu.vector_load %arg6[%get3A_208] {strides = array<i32>} : memref<768xf32, #tpu.memory_space<vmem>>, vector<16xf32>,
        %get3A_210 = vector.shape_cast %get3A_209 : vector<16xf32> to vector<16xf32>
        %add3A_211 = arith.constant 32 : i32
        %add3A_212 = arith.addi %shift_left3A_104, %add3A_211 : i32
        %get3A_213 = arith.index_cast %add3A_212 : i32 to index
        %get3A_214 = tpu.vector_load %arg6[%get3A_213] {strides = array<i32>} : memref<768xf32, #tpu.memory_space<vmem>>, vector<16xf32>,
        %get3A_215 = vector.shape_cast %get3A_214 : vector<16xf32> to vector<16xf32>
        %add3A_216 = arith.constant 48 : i32
        %add3A_217 = arith.addi %shift_left3A_104, %add3A_216 : i32
        %get3A_218 = arith.index_cast %add3A_217 : i32 to index
        %get3A_219 = tpu.vector_load %arg6[%get3A_218] {strides = array<i32>} : memref<768xf32, #tpu.memory_space<vmem>>, vector<16xf32>,
        %get3A_220 = vector.shape_cast %get3A_219 : vector<16xf32> to vector<16xf32>
        %add3A_221 = arith.constant 64 : i32
        %add3A_222 = arith.addi %shift_left3A_104, %add3A_221 : i32
        %get3A_223 = arith.index_cast %add3A_222 : i32 to index
        %get3A_224 = tpu.vector_load %arg6[%get3A_223] {strides = array<i32>} : memref<768xf32, #tpu.memory_space<vmem>>, vector<16xf32>,
        %get3A_225 = vector.shape_cast %get3A_224 : vector<16xf32> to vector<16xf32>
        %add3A_226 = arith.constant 80 : i32
        %add3A_227 = arith.addi %shift_left3A_104, %add3A_226 : i32
        %get3A_228 = arith.index_cast %add3A_227 : i32 to index
        %get3A_229 = tpu.vector_load %arg6[%get3A_228] {strides = array<i32>} : memref<768xf32, #tpu.memory_space<vmem>>, vector<16xf32>,
        %get3A_230 = vector.shape_cast %get3A_229 : vector<16xf32> to vector<16xf32>
        %add3A_231 = arith.constant 96 : i32
        %add3A_232 = arith.addi %shift_left3A_104, %add3A_231 : i32
        %get3A_233 = arith.index_cast %add3A_232 : i32 to index
        %get3A_234 = tpu.vector_load %arg6[%get3A_233] {strides = array<i32>} : memref<768xf32, #tpu.memory_space<vmem>>, vector<16xf32>,
        %get3A_235 = vector.shape_cast %get3A_234 : vector<16xf32> to vector<16xf32>
        %add3A_236 = arith.constant 112 : i32
        %add3A_237 = arith.addi %shift_left3A_104, %add3A_236 : i32
        %get3A_238 = arith.index_cast %add3A_237 : i32 to index
        %get3A_239 = tpu.vector_load %arg6[%get3A_238] {strides = array<i32>} : memref<768xf32, #tpu.memory_space<vmem>>, vector<16xf32>,
        %get3A_240 = vector.shape_cast %get3A_239 : vector<16xf32> to vector<16xf32>
        %add3A_241 = arith.constant 0 : i32
        %add3A_242 = arith.addi %mul3A_99, %add3A_241 : i32
        %add3A_243 = arith.constant 0 : i32
        %add3A_244 = arith.addi %add3A_242, %add3A_243 : i32
        %swap3A_245 = arith.index_cast %add3A_244 : i32 to index
        %swap3A_246 = tpu.vector_load %arg7[%swap3A_245] {strides = array<i32>} : memref<65536xf32, #tpu.memory_space<vmem>>, vector<16xf32>,
        %swap3A_247 = vector.shape_cast %swap3A_246 : vector<16xf32> to vector<16xf32>
        %swap3A_248 = vector.shape_cast %get3A_165 : vector<16xf32> to vector<16xf32>
        tpu.vector_store %arg7[%swap3A_245], %swap3A_248 {strides = array<i32>} : memref<65536xf32, #tpu.memory_space<vmem>>, vector<16xf32>,
        %add3A_249 = arith.constant 0 : i32
        %add3A_250 = arith.addi %mul3A_99, %add3A_249 : i32
        %add3A_251 = arith.constant 16 : i32
        %add3A_252 = arith.addi %add3A_250, %add3A_251 : i32
        %swap3A_253 = arith.index_cast %add3A_252 : i32 to index
        %swap3A_254 = tpu.vector_load %arg7[%swap3A_253] {strides = array<i32>} : memref<65536xf32, #tpu.memory_space<vmem>>, vector<16xf32>,
        %swap3A_255 = vector.shape_cast %swap3A_254 : vector<16xf32> to vector<16xf32>
        %swap3A_256 = vector.shape_cast %get3A_170 : vector<16xf32> to vector<16xf32>
        tpu.vector_store %arg7[%swap3A_253], %swap3A_256 {strides = array<i32>} : memref<65536xf32, #tpu.memory_space<vmem>>, vector<16xf32>,
        %add3A_257 = arith.constant 0 : i32
        %add3A_258 = arith.addi %mul3A_99, %add3A_257 : i32
        %add3A_259 = arith.constant 32 : i32
        %add3A_260 = arith.addi %add3A_258, %add3A_259 : i32
        %swap3A_261 = arith.index_cast %add3A_260 : i32 to index
        %swap3A_262 = tpu.vector_load %arg7[%swap3A_261] {strides = array<i32>} : memref<65536xf32, #tpu.memory_space<vmem>>, vector<16xf32>,
        %swap3A_263 = vector.shape_cast %swap3A_262 : vector<16xf32> to vector<16xf32>
        %swap3A_264 = vector.shape_cast %get3A_175 : vector<16xf32> to vector<16xf32>
        tpu.vector_store %arg7[%swap3A_261], %swap3A_264 {strides = array<i32>} : memref<65536xf32, #tpu.memory_space<vmem>>, vector<16xf32>,
        %add3A_265 = arith.constant 0 : i32
        %add3A_266 = arith.addi %mul3A_99, %add3A_265 : i32
        %add3A_267 = arith.constant 48 : i32
        %add3A_268 = arith.addi %add3A_266, %add3A_267 : i32
        %swap3A_269 = arith.index_cast %add3A_268 : i32 to index
        %swap3A_270 = tpu.vector_load %arg7[%swap3A_269] {strides = array<i32>} : memref<65536xf32, #tpu.memory_space<vmem>>, vector<16xf32>,
        %swap3A_271 = vector.shape_cast %swap3A_270 : vector<16xf32> to vector<16xf32>
        %swap3A_272 = vector.shape_cast %get3A_180 : vector<16xf32> to vector<16xf32>
        tpu.vector_store %arg7[%swap3A_269], %swap3A_272 {strides = array<i32>} : memref<65536xf32, #tpu.memory_space<vmem>>, vector<16xf32>,
        %add3A_273 = arith.constant 0 : i32
        %add3A_274 = arith.addi %mul3A_99, %add3A_273 : i32
        %add3A_275 = arith.constant 64 : i32
        %add3A_276 = arith.addi %add3A_274, %add3A_275 : i32
        %swap3A_277 = arith.index_cast %add3A_276 : i32 to index
        %swap3A_278 = tpu.vector_load %arg7[%swap3A_277] {strides = array<i32>} : memref<65536xf32, #tpu.memory_space<vmem>>, vector<16xf32>,
        %swap3A_279 = vector.shape_cast %swap3A_278 : vector<16xf32> to vector<16xf32>
        %swap3A_280 = vector.shape_cast %get3A_185 : vector<16xf32> to vector<16xf32>
        tpu.vector_store %arg7[%swap3A_277], %swap3A_280 {strides = array<i32>} : memref<65536xf32, #tpu.memory_space<vmem>>, vector<16xf32>,
        %add3A_281 = arith.constant 0 : i32
        %add3A_282 = arith.addi %mul3A_99, %add3A_281 : i32
        %add3A_283 = arith.constant 80 : i32
        %add3A_284 = arith.addi %add3A_282, %add3A_283 : i32
        %swap3A_285 = arith.index_cast %add3A_284 : i32 to index
        %swap3A_286 = tpu.vector_load %arg7[%swap3A_285] {strides = array<i32>} : memref<65536xf32, #tpu.memory_space<vmem>>, vector<16xf32>,
        %swap3A_287 = vector.shape_cast %swap3A_286 : vector<16xf32> to vector<16xf32>
        %swap3A_288 = vector.shape_cast %get3A_190 : vector<16xf32> to vector<16xf32>
        tpu.vector_store %arg7[%swap3A_285], %swap3A_288 {strides = array<i32>} : memref<65536xf32, #tpu.memory_space<vmem>>, vector<16xf32>,
        %add3A_289 = arith.constant 0 : i32
        %add3A_290 = arith.addi %mul3A_99, %add3A_289 : i32
        %add3A_291 = arith.constant 96 : i32
        %add3A_292 = arith.addi %add3A_290, %add3A_291 : i32
        %swap3A_293 = arith.index_cast %add3A_292 : i32 to index
        %swap3A_294 = tpu.vector_load %arg7[%swap3A_293] {strides = array<i32>} : memref<65536xf32, #tpu.memory_space<vmem>>, vector<16xf32>,
        %swap3A_295 = vector.shape_cast %swap3A_294 : vector<16xf32> to vector<16xf32>
        %swap3A_296 = vector.shape_cast %get3A_195 : vector<16xf32> to vector<16xf32>
        tpu.vector_store %arg7[%swap3A_293], %swap3A_296 {strides = array<i32>} : memref<65536xf32, #tpu.memory_space<vmem>>, vector<16xf32>,
        %add3A_297 = arith.constant 0 : i32
        %add3A_298 = arith.addi %mul3A_99, %add3A_297 : i32
        %add3A_299 = arith.constant 112 : i32
        %add3A_300 = arith.addi %add3A_298, %add3A_299 : i32
        %swap3A_301 = arith.index_cast %add3A_300 : i32 to index
        %swap3A_302 = tpu.vector_load %arg7[%swap3A_301] {strides = array<i32>} : memref<65536xf32, #tpu.memory_space<vmem>>, vector<16xf32>,
        %swap3A_303 = vector.shape_cast %swap3A_302 : vector<16xf32> to vector<16xf32>
        %swap3A_304 = vector.shape_cast %get3A_200 : vector<16xf32> to vector<16xf32>
        tpu.vector_store %arg7[%swap3A_301], %swap3A_304 {strides = array<i32>} : memref<65536xf32, #tpu.memory_space<vmem>>, vector<16xf32>,
        %add3A_305 = arith.constant 0 : i32
        %add3A_306 = arith.addi %shift_left3A_108, %add3A_305 : i32
        %get3A_307 = arith.index_cast %add3A_306 : i32 to index
        %get3A_308 = tpu.vector_load %arg6[%get3A_307] {strides = array<i32>} : memref<768xf32, #tpu.memory_space<vmem>>, vector<16xf32>,
        %get3A_309 = vector.shape_cast %get3A_308 : vector<16xf32> to vector<16xf32>
        %add3A_310 = arith.constant 16 : i32
        %add3A_311 = arith.addi %shift_left3A_108, %add3A_310 : i32
        %get3A_312 = arith.index_cast %add3A_311 : i32 to index
        %get3A_313 = tpu.vector_load %arg6[%get3A_312] {strides = array<i32>} : memref<768xf32, #tpu.memory_space<vmem>>, vector<16xf32>,
        %get3A_314 = vector.shape_cast %get3A_313 : vector<16xf32> to vector<16xf32>
        %add3A_315 = arith.constant 32 : i32
        %add3A_316 = arith.addi %shift_left3A_108, %add3A_315 : i32
        %get3A_317 = arith.index_cast %add3A_316 : i32 to index
        %get3A_318 = tpu.vector_load %arg6[%get3A_317] {strides = array<i32>} : memref<768xf32, #tpu.memory_space<vmem>>, vector<16xf32>,
        %get3A_319 = vector.shape_cast %get3A_318 : vector<16xf32> to vector<16xf32>
        %add3A_320 = arith.constant 48 : i32
        %add3A_321 = arith.addi %shift_left3A_108, %add3A_320 : i32
        %get3A_322 = arith.index_cast %add3A_321 : i32 to index
        %get3A_323 = tpu.vector_load %arg6[%get3A_322] {strides = array<i32>} : memref<768xf32, #tpu.memory_space<vmem>>, vector<16xf32>,
        %get3A_324 = vector.shape_cast %get3A_323 : vector<16xf32> to vector<16xf32>
        %add3A_325 = arith.constant 64 : i32
        %add3A_326 = arith.addi %shift_left3A_108, %add3A_325 : i32
        %get3A_327 = arith.index_cast %add3A_326 : i32 to index
        %get3A_328 = tpu.vector_load %arg6[%get3A_327] {strides = array<i32>} : memref<768xf32, #tpu.memory_space<vmem>>, vector<16xf32>,
        %get3A_329 = vector.shape_cast %get3A_328 : vector<16xf32> to vector<16xf32>
        %add3A_330 = arith.constant 80 : i32
        %add3A_331 = arith.addi %shift_left3A_108, %add3A_330 : i32
        %get3A_332 = arith.index_cast %add3A_331 : i32 to index
        %get3A_333 = tpu.vector_load %arg6[%get3A_332] {strides = array<i32>} : memref<768xf32, #tpu.memory_space<vmem>>, vector<16xf32>,
        %get3A_334 = vector.shape_cast %get3A_333 : vector<16xf32> to vector<16xf32>
        %add3A_335 = arith.constant 96 : i32
        %add3A_336 = arith.addi %shift_left3A_108, %add3A_335 : i32
        %get3A_337 = arith.index_cast %add3A_336 : i32 to index
        %get3A_338 = tpu.vector_load %arg6[%get3A_337] {strides = array<i32>} : memref<768xf32, #tpu.memory_space<vmem>>, vector<16xf32>,
        %get3A_339 = vector.shape_cast %get3A_338 : vector<16xf32> to vector<16xf32>
        %add3A_340 = arith.constant 112 : i32
        %add3A_341 = arith.addi %shift_left3A_108, %add3A_340 : i32
        %get3A_342 = arith.index_cast %add3A_341 : i32 to index
        %get3A_343 = tpu.vector_load %arg6[%get3A_342] {strides = array<i32>} : memref<768xf32, #tpu.memory_space<vmem>>, vector<16xf32>,
        %get3A_344 = vector.shape_cast %get3A_343 : vector<16xf32> to vector<16xf32>
        %add3A_345 = arith.constant 128 : i32
        %add3A_346 = arith.addi %mul3A_99, %add3A_345 : i32
        %add3A_347 = arith.constant 0 : i32
        %add3A_348 = arith.addi %add3A_346, %add3A_347 : i32
        %swap3A_349 = arith.index_cast %add3A_348 : i32 to index
        %swap3A_350 = tpu.vector_load %arg7[%swap3A_349] {strides = array<i32>} : memref<65536xf32, #tpu.memory_space<vmem>>, vector<16xf32>,
        %swap3A_351 = vector.shape_cast %swap3A_350 : vector<16xf32> to vector<16xf32>
        %swap3A_352 = vector.shape_cast %get3A_205 : vector<16xf32> to vector<16xf32>
        tpu.vector_store %arg7[%swap3A_349], %swap3A_352 {strides = array<i32>} : memref<65536xf32, #tpu.memory_space<vmem>>, vector<16xf32>,
        %add3A_353 = arith.constant 128 : i32
        %add3A_354 = arith.addi %mul3A_99, %add3A_353 : i32
        %add3A_355 = arith.constant 16 : i32
        %add3A_356 = arith.addi %add3A_354, %add3A_355 : i32
        %swap3A_357 = arith.index_cast %add3A_356 : i32 to index
        %swap3A_358 = tpu.vector_load %arg7[%swap3A_357] {strides = array<i32>} : memref<65536xf32, #tpu.memory_space<vmem>>, vector<16xf32>,
        %swap3A_359 = vector.shape_cast %swap3A_358 : vector<16xf32> to vector<16xf32>
        %swap3A_360 = vector.shape_cast %get3A_210 : vector<16xf32> to vector<16xf32>
        tpu.vector_store %arg7[%swap3A_357], %swap3A_360 {strides = array<i32>} : memref<65536xf32, #tpu.memory_space<vmem>>, vector<16xf32>,
        %add3A_361 = arith.constant 128 : i32
        %add3A_362 = arith.addi %mul3A_99, %add3A_361 : i32
        %add3A_363 = arith.constant 32 : i32
        %add3A_364 = arith.addi %add3A_362, %add3A_363 : i32
        %swap3A_365 = arith.index_cast %add3A_364 : i32 to index
        %swap3A_366 = tpu.vector_load %arg7[%swap3A_365] {strides = array<i32>} : memref<65536xf32, #tpu.memory_space<vmem>>, vector<16xf32>,
        %swap3A_367 = vector.shape_cast %swap3A_366 : vector<16xf32> to vector<16xf32>
        %swap3A_368 = vector.shape_cast %get3A_215 : vector<16xf32> to vector<16xf32>
        tpu.vector_store %arg7[%swap3A_365], %swap3A_368 {strides = array<i32>} : memref<65536xf32, #tpu.memory_space<vmem>>, vector<16xf32>,
        %add3A_369 = arith.constant 128 : i32
        %add3A_370 = arith.addi %mul3A_99, %add3A_369 : i32
        %add3A_371 = arith.constant 48 : i32
        %add3A_372 = arith.addi %add3A_370, %add3A_371 : i32
        %swap3A_373 = arith.index_cast %add3A_372 : i32 to index
        %swap3A_374 = tpu.vector_load %arg7[%swap3A_373] {strides = array<i32>} : memref<65536xf32, #tpu.memory_space<vmem>>, vector<16xf32>,
        %swap3A_375 = vector.shape_cast %swap3A_374 : vector<16xf32> to vector<16xf32>
        %swap3A_376 = vector.shape_cast %get3A_220 : vector<16xf32> to vector<16xf32>
        tpu.vector_store %arg7[%swap3A_373], %swap3A_376 {strides = array<i32>} : memref<65536xf32, #tpu.memory_space<vmem>>, vector<16xf32>,
        %add3A_377 = arith.constant 128 : i32
        %add3A_378 = arith.addi %mul3A_99, %add3A_377 : i32
        %add3A_379 = arith.constant 64 : i32
        %add3A_380 = arith.addi %add3A_378, %add3A_379 : i32
        %swap3A_381 = arith.index_cast %add3A_380 : i32 to index
        %swap3A_382 = tpu.vector_load %arg7[%swap3A_381] {strides = array<i32>} : memref<65536xf32, #tpu.memory_space<vmem>>, vector<16xf32>,
        %swap3A_383 = vector.shape_cast %swap3A_382 : vector<16xf32> to vector<16xf32>
        %swap3A_384 = vector.shape_cast %get3A_225 : vector<16xf32> to vector<16xf32>
        tpu.vector_store %arg7[%swap3A_381], %swap3A_384 {strides = array<i32>} : memref<65536xf32, #tpu.memory_space<vmem>>, vector<16xf32>,
        %add3A_385 = arith.constant 128 : i32
        %add3A_386 = arith.addi %mul3A_99, %add3A_385 : i32
        %add3A_387 = arith.constant 80 : i32
        %add3A_388 = arith.addi %add3A_386, %add3A_387 : i32
        %swap3A_389 = arith.index_cast %add3A_388 : i32 to index
        %swap3A_390 = tpu.vector_load %arg7[%swap3A_389] {strides = array<i32>} : memref<65536xf32, #tpu.memory_space<vmem>>, vector<16xf32>,
        %swap3A_391 = vector.shape_cast %swap3A_390 : vector<16xf32> to vector<16xf32>
        %swap3A_392 = vector.shape_cast %get3A_230 : vector<16xf32> to vector<16xf32>
        tpu.vector_store %arg7[%swap3A_389], %swap3A_392 {strides = array<i32>} : memref<65536xf32, #tpu.memory_space<vmem>>, vector<16xf32>,
        %add3A_393 = arith.constant 128 : i32
        %add3A_394 = arith.addi %mul3A_99, %add3A_393 : i32
        %add3A_395 = arith.constant 96 : i32
        %add3A_396 = arith.addi %add3A_394, %add3A_395 : i32
        %swap3A_397 = arith.index_cast %add3A_396 : i32 to index
        %swap3A_398 = tpu.vector_load %arg7[%swap3A_397] {strides = array<i32>} : memref<65536xf32, #tpu.memory_space<vmem>>, vector<16xf32>,
        %swap3A_399 = vector.shape_cast %swap3A_398 : vector<16xf32> to vector<16xf32>
        %swap3A_400 = vector.shape_cast %get3A_235 : vector<16xf32> to vector<16xf32>
        tpu.vector_store %arg7[%swap3A_397], %swap3A_400 {strides = array<i32>} : memref<65536xf32, #tpu.memory_space<vmem>>, vector<16xf32>,
        %add3A_401 = arith.constant 128 : i32
        %add3A_402 = arith.addi %mul3A_99, %add3A_401 : i32
        %add3A_403 = arith.constant 112 : i32
        %add3A_404 = arith.addi %add3A_402, %add3A_403 : i32
        %swap3A_405 = arith.index_cast %add3A_404 : i32 to index
        %swap3A_406 = tpu.vector_load %arg7[%swap3A_405] {strides = array<i32>} : memref<65536xf32, #tpu.memory_space<vmem>>, vector<16xf32>,
        %swap3A_407 = vector.shape_cast %swap3A_406 : vector<16xf32> to vector<16xf32>
        %swap3A_408 = vector.shape_cast %get3A_240 : vector<16xf32> to vector<16xf32>
        tpu.vector_store %arg7[%swap3A_405], %swap3A_408 {strides = array<i32>} : memref<65536xf32, #tpu.memory_space<vmem>>, vector<16xf32>,
        %add3A_409 = arith.constant 0 : i32
        %add3A_410 = arith.addi %shift_left3A_112, %add3A_409 : i32
        %get3A_411 = arith.index_cast %add3A_410 : i32 to index
        %get3A_412 = tpu.vector_load %arg6[%get3A_411] {strides = array<i32>} : memref<768xf32, #tpu.memory_space<vmem>>, vector<16xf32>,
        %get3A_413 = vector.shape_cast %get3A_412 : vector<16xf32> to vector<16xf32>
        %add3A_414 = arith.constant 16 : i32
        %add3A_415 = arith.addi %shift_left3A_112, %add3A_414 : i32
        %get3A_416 = arith.index_cast %add3A_415 : i32 to index
        %get3A_417 = tpu.vector_load %arg6[%get3A_416] {strides = array<i32>} : memref<768xf32, #tpu.memory_space<vmem>>, vector<16xf32>,
        %get3A_418 = vector.shape_cast %get3A_417 : vector<16xf32> to vector<16xf32>
        %add3A_419 = arith.constant 32 : i32
        %add3A_420 = arith.addi %shift_left3A_112, %add3A_419 : i32
        %get3A_421 = arith.index_cast %add3A_420 : i32 to index
        %get3A_422 = tpu.vector_load %arg6[%get3A_421] {strides = array<i32>} : memref<768xf32, #tpu.memory_space<vmem>>, vector<16xf32>,
        %get3A_423 = vector.shape_cast %get3A_422 : vector<16xf32> to vector<16xf32>
        %add3A_424 = arith.constant 48 : i32
        %add3A_425 = arith.addi %shift_left3A_112, %add3A_424 : i32
        %get3A_426 = arith.index_cast %add3A_425 : i32 to index
        %get3A_427 = tpu.vector_load %arg6[%get3A_426] {strides = array<i32>} : memref<768xf32, #tpu.memory_space<vmem>>, vector<16xf32>,
        %get3A_428 = vector.shape_cast %get3A_427 : vector<16xf32> to vector<16xf32>
        %add3A_429 = arith.constant 64 : i32
        %add3A_430 = arith.addi %shift_left3A_112, %add3A_429 : i32
        %get3A_431 = arith.index_cast %add3A_430 : i32 to index
        %get3A_432 = tpu.vector_load %arg6[%get3A_431] {strides = array<i32>} : memref<768xf32, #tpu.memory_space<vmem>>, vector<16xf32>,
        %get3A_433 = vector.shape_cast %get3A_432 : vector<16xf32> to vector<16xf32>
        %add3A_434 = arith.constant 80 : i32
        %add3A_435 = arith.addi %shift_left3A_112, %add3A_434 : i32
        %get3A_436 = arith.index_cast %add3A_435 : i32 to index
        %get3A_437 = tpu.vector_load %arg6[%get3A_436] {strides = array<i32>} : memref<768xf32, #tpu.memory_space<vmem>>, vector<16xf32>,
        %get3A_438 = vector.shape_cast %get3A_437 : vector<16xf32> to vector<16xf32>
        %add3A_439 = arith.constant 96 : i32
        %add3A_440 = arith.addi %shift_left3A_112, %add3A_439 : i32
        %get3A_441 = arith.index_cast %add3A_440 : i32 to index
        %get3A_442 = tpu.vector_load %arg6[%get3A_441] {strides = array<i32>} : memref<768xf32, #tpu.memory_space<vmem>>, vector<16xf32>,
        %get3A_443 = vector.shape_cast %get3A_442 : vector<16xf32> to vector<16xf32>
        %add3A_444 = arith.constant 112 : i32
        %add3A_445 = arith.addi %shift_left3A_112, %add3A_444 : i32
        %get3A_446 = arith.index_cast %add3A_445 : i32 to index
        %get3A_447 = tpu.vector_load %arg6[%get3A_446] {strides = array<i32>} : memref<768xf32, #tpu.memory_space<vmem>>, vector<16xf32>,
        %get3A_448 = vector.shape_cast %get3A_447 : vector<16xf32> to vector<16xf32>
        %add3A_449 = arith.constant 256 : i32
        %add3A_450 = arith.addi %mul3A_99, %add3A_449 : i32
        %add3A_451 = arith.constant 0 : i32
        %add3A_452 = arith.addi %add3A_450, %add3A_451 : i32
        %swap3A_453 = arith.index_cast %add3A_452 : i32 to index
        %swap3A_454 = tpu.vector_load %arg7[%swap3A_453] {strides = array<i32>} : memref<65536xf32, #tpu.memory_space<vmem>>, vector<16xf32>,
        %swap3A_455 = vector.shape_cast %swap3A_454 : vector<16xf32> to vector<16xf32>
        %swap3A_456 = vector.shape_cast %get3A_309 : vector<16xf32> to vector<16xf32>
        tpu.vector_store %arg7[%swap3A_453], %swap3A_456 {strides = array<i32>} : memref<65536xf32, #tpu.memory_space<vmem>>, vector<16xf32>,
        %add3A_457 = arith.constant 256 : i32
        %add3A_458 = arith.addi %mul3A_99, %add3A_457 : i32
        %add3A_459 = arith.constant 16 : i32
        %add3A_460 = arith.addi %add3A_458, %add3A_459 : i32
        %swap3A_461 = arith.index_cast %add3A_460 : i32 to index
        %swap3A_462 = tpu.vector_load %arg7[%swap3A_461] {strides = array<i32>} : memref<65536xf32, #tpu.memory_space<vmem>>, vector<16xf32>,
        %swap3A_463 = vector.shape_cast %swap3A_462 : vector<16xf32> to vector<16xf32>
        %swap3A_464 = vector.shape_cast %get3A_314 : vector<16xf32> to vector<16xf32>
        tpu.vector_store %arg7[%swap3A_461], %swap3A_464 {strides = array<i32>} : memref<65536xf32, #tpu.memory_space<vmem>>, vector<16xf32>,
        %add3A_465 = arith.constant 256 : i32
        %add3A_466 = arith.addi %mul3A_99, %add3A_465 : i32
        %add3A_467 = arith.constant 32 : i32
        %add3A_468 = arith.addi %add3A_466, %add3A_467 : i32
        %swap3A_469 = arith.index_cast %add3A_468 : i32 to index
        %swap3A_470 = tpu.vector_load %arg7[%swap3A_469] {strides = array<i32>} : memref<65536xf32, #tpu.memory_space<vmem>>, vector<16xf32>,
        %swap3A_471 = vector.shape_cast %swap3A_470 : vector<16xf32> to vector<16xf32>
        %swap3A_472 = vector.shape_cast %get3A_319 : vector<16xf32> to vector<16xf32>
        tpu.vector_store %arg7[%swap3A_469], %swap3A_472 {strides = array<i32>} : memref<65536xf32, #tpu.memory_space<vmem>>, vector<16xf32>,
        %add3A_473 = arith.constant 256 : i32
        %add3A_474 = arith.addi %mul3A_99, %add3A_473 : i32
        %add3A_475 = arith.constant 48 : i32
        %add3A_476 = arith.addi %add3A_474, %add3A_475 : i32
        %swap3A_477 = arith.index_cast %add3A_476 : i32 to index
        %swap3A_478 = tpu.vector_load %arg7[%swap3A_477] {strides = array<i32>} : memref<65536xf32, #tpu.memory_space<vmem>>, vector<16xf32>,
        %swap3A_479 = vector.shape_cast %swap3A_478 : vector<16xf32> to vector<16xf32>
        %swap3A_480 = vector.shape_cast %get3A_324 : vector<16xf32> to vector<16xf32>
        tpu.vector_store %arg7[%swap3A_477], %swap3A_480 {strides = array<i32>} : memref<65536xf32, #tpu.memory_space<vmem>>, vector<16xf32>,
        %add3A_481 = arith.constant 256 : i32
        %add3A_482 = arith.addi %mul3A_99, %add3A_481 : i32
        %add3A_483 = arith.constant 64 : i32
        %add3A_484 = arith.addi %add3A_482, %add3A_483 : i32
        %swap3A_485 = arith.index_cast %add3A_484 : i32 to index
        %swap3A_486 = tpu.vector_load %arg7[%swap3A_485] {strides = array<i32>} : memref<65536xf32, #tpu.memory_space<vmem>>, vector<16xf32>,
        %swap3A_487 = vector.shape_cast %swap3A_486 : vector<16xf32> to vector<16xf32>
        %swap3A_488 = vector.shape_cast %get3A_329 : vector<16xf32> to vector<16xf32>
        tpu.vector_store %arg7[%swap3A_485], %swap3A_488 {strides = array<i32>} : memref<65536xf32, #tpu.memory_space<vmem>>, vector<16xf32>,
        %add3A_489 = arith.constant 256 : i32
        %add3A_490 = arith.addi %mul3A_99, %add3A_489 : i32
        %add3A_491 = arith.constant 80 : i32
        %add3A_492 = arith.addi %add3A_490, %add3A_491 : i32
        %swap3A_493 = arith.index_cast %add3A_492 : i32 to index
        %swap3A_494 = tpu.vector_load %arg7[%swap3A_493] {strides = array<i32>} : memref<65536xf32, #tpu.memory_space<vmem>>, vector<16xf32>,
        %swap3A_495 = vector.shape_cast %swap3A_494 : vector<16xf32> to vector<16xf32>
        %swap3A_496 = vector.shape_cast %get3A_334 : vector<16xf32> to vector<16xf32>
        tpu.vector_store %arg7[%swap3A_493], %swap3A_496 {strides = array<i32>} : memref<65536xf32, #tpu.memory_space<vmem>>, vector<16xf32>,
        %add3A_497 = arith.constant 256 : i32
        %add3A_498 = arith.addi %mul3A_99, %add3A_497 : i32
        %add3A_499 = arith.constant 96 : i32
        %add3A_500 = arith.addi %add3A_498, %add3A_499 : i32
        %swap3A_501 = arith.index_cast %add3A_500 : i32 to index
        %swap3A_502 = tpu.vector_load %arg7[%swap3A_501] {strides = array<i32>} : memref<65536xf32, #tpu.memory_space<vmem>>, vector<16xf32>,
        %swap3A_503 = vector.shape_cast %swap3A_502 : vector<16xf32> to vector<16xf32>
        %swap3A_504 = vector.shape_cast %get3A_339 : vector<16xf32> to vector<16xf32>
        tpu.vector_store %arg7[%swap3A_501], %swap3A_504 {strides = array<i32>} : memref<65536xf32, #tpu.memory_space<vmem>>, vector<16xf32>,
        %add3A_505 = arith.constant 256 : i32
        %add3A_506 = arith.addi %mul3A_99, %add3A_505 : i32
        %add3A_507 = arith.constant 112 : i32
        %add3A_508 = arith.addi %add3A_506, %add3A_507 : i32
        %swap3A_509 = arith.index_cast %add3A_508 : i32 to index
        %swap3A_510 = tpu.vector_load %arg7[%swap3A_509] {strides = array<i32>} : memref<65536xf32, #tpu.memory_space<vmem>>, vector<16xf32>,
        %swap3A_511 = vector.shape_cast %swap3A_510 : vector<16xf32> to vector<16xf32>
        %swap3A_512 = vector.shape_cast %get3A_344 : vector<16xf32> to vector<16xf32>
        tpu.vector_store %arg7[%swap3A_509], %swap3A_512 {strides = array<i32>} : memref<65536xf32, #tpu.memory_space<vmem>>, vector<16xf32>,
        %add3A_513 = arith.constant 0 : i32
        %add3A_514 = arith.addi %shift_left3A_116, %add3A_513 : i32
        %get3A_515 = arith.index_cast %add3A_514 : i32 to index
        %get3A_516 = tpu.vector_load %arg6[%get3A_515] {strides = array<i32>} : memref<768xf32, #tpu.memory_space<vmem>>, vector<16xf32>,
        %get3A_517 = vector.shape_cast %get3A_516 : vector<16xf32> to vector<16xf32>
        %add3A_518 = arith.constant 16 : i32
        %add3A_519 = arith.addi %shift_left3A_116, %add3A_518 : i32
        %get3A_520 = arith.index_cast %add3A_519 : i32 to index
        %get3A_521 = tpu.vector_load %arg6[%get3A_520] {strides = array<i32>} : memref<768xf32, #tpu.memory_space<vmem>>, vector<16xf32>,
        %get3A_522 = vector.shape_cast %get3A_521 : vector<16xf32> to vector<16xf32>
        %add3A_523 = arith.constant 32 : i32
        %add3A_524 = arith.addi %shift_left3A_116, %add3A_523 : i32
        %get3A_525 = arith.index_cast %add3A_524 : i32 to index
        %get3A_526 = tpu.vector_load %arg6[%get3A_525] {strides = array<i32>} : memref<768xf32, #tpu.memory_space<vmem>>, vector<16xf32>,
        %get3A_527 = vector.shape_cast %get3A_526 : vector<16xf32> to vector<16xf32>
        %add3A_528 = arith.constant 48 : i32
        %add3A_529 = arith.addi %shift_left3A_116, %add3A_528 : i32
        %get3A_530 = arith.index_cast %add3A_529 : i32 to index
        %get3A_531 = tpu.vector_load %arg6[%get3A_530] {strides = array<i32>} : memref<768xf32, #tpu.memory_space<vmem>>, vector<16xf32>,
        %get3A_532 = vector.shape_cast %get3A_531 : vector<16xf32> to vector<16xf32>
        %add3A_533 = arith.constant 64 : i32
        %add3A_534 = arith.addi %shift_left3A_116, %add3A_533 : i32
        %get3A_535 = arith.index_cast %add3A_534 : i32 to index
        %get3A_536 = tpu.vector_load %arg6[%get3A_535] {strides = array<i32>} : memref<768xf32, #tpu.memory_space<vmem>>, vector<16xf32>,
        %get3A_537 = vector.shape_cast %get3A_536 : vector<16xf32> to vector<16xf32>
        %add3A_538 = arith.constant 80 : i32
        %add3A_539 = arith.addi %shift_left3A_116, %add3A_538 : i32
        %get3A_540 = arith.index_cast %add3A_539 : i32 to index
        %get3A_541 = tpu.vector_load %arg6[%get3A_540] {strides = array<i32>} : memref<768xf32, #tpu.memory_space<vmem>>, vector<16xf32>,
        %get3A_542 = vector.shape_cast %get3A_541 : vector<16xf32> to vector<16xf32>
        %add3A_543 = arith.constant 96 : i32
        %add3A_544 = arith.addi %shift_left3A_116, %add3A_543 : i32
        %get3A_545 = arith.index_cast %add3A_544 : i32 to index
        %get3A_546 = tpu.vector_load %arg6[%get3A_545] {strides = array<i32>} : memref<768xf32, #tpu.memory_space<vmem>>, vector<16xf32>,
        %get3A_547 = vector.shape_cast %get3A_546 : vector<16xf32> to vector<16xf32>
        %add3A_548 = arith.constant 112 : i32
        %add3A_549 = arith.addi %shift_left3A_116, %add3A_548 : i32
        %get3A_550 = arith.index_cast %add3A_549 : i32 to index
        %get3A_551 = tpu.vector_load %arg6[%get3A_550] {strides = array<i32>} : memref<768xf32, #tpu.memory_space<vmem>>, vector<16xf32>,
        %get3A_552 = vector.shape_cast %get3A_551 : vector<16xf32> to vector<16xf32>
        %add3A_553 = arith.constant 384 : i32
        %add3A_554 = arith.addi %mul3A_99, %add3A_553 : i32
        %add3A_555 = arith.constant 0 : i32
        %add3A_556 = arith.addi %add3A_554, %add3A_555 : i32
        %swap3A_557 = arith.index_cast %add3A_556 : i32 to index
        %swap3A_558 = tpu.vector_load %arg7[%swap3A_557] {strides = array<i32>} : memref<65536xf32, #tpu.memory_space<vmem>>, vector<16xf32>,
        %swap3A_559 = vector.shape_cast %swap3A_558 : vector<16xf32> to vector<16xf32>
        %swap3A_560 = vector.shape_cast %get3A_413 : vector<16xf32> to vector<16xf32>
        tpu.vector_store %arg7[%swap3A_557], %swap3A_560 {strides = array<i32>} : memref<65536xf32, #tpu.memory_space<vmem>>, vector<16xf32>,
        %add3A_561 = arith.constant 384 : i32
        %add3A_562 = arith.addi %mul3A_99, %add3A_561 : i32
        %add3A_563 = arith.constant 16 : i32
        %add3A_564 = arith.addi %add3A_562, %add3A_563 : i32
        %swap3A_565 = arith.index_cast %add3A_564 : i32 to index
        %swap3A_566 = tpu.vector_load %arg7[%swap3A_565] {strides = array<i32>} : memref<65536xf32, #tpu.memory_space<vmem>>, vector<16xf32>,
        %swap3A_567 = vector.shape_cast %swap3A_566 : vector<16xf32> to vector<16xf32>
        %swap3A_568 = vector.shape_cast %get3A_418 : vector<16xf32> to vector<16xf32>
        tpu.vector_store %arg7[%swap3A_565], %swap3A_568 {strides = array<i32>} : memref<65536xf32, #tpu.memory_space<vmem>>, vector<16xf32>,
        %add3A_569 = arith.constant 384 : i32
        %add3A_570 = arith.addi %mul3A_99, %add3A_569 : i32
        %add3A_571 = arith.constant 32 : i32
        %add3A_572 = arith.addi %add3A_570, %add3A_571 : i32
        %swap3A_573 = arith.index_cast %add3A_572 : i32 to index
        %swap3A_574 = tpu.vector_load %arg7[%swap3A_573] {strides = array<i32>} : memref<65536xf32, #tpu.memory_space<vmem>>, vector<16xf32>,
        %swap3A_575 = vector.shape_cast %swap3A_574 : vector<16xf32> to vector<16xf32>
        %swap3A_576 = vector.shape_cast %get3A_423 : vector<16xf32> to vector<16xf32>
        tpu.vector_store %arg7[%swap3A_573], %swap3A_576 {strides = array<i32>} : memref<65536xf32, #tpu.memory_space<vmem>>, vector<16xf32>,
        %add3A_577 = arith.constant 384 : i32
        %add3A_578 = arith.addi %mul3A_99, %add3A_577 : i32
        %add3A_579 = arith.constant 48 : i32
        %add3A_580 = arith.addi %add3A_578, %add3A_579 : i32
        %swap3A_581 = arith.index_cast %add3A_580 : i32 to index
        %swap3A_582 = tpu.vector_load %arg7[%swap3A_581] {strides = array<i32>} : memref<65536xf32, #tpu.memory_space<vmem>>, vector<16xf32>,
        %swap3A_583 = vector.shape_cast %swap3A_582 : vector<16xf32> to vector<16xf32>
        %swap3A_584 = vector.shape_cast %get3A_428 : vector<16xf32> to vector<16xf32>
        tpu.vector_store %arg7[%swap3A_581], %swap3A_584 {strides = array<i32>} : memref<65536xf32, #tpu.memory_space<vmem>>, vector<16xf32>,
        %add3A_585 = arith.constant 384 : i32
        %add3A_586 = arith.addi %mul3A_99, %add3A_585 : i32
        %add3A_587 = arith.constant 64 : i32
        %add3A_588 = arith.addi %add3A_586, %add3A_587 : i32
        %swap3A_589 = arith.index_cast %add3A_588 : i32 to index
        %swap3A_590 = tpu.vector_load %arg7[%swap3A_589] {strides = array<i32>} : memref<65536xf32, #tpu.memory_space<vmem>>, vector<16xf32>,
        %swap3A_591 = vector.shape_cast %swap3A_590 : vector<16xf32> to vector<16xf32>
        %swap3A_592 = vector.shape_cast %get3A_433 : vector<16xf32> to vector<16xf32>
        tpu.vector_store %arg7[%swap3A_589], %swap3A_592 {strides = array<i32>} : memref<65536xf32, #tpu.memory_space<vmem>>, vector<16xf32>,
        %add3A_593 = arith.constant 384 : i32
        %add3A_594 = arith.addi %mul3A_99, %add3A_593 : i32
        %add3A_595 = arith.constant 80 : i32
        %add3A_596 = arith.addi %add3A_594, %add3A_595 : i32
        %swap3A_597 = arith.index_cast %add3A_596 : i32 to index
        %swap3A_598 = tpu.vector_load %arg7[%swap3A_597] {strides = array<i32>} : memref<65536xf32, #tpu.memory_space<vmem>>, vector<16xf32>,
        %swap3A_599 = vector.shape_cast %swap3A_598 : vector<16xf32> to vector<16xf32>
        %swap3A_600 = vector.shape_cast %get3A_438 : vector<16xf32> to vector<16xf32>
        tpu.vector_store %arg7[%swap3A_597], %swap3A_600 {strides = array<i32>} : memref<65536xf32, #tpu.memory_space<vmem>>, vector<16xf32>,
        %add3A_601 = arith.constant 384 : i32
        %add3A_602 = arith.addi %mul3A_99, %add3A_601 : i32
        %add3A_603 = arith.constant 96 : i32
        %add3A_604 = arith.addi %add3A_602, %add3A_603 : i32
        %swap3A_605 = arith.index_cast %add3A_604 : i32 to index
        %swap3A_606 = tpu.vector_load %arg7[%swap3A_605] {strides = array<i32>} : memref<65536xf32, #tpu.memory_space<vmem>>, vector<16xf32>,
        %swap3A_607 = vector.shape_cast %swap3A_606 : vector<16xf32> to vector<16xf32>
        %swap3A_608 = vector.shape_cast %get3A_443 : vector<16xf32> to vector<16xf32>
        tpu.vector_store %arg7[%swap3A_605], %swap3A_608 {strides = array<i32>} : memref<65536xf32, #tpu.memory_space<vmem>>, vector<16xf32>,
        %add3A_609 = arith.constant 384 : i32
        %add3A_610 = arith.addi %mul3A_99, %add3A_609 : i32
        %add3A_611 = arith.constant 112 : i32
        %add3A_612 = arith.addi %add3A_610, %add3A_611 : i32
        %swap3A_613 = arith.index_cast %add3A_612 : i32 to index
        %swap3A_614 = tpu.vector_load %arg7[%swap3A_613] {strides = array<i32>} : memref<65536xf32, #tpu.memory_space<vmem>>, vector<16xf32>,
        %swap3A_615 = vector.shape_cast %swap3A_614 : vector<16xf32> to vector<16xf32>
        %swap3A_616 = vector.shape_cast %get3A_448 : vector<16xf32> to vector<16xf32>
        tpu.vector_store %arg7[%swap3A_613], %swap3A_616 {strides = array<i32>} : memref<65536xf32, #tpu.memory_space<vmem>>, vector<16xf32>,
        %add3A_617 = arith.constant 0 : i32
        %add3A_618 = arith.addi %shift_left3A_120, %add3A_617 : i32
        %get3A_619 = arith.index_cast %add3A_618 : i32 to index
        %get3A_620 = tpu.vector_load %arg6[%get3A_619] {strides = array<i32>} : memref<768xf32, #tpu.memory_space<vmem>>, vector<16xf32>,
        %get3A_621 = vector.shape_cast %get3A_620 : vector<16xf32> to vector<16xf32>
        %add3A_622 = arith.constant 16 : i32
        %add3A_623 = arith.addi %shift_left3A_120, %add3A_622 : i32
        %get3A_624 = arith.index_cast %add3A_623 : i32 to index
        %get3A_625 = tpu.vector_load %arg6[%get3A_624] {strides = array<i32>} : memref<768xf32, #tpu.memory_space<vmem>>, vector<16xf32>,
        %get3A_626 = vector.shape_cast %get3A_625 : vector<16xf32> to vector<16xf32>
        %add3A_627 = arith.constant 32 : i32
        %add3A_628 = arith.addi %shift_left3A_120, %add3A_627 : i32
        %get3A_629 = arith.index_cast %add3A_628 : i32 to index
        %get3A_630 = tpu.vector_load %arg6[%get3A_629] {strides = array<i32>} : memref<768xf32, #tpu.memory_space<vmem>>, vector<16xf32>,
        %get3A_631 = vector.shape_cast %get3A_630 : vector<16xf32> to vector<16xf32>
        %add3A_632 = arith.constant 48 : i32
        %add3A_633 = arith.addi %shift_left3A_120, %add3A_632 : i32
        %get3A_634 = arith.index_cast %add3A_633 : i32 to index
        %get3A_635 = tpu.vector_load %arg6[%get3A_634] {strides = array<i32>} : memref<768xf32, #tpu.memory_space<vmem>>, vector<16xf32>,
        %get3A_636 = vector.shape_cast %get3A_635 : vector<16xf32> to vector<16xf32>
        %add3A_637 = arith.constant 64 : i32
        %add3A_638 = arith.addi %shift_left3A_120, %add3A_637 : i32
        %get3A_639 = arith.index_cast %add3A_638 : i32 to index
        %get3A_640 = tpu.vector_load %arg6[%get3A_639] {strides = array<i32>} : memref<768xf32, #tpu.memory_space<vmem>>, vector<16xf32>,
        %get3A_641 = vector.shape_cast %get3A_640 : vector<16xf32> to vector<16xf32>
        %add3A_642 = arith.constant 80 : i32
        %add3A_643 = arith.addi %shift_left3A_120, %add3A_642 : i32
        %get3A_644 = arith.index_cast %add3A_643 : i32 to index
        %get3A_645 = tpu.vector_load %arg6[%get3A_644] {strides = array<i32>} : memref<768xf32, #tpu.memory_space<vmem>>, vector<16xf32>,
        %get3A_646 = vector.shape_cast %get3A_645 : vector<16xf32> to vector<16xf32>
        %add3A_647 = arith.constant 96 : i32
        %add3A_648 = arith.addi %shift_left3A_120, %add3A_647 : i32
        %get3A_649 = arith.index_cast %add3A_648 : i32 to index
        %get3A_650 = tpu.vector_load %arg6[%get3A_649] {strides = array<i32>} : memref<768xf32, #tpu.memory_space<vmem>>, vector<16xf32>,
        %get3A_651 = vector.shape_cast %get3A_650 : vector<16xf32> to vector<16xf32>
        %add3A_652 = arith.constant 112 : i32
        %add3A_653 = arith.addi %shift_left3A_120, %add3A_652 : i32
        %get3A_654 = arith.index_cast %add3A_653 : i32 to index
        %get3A_655 = tpu.vector_load %arg6[%get3A_654] {strides = array<i32>} : memref<768xf32, #tpu.memory_space<vmem>>, vector<16xf32>,
        %get3A_656 = vector.shape_cast %get3A_655 : vector<16xf32> to vector<16xf32>
        %add3A_657 = arith.constant 512 : i32
        %add3A_658 = arith.addi %mul3A_99, %add3A_657 : i32
        %add3A_659 = arith.constant 0 : i32
        %add3A_660 = arith.addi %add3A_658, %add3A_659 : i32
        %swap3A_661 = arith.index_cast %add3A_660 : i32 to index
        %swap3A_662 = tpu.vector_load %arg7[%swap3A_661] {strides = array<i32>} : memref<65536xf32, #tpu.memory_space<vmem>>, vector<16xf32>,
        %swap3A_663 = vector.shape_cast %swap3A_662 : vector<16xf32> to vector<16xf32>
        %swap3A_664 = vector.shape_cast %get3A_517 : vector<16xf32> to vector<16xf32>
        tpu.vector_store %arg7[%swap3A_661], %swap3A_664 {strides = array<i32>} : memref<65536xf32, #tpu.memory_space<vmem>>, vector<16xf32>,
        %add3A_665 = arith.constant 512 : i32
        %add3A_666 = arith.addi %mul3A_99, %add3A_665 : i32
        %add3A_667 = arith.constant 16 : i32
        %add3A_668 = arith.addi %add3A_666, %add3A_667 : i32
        %swap3A_669 = arith.index_cast %add3A_668 : i32 to index
        %swap3A_670 = tpu.vector_load %arg7[%swap3A_669] {strides = array<i32>} : memref<65536xf32, #tpu.memory_space<vmem>>, vector<16xf32>,
        %swap3A_671 = vector.shape_cast %swap3A_670 : vector<16xf32> to vector<16xf32>
        %swap3A_672 = vector.shape_cast %get3A_522 : vector<16xf32> to vector<16xf32>
        tpu.vector_store %arg7[%swap3A_669], %swap3A_672 {strides = array<i32>} : memref<65536xf32, #tpu.memory_space<vmem>>, vector<16xf32>,
        %add3A_673 = arith.constant 512 : i32
        %add3A_674 = arith.addi %mul3A_99, %add3A_673 : i32
        %add3A_675 = arith.constant 32 : i32
        %add3A_676 = arith.addi %add3A_674, %add3A_675 : i32
        %swap3A_677 = arith.index_cast %add3A_676 : i32 to index
        %swap3A_678 = tpu.vector_load %arg7[%swap3A_677] {strides = array<i32>} : memref<65536xf32, #tpu.memory_space<vmem>>, vector<16xf32>,
        %swap3A_679 = vector.shape_cast %swap3A_678 : vector<16xf32> to vector<16xf32>
        %swap3A_680 = vector.shape_cast %get3A_527 : vector<16xf32> to vector<16xf32>
        tpu.vector_store %arg7[%swap3A_677], %swap3A_680 {strides = array<i32>} : memref<65536xf32, #tpu.memory_space<vmem>>, vector<16xf32>,
        %add3A_681 = arith.constant 512 : i32
        %add3A_682 = arith.addi %mul3A_99, %add3A_681 : i32
        %add3A_683 = arith.constant 48 : i32
        %add3A_684 = arith.addi %add3A_682, %add3A_683 : i32
        %swap3A_685 = arith.index_cast %add3A_684 : i32 to index
        %swap3A_686 = tpu.vector_load %arg7[%swap3A_685] {strides = array<i32>} : memref<65536xf32, #tpu.memory_space<vmem>>, vector<16xf32>,
        %swap3A_687 = vector.shape_cast %swap3A_686 : vector<16xf32> to vector<16xf32>
        %swap3A_688 = vector.shape_cast %get3A_532 : vector<16xf32> to vector<16xf32>
        tpu.vector_store %arg7[%swap3A_685], %swap3A_688 {strides = array<i32>} : memref<65536xf32, #tpu.memory_space<vmem>>, vector<16xf32>,
        %add3A_689 = arith.constant 512 : i32
        %add3A_690 = arith.addi %mul3A_99, %add3A_689 : i32
        %add3A_691 = arith.constant 64 : i32
        %add3A_692 = arith.addi %add3A_690, %add3A_691 : i32
        %swap3A_693 = arith.index_cast %add3A_692 : i32 to index
        %swap3A_694 = tpu.vector_load %arg7[%swap3A_693] {strides = array<i32>} : memref<65536xf32, #tpu.memory_space<vmem>>, vector<16xf32>,
        %swap3A_695 = vector.shape_cast %swap3A_694 : vector<16xf32> to vector<16xf32>
        %swap3A_696 = vector.shape_cast %get3A_537 : vector<16xf32> to vector<16xf32>
        tpu.vector_store %arg7[%swap3A_693], %swap3A_696 {strides = array<i32>} : memref<65536xf32, #tpu.memory_space<vmem>>, vector<16xf32>,
        %add3A_697 = arith.constant 512 : i32
        %add3A_698 = arith.addi %mul3A_99, %add3A_697 : i32
        %add3A_699 = arith.constant 80 : i32
        %add3A_700 = arith.addi %add3A_698, %add3A_699 : i32
        %swap3A_701 = arith.index_cast %add3A_700 : i32 to index
        %swap3A_702 = tpu.vector_load %arg7[%swap3A_701] {strides = array<i32>} : memref<65536xf32, #tpu.memory_space<vmem>>, vector<16xf32>,
        %swap3A_703 = vector.shape_cast %swap3A_702 : vector<16xf32> to vector<16xf32>
        %swap3A_704 = vector.shape_cast %get3A_542 : vector<16xf32> to vector<16xf32>
        tpu.vector_store %arg7[%swap3A_701], %swap3A_704 {strides = array<i32>} : memref<65536xf32, #tpu.memory_space<vmem>>, vector<16xf32>,
        %add3A_705 = arith.constant 512 : i32
        %add3A_706 = arith.addi %mul3A_99, %add3A_705 : i32
        %add3A_707 = arith.constant 96 : i32
        %add3A_708 = arith.addi %add3A_706, %add3A_707 : i32
        %swap3A_709 = arith.index_cast %add3A_708 : i32 to index
        %swap3A_710 = tpu.vector_load %arg7[%swap3A_709] {strides = array<i32>} : memref<65536xf32, #tpu.memory_space<vmem>>, vector<16xf32>,
        %swap3A_711 = vector.shape_cast %swap3A_710 : vector<16xf32> to vector<16xf32>
        %swap3A_712 = vector.shape_cast %get3A_547 : vector<16xf32> to vector<16xf32>
        tpu.vector_store %arg7[%swap3A_709], %swap3A_712 {strides = array<i32>} : memref<65536xf32, #tpu.memory_space<vmem>>, vector<16xf32>,
        %add3A_713 = arith.constant 512 : i32
        %add3A_714 = arith.addi %mul3A_99, %add3A_713 : i32
        %add3A_715 = arith.constant 112 : i32
        %add3A_716 = arith.addi %add3A_714, %add3A_715 : i32
        %swap3A_717 = arith.index_cast %add3A_716 : i32 to index
        %swap3A_718 = tpu.vector_load %arg7[%swap3A_717] {strides = array<i32>} : memref<65536xf32, #tpu.memory_space<vmem>>, vector<16xf32>,
        %swap3A_719 = vector.shape_cast %swap3A_718 : vector<16xf32> to vector<16xf32>
        %swap3A_720 = vector.shape_cast %get3A_552 : vector<16xf32> to vector<16xf32>
        tpu.vector_store %arg7[%swap3A_717], %swap3A_720 {strides = array<i32>} : memref<65536xf32, #tpu.memory_space<vmem>>, vector<16xf32>,
        %add3A_721 = arith.constant 0 : i32
        %add3A_722 = arith.addi %shift_left3A_124, %add3A_721 : i32
        %get3A_723 = arith.index_cast %add3A_722 : i32 to index
        %get3A_724 = tpu.vector_load %arg6[%get3A_723] {strides = array<i32>} : memref<768xf32, #tpu.memory_space<vmem>>, vector<16xf32>,
        %get3A_725 = vector.shape_cast %get3A_724 : vector<16xf32> to vector<16xf32>
        %add3A_726 = arith.constant 16 : i32
        %add3A_727 = arith.addi %shift_left3A_124, %add3A_726 : i32
        %get3A_728 = arith.index_cast %add3A_727 : i32 to index
        %get3A_729 = tpu.vector_load %arg6[%get3A_728] {strides = array<i32>} : memref<768xf32, #tpu.memory_space<vmem>>, vector<16xf32>,
        %get3A_730 = vector.shape_cast %get3A_729 : vector<16xf32> to vector<16xf32>
        %add3A_731 = arith.constant 32 : i32
        %add3A_732 = arith.addi %shift_left3A_124, %add3A_731 : i32
        %get3A_733 = arith.index_cast %add3A_732 : i32 to index
        %get3A_734 = tpu.vector_load %arg6[%get3A_733] {strides = array<i32>} : memref<768xf32, #tpu.memory_space<vmem>>, vector<16xf32>,
        %get3A_735 = vector.shape_cast %get3A_734 : vector<16xf32> to vector<16xf32>
        %add3A_736 = arith.constant 48 : i32
        %add3A_737 = arith.addi %shift_left3A_124, %add3A_736 : i32
        %get3A_738 = arith.index_cast %add3A_737 : i32 to index
        %get3A_739 = tpu.vector_load %arg6[%get3A_738] {strides = array<i32>} : memref<768xf32, #tpu.memory_space<vmem>>, vector<16xf32>,
        %get3A_740 = vector.shape_cast %get3A_739 : vector<16xf32> to vector<16xf32>
        %add3A_741 = arith.constant 64 : i32
        %add3A_742 = arith.addi %shift_left3A_124, %add3A_741 : i32
        %get3A_743 = arith.index_cast %add3A_742 : i32 to index
        %get3A_744 = tpu.vector_load %arg6[%get3A_743] {strides = array<i32>} : memref<768xf32, #tpu.memory_space<vmem>>, vector<16xf32>,
        %get3A_745 = vector.shape_cast %get3A_744 : vector<16xf32> to vector<16xf32>
        %add3A_746 = arith.constant 80 : i32
        %add3A_747 = arith.addi %shift_left3A_124, %add3A_746 : i32
        %get3A_748 = arith.index_cast %add3A_747 : i32 to index
        %get3A_749 = tpu.vector_load %arg6[%get3A_748] {strides = array<i32>} : memref<768xf32, #tpu.memory_space<vmem>>, vector<16xf32>,
        %get3A_750 = vector.shape_cast %get3A_749 : vector<16xf32> to vector<16xf32>
        %add3A_751 = arith.constant 96 : i32
        %add3A_752 = arith.addi %shift_left3A_124, %add3A_751 : i32
        %get3A_753 = arith.index_cast %add3A_752 : i32 to index
        %get3A_754 = tpu.vector_load %arg6[%get3A_753] {strides = array<i32>} : memref<768xf32, #tpu.memory_space<vmem>>, vector<16xf32>,
        %get3A_755 = vector.shape_cast %get3A_754 : vector<16xf32> to vector<16xf32>
        %add3A_756 = arith.constant 112 : i32
        %add3A_757 = arith.addi %shift_left3A_124, %add3A_756 : i32
        %get3A_758 = arith.index_cast %add3A_757 : i32 to index
        %get3A_759 = tpu.vector_load %arg6[%get3A_758] {strides = array<i32>} : memref<768xf32, #tpu.memory_space<vmem>>, vector<16xf32>,
        %get3A_760 = vector.shape_cast %get3A_759 : vector<16xf32> to vector<16xf32>
        %add3A_761 = arith.constant 640 : i32
        %add3A_762 = arith.addi %mul3A_99, %add3A_761 : i32
        %add3A_763 = arith.constant 0 : i32
        %add3A_764 = arith.addi %add3A_762, %add3A_763 : i32
        %swap3A_765 = arith.index_cast %add3A_764 : i32 to index
        %swap3A_766 = tpu.vector_load %arg7[%swap3A_765] {strides = array<i32>} : memref<65536xf32, #tpu.memory_space<vmem>>, vector<16xf32>,
        %swap3A_767 = vector.shape_cast %swap3A_766 : vector<16xf32> to vector<16xf32>
        %swap3A_768 = vector.shape_cast %get3A_621 : vector<16xf32> to vector<16xf32>
        tpu.vector_store %arg7[%swap3A_765], %swap3A_768 {strides = array<i32>} : memref<65536xf32, #tpu.memory_space<vmem>>, vector<16xf32>,
        %add3A_769 = arith.constant 640 : i32
        %add3A_770 = arith.addi %mul3A_99, %add3A_769 : i32
        %add3A_771 = arith.constant 16 : i32
        %add3A_772 = arith.addi %add3A_770, %add3A_771 : i32
        %swap3A_773 = arith.index_cast %add3A_772 : i32 to index
        %swap3A_774 = tpu.vector_load %arg7[%swap3A_773] {strides = array<i32>} : memref<65536xf32, #tpu.memory_space<vmem>>, vector<16xf32>,
        %swap3A_775 = vector.shape_cast %swap3A_774 : vector<16xf32> to vector<16xf32>
        %swap3A_776 = vector.shape_cast %get3A_626 : vector<16xf32> to vector<16xf32>
        tpu.vector_store %arg7[%swap3A_773], %swap3A_776 {strides = array<i32>} : memref<65536xf32, #tpu.memory_space<vmem>>, vector<16xf32>,
        %add3A_777 = arith.constant 640 : i32
        %add3A_778 = arith.addi %mul3A_99, %add3A_777 : i32
        %add3A_779 = arith.constant 32 : i32
        %add3A_780 = arith.addi %add3A_778, %add3A_779 : i32
        %swap3A_781 = arith.index_cast %add3A_780 : i32 to index
        %swap3A_782 = tpu.vector_load %arg7[%swap3A_781] {strides = array<i32>} : memref<65536xf32, #tpu.memory_space<vmem>>, vector<16xf32>,
        %swap3A_783 = vector.shape_cast %swap3A_782 : vector<16xf32> to vector<16xf32>
        %swap3A_784 = vector.shape_cast %get3A_631 : vector<16xf32> to vector<16xf32>
        tpu.vector_store %arg7[%swap3A_781], %swap3A_784 {strides = array<i32>} : memref<65536xf32, #tpu.memory_space<vmem>>, vector<16xf32>,
        %add3A_785 = arith.constant 640 : i32
        %add3A_786 = arith.addi %mul3A_99, %add3A_785 : i32
        %add3A_787 = arith.constant 48 : i32
        %add3A_788 = arith.addi %add3A_786, %add3A_787 : i32
        %swap3A_789 = arith.index_cast %add3A_788 : i32 to index
        %swap3A_790 = tpu.vector_load %arg7[%swap3A_789] {strides = array<i32>} : memref<65536xf32, #tpu.memory_space<vmem>>, vector<16xf32>,
        %swap3A_791 = vector.shape_cast %swap3A_790 : vector<16xf32> to vector<16xf32>
        %swap3A_792 = vector.shape_cast %get3A_636 : vector<16xf32> to vector<16xf32>
        tpu.vector_store %arg7[%swap3A_789], %swap3A_792 {strides = array<i32>} : memref<65536xf32, #tpu.memory_space<vmem>>, vector<16xf32>,
        %add3A_793 = arith.constant 640 : i32
        %add3A_794 = arith.addi %mul3A_99, %add3A_793 : i32
        %add3A_795 = arith.constant 64 : i32
        %add3A_796 = arith.addi %add3A_794, %add3A_795 : i32
        %swap3A_797 = arith.index_cast %add3A_796 : i32 to index
        %swap3A_798 = tpu.vector_load %arg7[%swap3A_797] {strides = array<i32>} : memref<65536xf32, #tpu.memory_space<vmem>>, vector<16xf32>,
        %swap3A_799 = vector.shape_cast %swap3A_798 : vector<16xf32> to vector<16xf32>
        %swap3A_800 = vector.shape_cast %get3A_641 : vector<16xf32> to vector<16xf32>
        tpu.vector_store %arg7[%swap3A_797], %swap3A_800 {strides = array<i32>} : memref<65536xf32, #tpu.memory_space<vmem>>, vector<16xf32>,
        %add3A_801 = arith.constant 640 : i32
        %add3A_802 = arith.addi %mul3A_99, %add3A_801 : i32
        %add3A_803 = arith.constant 80 : i32
        %add3A_804 = arith.addi %add3A_802, %add3A_803 : i32
        %swap3A_805 = arith.index_cast %add3A_804 : i32 to index
        %swap3A_806 = tpu.vector_load %arg7[%swap3A_805] {strides = array<i32>} : memref<65536xf32, #tpu.memory_space<vmem>>, vector<16xf32>,
        %swap3A_807 = vector.shape_cast %swap3A_806 : vector<16xf32> to vector<16xf32>
        %swap3A_808 = vector.shape_cast %get3A_646 : vector<16xf32> to vector<16xf32>
        tpu.vector_store %arg7[%swap3A_805], %swap3A_808 {strides = array<i32>} : memref<65536xf32, #tpu.memory_space<vmem>>, vector<16xf32>,
        %add3A_809 = arith.constant 640 : i32
        %add3A_810 = arith.addi %mul3A_99, %add3A_809 : i32
        %add3A_811 = arith.constant 96 : i32
        %add3A_812 = arith.addi %add3A_810, %add3A_811 : i32
        %swap3A_813 = arith.index_cast %add3A_812 : i32 to index
        %swap3A_814 = tpu.vector_load %arg7[%swap3A_813] {strides = array<i32>} : memref<65536xf32, #tpu.memory_space<vmem>>, vector<16xf32>,
        %swap3A_815 = vector.shape_cast %swap3A_814 : vector<16xf32> to vector<16xf32>
        %swap3A_816 = vector.shape_cast %get3A_651 : vector<16xf32> to vector<16xf32>
        tpu.vector_store %arg7[%swap3A_813], %swap3A_816 {strides = array<i32>} : memref<65536xf32, #tpu.memory_space<vmem>>, vector<16xf32>,
        %add3A_817 = arith.constant 640 : i32
        %add3A_818 = arith.addi %mul3A_99, %add3A_817 : i32
        %add3A_819 = arith.constant 112 : i32
        %add3A_820 = arith.addi %add3A_818, %add3A_819 : i32
        %swap3A_821 = arith.index_cast %add3A_820 : i32 to index
        %swap3A_822 = tpu.vector_load %arg7[%swap3A_821] {strides = array<i32>} : memref<65536xf32, #tpu.memory_space<vmem>>, vector<16xf32>,
        %swap3A_823 = vector.shape_cast %swap3A_822 : vector<16xf32> to vector<16xf32>
        %swap3A_824 = vector.shape_cast %get3A_656 : vector<16xf32> to vector<16xf32>
        tpu.vector_store %arg7[%swap3A_821], %swap3A_824 {strides = array<i32>} : memref<65536xf32, #tpu.memory_space<vmem>>, vector<16xf32>,
        %add3A_825 = arith.constant 0 : i32
        %add3A_826 = arith.addi %shift_left3A_128, %add3A_825 : i32
        %get3A_827 = arith.index_cast %add3A_826 : i32 to index
        %get3A_828 = tpu.vector_load %arg6[%get3A_827] {strides = array<i32>} : memref<768xf32, #tpu.memory_space<vmem>>, vector<16xf32>,
        %get3A_829 = vector.shape_cast %get3A_828 : vector<16xf32> to vector<16xf32>
        %add3A_830 = arith.constant 16 : i32
        %add3A_831 = arith.addi %shift_left3A_128, %add3A_830 : i32
        %get3A_832 = arith.index_cast %add3A_831 : i32 to index
        %get3A_833 = tpu.vector_load %arg6[%get3A_832] {strides = array<i32>} : memref<768xf32, #tpu.memory_space<vmem>>, vector<16xf32>,
        %get3A_834 = vector.shape_cast %get3A_833 : vector<16xf32> to vector<16xf32>
        %add3A_835 = arith.constant 32 : i32
        %add3A_836 = arith.addi %shift_left3A_128, %add3A_835 : i32
        %get3A_837 = arith.index_cast %add3A_836 : i32 to index
        %get3A_838 = tpu.vector_load %arg6[%get3A_837] {strides = array<i32>} : memref<768xf32, #tpu.memory_space<vmem>>, vector<16xf32>,
        %get3A_839 = vector.shape_cast %get3A_838 : vector<16xf32> to vector<16xf32>
        %add3A_840 = arith.constant 48 : i32
        %add3A_841 = arith.addi %shift_left3A_128, %add3A_840 : i32
        %get3A_842 = arith.index_cast %add3A_841 : i32 to index
        %get3A_843 = tpu.vector_load %arg6[%get3A_842] {strides = array<i32>} : memref<768xf32, #tpu.memory_space<vmem>>, vector<16xf32>,
        %get3A_844 = vector.shape_cast %get3A_843 : vector<16xf32> to vector<16xf32>
        %add3A_845 = arith.constant 64 : i32
        %add3A_846 = arith.addi %shift_left3A_128, %add3A_845 : i32
        %get3A_847 = arith.index_cast %add3A_846 : i32 to index
        %get3A_848 = tpu.vector_load %arg6[%get3A_847] {strides = array<i32>} : memref<768xf32, #tpu.memory_space<vmem>>, vector<16xf32>,
        %get3A_849 = vector.shape_cast %get3A_848 : vector<16xf32> to vector<16xf32>
        %add3A_850 = arith.constant 80 : i32
        %add3A_851 = arith.addi %shift_left3A_128, %add3A_850 : i32
        %get3A_852 = arith.index_cast %add3A_851 : i32 to index
        %get3A_853 = tpu.vector_load %arg6[%get3A_852] {strides = array<i32>} : memref<768xf32, #tpu.memory_space<vmem>>, vector<16xf32>,
        %get3A_854 = vector.shape_cast %get3A_853 : vector<16xf32> to vector<16xf32>
        %add3A_855 = arith.constant 96 : i32
        %add3A_856 = arith.addi %shift_left3A_128, %add3A_855 : i32
        %get3A_857 = arith.index_cast %add3A_856 : i32 to index
        %get3A_858 = tpu.vector_load %arg6[%get3A_857] {strides = array<i32>} : memref<768xf32, #tpu.memory_space<vmem>>, vector<16xf32>,
        %get3A_859 = vector.shape_cast %get3A_858 : vector<16xf32> to vector<16xf32>
        %add3A_860 = arith.constant 112 : i32
        %add3A_861 = arith.addi %shift_left3A_128, %add3A_860 : i32
        %get3A_862 = arith.index_cast %add3A_861 : i32 to index
        %get3A_863 = tpu.vector_load %arg6[%get3A_862] {strides = array<i32>} : memref<768xf32, #tpu.memory_space<vmem>>, vector<16xf32>,
        %get3A_864 = vector.shape_cast %get3A_863 : vector<16xf32> to vector<16xf32>
        %add3A_865 = arith.constant 768 : i32
        %add3A_866 = arith.addi %mul3A_99, %add3A_865 : i32
        %add3A_867 = arith.constant 0 : i32
        %add3A_868 = arith.addi %add3A_866, %add3A_867 : i32
        %swap3A_869 = arith.index_cast %add3A_868 : i32 to index
        %swap3A_870 = tpu.vector_load %arg7[%swap3A_869] {strides = array<i32>} : memref<65536xf32, #tpu.memory_space<vmem>>, vector<16xf32>,
        %swap3A_871 = vector.shape_cast %swap3A_870 : vector<16xf32> to vector<16xf32>
        %swap3A_872 = vector.shape_cast %get3A_725 : vector<16xf32> to vector<16xf32>
        tpu.vector_store %arg7[%swap3A_869], %swap3A_872 {strides = array<i32>} : memref<65536xf32, #tpu.memory_space<vmem>>, vector<16xf32>,
        %add3A_873 = arith.constant 768 : i32
        %add3A_874 = arith.addi %mul3A_99, %add3A_873 : i32
        %add3A_875 = arith.constant 16 : i32
        %add3A_876 = arith.addi %add3A_874, %add3A_875 : i32
        %swap3A_877 = arith.index_cast %add3A_876 : i32 to index
        %swap3A_878 = tpu.vector_load %arg7[%swap3A_877] {strides = array<i32>} : memref<65536xf32, #tpu.memory_space<vmem>>, vector<16xf32>,
        %swap3A_879 = vector.shape_cast %swap3A_878 : vector<16xf32> to vector<16xf32>
        %swap3A_880 = vector.shape_cast %get3A_730 : vector<16xf32> to vector<16xf32>
        tpu.vector_store %arg7[%swap3A_877], %swap3A_880 {strides = array<i32>} : memref<65536xf32, #tpu.memory_space<vmem>>, vector<16xf32>,
        %add3A_881 = arith.constant 768 : i32
        %add3A_882 = arith.addi %mul3A_99, %add3A_881 : i32
        %add3A_883 = arith.constant 32 : i32
        %add3A_884 = arith.addi %add3A_882, %add3A_883 : i32
        %swap3A_885 = arith.index_cast %add3A_884 : i32 to index
        %swap3A_886 = tpu.vector_load %arg7[%swap3A_885] {strides = array<i32>} : memref<65536xf32, #tpu.memory_space<vmem>>, vector<16xf32>,
        %swap3A_887 = vector.shape_cast %swap3A_886 : vector<16xf32> to vector<16xf32>
        %swap3A_888 = vector.shape_cast %get3A_735 : vector<16xf32> to vector<16xf32>
        tpu.vector_store %arg7[%swap3A_885], %swap3A_888 {strides = array<i32>} : memref<65536xf32, #tpu.memory_space<vmem>>, vector<16xf32>,
        %add3A_889 = arith.constant 768 : i32
        %add3A_890 = arith.addi %mul3A_99, %add3A_889 : i32
        %add3A_891 = arith.constant 48 : i32
        %add3A_892 = arith.addi %add3A_890, %add3A_891 : i32
        %swap3A_893 = arith.index_cast %add3A_892 : i32 to index
        %swap3A_894 = tpu.vector_load %arg7[%swap3A_893] {strides = array<i32>} : memref<65536xf32, #tpu.memory_space<vmem>>, vector<16xf32>,
        %swap3A_895 = vector.shape_cast %swap3A_894 : vector<16xf32> to vector<16xf32>
        %swap3A_896 = vector.shape_cast %get3A_740 : vector<16xf32> to vector<16xf32>
        tpu.vector_store %arg7[%swap3A_893], %swap3A_896 {strides = array<i32>} : memref<65536xf32, #tpu.memory_space<vmem>>, vector<16xf32>,
        %add3A_897 = arith.constant 768 : i32
        %add3A_898 = arith.addi %mul3A_99, %add3A_897 : i32
        %add3A_899 = arith.constant 64 : i32
        %add3A_900 = arith.addi %add3A_898, %add3A_899 : i32
        %swap3A_901 = arith.index_cast %add3A_900 : i32 to index
        %swap3A_902 = tpu.vector_load %arg7[%swap3A_901] {strides = array<i32>} : memref<65536xf32, #tpu.memory_space<vmem>>, vector<16xf32>,
        %swap3A_903 = vector.shape_cast %swap3A_902 : vector<16xf32> to vector<16xf32>
        %swap3A_904 = vector.shape_cast %get3A_745 : vector<16xf32> to vector<16xf32>
        tpu.vector_store %arg7[%swap3A_901], %swap3A_904 {strides = array<i32>} : memref<65536xf32, #tpu.memory_space<vmem>>, vector<16xf32>,
        %add3A_905 = arith.constant 768 : i32
        %add3A_906 = arith.addi %mul3A_99, %add3A_905 : i32
        %add3A_907 = arith.constant 80 : i32
        %add3A_908 = arith.addi %add3A_906, %add3A_907 : i32
        %swap3A_909 = arith.index_cast %add3A_908 : i32 to index
        %swap3A_910 = tpu.vector_load %arg7[%swap3A_909] {strides = array<i32>} : memref<65536xf32, #tpu.memory_space<vmem>>, vector<16xf32>,
        %swap3A_911 = vector.shape_cast %swap3A_910 : vector<16xf32> to vector<16xf32>
        %swap3A_912 = vector.shape_cast %get3A_750 : vector<16xf32> to vector<16xf32>
        tpu.vector_store %arg7[%swap3A_909], %swap3A_912 {strides = array<i32>} : memref<65536xf32, #tpu.memory_space<vmem>>, vector<16xf32>,
        %add3A_913 = arith.constant 768 : i32
        %add3A_914 = arith.addi %mul3A_99, %add3A_913 : i32
        %add3A_915 = arith.constant 96 : i32
        %add3A_916 = arith.addi %add3A_914, %add3A_915 : i32
        %swap3A_917 = arith.index_cast %add3A_916 : i32 to index
        %swap3A_918 = tpu.vector_load %arg7[%swap3A_917] {strides = array<i32>} : memref<65536xf32, #tpu.memory_space<vmem>>, vector<16xf32>,
        %swap3A_919 = vector.shape_cast %swap3A_918 : vector<16xf32> to vector<16xf32>
        %swap3A_920 = vector.shape_cast %get3A_755 : vector<16xf32> to vector<16xf32>
        tpu.vector_store %arg7[%swap3A_917], %swap3A_920 {strides = array<i32>} : memref<65536xf32, #tpu.memory_space<vmem>>, vector<16xf32>,
        %add3A_921 = arith.constant 768 : i32
        %add3A_922 = arith.addi %mul3A_99, %add3A_921 : i32
        %add3A_923 = arith.constant 112 : i32
        %add3A_924 = arith.addi %add3A_922, %add3A_923 : i32
        %swap3A_925 = arith.index_cast %add3A_924 : i32 to index
        %swap3A_926 = tpu.vector_load %arg7[%swap3A_925] {strides = array<i32>} : memref<65536xf32, #tpu.memory_space<vmem>>, vector<16xf32>,
        %swap3A_927 = vector.shape_cast %swap3A_926 : vector<16xf32> to vector<16xf32>
        %swap3A_928 = vector.shape_cast %get3A_760 : vector<16xf32> to vector<16xf32>
        tpu.vector_store %arg7[%swap3A_925], %swap3A_928 {strides = array<i32>} : memref<65536xf32, #tpu.memory_space<vmem>>, vector<16xf32>,
        %add3A_929 = arith.constant 0 : i32
        %add3A_930 = arith.addi %shift_left3A_132, %add3A_929 : i32
        %get3A_931 = arith.index_cast %add3A_930 : i32 to index
        %get3A_932 = tpu.vector_load %arg6[%get3A_931] {strides = array<i32>} : memref<768xf32, #tpu.memory_space<vmem>>, vector<16xf32>,
        %get3A_933 = vector.shape_cast %get3A_932 : vector<16xf32> to vector<16xf32>
        %add3A_934 = arith.constant 16 : i32
        %add3A_935 = arith.addi %shift_left3A_132, %add3A_934 : i32
        %get3A_936 = arith.index_cast %add3A_935 : i32 to index
        %get3A_937 = tpu.vector_load %arg6[%get3A_936] {strides = array<i32>} : memref<768xf32, #tpu.memory_space<vmem>>, vector<16xf32>,
        %get3A_938 = vector.shape_cast %get3A_937 : vector<16xf32> to vector<16xf32>
        %add3A_939 = arith.constant 32 : i32
        %add3A_940 = arith.addi %shift_left3A_132, %add3A_939 : i32
        %get3A_941 = arith.index_cast %add3A_940 : i32 to index
        %get3A_942 = tpu.vector_load %arg6[%get3A_941] {strides = array<i32>} : memref<768xf32, #tpu.memory_space<vmem>>, vector<16xf32>,
        %get3A_943 = vector.shape_cast %get3A_942 : vector<16xf32> to vector<16xf32>
        %add3A_944 = arith.constant 48 : i32
        %add3A_945 = arith.addi %shift_left3A_132, %add3A_944 : i32
        %get3A_946 = arith.index_cast %add3A_945 : i32 to index
        %get3A_947 = tpu.vector_load %arg6[%get3A_946] {strides = array<i32>} : memref<768xf32, #tpu.memory_space<vmem>>, vector<16xf32>,
        %get3A_948 = vector.shape_cast %get3A_947 : vector<16xf32> to vector<16xf32>
        %add3A_949 = arith.constant 64 : i32
        %add3A_950 = arith.addi %shift_left3A_132, %add3A_949 : i32
        %get3A_951 = arith.index_cast %add3A_950 : i32 to index
        %get3A_952 = tpu.vector_load %arg6[%get3A_951] {strides = array<i32>} : memref<768xf32, #tpu.memory_space<vmem>>, vector<16xf32>,
        %get3A_953 = vector.shape_cast %get3A_952 : vector<16xf32> to vector<16xf32>
        %add3A_954 = arith.constant 80 : i32
        %add3A_955 = arith.addi %shift_left3A_132, %add3A_954 : i32
        %get3A_956 = arith.index_cast %add3A_955 : i32 to index
        %get3A_957 = tpu.vector_load %arg6[%get3A_956] {strides = array<i32>} : memref<768xf32, #tpu.memory_space<vmem>>, vector<16xf32>,
        %get3A_958 = vector.shape_cast %get3A_957 : vector<16xf32> to vector<16xf32>
        %add3A_959 = arith.constant 96 : i32
        %add3A_960 = arith.addi %shift_left3A_132, %add3A_959 : i32
        %get3A_961 = arith.index_cast %add3A_960 : i32 to index
        %get3A_962 = tpu.vector_load %arg6[%get3A_961] {strides = array<i32>} : memref<768xf32, #tpu.memory_space<vmem>>, vector<16xf32>,
        %get3A_963 = vector.shape_cast %get3A_962 : vector<16xf32> to vector<16xf32>
        %add3A_964 = arith.constant 112 : i32
        %add3A_965 = arith.addi %shift_left3A_132, %add3A_964 : i32
        %get3A_966 = arith.index_cast %add3A_965 : i32 to index
        %get3A_967 = tpu.vector_load %arg6[%get3A_966] {strides = array<i32>} : memref<768xf32, #tpu.memory_space<vmem>>, vector<16xf32>,
        %get3A_968 = vector.shape_cast %get3A_967 : vector<16xf32> to vector<16xf32>
        %add3A_969 = arith.constant 896 : i32
        %add3A_970 = arith.addi %mul3A_99, %add3A_969 : i32
        %add3A_971 = arith.constant 0 : i32
        %add3A_972 = arith.addi %add3A_970, %add3A_971 : i32
        %swap3A_973 = arith.index_cast %add3A_972 : i32 to index
        %swap3A_974 = tpu.vector_load %arg7[%swap3A_973] {strides = array<i32>} : memref<65536xf32, #tpu.memory_space<vmem>>, vector<16xf32>,
        %swap3A_975 = vector.shape_cast %swap3A_974 : vector<16xf32> to vector<16xf32>
        %swap3A_976 = vector.shape_cast %get3A_829 : vector<16xf32> to vector<16xf32>
        tpu.vector_store %arg7[%swap3A_973], %swap3A_976 {strides = array<i32>} : memref<65536xf32, #tpu.memory_space<vmem>>, vector<16xf32>,
        %add3A_977 = arith.constant 896 : i32
        %add3A_978 = arith.addi %mul3A_99, %add3A_977 : i32
        %add3A_979 = arith.constant 16 : i32
        %add3A_980 = arith.addi %add3A_978, %add3A_979 : i32
        %swap3A_981 = arith.index_cast %add3A_980 : i32 to index
        %swap3A_982 = tpu.vector_load %arg7[%swap3A_981] {strides = array<i32>} : memref<65536xf32, #tpu.memory_space<vmem>>, vector<16xf32>,
        %swap3A_983 = vector.shape_cast %swap3A_982 : vector<16xf32> to vector<16xf32>
        %swap3A_984 = vector.shape_cast %get3A_834 : vector<16xf32> to vector<16xf32>
        tpu.vector_store %arg7[%swap3A_981], %swap3A_984 {strides = array<i32>} : memref<65536xf32, #tpu.memory_space<vmem>>, vector<16xf32>,
        %add3A_985 = arith.constant 896 : i32
        %add3A_986 = arith.addi %mul3A_99, %add3A_985 : i32
        %add3A_987 = arith.constant 32 : i32
        %add3A_988 = arith.addi %add3A_986, %add3A_987 : i32
        %swap3A_989 = arith.index_cast %add3A_988 : i32 to index
        %swap3A_990 = tpu.vector_load %arg7[%swap3A_989] {strides = array<i32>} : memref<65536xf32, #tpu.memory_space<vmem>>, vector<16xf32>,
        %swap3A_991 = vector.shape_cast %swap3A_990 : vector<16xf32> to vector<16xf32>
        %swap3A_992 = vector.shape_cast %get3A_839 : vector<16xf32> to vector<16xf32>
        tpu.vector_store %arg7[%swap3A_989], %swap3A_992 {strides = array<i32>} : memref<65536xf32, #tpu.memory_space<vmem>>, vector<16xf32>,
        %add3A_993 = arith.constant 896 : i32
        %add3A_994 = arith.addi %mul3A_99, %add3A_993 : i32
        %add3A_995 = arith.constant 48 : i32
        %add3A_996 = arith.addi %add3A_994, %add3A_995 : i32
        %swap3A_997 = arith.index_cast %add3A_996 : i32 to index
        %swap3A_998 = tpu.vector_load %arg7[%swap3A_997] {strides = array<i32>} : memref<65536xf32, #tpu.memory_space<vmem>>, vector<16xf32>,
        %swap3A_999 = vector.shape_cast %swap3A_998 : vector<16xf32> to vector<16xf32>
        %swap3A_1000 = vector.shape_cast %get3A_844 : vector<16xf32> to vector<16xf32>
        tpu.vector_store %arg7[%swap3A_997], %swap3A_1000 {strides = array<i32>} : memref<65536xf32, #tpu.memory_space<vmem>>, vector<16xf32>,
        %add3A_1001 = arith.constant 896 : i32
        %add3A_1002 = arith.addi %mul3A_99, %add3A_1001 : i32
        %add3A_1003 = arith.constant 64 : i32
        %add3A_1004 = arith.addi %add3A_1002, %add3A_1003 : i32
        %swap3A_1005 = arith.index_cast %add3A_1004 : i32 to index
        %swap3A_1006 = tpu.vector_load %arg7[%swap3A_1005] {strides = array<i32>} : memref<65536xf32, #tpu.memory_space<vmem>>, vector<16xf32>,
        %swap3A_1007 = vector.shape_cast %swap3A_1006 : vector<16xf32> to vector<16xf32>
        %swap3A_1008 = vector.shape_cast %get3A_849 : vector<16xf32> to vector<16xf32>
        tpu.vector_store %arg7[%swap3A_1005], %swap3A_1008 {strides = array<i32>} : memref<65536xf32, #tpu.memory_space<vmem>>, vector<16xf32>,
        %add3A_1009 = arith.constant 896 : i32
        %add3A_1010 = arith.addi %mul3A_99, %add3A_1009 : i32
        %add3A_1011 = arith.constant 80 : i32
        %add3A_1012 = arith.addi %add3A_1010, %add3A_1011 : i32
        %swap3A_1013 = arith.index_cast %add3A_1012 : i32 to index
        %swap3A_1014 = tpu.vector_load %arg7[%swap3A_1013] {strides = array<i32>} : memref<65536xf32, #tpu.memory_space<vmem>>, vector<16xf32>,
        %swap3A_1015 = vector.shape_cast %swap3A_1014 : vector<16xf32> to vector<16xf32>
        %swap3A_1016 = vector.shape_cast %get3A_854 : vector<16xf32> to vector<16xf32>
        tpu.vector_store %arg7[%swap3A_1013], %swap3A_1016 {strides = array<i32>} : memref<65536xf32, #tpu.memory_space<vmem>>, vector<16xf32>,
        %add3A_1017 = arith.constant 896 : i32
        %add3A_1018 = arith.addi %mul3A_99, %add3A_1017 : i32
        %add3A_1019 = arith.constant 96 : i32
        %add3A_1020 = arith.addi %add3A_1018, %add3A_1019 : i32
        %swap3A_1021 = arith.index_cast %add3A_1020 : i32 to index
        %swap3A_1022 = tpu.vector_load %arg7[%swap3A_1021] {strides = array<i32>} : memref<65536xf32, #tpu.memory_space<vmem>>, vector<16xf32>,
        %swap3A_1023 = vector.shape_cast %swap3A_1022 : vector<16xf32> to vector<16xf32>
        %swap3A_1024 = vector.shape_cast %get3A_859 : vector<16xf32> to vector<16xf32>
        tpu.vector_store %arg7[%swap3A_1021], %swap3A_1024 {strides = array<i32>} : memref<65536xf32, #tpu.memory_space<vmem>>, vector<16xf32>,
        %add3A_1025 = arith.constant 896 : i32
        %add3A_1026 = arith.addi %mul3A_99, %add3A_1025 : i32
        %add3A_1027 = arith.constant 112 : i32
        %add3A_1028 = arith.addi %add3A_1026, %add3A_1027 : i32
        %swap3A_1029 = arith.index_cast %add3A_1028 : i32 to index
        %swap3A_1030 = tpu.vector_load %arg7[%swap3A_1029] {strides = array<i32>} : memref<65536xf32, #tpu.memory_space<vmem>>, vector<16xf32>,
        %swap3A_1031 = vector.shape_cast %swap3A_1030 : vector<16xf32> to vector<16xf32>
        %swap3A_1032 = vector.shape_cast %get3A_864 : vector<16xf32> to vector<16xf32>
        tpu.vector_store %arg7[%swap3A_1029], %swap3A_1032 {strides = array<i32>} : memref<65536xf32, #tpu.memory_space<vmem>>, vector<16xf32>,
        %add3A_1033 = arith.constant 0 : i32
        %add3A_1034 = arith.addi %shift_left3A_136, %add3A_1033 : i32
        %get3A_1035 = arith.index_cast %add3A_1034 : i32 to index
        %get3A_1036 = tpu.vector_load %arg6[%get3A_1035] {strides = array<i32>} : memref<768xf32, #tpu.memory_space<vmem>>, vector<16xf32>,
        %get3A_1037 = vector.shape_cast %get3A_1036 : vector<16xf32> to vector<16xf32>
        %add3A_1038 = arith.constant 16 : i32
        %add3A_1039 = arith.addi %shift_left3A_136, %add3A_1038 : i32
        %get3A_1040 = arith.index_cast %add3A_1039 : i32 to index
        %get3A_1041 = tpu.vector_load %arg6[%get3A_1040] {strides = array<i32>} : memref<768xf32, #tpu.memory_space<vmem>>, vector<16xf32>,
        %get3A_1042 = vector.shape_cast %get3A_1041 : vector<16xf32> to vector<16xf32>
        %add3A_1043 = arith.constant 32 : i32
        %add3A_1044 = arith.addi %shift_left3A_136, %add3A_1043 : i32
        %get3A_1045 = arith.index_cast %add3A_1044 : i32 to index
        %get3A_1046 = tpu.vector_load %arg6[%get3A_1045] {strides = array<i32>} : memref<768xf32, #tpu.memory_space<vmem>>, vector<16xf32>,
        %get3A_1047 = vector.shape_cast %get3A_1046 : vector<16xf32> to vector<16xf32>
        %add3A_1048 = arith.constant 48 : i32
        %add3A_1049 = arith.addi %shift_left3A_136, %add3A_1048 : i32
        %get3A_1050 = arith.index_cast %add3A_1049 : i32 to index
        %get3A_1051 = tpu.vector_load %arg6[%get3A_1050] {strides = array<i32>} : memref<768xf32, #tpu.memory_space<vmem>>, vector<16xf32>,
        %get3A_1052 = vector.shape_cast %get3A_1051 : vector<16xf32> to vector<16xf32>
        %add3A_1053 = arith.constant 64 : i32
        %add3A_1054 = arith.addi %shift_left3A_136, %add3A_1053 : i32
        %get3A_1055 = arith.index_cast %add3A_1054 : i32 to index
        %get3A_1056 = tpu.vector_load %arg6[%get3A_1055] {strides = array<i32>} : memref<768xf32, #tpu.memory_space<vmem>>, vector<16xf32>,
        %get3A_1057 = vector.shape_cast %get3A_1056 : vector<16xf32> to vector<16xf32>
        %add3A_1058 = arith.constant 80 : i32
        %add3A_1059 = arith.addi %shift_left3A_136, %add3A_1058 : i32
        %get3A_1060 = arith.index_cast %add3A_1059 : i32 to index
        %get3A_1061 = tpu.vector_load %arg6[%get3A_1060] {strides = array<i32>} : memref<768xf32, #tpu.memory_space<vmem>>, vector<16xf32>,
        %get3A_1062 = vector.shape_cast %get3A_1061 : vector<16xf32> to vector<16xf32>
        %add3A_1063 = arith.constant 96 : i32
        %add3A_1064 = arith.addi %shift_left3A_136, %add3A_1063 : i32
        %get3A_1065 = arith.index_cast %add3A_1064 : i32 to index
        %get3A_1066 = tpu.vector_load %arg6[%get3A_1065] {strides = array<i32>} : memref<768xf32, #tpu.memory_space<vmem>>, vector<16xf32>,
        %get3A_1067 = vector.shape_cast %get3A_1066 : vector<16xf32> to vector<16xf32>
        %add3A_1068 = arith.constant 112 : i32
        %add3A_1069 = arith.addi %shift_left3A_136, %add3A_1068 : i32
        %get3A_1070 = arith.index_cast %add3A_1069 : i32 to index
        %get3A_1071 = tpu.vector_load %arg6[%get3A_1070] {strides = array<i32>} : memref<768xf32, #tpu.memory_space<vmem>>, vector<16xf32>,
        %get3A_1072 = vector.shape_cast %get3A_1071 : vector<16xf32> to vector<16xf32>
        %add3A_1073 = arith.constant 1024 : i32
        %add3A_1074 = arith.addi %mul3A_99, %add3A_1073 : i32
        %add3A_1075 = arith.constant 0 : i32
        %add3A_1076 = arith.addi %add3A_1074, %add3A_1075 : i32
        %swap3A_1077 = arith.index_cast %add3A_1076 : i32 to index
        %swap3A_1078 = tpu.vector_load %arg7[%swap3A_1077] {strides = array<i32>} : memref<65536xf32, #tpu.memory_space<vmem>>, vector<16xf32>,
        %swap3A_1079 = vector.shape_cast %swap3A_1078 : vector<16xf32> to vector<16xf32>
        %swap3A_1080 = vector.shape_cast %get3A_933 : vector<16xf32> to vector<16xf32>
        tpu.vector_store %arg7[%swap3A_1077], %swap3A_1080 {strides = array<i32>} : memref<65536xf32, #tpu.memory_space<vmem>>, vector<16xf32>,
        %add3A_1081 = arith.constant 1024 : i32
        %add3A_1082 = arith.addi %mul3A_99, %add3A_1081 : i32
        %add3A_1083 = arith.constant 16 : i32
        %add3A_1084 = arith.addi %add3A_1082, %add3A_1083 : i32
        %swap3A_1085 = arith.index_cast %add3A_1084 : i32 to index
        %swap3A_1086 = tpu.vector_load %arg7[%swap3A_1085] {strides = array<i32>} : memref<65536xf32, #tpu.memory_space<vmem>>, vector<16xf32>,
        %swap3A_1087 = vector.shape_cast %swap3A_1086 : vector<16xf32> to vector<16xf32>
        %swap3A_1088 = vector.shape_cast %get3A_938 : vector<16xf32> to vector<16xf32>
        tpu.vector_store %arg7[%swap3A_1085], %swap3A_1088 {strides = array<i32>} : memref<65536xf32, #tpu.memory_space<vmem>>, vector<16xf32>,
        %add3A_1089 = arith.constant 1024 : i32
        %add3A_1090 = arith.addi %mul3A_99, %add3A_1089 : i32
        %add3A_1091 = arith.constant 32 : i32
        %add3A_1092 = arith.addi %add3A_1090, %add3A_1091 : i32
        %swap3A_1093 = arith.index_cast %add3A_1092 : i32 to index
        %swap3A_1094 = tpu.vector_load %arg7[%swap3A_1093] {strides = array<i32>} : memref<65536xf32, #tpu.memory_space<vmem>>, vector<16xf32>,
        %swap3A_1095 = vector.shape_cast %swap3A_1094 : vector<16xf32> to vector<16xf32>
        %swap3A_1096 = vector.shape_cast %get3A_943 : vector<16xf32> to vector<16xf32>
        tpu.vector_store %arg7[%swap3A_1093], %swap3A_1096 {strides = array<i32>} : memref<65536xf32, #tpu.memory_space<vmem>>, vector<16xf32>,
        %add3A_1097 = arith.constant 1024 : i32
        %add3A_1098 = arith.addi %mul3A_99, %add3A_1097 : i32
        %add3A_1099 = arith.constant 48 : i32
        %add3A_1100 = arith.addi %add3A_1098, %add3A_1099 : i32
        %swap3A_1101 = arith.index_cast %add3A_1100 : i32 to index
        %swap3A_1102 = tpu.vector_load %arg7[%swap3A_1101] {strides = array<i32>} : memref<65536xf32, #tpu.memory_space<vmem>>, vector<16xf32>,
        %swap3A_1103 = vector.shape_cast %swap3A_1102 : vector<16xf32> to vector<16xf32>
        %swap3A_1104 = vector.shape_cast %get3A_948 : vector<16xf32> to vector<16xf32>
        tpu.vector_store %arg7[%swap3A_1101], %swap3A_1104 {strides = array<i32>} : memref<65536xf32, #tpu.memory_space<vmem>>, vector<16xf32>,
        %add3A_1105 = arith.constant 1024 : i32
        %add3A_1106 = arith.addi %mul3A_99, %add3A_1105 : i32
        %add3A_1107 = arith.constant 64 : i32
        %add3A_1108 = arith.addi %add3A_1106, %add3A_1107 : i32
        %swap3A_1109 = arith.index_cast %add3A_1108 : i32 to index
        %swap3A_1110 = tpu.vector_load %arg7[%swap3A_1109] {strides = array<i32>} : memref<65536xf32, #tpu.memory_space<vmem>>, vector<16xf32>,
        %swap3A_1111 = vector.shape_cast %swap3A_1110 : vector<16xf32> to vector<16xf32>
        %swap3A_1112 = vector.shape_cast %get3A_953 : vector<16xf32> to vector<16xf32>
        tpu.vector_store %arg7[%swap3A_1109], %swap3A_1112 {strides = array<i32>} : memref<65536xf32, #tpu.memory_space<vmem>>, vector<16xf32>,
        %add3A_1113 = arith.constant 1024 : i32
        %add3A_1114 = arith.addi %mul3A_99, %add3A_1113 : i32
        %add3A_1115 = arith.constant 80 : i32
        %add3A_1116 = arith.addi %add3A_1114, %add3A_1115 : i32
        %swap3A_1117 = arith.index_cast %add3A_1116 : i32 to index
        %swap3A_1118 = tpu.vector_load %arg7[%swap3A_1117] {strides = array<i32>} : memref<65536xf32, #tpu.memory_space<vmem>>, vector<16xf32>,
        %swap3A_1119 = vector.shape_cast %swap3A_1118 : vector<16xf32> to vector<16xf32>
        %swap3A_1120 = vector.shape_cast %get3A_958 : vector<16xf32> to vector<16xf32>
        tpu.vector_store %arg7[%swap3A_1117], %swap3A_1120 {strides = array<i32>} : memref<65536xf32, #tpu.memory_space<vmem>>, vector<16xf32>,
        %add3A_1121 = arith.constant 1024 : i32
        %add3A_1122 = arith.addi %mul3A_99, %add3A_1121 : i32
        %add3A_1123 = arith.constant 96 : i32
        %add3A_1124 = arith.addi %add3A_1122, %add3A_1123 : i32
        %swap3A_1125 = arith.index_cast %add3A_1124 : i32 to index
        %swap3A_1126 = tpu.vector_load %arg7[%swap3A_1125] {strides = array<i32>} : memref<65536xf32, #tpu.memory_space<vmem>>, vector<16xf32>,
        %swap3A_1127 = vector.shape_cast %swap3A_1126 : vector<16xf32> to vector<16xf32>
        %swap3A_1128 = vector.shape_cast %get3A_963 : vector<16xf32> to vector<16xf32>
        tpu.vector_store %arg7[%swap3A_1125], %swap3A_1128 {strides = array<i32>} : memref<65536xf32, #tpu.memory_space<vmem>>, vector<16xf32>,
        %add3A_1129 = arith.constant 1024 : i32
        %add3A_1130 = arith.addi %mul3A_99, %add3A_1129 : i32
        %add3A_1131 = arith.constant 112 : i32
        %add3A_1132 = arith.addi %add3A_1130, %add3A_1131 : i32
        %swap3A_1133 = arith.index_cast %add3A_1132 : i32 to index
        %swap3A_1134 = tpu.vector_load %arg7[%swap3A_1133] {strides = array<i32>} : memref<65536xf32, #tpu.memory_space<vmem>>, vector<16xf32>,
        %swap3A_1135 = vector.shape_cast %swap3A_1134 : vector<16xf32> to vector<16xf32>
        %swap3A_1136 = vector.shape_cast %get3A_968 : vector<16xf32> to vector<16xf32>
        tpu.vector_store %arg7[%swap3A_1133], %swap3A_1136 {strides = array<i32>} : memref<65536xf32, #tpu.memory_space<vmem>>, vector<16xf32>,
        %add3A_1137 = arith.constant 0 : i32
        %add3A_1138 = arith.addi %shift_left3A_140, %add3A_1137 : i32
        %get3A_1139 = arith.index_cast %add3A_1138 : i32 to index
        %get3A_1140 = tpu.vector_load %arg6[%get3A_1139] {strides = array<i32>} : memref<768xf32, #tpu.memory_space<vmem>>, vector<16xf32>,
        %get3A_1141 = vector.shape_cast %get3A_1140 : vector<16xf32> to vector<16xf32>
        %add3A_1142 = arith.constant 16 : i32
        %add3A_1143 = arith.addi %shift_left3A_140, %add3A_1142 : i32
        %get3A_1144 = arith.index_cast %add3A_1143 : i32 to index
        %get3A_1145 = tpu.vector_load %arg6[%get3A_1144] {strides = array<i32>} : memref<768xf32, #tpu.memory_space<vmem>>, vector<16xf32>,
        %get3A_1146 = vector.shape_cast %get3A_1145 : vector<16xf32> to vector<16xf32>
        %add3A_1147 = arith.constant 32 : i32
        %add3A_1148 = arith.addi %shift_left3A_140, %add3A_1147 : i32
        %get3A_1149 = arith.index_cast %add3A_1148 : i32 to index
        %get3A_1150 = tpu.vector_load %arg6[%get3A_1149] {strides = array<i32>} : memref<768xf32, #tpu.memory_space<vmem>>, vector<16xf32>,
        %get3A_1151 = vector.shape_cast %get3A_1150 : vector<16xf32> to vector<16xf32>
        %add3A_1152 = arith.constant 48 : i32
        %add3A_1153 = arith.addi %shift_left3A_140, %add3A_1152 : i32
        %get3A_1154 = arith.index_cast %add3A_1153 : i32 to index
        %get3A_1155 = tpu.vector_load %arg6[%get3A_1154] {strides = array<i32>} : memref<768xf32, #tpu.memory_space<vmem>>, vector<16xf32>,
        %get3A_1156 = vector.shape_cast %get3A_1155 : vector<16xf32> to vector<16xf32>
        %add3A_1157 = arith.constant 64 : i32
        %add3A_1158 = arith.addi %shift_left3A_140, %add3A_1157 : i32
        %get3A_1159 = arith.index_cast %add3A_1158 : i32 to index
        %get3A_1160 = tpu.vector_load %arg6[%get3A_1159] {strides = array<i32>} : memref<768xf32, #tpu.memory_space<vmem>>, vector<16xf32>,
        %get3A_1161 = vector.shape_cast %get3A_1160 : vector<16xf32> to vector<16xf32>
        %add3A_1162 = arith.constant 80 : i32
        %add3A_1163 = arith.addi %shift_left3A_140, %add3A_1162 : i32
        %get3A_1164 = arith.index_cast %add3A_1163 : i32 to index
        %get3A_1165 = tpu.vector_load %arg6[%get3A_1164] {strides = array<i32>} : memref<768xf32, #tpu.memory_space<vmem>>, vector<16xf32>,
        %get3A_1166 = vector.shape_cast %get3A_1165 : vector<16xf32> to vector<16xf32>
        %add3A_1167 = arith.constant 96 : i32
        %add3A_1168 = arith.addi %shift_left3A_140, %add3A_1167 : i32
        %get3A_1169 = arith.index_cast %add3A_1168 : i32 to index
        %get3A_1170 = tpu.vector_load %arg6[%get3A_1169] {strides = array<i32>} : memref<768xf32, #tpu.memory_space<vmem>>, vector<16xf32>,
        %get3A_1171 = vector.shape_cast %get3A_1170 : vector<16xf32> to vector<16xf32>
        %add3A_1172 = arith.constant 112 : i32
        %add3A_1173 = arith.addi %shift_left3A_140, %add3A_1172 : i32
        %get3A_1174 = arith.index_cast %add3A_1173 : i32 to index
        %get3A_1175 = tpu.vector_load %arg6[%get3A_1174] {strides = array<i32>} : memref<768xf32, #tpu.memory_space<vmem>>, vector<16xf32>,
        %get3A_1176 = vector.shape_cast %get3A_1175 : vector<16xf32> to vector<16xf32>
        %add3A_1177 = arith.constant 1152 : i32
        %add3A_1178 = arith.addi %mul3A_99, %add3A_1177 : i32
        %add3A_1179 = arith.constant 0 : i32
        %add3A_1180 = arith.addi %add3A_1178, %add3A_1179 : i32
        %swap3A_1181 = arith.index_cast %add3A_1180 : i32 to index
        %swap3A_1182 = tpu.vector_load %arg7[%swap3A_1181] {strides = array<i32>} : memref<65536xf32, #tpu.memory_space<vmem>>, vector<16xf32>,
        %swap3A_1183 = vector.shape_cast %swap3A_1182 : vector<16xf32> to vector<16xf32>
        %swap3A_1184 = vector.shape_cast %get3A_1037 : vector<16xf32> to vector<16xf32>
        tpu.vector_store %arg7[%swap3A_1181], %swap3A_1184 {strides = array<i32>} : memref<65536xf32, #tpu.memory_space<vmem>>, vector<16xf32>,
        %add3A_1185 = arith.constant 1152 : i32
        %add3A_1186 = arith.addi %mul3A_99, %add3A_1185 : i32
        %add3A_1187 = arith.constant 16 : i32
        %add3A_1188 = arith.addi %add3A_1186, %add3A_1187 : i32
        %swap3A_1189 = arith.index_cast %add3A_1188 : i32 to index
        %swap3A_1190 = tpu.vector_load %arg7[%swap3A_1189] {strides = array<i32>} : memref<65536xf32, #tpu.memory_space<vmem>>, vector<16xf32>,
        %swap3A_1191 = vector.shape_cast %swap3A_1190 : vector<16xf32> to vector<16xf32>
        %swap3A_1192 = vector.shape_cast %get3A_1042 : vector<16xf32> to vector<16xf32>
        tpu.vector_store %arg7[%swap3A_1189], %swap3A_1192 {strides = array<i32>} : memref<65536xf32, #tpu.memory_space<vmem>>, vector<16xf32>,
        %add3A_1193 = arith.constant 1152 : i32
        %add3A_1194 = arith.addi %mul3A_99, %add3A_1193 : i32
        %add3A_1195 = arith.constant 32 : i32
        %add3A_1196 = arith.addi %add3A_1194, %add3A_1195 : i32
        %swap3A_1197 = arith.index_cast %add3A_1196 : i32 to index
        %swap3A_1198 = tpu.vector_load %arg7[%swap3A_1197] {strides = array<i32>} : memref<65536xf32, #tpu.memory_space<vmem>>, vector<16xf32>,
        %swap3A_1199 = vector.shape_cast %swap3A_1198 : vector<16xf32> to vector<16xf32>
        %swap3A_1200 = vector.shape_cast %get3A_1047 : vector<16xf32> to vector<16xf32>
        tpu.vector_store %arg7[%swap3A_1197], %swap3A_1200 {strides = array<i32>} : memref<65536xf32, #tpu.memory_space<vmem>>, vector<16xf32>,
        %add3A_1201 = arith.constant 1152 : i32
        %add3A_1202 = arith.addi %mul3A_99, %add3A_1201 : i32
        %add3A_1203 = arith.constant 48 : i32
        %add3A_1204 = arith.addi %add3A_1202, %add3A_1203 : i32
        %swap3A_1205 = arith.index_cast %add3A_1204 : i32 to index
        %swap3A_1206 = tpu.vector_load %arg7[%swap3A_1205] {strides = array<i32>} : memref<65536xf32, #tpu.memory_space<vmem>>, vector<16xf32>,
        %swap3A_1207 = vector.shape_cast %swap3A_1206 : vector<16xf32> to vector<16xf32>
        %swap3A_1208 = vector.shape_cast %get3A_1052 : vector<16xf32> to vector<16xf32>
        tpu.vector_store %arg7[%swap3A_1205], %swap3A_1208 {strides = array<i32>} : memref<65536xf32, #tpu.memory_space<vmem>>, vector<16xf32>,
        %add3A_1209 = arith.constant 1152 : i32
        %add3A_1210 = arith.addi %mul3A_99, %add3A_1209 : i32
        %add3A_1211 = arith.constant 64 : i32
        %add3A_1212 = arith.addi %add3A_1210, %add3A_1211 : i32
        %swap3A_1213 = arith.index_cast %add3A_1212 : i32 to index
        %swap3A_1214 = tpu.vector_load %arg7[%swap3A_1213] {strides = array<i32>} : memref<65536xf32, #tpu.memory_space<vmem>>, vector<16xf32>,
        %swap3A_1215 = vector.shape_cast %swap3A_1214 : vector<16xf32> to vector<16xf32>
        %swap3A_1216 = vector.shape_cast %get3A_1057 : vector<16xf32> to vector<16xf32>
        tpu.vector_store %arg7[%swap3A_1213], %swap3A_1216 {strides = array<i32>} : memref<65536xf32, #tpu.memory_space<vmem>>, vector<16xf32>,
        %add3A_1217 = arith.constant 1152 : i32
        %add3A_1218 = arith.addi %mul3A_99, %add3A_1217 : i32
        %add3A_1219 = arith.constant 80 : i32
        %add3A_1220 = arith.addi %add3A_1218, %add3A_1219 : i32
        %swap3A_1221 = arith.index_cast %add3A_1220 : i32 to index
        %swap3A_1222 = tpu.vector_load %arg7[%swap3A_1221] {strides = array<i32>} : memref<65536xf32, #tpu.memory_space<vmem>>, vector<16xf32>,
        %swap3A_1223 = vector.shape_cast %swap3A_1222 : vector<16xf32> to vector<16xf32>
        %swap3A_1224 = vector.shape_cast %get3A_1062 : vector<16xf32> to vector<16xf32>
        tpu.vector_store %arg7[%swap3A_1221], %swap3A_1224 {strides = array<i32>} : memref<65536xf32, #tpu.memory_space<vmem>>, vector<16xf32>,
        %add3A_1225 = arith.constant 1152 : i32
        %add3A_1226 = arith.addi %mul3A_99, %add3A_1225 : i32
        %add3A_1227 = arith.constant 96 : i32
        %add3A_1228 = arith.addi %add3A_1226, %add3A_1227 : i32
        %swap3A_1229 = arith.index_cast %add3A_1228 : i32 to index
        %swap3A_1230 = tpu.vector_load %arg7[%swap3A_1229] {strides = array<i32>} : memref<65536xf32, #tpu.memory_space<vmem>>, vector<16xf32>,
        %swap3A_1231 = vector.shape_cast %swap3A_1230 : vector<16xf32> to vector<16xf32>
        %swap3A_1232 = vector.shape_cast %get3A_1067 : vector<16xf32> to vector<16xf32>
        tpu.vector_store %arg7[%swap3A_1229], %swap3A_1232 {strides = array<i32>} : memref<65536xf32, #tpu.memory_space<vmem>>, vector<16xf32>,
        %add3A_1233 = arith.constant 1152 : i32
        %add3A_1234 = arith.addi %mul3A_99, %add3A_1233 : i32
        %add3A_1235 = arith.constant 112 : i32
        %add3A_1236 = arith.addi %add3A_1234, %add3A_1235 : i32
        %swap3A_1237 = arith.index_cast %add3A_1236 : i32 to index
        %swap3A_1238 = tpu.vector_load %arg7[%swap3A_1237] {strides = array<i32>} : memref<65536xf32, #tpu.memory_space<vmem>>, vector<16xf32>,
        %swap3A_1239 = vector.shape_cast %swap3A_1238 : vector<16xf32> to vector<16xf32>
        %swap3A_1240 = vector.shape_cast %get3A_1072 : vector<16xf32> to vector<16xf32>
        tpu.vector_store %arg7[%swap3A_1237], %swap3A_1240 {strides = array<i32>} : memref<65536xf32, #tpu.memory_space<vmem>>, vector<16xf32>,
        %add3A_1241 = arith.constant 0 : i32
        %add3A_1242 = arith.addi %shift_left3A_144, %add3A_1241 : i32
        %get3A_1243 = arith.index_cast %add3A_1242 : i32 to index
        %get3A_1244 = tpu.vector_load %arg6[%get3A_1243] {strides = array<i32>} : memref<768xf32, #tpu.memory_space<vmem>>, vector<16xf32>,
        %get3A_1245 = vector.shape_cast %get3A_1244 : vector<16xf32> to vector<16xf32>
        %add3A_1246 = arith.constant 16 : i32
        %add3A_1247 = arith.addi %shift_left3A_144, %add3A_1246 : i32
        %get3A_1248 = arith.index_cast %add3A_1247 : i32 to index
        %get3A_1249 = tpu.vector_load %arg6[%get3A_1248] {strides = array<i32>} : memref<768xf32, #tpu.memory_space<vmem>>, vector<16xf32>,
        %get3A_1250 = vector.shape_cast %get3A_1249 : vector<16xf32> to vector<16xf32>
        %add3A_1251 = arith.constant 32 : i32
        %add3A_1252 = arith.addi %shift_left3A_144, %add3A_1251 : i32
        %get3A_1253 = arith.index_cast %add3A_1252 : i32 to index
        %get3A_1254 = tpu.vector_load %arg6[%get3A_1253] {strides = array<i32>} : memref<768xf32, #tpu.memory_space<vmem>>, vector<16xf32>,
        %get3A_1255 = vector.shape_cast %get3A_1254 : vector<16xf32> to vector<16xf32>
        %add3A_1256 = arith.constant 48 : i32
        %add3A_1257 = arith.addi %shift_left3A_144, %add3A_1256 : i32
        %get3A_1258 = arith.index_cast %add3A_1257 : i32 to index
        %get3A_1259 = tpu.vector_load %arg6[%get3A_1258] {strides = array<i32>} : memref<768xf32, #tpu.memory_space<vmem>>, vector<16xf32>,
        %get3A_1260 = vector.shape_cast %get3A_1259 : vector<16xf32> to vector<16xf32>
        %add3A_1261 = arith.constant 64 : i32
        %add3A_1262 = arith.addi %shift_left3A_144, %add3A_1261 : i32
        %get3A_1263 = arith.index_cast %add3A_1262 : i32 to index
        %get3A_1264 = tpu.vector_load %arg6[%get3A_1263] {strides = array<i32>} : memref<768xf32, #tpu.memory_space<vmem>>, vector<16xf32>,
        %get3A_1265 = vector.shape_cast %get3A_1264 : vector<16xf32> to vector<16xf32>
        %add3A_1266 = arith.constant 80 : i32
        %add3A_1267 = arith.addi %shift_left3A_144, %add3A_1266 : i32
        %get3A_1268 = arith.index_cast %add3A_1267 : i32 to index
        %get3A_1269 = tpu.vector_load %arg6[%get3A_1268] {strides = array<i32>} : memref<768xf32, #tpu.memory_space<vmem>>, vector<16xf32>,
        %get3A_1270 = vector.shape_cast %get3A_1269 : vector<16xf32> to vector<16xf32>
        %add3A_1271 = arith.constant 96 : i32
        %add3A_1272 = arith.addi %shift_left3A_144, %add3A_1271 : i32
        %get3A_1273 = arith.index_cast %add3A_1272 : i32 to index
        %get3A_1274 = tpu.vector_load %arg6[%get3A_1273] {strides = array<i32>} : memref<768xf32, #tpu.memory_space<vmem>>, vector<16xf32>,
        %get3A_1275 = vector.shape_cast %get3A_1274 : vector<16xf32> to vector<16xf32>
        %add3A_1276 = arith.constant 112 : i32
        %add3A_1277 = arith.addi %shift_left3A_144, %add3A_1276 : i32
        %get3A_1278 = arith.index_cast %add3A_1277 : i32 to index
        %get3A_1279 = tpu.vector_load %arg6[%get3A_1278] {strides = array<i32>} : memref<768xf32, #tpu.memory_space<vmem>>, vector<16xf32>,
        %get3A_1280 = vector.shape_cast %get3A_1279 : vector<16xf32> to vector<16xf32>
        %add3A_1281 = arith.constant 1280 : i32
        %add3A_1282 = arith.addi %mul3A_99, %add3A_1281 : i32
        %add3A_1283 = arith.constant 0 : i32
        %add3A_1284 = arith.addi %add3A_1282, %add3A_1283 : i32
        %swap3A_1285 = arith.index_cast %add3A_1284 : i32 to index
        %swap3A_1286 = tpu.vector_load %arg7[%swap3A_1285] {strides = array<i32>} : memref<65536xf32, #tpu.memory_space<vmem>>, vector<16xf32>,
        %swap3A_1287 = vector.shape_cast %swap3A_1286 : vector<16xf32> to vector<16xf32>
        %swap3A_1288 = vector.shape_cast %get3A_1141 : vector<16xf32> to vector<16xf32>
        tpu.vector_store %arg7[%swap3A_1285], %swap3A_1288 {strides = array<i32>} : memref<65536xf32, #tpu.memory_space<vmem>>, vector<16xf32>,
        %add3A_1289 = arith.constant 1280 : i32
        %add3A_1290 = arith.addi %mul3A_99, %add3A_1289 : i32
        %add3A_1291 = arith.constant 16 : i32
        %add3A_1292 = arith.addi %add3A_1290, %add3A_1291 : i32
        %swap3A_1293 = arith.index_cast %add3A_1292 : i32 to index
        %swap3A_1294 = tpu.vector_load %arg7[%swap3A_1293] {strides = array<i32>} : memref<65536xf32, #tpu.memory_space<vmem>>, vector<16xf32>,
        %swap3A_1295 = vector.shape_cast %swap3A_1294 : vector<16xf32> to vector<16xf32>
        %swap3A_1296 = vector.shape_cast %get3A_1146 : vector<16xf32> to vector<16xf32>
        tpu.vector_store %arg7[%swap3A_1293], %swap3A_1296 {strides = array<i32>} : memref<65536xf32, #tpu.memory_space<vmem>>, vector<16xf32>,
        %add3A_1297 = arith.constant 1280 : i32
        %add3A_1298 = arith.addi %mul3A_99, %add3A_1297 : i32
        %add3A_1299 = arith.constant 32 : i32
        %add3A_1300 = arith.addi %add3A_1298, %add3A_1299 : i32
        %swap3A_1301 = arith.index_cast %add3A_1300 : i32 to index
        %swap3A_1302 = tpu.vector_load %arg7[%swap3A_1301] {strides = array<i32>} : memref<65536xf32, #tpu.memory_space<vmem>>, vector<16xf32>,
        %swap3A_1303 = vector.shape_cast %swap3A_1302 : vector<16xf32> to vector<16xf32>
        %swap3A_1304 = vector.shape_cast %get3A_1151 : vector<16xf32> to vector<16xf32>
        tpu.vector_store %arg7[%swap3A_1301], %swap3A_1304 {strides = array<i32>} : memref<65536xf32, #tpu.memory_space<vmem>>, vector<16xf32>,
        %add3A_1305 = arith.constant 1280 : i32
        %add3A_1306 = arith.addi %mul3A_99, %add3A_1305 : i32
        %add3A_1307 = arith.constant 48 : i32
        %add3A_1308 = arith.addi %add3A_1306, %add3A_1307 : i32
        %swap3A_1309 = arith.index_cast %add3A_1308 : i32 to index
        %swap3A_1310 = tpu.vector_load %arg7[%swap3A_1309] {strides = array<i32>} : memref<65536xf32, #tpu.memory_space<vmem>>, vector<16xf32>,
        %swap3A_1311 = vector.shape_cast %swap3A_1310 : vector<16xf32> to vector<16xf32>
        %swap3A_1312 = vector.shape_cast %get3A_1156 : vector<16xf32> to vector<16xf32>
        tpu.vector_store %arg7[%swap3A_1309], %swap3A_1312 {strides = array<i32>} : memref<65536xf32, #tpu.memory_space<vmem>>, vector<16xf32>,
        %add3A_1313 = arith.constant 1280 : i32
        %add3A_1314 = arith.addi %mul3A_99, %add3A_1313 : i32
        %add3A_1315 = arith.constant 64 : i32
        %add3A_1316 = arith.addi %add3A_1314, %add3A_1315 : i32
        %swap3A_1317 = arith.index_cast %add3A_1316 : i32 to index
        %swap3A_1318 = tpu.vector_load %arg7[%swap3A_1317] {strides = array<i32>} : memref<65536xf32, #tpu.memory_space<vmem>>, vector<16xf32>,
        %swap3A_1319 = vector.shape_cast %swap3A_1318 : vector<16xf32> to vector<16xf32>
        %swap3A_1320 = vector.shape_cast %get3A_1161 : vector<16xf32> to vector<16xf32>
        tpu.vector_store %arg7[%swap3A_1317], %swap3A_1320 {strides = array<i32>} : memref<65536xf32, #tpu.memory_space<vmem>>, vector<16xf32>,
        %add3A_1321 = arith.constant 1280 : i32
        %add3A_1322 = arith.addi %mul3A_99, %add3A_1321 : i32
        %add3A_1323 = arith.constant 80 : i32
        %add3A_1324 = arith.addi %add3A_1322, %add3A_1323 : i32
        %swap3A_1325 = arith.index_cast %add3A_1324 : i32 to index
        %swap3A_1326 = tpu.vector_load %arg7[%swap3A_1325] {strides = array<i32>} : memref<65536xf32, #tpu.memory_space<vmem>>, vector<16xf32>,
        %swap3A_1327 = vector.shape_cast %swap3A_1326 : vector<16xf32> to vector<16xf32>
        %swap3A_1328 = vector.shape_cast %get3A_1166 : vector<16xf32> to vector<16xf32>
        tpu.vector_store %arg7[%swap3A_1325], %swap3A_1328 {strides = array<i32>} : memref<65536xf32, #tpu.memory_space<vmem>>, vector<16xf32>,
        %add3A_1329 = arith.constant 1280 : i32
        %add3A_1330 = arith.addi %mul3A_99, %add3A_1329 : i32
        %add3A_1331 = arith.constant 96 : i32
        %add3A_1332 = arith.addi %add3A_1330, %add3A_1331 : i32
        %swap3A_1333 = arith.index_cast %add3A_1332 : i32 to index
        %swap3A_1334 = tpu.vector_load %arg7[%swap3A_1333] {strides = array<i32>} : memref<65536xf32, #tpu.memory_space<vmem>>, vector<16xf32>,
        %swap3A_1335 = vector.shape_cast %swap3A_1334 : vector<16xf32> to vector<16xf32>
        %swap3A_1336 = vector.shape_cast %get3A_1171 : vector<16xf32> to vector<16xf32>
        tpu.vector_store %arg7[%swap3A_1333], %swap3A_1336 {strides = array<i32>} : memref<65536xf32, #tpu.memory_space<vmem>>, vector<16xf32>,
        %add3A_1337 = arith.constant 1280 : i32
        %add3A_1338 = arith.addi %mul3A_99, %add3A_1337 : i32
        %add3A_1339 = arith.constant 112 : i32
        %add3A_1340 = arith.addi %add3A_1338, %add3A_1339 : i32
        %swap3A_1341 = arith.index_cast %add3A_1340 : i32 to index
        %swap3A_1342 = tpu.vector_load %arg7[%swap3A_1341] {strides = array<i32>} : memref<65536xf32, #tpu.memory_space<vmem>>, vector<16xf32>,
        %swap3A_1343 = vector.shape_cast %swap3A_1342 : vector<16xf32> to vector<16xf32>
        %swap3A_1344 = vector.shape_cast %get3A_1176 : vector<16xf32> to vector<16xf32>
        tpu.vector_store %arg7[%swap3A_1341], %swap3A_1344 {strides = array<i32>} : memref<65536xf32, #tpu.memory_space<vmem>>, vector<16xf32>,
        %add3A_1345 = arith.constant 0 : i32
        %add3A_1346 = arith.addi %shift_left3A_148, %add3A_1345 : i32
        %get3A_1347 = arith.index_cast %add3A_1346 : i32 to index
        %get3A_1348 = tpu.vector_load %arg6[%get3A_1347] {strides = array<i32>} : memref<768xf32, #tpu.memory_space<vmem>>, vector<16xf32>,
        %get3A_1349 = vector.shape_cast %get3A_1348 : vector<16xf32> to vector<16xf32>
        %add3A_1350 = arith.constant 16 : i32
        %add3A_1351 = arith.addi %shift_left3A_148, %add3A_1350 : i32
        %get3A_1352 = arith.index_cast %add3A_1351 : i32 to index
        %get3A_1353 = tpu.vector_load %arg6[%get3A_1352] {strides = array<i32>} : memref<768xf32, #tpu.memory_space<vmem>>, vector<16xf32>,
        %get3A_1354 = vector.shape_cast %get3A_1353 : vector<16xf32> to vector<16xf32>
        %add3A_1355 = arith.constant 32 : i32
        %add3A_1356 = arith.addi %shift_left3A_148, %add3A_1355 : i32
        %get3A_1357 = arith.index_cast %add3A_1356 : i32 to index
        %get3A_1358 = tpu.vector_load %arg6[%get3A_1357] {strides = array<i32>} : memref<768xf32, #tpu.memory_space<vmem>>, vector<16xf32>,
        %get3A_1359 = vector.shape_cast %get3A_1358 : vector<16xf32> to vector<16xf32>
        %add3A_1360 = arith.constant 48 : i32
        %add3A_1361 = arith.addi %shift_left3A_148, %add3A_1360 : i32
        %get3A_1362 = arith.index_cast %add3A_1361 : i32 to index
        %get3A_1363 = tpu.vector_load %arg6[%get3A_1362] {strides = array<i32>} : memref<768xf32, #tpu.memory_space<vmem>>, vector<16xf32>,
        %get3A_1364 = vector.shape_cast %get3A_1363 : vector<16xf32> to vector<16xf32>
        %add3A_1365 = arith.constant 64 : i32
        %add3A_1366 = arith.addi %shift_left3A_148, %add3A_1365 : i32
        %get3A_1367 = arith.index_cast %add3A_1366 : i32 to index
        %get3A_1368 = tpu.vector_load %arg6[%get3A_1367] {strides = array<i32>} : memref<768xf32, #tpu.memory_space<vmem>>, vector<16xf32>,
        %get3A_1369 = vector.shape_cast %get3A_1368 : vector<16xf32> to vector<16xf32>
        %add3A_1370 = arith.constant 80 : i32
        %add3A_1371 = arith.addi %shift_left3A_148, %add3A_1370 : i32
        %get3A_1372 = arith.index_cast %add3A_1371 : i32 to index
        %get3A_1373 = tpu.vector_load %arg6[%get3A_1372] {strides = array<i32>} : memref<768xf32, #tpu.memory_space<vmem>>, vector<16xf32>,
        %get3A_1374 = vector.shape_cast %get3A_1373 : vector<16xf32> to vector<16xf32>
        %add3A_1375 = arith.constant 96 : i32
        %add3A_1376 = arith.addi %shift_left3A_148, %add3A_1375 : i32
        %get3A_1377 = arith.index_cast %add3A_1376 : i32 to index
        %get3A_1378 = tpu.vector_load %arg6[%get3A_1377] {strides = array<i32>} : memref<768xf32, #tpu.memory_space<vmem>>, vector<16xf32>,
        %get3A_1379 = vector.shape_cast %get3A_1378 : vector<16xf32> to vector<16xf32>
        %add3A_1380 = arith.constant 112 : i32
        %add3A_1381 = arith.addi %shift_left3A_148, %add3A_1380 : i32
        %get3A_1382 = arith.index_cast %add3A_1381 : i32 to index
        %get3A_1383 = tpu.vector_load %arg6[%get3A_1382] {strides = array<i32>} : memref<768xf32, #tpu.memory_space<vmem>>, vector<16xf32>,
        %get3A_1384 = vector.shape_cast %get3A_1383 : vector<16xf32> to vector<16xf32>
        %add3A_1385 = arith.constant 1408 : i32
        %add3A_1386 = arith.addi %mul3A_99, %add3A_1385 : i32
        %add3A_1387 = arith.constant 0 : i32
        %add3A_1388 = arith.addi %add3A_1386, %add3A_1387 : i32
        %swap3A_1389 = arith.index_cast %add3A_1388 : i32 to index
        %swap3A_1390 = tpu.vector_load %arg7[%swap3A_1389] {strides = array<i32>} : memref<65536xf32, #tpu.memory_space<vmem>>, vector<16xf32>,
        %swap3A_1391 = vector.shape_cast %swap3A_1390 : vector<16xf32> to vector<16xf32>
        %swap3A_1392 = vector.shape_cast %get3A_1245 : vector<16xf32> to vector<16xf32>
        tpu.vector_store %arg7[%swap3A_1389], %swap3A_1392 {strides = array<i32>} : memref<65536xf32, #tpu.memory_space<vmem>>, vector<16xf32>,
        %add3A_1393 = arith.constant 1408 : i32
        %add3A_1394 = arith.addi %mul3A_99, %add3A_1393 : i32
        %add3A_1395 = arith.constant 16 : i32
        %add3A_1396 = arith.addi %add3A_1394, %add3A_1395 : i32
        %swap3A_1397 = arith.index_cast %add3A_1396 : i32 to index
        %swap3A_1398 = tpu.vector_load %arg7[%swap3A_1397] {strides = array<i32>} : memref<65536xf32, #tpu.memory_space<vmem>>, vector<16xf32>,
        %swap3A_1399 = vector.shape_cast %swap3A_1398 : vector<16xf32> to vector<16xf32>
        %swap3A_1400 = vector.shape_cast %get3A_1250 : vector<16xf32> to vector<16xf32>
        tpu.vector_store %arg7[%swap3A_1397], %swap3A_1400 {strides = array<i32>} : memref<65536xf32, #tpu.memory_space<vmem>>, vector<16xf32>,
        %add3A_1401 = arith.constant 1408 : i32
        %add3A_1402 = arith.addi %mul3A_99, %add3A_1401 : i32
        %add3A_1403 = arith.constant 32 : i32
        %add3A_1404 = arith.addi %add3A_1402, %add3A_1403 : i32
        %swap3A_1405 = arith.index_cast %add3A_1404 : i32 to index
        %swap3A_1406 = tpu.vector_load %arg7[%swap3A_1405] {strides = array<i32>} : memref<65536xf32, #tpu.memory_space<vmem>>, vector<16xf32>,
        %swap3A_1407 = vector.shape_cast %swap3A_1406 : vector<16xf32> to vector<16xf32>
        %swap3A_1408 = vector.shape_cast %get3A_1255 : vector<16xf32> to vector<16xf32>
        tpu.vector_store %arg7[%swap3A_1405], %swap3A_1408 {strides = array<i32>} : memref<65536xf32, #tpu.memory_space<vmem>>, vector<16xf32>,
        %add3A_1409 = arith.constant 1408 : i32
        %add3A_1410 = arith.addi %mul3A_99, %add3A_1409 : i32
        %add3A_1411 = arith.constant 48 : i32
        %add3A_1412 = arith.addi %add3A_1410, %add3A_1411 : i32
        %swap3A_1413 = arith.index_cast %add3A_1412 : i32 to index
        %swap3A_1414 = tpu.vector_load %arg7[%swap3A_1413] {strides = array<i32>} : memref<65536xf32, #tpu.memory_space<vmem>>, vector<16xf32>,
        %swap3A_1415 = vector.shape_cast %swap3A_1414 : vector<16xf32> to vector<16xf32>
        %swap3A_1416 = vector.shape_cast %get3A_1260 : vector<16xf32> to vector<16xf32>
        tpu.vector_store %arg7[%swap3A_1413], %swap3A_1416 {strides = array<i32>} : memref<65536xf32, #tpu.memory_space<vmem>>, vector<16xf32>,
        %add3A_1417 = arith.constant 1408 : i32
        %add3A_1418 = arith.addi %mul3A_99, %add3A_1417 : i32
        %add3A_1419 = arith.constant 64 : i32
        %add3A_1420 = arith.addi %add3A_1418, %add3A_1419 : i32
        %swap3A_1421 = arith.index_cast %add3A_1420 : i32 to index
        %swap3A_1422 = tpu.vector_load %arg7[%swap3A_1421] {strides = array<i32>} : memref<65536xf32, #tpu.memory_space<vmem>>, vector<16xf32>,
        %swap3A_1423 = vector.shape_cast %swap3A_1422 : vector<16xf32> to vector<16xf32>
        %swap3A_1424 = vector.shape_cast %get3A_1265 : vector<16xf32> to vector<16xf32>
        tpu.vector_store %arg7[%swap3A_1421], %swap3A_1424 {strides = array<i32>} : memref<65536xf32, #tpu.memory_space<vmem>>, vector<16xf32>,
        %add3A_1425 = arith.constant 1408 : i32
        %add3A_1426 = arith.addi %mul3A_99, %add3A_1425 : i32
        %add3A_1427 = arith.constant 80 : i32
        %add3A_1428 = arith.addi %add3A_1426, %add3A_1427 : i32
        %swap3A_1429 = arith.index_cast %add3A_1428 : i32 to index
        %swap3A_1430 = tpu.vector_load %arg7[%swap3A_1429] {strides = array<i32>} : memref<65536xf32, #tpu.memory_space<vmem>>, vector<16xf32>,
        %swap3A_1431 = vector.shape_cast %swap3A_1430 : vector<16xf32> to vector<16xf32>
        %swap3A_1432 = vector.shape_cast %get3A_1270 : vector<16xf32> to vector<16xf32>
        tpu.vector_store %arg7[%swap3A_1429], %swap3A_1432 {strides = array<i32>} : memref<65536xf32, #tpu.memory_space<vmem>>, vector<16xf32>,
        %add3A_1433 = arith.constant 1408 : i32
        %add3A_1434 = arith.addi %mul3A_99, %add3A_1433 : i32
        %add3A_1435 = arith.constant 96 : i32
        %add3A_1436 = arith.addi %add3A_1434, %add3A_1435 : i32
        %swap3A_1437 = arith.index_cast %add3A_1436 : i32 to index
        %swap3A_1438 = tpu.vector_load %arg7[%swap3A_1437] {strides = array<i32>} : memref<65536xf32, #tpu.memory_space<vmem>>, vector<16xf32>,
        %swap3A_1439 = vector.shape_cast %swap3A_1438 : vector<16xf32> to vector<16xf32>
        %swap3A_1440 = vector.shape_cast %get3A_1275 : vector<16xf32> to vector<16xf32>
        tpu.vector_store %arg7[%swap3A_1437], %swap3A_1440 {strides = array<i32>} : memref<65536xf32, #tpu.memory_space<vmem>>, vector<16xf32>,
        %add3A_1441 = arith.constant 1408 : i32
        %add3A_1442 = arith.addi %mul3A_99, %add3A_1441 : i32
        %add3A_1443 = arith.constant 112 : i32
        %add3A_1444 = arith.addi %add3A_1442, %add3A_1443 : i32
        %swap3A_1445 = arith.index_cast %add3A_1444 : i32 to index
        %swap3A_1446 = tpu.vector_load %arg7[%swap3A_1445] {strides = array<i32>} : memref<65536xf32, #tpu.memory_space<vmem>>, vector<16xf32>,
        %swap3A_1447 = vector.shape_cast %swap3A_1446 : vector<16xf32> to vector<16xf32>
        %swap3A_1448 = vector.shape_cast %get3A_1280 : vector<16xf32> to vector<16xf32>
        tpu.vector_store %arg7[%swap3A_1445], %swap3A_1448 {strides = array<i32>} : memref<65536xf32, #tpu.memory_space<vmem>>, vector<16xf32>,
        %add3A_1449 = arith.constant 0 : i32
        %add3A_1450 = arith.addi %shift_left3A_152, %add3A_1449 : i32
        %get3A_1451 = arith.index_cast %add3A_1450 : i32 to index
        %get3A_1452 = tpu.vector_load %arg6[%get3A_1451] {strides = array<i32>} : memref<768xf32, #tpu.memory_space<vmem>>, vector<16xf32>,
        %get3A_1453 = vector.shape_cast %get3A_1452 : vector<16xf32> to vector<16xf32>
        %add3A_1454 = arith.constant 16 : i32
        %add3A_1455 = arith.addi %shift_left3A_152, %add3A_1454 : i32
        %get3A_1456 = arith.index_cast %add3A_1455 : i32 to index
        %get3A_1457 = tpu.vector_load %arg6[%get3A_1456] {strides = array<i32>} : memref<768xf32, #tpu.memory_space<vmem>>, vector<16xf32>,
        %get3A_1458 = vector.shape_cast %get3A_1457 : vector<16xf32> to vector<16xf32>
        %add3A_1459 = arith.constant 32 : i32
        %add3A_1460 = arith.addi %shift_left3A_152, %add3A_1459 : i32
        %get3A_1461 = arith.index_cast %add3A_1460 : i32 to index
        %get3A_1462 = tpu.vector_load %arg6[%get3A_1461] {strides = array<i32>} : memref<768xf32, #tpu.memory_space<vmem>>, vector<16xf32>,
        %get3A_1463 = vector.shape_cast %get3A_1462 : vector<16xf32> to vector<16xf32>
        %add3A_1464 = arith.constant 48 : i32
        %add3A_1465 = arith.addi %shift_left3A_152, %add3A_1464 : i32
        %get3A_1466 = arith.index_cast %add3A_1465 : i32 to index
        %get3A_1467 = tpu.vector_load %arg6[%get3A_1466] {strides = array<i32>} : memref<768xf32, #tpu.memory_space<vmem>>, vector<16xf32>,
        %get3A_1468 = vector.shape_cast %get3A_1467 : vector<16xf32> to vector<16xf32>
        %add3A_1469 = arith.constant 64 : i32
        %add3A_1470 = arith.addi %shift_left3A_152, %add3A_1469 : i32
        %get3A_1471 = arith.index_cast %add3A_1470 : i32 to index
        %get3A_1472 = tpu.vector_load %arg6[%get3A_1471] {strides = array<i32>} : memref<768xf32, #tpu.memory_space<vmem>>, vector<16xf32>,
        %get3A_1473 = vector.shape_cast %get3A_1472 : vector<16xf32> to vector<16xf32>
        %add3A_1474 = arith.constant 80 : i32
        %add3A_1475 = arith.addi %shift_left3A_152, %add3A_1474 : i32
        %get3A_1476 = arith.index_cast %add3A_1475 : i32 to index
        %get3A_1477 = tpu.vector_load %arg6[%get3A_1476] {strides = array<i32>} : memref<768xf32, #tpu.memory_space<vmem>>, vector<16xf32>,
        %get3A_1478 = vector.shape_cast %get3A_1477 : vector<16xf32> to vector<16xf32>
        %add3A_1479 = arith.constant 96 : i32
        %add3A_1480 = arith.addi %shift_left3A_152, %add3A_1479 : i32
        %get3A_1481 = arith.index_cast %add3A_1480 : i32 to index
        %get3A_1482 = tpu.vector_load %arg6[%get3A_1481] {strides = array<i32>} : memref<768xf32, #tpu.memory_space<vmem>>, vector<16xf32>,
        %get3A_1483 = vector.shape_cast %get3A_1482 : vector<16xf32> to vector<16xf32>
        %add3A_1484 = arith.constant 112 : i32
        %add3A_1485 = arith.addi %shift_left3A_152, %add3A_1484 : i32
        %get3A_1486 = arith.index_cast %add3A_1485 : i32 to index
        %get3A_1487 = tpu.vector_load %arg6[%get3A_1486] {strides = array<i32>} : memref<768xf32, #tpu.memory_space<vmem>>, vector<16xf32>,
        %get3A_1488 = vector.shape_cast %get3A_1487 : vector<16xf32> to vector<16xf32>
        %add3A_1489 = arith.constant 1536 : i32
        %add3A_1490 = arith.addi %mul3A_99, %add3A_1489 : i32
        %add3A_1491 = arith.constant 0 : i32
        %add3A_1492 = arith.addi %add3A_1490, %add3A_1491 : i32
        %swap3A_1493 = arith.index_cast %add3A_1492 : i32 to index
        %swap3A_1494 = tpu.vector_load %arg7[%swap3A_1493] {strides = array<i32>} : memref<65536xf32, #tpu.memory_space<vmem>>, vector<16xf32>,
        %swap3A_1495 = vector.shape_cast %swap3A_1494 : vector<16xf32> to vector<16xf32>
        %swap3A_1496 = vector.shape_cast %get3A_1349 : vector<16xf32> to vector<16xf32>
        tpu.vector_store %arg7[%swap3A_1493], %swap3A_1496 {strides = array<i32>} : memref<65536xf32, #tpu.memory_space<vmem>>, vector<16xf32>,
        %add3A_1497 = arith.constant 1536 : i32
        %add3A_1498 = arith.addi %mul3A_99, %add3A_1497 : i32
        %add3A_1499 = arith.constant 16 : i32
        %add3A_1500 = arith.addi %add3A_1498, %add3A_1499 : i32
        %swap3A_1501 = arith.index_cast %add3A_1500 : i32 to index
        %swap3A_1502 = tpu.vector_load %arg7[%swap3A_1501] {strides = array<i32>} : memref<65536xf32, #tpu.memory_space<vmem>>, vector<16xf32>,
        %swap3A_1503 = vector.shape_cast %swap3A_1502 : vector<16xf32> to vector<16xf32>
        %swap3A_1504 = vector.shape_cast %get3A_1354 : vector<16xf32> to vector<16xf32>
        tpu.vector_store %arg7[%swap3A_1501], %swap3A_1504 {strides = array<i32>} : memref<65536xf32, #tpu.memory_space<vmem>>, vector<16xf32>,
        %add3A_1505 = arith.constant 1536 : i32
        %add3A_1506 = arith.addi %mul3A_99, %add3A_1505 : i32
        %add3A_1507 = arith.constant 32 : i32
        %add3A_1508 = arith.addi %add3A_1506, %add3A_1507 : i32
        %swap3A_1509 = arith.index_cast %add3A_1508 : i32 to index
        %swap3A_1510 = tpu.vector_load %arg7[%swap3A_1509] {strides = array<i32>} : memref<65536xf32, #tpu.memory_space<vmem>>, vector<16xf32>,
        %swap3A_1511 = vector.shape_cast %swap3A_1510 : vector<16xf32> to vector<16xf32>
        %swap3A_1512 = vector.shape_cast %get3A_1359 : vector<16xf32> to vector<16xf32>
        tpu.vector_store %arg7[%swap3A_1509], %swap3A_1512 {strides = array<i32>} : memref<65536xf32, #tpu.memory_space<vmem>>, vector<16xf32>,
        %add3A_1513 = arith.constant 1536 : i32
        %add3A_1514 = arith.addi %mul3A_99, %add3A_1513 : i32
        %add3A_1515 = arith.constant 48 : i32
        %add3A_1516 = arith.addi %add3A_1514, %add3A_1515 : i32
        %swap3A_1517 = arith.index_cast %add3A_1516 : i32 to index
        %swap3A_1518 = tpu.vector_load %arg7[%swap3A_1517] {strides = array<i32>} : memref<65536xf32, #tpu.memory_space<vmem>>, vector<16xf32>,
        %swap3A_1519 = vector.shape_cast %swap3A_1518 : vector<16xf32> to vector<16xf32>
        %swap3A_1520 = vector.shape_cast %get3A_1364 : vector<16xf32> to vector<16xf32>
        tpu.vector_store %arg7[%swap3A_1517], %swap3A_1520 {strides = array<i32>} : memref<65536xf32, #tpu.memory_space<vmem>>, vector<16xf32>,
        %add3A_1521 = arith.constant 1536 : i32
        %add3A_1522 = arith.addi %mul3A_99, %add3A_1521 : i32
        %add3A_1523 = arith.constant 64 : i32
        %add3A_1524 = arith.addi %add3A_1522, %add3A_1523 : i32
        %swap3A_1525 = arith.index_cast %add3A_1524 : i32 to index
        %swap3A_1526 = tpu.vector_load %arg7[%swap3A_1525] {strides = array<i32>} : memref<65536xf32, #tpu.memory_space<vmem>>, vector<16xf32>,
        %swap3A_1527 = vector.shape_cast %swap3A_1526 : vector<16xf32> to vector<16xf32>
        %swap3A_1528 = vector.shape_cast %get3A_1369 : vector<16xf32> to vector<16xf32>
        tpu.vector_store %arg7[%swap3A_1525], %swap3A_1528 {strides = array<i32>} : memref<65536xf32, #tpu.memory_space<vmem>>, vector<16xf32>,
        %add3A_1529 = arith.constant 1536 : i32
        %add3A_1530 = arith.addi %mul3A_99, %add3A_1529 : i32
        %add3A_1531 = arith.constant 80 : i32
        %add3A_1532 = arith.addi %add3A_1530, %add3A_1531 : i32
        %swap3A_1533 = arith.index_cast %add3A_1532 : i32 to index
        %swap3A_1534 = tpu.vector_load %arg7[%swap3A_1533] {strides = array<i32>} : memref<65536xf32, #tpu.memory_space<vmem>>, vector<16xf32>,
        %swap3A_1535 = vector.shape_cast %swap3A_1534 : vector<16xf32> to vector<16xf32>
        %swap3A_1536 = vector.shape_cast %get3A_1374 : vector<16xf32> to vector<16xf32>
        tpu.vector_store %arg7[%swap3A_1533], %swap3A_1536 {strides = array<i32>} : memref<65536xf32, #tpu.memory_space<vmem>>, vector<16xf32>,
        %add3A_1537 = arith.constant 1536 : i32
        %add3A_1538 = arith.addi %mul3A_99, %add3A_1537 : i32
        %add3A_1539 = arith.constant 96 : i32
        %add3A_1540 = arith.addi %add3A_1538, %add3A_1539 : i32
        %swap3A_1541 = arith.index_cast %add3A_1540 : i32 to index
        %swap3A_1542 = tpu.vector_load %arg7[%swap3A_1541] {strides = array<i32>} : memref<65536xf32, #tpu.memory_space<vmem>>, vector<16xf32>,
        %swap3A_1543 = vector.shape_cast %swap3A_1542 : vector<16xf32> to vector<16xf32>
        %swap3A_1544 = vector.shape_cast %get3A_1379 : vector<16xf32> to vector<16xf32>
        tpu.vector_store %arg7[%swap3A_1541], %swap3A_1544 {strides = array<i32>} : memref<65536xf32, #tpu.memory_space<vmem>>, vector<16xf32>,
        %add3A_1545 = arith.constant 1536 : i32
        %add3A_1546 = arith.addi %mul3A_99, %add3A_1545 : i32
        %add3A_1547 = arith.constant 112 : i32
        %add3A_1548 = arith.addi %add3A_1546, %add3A_1547 : i32
        %swap3A_1549 = arith.index_cast %add3A_1548 : i32 to index
        %swap3A_1550 = tpu.vector_load %arg7[%swap3A_1549] {strides = array<i32>} : memref<65536xf32, #tpu.memory_space<vmem>>, vector<16xf32>,
        %swap3A_1551 = vector.shape_cast %swap3A_1550 : vector<16xf32> to vector<16xf32>
        %swap3A_1552 = vector.shape_cast %get3A_1384 : vector<16xf32> to vector<16xf32>
        tpu.vector_store %arg7[%swap3A_1549], %swap3A_1552 {strides = array<i32>} : memref<65536xf32, #tpu.memory_space<vmem>>, vector<16xf32>,
        %add3A_1553 = arith.constant 0 : i32
        %add3A_1554 = arith.addi %shift_left3A_156, %add3A_1553 : i32
        %get3A_1555 = arith.index_cast %add3A_1554 : i32 to index
        %get3A_1556 = tpu.vector_load %arg6[%get3A_1555] {strides = array<i32>} : memref<768xf32, #tpu.memory_space<vmem>>, vector<16xf32>,
        %get3A_1557 = vector.shape_cast %get3A_1556 : vector<16xf32> to vector<16xf32>
        %add3A_1558 = arith.constant 16 : i32
        %add3A_1559 = arith.addi %shift_left3A_156, %add3A_1558 : i32
        %get3A_1560 = arith.index_cast %add3A_1559 : i32 to index
        %get3A_1561 = tpu.vector_load %arg6[%get3A_1560] {strides = array<i32>} : memref<768xf32, #tpu.memory_space<vmem>>, vector<16xf32>,
        %get3A_1562 = vector.shape_cast %get3A_1561 : vector<16xf32> to vector<16xf32>
        %add3A_1563 = arith.constant 32 : i32
        %add3A_1564 = arith.addi %shift_left3A_156, %add3A_1563 : i32
        %get3A_1565 = arith.index_cast %add3A_1564 : i32 to index
        %get3A_1566 = tpu.vector_load %arg6[%get3A_1565] {strides = array<i32>} : memref<768xf32, #tpu.memory_space<vmem>>, vector<16xf32>,
        %get3A_1567 = vector.shape_cast %get3A_1566 : vector<16xf32> to vector<16xf32>
        %add3A_1568 = arith.constant 48 : i32
        %add3A_1569 = arith.addi %shift_left3A_156, %add3A_1568 : i32
        %get3A_1570 = arith.index_cast %add3A_1569 : i32 to index
        %get3A_1571 = tpu.vector_load %arg6[%get3A_1570] {strides = array<i32>} : memref<768xf32, #tpu.memory_space<vmem>>, vector<16xf32>,
        %get3A_1572 = vector.shape_cast %get3A_1571 : vector<16xf32> to vector<16xf32>
        %add3A_1573 = arith.constant 64 : i32
        %add3A_1574 = arith.addi %shift_left3A_156, %add3A_1573 : i32
        %get3A_1575 = arith.index_cast %add3A_1574 : i32 to index
        %get3A_1576 = tpu.vector_load %arg6[%get3A_1575] {strides = array<i32>} : memref<768xf32, #tpu.memory_space<vmem>>, vector<16xf32>,
        %get3A_1577 = vector.shape_cast %get3A_1576 : vector<16xf32> to vector<16xf32>
        %add3A_1578 = arith.constant 80 : i32
        %add3A_1579 = arith.addi %shift_left3A_156, %add3A_1578 : i32
        %get3A_1580 = arith.index_cast %add3A_1579 : i32 to index
        %get3A_1581 = tpu.vector_load %arg6[%get3A_1580] {strides = array<i32>} : memref<768xf32, #tpu.memory_space<vmem>>, vector<16xf32>,
        %get3A_1582 = vector.shape_cast %get3A_1581 : vector<16xf32> to vector<16xf32>
        %add3A_1583 = arith.constant 96 : i32
        %add3A_1584 = arith.addi %shift_left3A_156, %add3A_1583 : i32
        %get3A_1585 = arith.index_cast %add3A_1584 : i32 to index
        %get3A_1586 = tpu.vector_load %arg6[%get3A_1585] {strides = array<i32>} : memref<768xf32, #tpu.memory_space<vmem>>, vector<16xf32>,
        %get3A_1587 = vector.shape_cast %get3A_1586 : vector<16xf32> to vector<16xf32>
        %add3A_1588 = arith.constant 112 : i32
        %add3A_1589 = arith.addi %shift_left3A_156, %add3A_1588 : i32
        %get3A_1590 = arith.index_cast %add3A_1589 : i32 to index
        %get3A_1591 = tpu.vector_load %arg6[%get3A_1590] {strides = array<i32>} : memref<768xf32, #tpu.memory_space<vmem>>, vector<16xf32>,
        %get3A_1592 = vector.shape_cast %get3A_1591 : vector<16xf32> to vector<16xf32>
        %add3A_1593 = arith.constant 1664 : i32
        %add3A_1594 = arith.addi %mul3A_99, %add3A_1593 : i32
        %add3A_1595 = arith.constant 0 : i32
        %add3A_1596 = arith.addi %add3A_1594, %add3A_1595 : i32
        %swap3A_1597 = arith.index_cast %add3A_1596 : i32 to index
        %swap3A_1598 = tpu.vector_load %arg7[%swap3A_1597] {strides = array<i32>} : memref<65536xf32, #tpu.memory_space<vmem>>, vector<16xf32>,
        %swap3A_1599 = vector.shape_cast %swap3A_1598 : vector<16xf32> to vector<16xf32>
        %swap3A_1600 = vector.shape_cast %get3A_1453 : vector<16xf32> to vector<16xf32>
        tpu.vector_store %arg7[%swap3A_1597], %swap3A_1600 {strides = array<i32>} : memref<65536xf32, #tpu.memory_space<vmem>>, vector<16xf32>,
        %add3A_1601 = arith.constant 1664 : i32
        %add3A_1602 = arith.addi %mul3A_99, %add3A_1601 : i32
        %add3A_1603 = arith.constant 16 : i32
        %add3A_1604 = arith.addi %add3A_1602, %add3A_1603 : i32
        %swap3A_1605 = arith.index_cast %add3A_1604 : i32 to index
        %swap3A_1606 = tpu.vector_load %arg7[%swap3A_1605] {strides = array<i32>} : memref<65536xf32, #tpu.memory_space<vmem>>, vector<16xf32>,
        %swap3A_1607 = vector.shape_cast %swap3A_1606 : vector<16xf32> to vector<16xf32>
        %swap3A_1608 = vector.shape_cast %get3A_1458 : vector<16xf32> to vector<16xf32>
        tpu.vector_store %arg7[%swap3A_1605], %swap3A_1608 {strides = array<i32>} : memref<65536xf32, #tpu.memory_space<vmem>>, vector<16xf32>,
        %add3A_1609 = arith.constant 1664 : i32
        %add3A_1610 = arith.addi %mul3A_99, %add3A_1609 : i32
        %add3A_1611 = arith.constant 32 : i32
        %add3A_1612 = arith.addi %add3A_1610, %add3A_1611 : i32
        %swap3A_1613 = arith.index_cast %add3A_1612 : i32 to index
        %swap3A_1614 = tpu.vector_load %arg7[%swap3A_1613] {strides = array<i32>} : memref<65536xf32, #tpu.memory_space<vmem>>, vector<16xf32>,
        %swap3A_1615 = vector.shape_cast %swap3A_1614 : vector<16xf32> to vector<16xf32>
        %swap3A_1616 = vector.shape_cast %get3A_1463 : vector<16xf32> to vector<16xf32>
        tpu.vector_store %arg7[%swap3A_1613], %swap3A_1616 {strides = array<i32>} : memref<65536xf32, #tpu.memory_space<vmem>>, vector<16xf32>,
        %add3A_1617 = arith.constant 1664 : i32
        %add3A_1618 = arith.addi %mul3A_99, %add3A_1617 : i32
        %add3A_1619 = arith.constant 48 : i32
        %add3A_1620 = arith.addi %add3A_1618, %add3A_1619 : i32
        %swap3A_1621 = arith.index_cast %add3A_1620 : i32 to index
        %swap3A_1622 = tpu.vector_load %arg7[%swap3A_1621] {strides = array<i32>} : memref<65536xf32, #tpu.memory_space<vmem>>, vector<16xf32>,
        %swap3A_1623 = vector.shape_cast %swap3A_1622 : vector<16xf32> to vector<16xf32>
        %swap3A_1624 = vector.shape_cast %get3A_1468 : vector<16xf32> to vector<16xf32>
        tpu.vector_store %arg7[%swap3A_1621], %swap3A_1624 {strides = array<i32>} : memref<65536xf32, #tpu.memory_space<vmem>>, vector<16xf32>,
        %add3A_1625 = arith.constant 1664 : i32
        %add3A_1626 = arith.addi %mul3A_99, %add3A_1625 : i32
        %add3A_1627 = arith.constant 64 : i32
        %add3A_1628 = arith.addi %add3A_1626, %add3A_1627 : i32
        %swap3A_1629 = arith.index_cast %add3A_1628 : i32 to index
        %swap3A_1630 = tpu.vector_load %arg7[%swap3A_1629] {strides = array<i32>} : memref<65536xf32, #tpu.memory_space<vmem>>, vector<16xf32>,
        %swap3A_1631 = vector.shape_cast %swap3A_1630 : vector<16xf32> to vector<16xf32>
        %swap3A_1632 = vector.shape_cast %get3A_1473 : vector<16xf32> to vector<16xf32>
        tpu.vector_store %arg7[%swap3A_1629], %swap3A_1632 {strides = array<i32>} : memref<65536xf32, #tpu.memory_space<vmem>>, vector<16xf32>,
        %add3A_1633 = arith.constant 1664 : i32
        %add3A_1634 = arith.addi %mul3A_99, %add3A_1633 : i32
        %add3A_1635 = arith.constant 80 : i32
        %add3A_1636 = arith.addi %add3A_1634, %add3A_1635 : i32
        %swap3A_1637 = arith.index_cast %add3A_1636 : i32 to index
        %swap3A_1638 = tpu.vector_load %arg7[%swap3A_1637] {strides = array<i32>} : memref<65536xf32, #tpu.memory_space<vmem>>, vector<16xf32>,
        %swap3A_1639 = vector.shape_cast %swap3A_1638 : vector<16xf32> to vector<16xf32>
        %swap3A_1640 = vector.shape_cast %get3A_1478 : vector<16xf32> to vector<16xf32>
        tpu.vector_store %arg7[%swap3A_1637], %swap3A_1640 {strides = array<i32>} : memref<65536xf32, #tpu.memory_space<vmem>>, vector<16xf32>,
        %add3A_1641 = arith.constant 1664 : i32
        %add3A_1642 = arith.addi %mul3A_99, %add3A_1641 : i32
        %add3A_1643 = arith.constant 96 : i32
        %add3A_1644 = arith.addi %add3A_1642, %add3A_1643 : i32
        %swap3A_1645 = arith.index_cast %add3A_1644 : i32 to index
        %swap3A_1646 = tpu.vector_load %arg7[%swap3A_1645] {strides = array<i32>} : memref<65536xf32, #tpu.memory_space<vmem>>, vector<16xf32>,
        %swap3A_1647 = vector.shape_cast %swap3A_1646 : vector<16xf32> to vector<16xf32>
        %swap3A_1648 = vector.shape_cast %get3A_1483 : vector<16xf32> to vector<16xf32>
        tpu.vector_store %arg7[%swap3A_1645], %swap3A_1648 {strides = array<i32>} : memref<65536xf32, #tpu.memory_space<vmem>>, vector<16xf32>,
        %add3A_1649 = arith.constant 1664 : i32
        %add3A_1650 = arith.addi %mul3A_99, %add3A_1649 : i32
        %add3A_1651 = arith.constant 112 : i32
        %add3A_1652 = arith.addi %add3A_1650, %add3A_1651 : i32
        %swap3A_1653 = arith.index_cast %add3A_1652 : i32 to index
        %swap3A_1654 = tpu.vector_load %arg7[%swap3A_1653] {strides = array<i32>} : memref<65536xf32, #tpu.memory_space<vmem>>, vector<16xf32>,
        %swap3A_1655 = vector.shape_cast %swap3A_1654 : vector<16xf32> to vector<16xf32>
        %swap3A_1656 = vector.shape_cast %get3A_1488 : vector<16xf32> to vector<16xf32>
        tpu.vector_store %arg7[%swap3A_1653], %swap3A_1656 {strides = array<i32>} : memref<65536xf32, #tpu.memory_space<vmem>>, vector<16xf32>,
        %add3A_1657 = arith.constant 0 : i32
        %add3A_1658 = arith.addi %shift_left3A_160, %add3A_1657 : i32
        %get3A_1659 = arith.index_cast %add3A_1658 : i32 to index
        %get3A_1660 = tpu.vector_load %arg6[%get3A_1659] {strides = array<i32>} : memref<768xf32, #tpu.memory_space<vmem>>, vector<16xf32>,
        %get3A_1661 = vector.shape_cast %get3A_1660 : vector<16xf32> to vector<16xf32>
        %add3A_1662 = arith.constant 16 : i32
        %add3A_1663 = arith.addi %shift_left3A_160, %add3A_1662 : i32
        %get3A_1664 = arith.index_cast %add3A_1663 : i32 to index
        %get3A_1665 = tpu.vector_load %arg6[%get3A_1664] {strides = array<i32>} : memref<768xf32, #tpu.memory_space<vmem>>, vector<16xf32>,
        %get3A_1666 = vector.shape_cast %get3A_1665 : vector<16xf32> to vector<16xf32>
        %add3A_1667 = arith.constant 32 : i32
        %add3A_1668 = arith.addi %shift_left3A_160, %add3A_1667 : i32
        %get3A_1669 = arith.index_cast %add3A_1668 : i32 to index
        %get3A_1670 = tpu.vector_load %arg6[%get3A_1669] {strides = array<i32>} : memref<768xf32, #tpu.memory_space<vmem>>, vector<16xf32>,
        %get3A_1671 = vector.shape_cast %get3A_1670 : vector<16xf32> to vector<16xf32>
        %add3A_1672 = arith.constant 48 : i32
        %add3A_1673 = arith.addi %shift_left3A_160, %add3A_1672 : i32
        %get3A_1674 = arith.index_cast %add3A_1673 : i32 to index
        %get3A_1675 = tpu.vector_load %arg6[%get3A_1674] {strides = array<i32>} : memref<768xf32, #tpu.memory_space<vmem>>, vector<16xf32>,
        %get3A_1676 = vector.shape_cast %get3A_1675 : vector<16xf32> to vector<16xf32>
        %add3A_1677 = arith.constant 64 : i32
        %add3A_1678 = arith.addi %shift_left3A_160, %add3A_1677 : i32
        %get3A_1679 = arith.index_cast %add3A_1678 : i32 to index
        %get3A_1680 = tpu.vector_load %arg6[%get3A_1679] {strides = array<i32>} : memref<768xf32, #tpu.memory_space<vmem>>, vector<16xf32>,
        %get3A_1681 = vector.shape_cast %get3A_1680 : vector<16xf32> to vector<16xf32>
        %add3A_1682 = arith.constant 80 : i32
        %add3A_1683 = arith.addi %shift_left3A_160, %add3A_1682 : i32
        %get3A_1684 = arith.index_cast %add3A_1683 : i32 to index
        %get3A_1685 = tpu.vector_load %arg6[%get3A_1684] {strides = array<i32>} : memref<768xf32, #tpu.memory_space<vmem>>, vector<16xf32>,
        %get3A_1686 = vector.shape_cast %get3A_1685 : vector<16xf32> to vector<16xf32>
        %add3A_1687 = arith.constant 96 : i32
        %add3A_1688 = arith.addi %shift_left3A_160, %add3A_1687 : i32
        %get3A_1689 = arith.index_cast %add3A_1688 : i32 to index
        %get3A_1690 = tpu.vector_load %arg6[%get3A_1689] {strides = array<i32>} : memref<768xf32, #tpu.memory_space<vmem>>, vector<16xf32>,
        %get3A_1691 = vector.shape_cast %get3A_1690 : vector<16xf32> to vector<16xf32>
        %add3A_1692 = arith.constant 112 : i32
        %add3A_1693 = arith.addi %shift_left3A_160, %add3A_1692 : i32
        %get3A_1694 = arith.index_cast %add3A_1693 : i32 to index
        %get3A_1695 = tpu.vector_load %arg6[%get3A_1694] {strides = array<i32>} : memref<768xf32, #tpu.memory_space<vmem>>, vector<16xf32>,
        %get3A_1696 = vector.shape_cast %get3A_1695 : vector<16xf32> to vector<16xf32>
        %add3A_1697 = arith.constant 1792 : i32
        %add3A_1698 = arith.addi %mul3A_99, %add3A_1697 : i32
        %add3A_1699 = arith.constant 0 : i32
        %add3A_1700 = arith.addi %add3A_1698, %add3A_1699 : i32
        %swap3A_1701 = arith.index_cast %add3A_1700 : i32 to index
        %swap3A_1702 = tpu.vector_load %arg7[%swap3A_1701] {strides = array<i32>} : memref<65536xf32, #tpu.memory_space<vmem>>, vector<16xf32>,
        %swap3A_1703 = vector.shape_cast %swap3A_1702 : vector<16xf32> to vector<16xf32>
        %swap3A_1704 = vector.shape_cast %get3A_1557 : vector<16xf32> to vector<16xf32>
        tpu.vector_store %arg7[%swap3A_1701], %swap3A_1704 {strides = array<i32>} : memref<65536xf32, #tpu.memory_space<vmem>>, vector<16xf32>,
        %add3A_1705 = arith.constant 1792 : i32
        %add3A_1706 = arith.addi %mul3A_99, %add3A_1705 : i32
        %add3A_1707 = arith.constant 16 : i32
        %add3A_1708 = arith.addi %add3A_1706, %add3A_1707 : i32
        %swap3A_1709 = arith.index_cast %add3A_1708 : i32 to index
        %swap3A_1710 = tpu.vector_load %arg7[%swap3A_1709] {strides = array<i32>} : memref<65536xf32, #tpu.memory_space<vmem>>, vector<16xf32>,
        %swap3A_1711 = vector.shape_cast %swap3A_1710 : vector<16xf32> to vector<16xf32>
        %swap3A_1712 = vector.shape_cast %get3A_1562 : vector<16xf32> to vector<16xf32>
        tpu.vector_store %arg7[%swap3A_1709], %swap3A_1712 {strides = array<i32>} : memref<65536xf32, #tpu.memory_space<vmem>>, vector<16xf32>,
        %add3A_1713 = arith.constant 1792 : i32
        %add3A_1714 = arith.addi %mul3A_99, %add3A_1713 : i32
        %add3A_1715 = arith.constant 32 : i32
        %add3A_1716 = arith.addi %add3A_1714, %add3A_1715 : i32
        %swap3A_1717 = arith.index_cast %add3A_1716 : i32 to index
        %swap3A_1718 = tpu.vector_load %arg7[%swap3A_1717] {strides = array<i32>} : memref<65536xf32, #tpu.memory_space<vmem>>, vector<16xf32>,
        %swap3A_1719 = vector.shape_cast %swap3A_1718 : vector<16xf32> to vector<16xf32>
        %swap3A_1720 = vector.shape_cast %get3A_1567 : vector<16xf32> to vector<16xf32>
        tpu.vector_store %arg7[%swap3A_1717], %swap3A_1720 {strides = array<i32>} : memref<65536xf32, #tpu.memory_space<vmem>>, vector<16xf32>,
        %add3A_1721 = arith.constant 1792 : i32
        %add3A_1722 = arith.addi %mul3A_99, %add3A_1721 : i32
        %add3A_1723 = arith.constant 48 : i32
        %add3A_1724 = arith.addi %add3A_1722, %add3A_1723 : i32
        %swap3A_1725 = arith.index_cast %add3A_1724 : i32 to index
        %swap3A_1726 = tpu.vector_load %arg7[%swap3A_1725] {strides = array<i32>} : memref<65536xf32, #tpu.memory_space<vmem>>, vector<16xf32>,
        %swap3A_1727 = vector.shape_cast %swap3A_1726 : vector<16xf32> to vector<16xf32>
        %swap3A_1728 = vector.shape_cast %get3A_1572 : vector<16xf32> to vector<16xf32>
        tpu.vector_store %arg7[%swap3A_1725], %swap3A_1728 {strides = array<i32>} : memref<65536xf32, #tpu.memory_space<vmem>>, vector<16xf32>,
        %add3A_1729 = arith.constant 1792 : i32
        %add3A_1730 = arith.addi %mul3A_99, %add3A_1729 : i32
        %add3A_1731 = arith.constant 64 : i32
        %add3A_1732 = arith.addi %add3A_1730, %add3A_1731 : i32
        %swap3A_1733 = arith.index_cast %add3A_1732 : i32 to index
        %swap3A_1734 = tpu.vector_load %arg7[%swap3A_1733] {strides = array<i32>} : memref<65536xf32, #tpu.memory_space<vmem>>, vector<16xf32>,
        %swap3A_1735 = vector.shape_cast %swap3A_1734 : vector<16xf32> to vector<16xf32>
        %swap3A_1736 = vector.shape_cast %get3A_1577 : vector<16xf32> to vector<16xf32>
        tpu.vector_store %arg7[%swap3A_1733], %swap3A_1736 {strides = array<i32>} : memref<65536xf32, #tpu.memory_space<vmem>>, vector<16xf32>,
        %add3A_1737 = arith.constant 1792 : i32
        %add3A_1738 = arith.addi %mul3A_99, %add3A_1737 : i32
        %add3A_1739 = arith.constant 80 : i32
        %add3A_1740 = arith.addi %add3A_1738, %add3A_1739 : i32
        %swap3A_1741 = arith.index_cast %add3A_1740 : i32 to index
        %swap3A_1742 = tpu.vector_load %arg7[%swap3A_1741] {strides = array<i32>} : memref<65536xf32, #tpu.memory_space<vmem>>, vector<16xf32>,
        %swap3A_1743 = vector.shape_cast %swap3A_1742 : vector<16xf32> to vector<16xf32>
        %swap3A_1744 = vector.shape_cast %get3A_1582 : vector<16xf32> to vector<16xf32>
        tpu.vector_store %arg7[%swap3A_1741], %swap3A_1744 {strides = array<i32>} : memref<65536xf32, #tpu.memory_space<vmem>>, vector<16xf32>,
        %add3A_1745 = arith.constant 1792 : i32
        %add3A_1746 = arith.addi %mul3A_99, %add3A_1745 : i32
        %add3A_1747 = arith.constant 96 : i32
        %add3A_1748 = arith.addi %add3A_1746, %add3A_1747 : i32
        %swap3A_1749 = arith.index_cast %add3A_1748 : i32 to index
        %swap3A_1750 = tpu.vector_load %arg7[%swap3A_1749] {strides = array<i32>} : memref<65536xf32, #tpu.memory_space<vmem>>, vector<16xf32>,
        %swap3A_1751 = vector.shape_cast %swap3A_1750 : vector<16xf32> to vector<16xf32>
        %swap3A_1752 = vector.shape_cast %get3A_1587 : vector<16xf32> to vector<16xf32>
        tpu.vector_store %arg7[%swap3A_1749], %swap3A_1752 {strides = array<i32>} : memref<65536xf32, #tpu.memory_space<vmem>>, vector<16xf32>,
        %add3A_1753 = arith.constant 1792 : i32
        %add3A_1754 = arith.addi %mul3A_99, %add3A_1753 : i32
        %add3A_1755 = arith.constant 112 : i32
        %add3A_1756 = arith.addi %add3A_1754, %add3A_1755 : i32
        %swap3A_1757 = arith.index_cast %add3A_1756 : i32 to index
        %swap3A_1758 = tpu.vector_load %arg7[%swap3A_1757] {strides = array<i32>} : memref<65536xf32, #tpu.memory_space<vmem>>, vector<16xf32>,
        %swap3A_1759 = vector.shape_cast %swap3A_1758 : vector<16xf32> to vector<16xf32>
        %swap3A_1760 = vector.shape_cast %get3A_1592 : vector<16xf32> to vector<16xf32>
        tpu.vector_store %arg7[%swap3A_1757], %swap3A_1760 {strides = array<i32>} : memref<65536xf32, #tpu.memory_space<vmem>>, vector<16xf32>,
        %add3A_1761 = arith.constant 1920 : i32
        %add3A_1762 = arith.addi %mul3A_99, %add3A_1761 : i32
        %add3A_1763 = arith.constant 0 : i32
        %add3A_1764 = arith.addi %add3A_1762, %add3A_1763 : i32
        %swap3A_1765 = arith.index_cast %add3A_1764 : i32 to index
        %swap3A_1766 = tpu.vector_load %arg7[%swap3A_1765] {strides = array<i32>} : memref<65536xf32, #tpu.memory_space<vmem>>, vector<16xf32>,
        %swap3A_1767 = vector.shape_cast %swap3A_1766 : vector<16xf32> to vector<16xf32>
        %swap3A_1768 = vector.shape_cast %get3A_1661 : vector<16xf32> to vector<16xf32>
        tpu.vector_store %arg7[%swap3A_1765], %swap3A_1768 {strides = array<i32>} : memref<65536xf32, #tpu.memory_space<vmem>>, vector<16xf32>,
        %add3A_1769 = arith.constant 1920 : i32
        %add3A_1770 = arith.addi %mul3A_99, %add3A_1769 : i32
        %add3A_1771 = arith.constant 16 : i32
        %add3A_1772 = arith.addi %add3A_1770, %add3A_1771 : i32
        %swap3A_1773 = arith.index_cast %add3A_1772 : i32 to index
        %swap3A_1774 = tpu.vector_load %arg7[%swap3A_1773] {strides = array<i32>} : memref<65536xf32, #tpu.memory_space<vmem>>, vector<16xf32>,
        %swap3A_1775 = vector.shape_cast %swap3A_1774 : vector<16xf32> to vector<16xf32>
        %swap3A_1776 = vector.shape_cast %get3A_1666 : vector<16xf32> to vector<16xf32>
        tpu.vector_store %arg7[%swap3A_1773], %swap3A_1776 {strides = array<i32>} : memref<65536xf32, #tpu.memory_space<vmem>>, vector<16xf32>,
        %add3A_1777 = arith.constant 1920 : i32
        %add3A_1778 = arith.addi %mul3A_99, %add3A_1777 : i32
        %add3A_1779 = arith.constant 32 : i32
        %add3A_1780 = arith.addi %add3A_1778, %add3A_1779 : i32
        %swap3A_1781 = arith.index_cast %add3A_1780 : i32 to index
        %swap3A_1782 = tpu.vector_load %arg7[%swap3A_1781] {strides = array<i32>} : memref<65536xf32, #tpu.memory_space<vmem>>, vector<16xf32>,
        %swap3A_1783 = vector.shape_cast %swap3A_1782 : vector<16xf32> to vector<16xf32>
        %swap3A_1784 = vector.shape_cast %get3A_1671 : vector<16xf32> to vector<16xf32>
        tpu.vector_store %arg7[%swap3A_1781], %swap3A_1784 {strides = array<i32>} : memref<65536xf32, #tpu.memory_space<vmem>>, vector<16xf32>,
        %add3A_1785 = arith.constant 1920 : i32
        %add3A_1786 = arith.addi %mul3A_99, %add3A_1785 : i32
        %add3A_1787 = arith.constant 48 : i32
        %add3A_1788 = arith.addi %add3A_1786, %add3A_1787 : i32
        %swap3A_1789 = arith.index_cast %add3A_1788 : i32 to index
        %swap3A_1790 = tpu.vector_load %arg7[%swap3A_1789] {strides = array<i32>} : memref<65536xf32, #tpu.memory_space<vmem>>, vector<16xf32>,
        %swap3A_1791 = vector.shape_cast %swap3A_1790 : vector<16xf32> to vector<16xf32>
        %swap3A_1792 = vector.shape_cast %get3A_1676 : vector<16xf32> to vector<16xf32>
        tpu.vector_store %arg7[%swap3A_1789], %swap3A_1792 {strides = array<i32>} : memref<65536xf32, #tpu.memory_space<vmem>>, vector<16xf32>,
        %add3A_1793 = arith.constant 1920 : i32
        %add3A_1794 = arith.addi %mul3A_99, %add3A_1793 : i32
        %add3A_1795 = arith.constant 64 : i32
        %add3A_1796 = arith.addi %add3A_1794, %add3A_1795 : i32
        %swap3A_1797 = arith.index_cast %add3A_1796 : i32 to index
        %swap3A_1798 = tpu.vector_load %arg7[%swap3A_1797] {strides = array<i32>} : memref<65536xf32, #tpu.memory_space<vmem>>, vector<16xf32>,
        %swap3A_1799 = vector.shape_cast %swap3A_1798 : vector<16xf32> to vector<16xf32>
        %swap3A_1800 = vector.shape_cast %get3A_1681 : vector<16xf32> to vector<16xf32>
        tpu.vector_store %arg7[%swap3A_1797], %swap3A_1800 {strides = array<i32>} : memref<65536xf32, #tpu.memory_space<vmem>>, vector<16xf32>,
        %add3A_1801 = arith.constant 1920 : i32
        %add3A_1802 = arith.addi %mul3A_99, %add3A_1801 : i32
        %add3A_1803 = arith.constant 80 : i32
        %add3A_1804 = arith.addi %add3A_1802, %add3A_1803 : i32
        %swap3A_1805 = arith.index_cast %add3A_1804 : i32 to index
        %swap3A_1806 = tpu.vector_load %arg7[%swap3A_1805] {strides = array<i32>} : memref<65536xf32, #tpu.memory_space<vmem>>, vector<16xf32>,
        %swap3A_1807 = vector.shape_cast %swap3A_1806 : vector<16xf32> to vector<16xf32>
        %swap3A_1808 = vector.shape_cast %get3A_1686 : vector<16xf32> to vector<16xf32>
        tpu.vector_store %arg7[%swap3A_1805], %swap3A_1808 {strides = array<i32>} : memref<65536xf32, #tpu.memory_space<vmem>>, vector<16xf32>,
        %add3A_1809 = arith.constant 1920 : i32
        %add3A_1810 = arith.addi %mul3A_99, %add3A_1809 : i32
        %add3A_1811 = arith.constant 96 : i32
        %add3A_1812 = arith.addi %add3A_1810, %add3A_1811 : i32
        %swap3A_1813 = arith.index_cast %add3A_1812 : i32 to index
        %swap3A_1814 = tpu.vector_load %arg7[%swap3A_1813] {strides = array<i32>} : memref<65536xf32, #tpu.memory_space<vmem>>, vector<16xf32>,
        %swap3A_1815 = vector.shape_cast %swap3A_1814 : vector<16xf32> to vector<16xf32>
        %swap3A_1816 = vector.shape_cast %get3A_1691 : vector<16xf32> to vector<16xf32>
        tpu.vector_store %arg7[%swap3A_1813], %swap3A_1816 {strides = array<i32>} : memref<65536xf32, #tpu.memory_space<vmem>>, vector<16xf32>,
        %add3A_1817 = arith.constant 1920 : i32
        %add3A_1818 = arith.addi %mul3A_99, %add3A_1817 : i32
        %add3A_1819 = arith.constant 112 : i32
        %add3A_1820 = arith.addi %add3A_1818, %add3A_1819 : i32
        %swap3A_1821 = arith.index_cast %add3A_1820 : i32 to index
        %swap3A_1822 = tpu.vector_load %arg7[%swap3A_1821] {strides = array<i32>} : memref<65536xf32, #tpu.memory_space<vmem>>, vector<16xf32>,
        %swap3A_1823 = vector.shape_cast %swap3A_1822 : vector<16xf32> to vector<16xf32>
        %swap3A_1824 = vector.shape_cast %get3A_1696 : vector<16xf32> to vector<16xf32>
        tpu.vector_store %arg7[%swap3A_1821], %swap3A_1824 {strides = array<i32>} : memref<65536xf32, #tpu.memory_space<vmem>>, vector<16xf32>,
      }
      %scan3A_64 = arith.constant 8 : i32
      %scan3A_65 = arith.constant 0 : i32
      %scan3A_66 = arith.constant 0 : i32
      %scan3A_67 = arith.constant 8 : i32
      %scan3A_68 = arith.addi %scan3A_66, %scan3A_67 : i32
      %scan3A_69 = arith.constant 1 : i32
      scf.for %scan3A_81 = %scan3A_66 to %scan3A_68 step %scan3A_69  : i32 {
        %mul3A_82 = arith.constant 2 : i32
        %mul3A_83 = arith.muli %scan3A_55, %mul3A_82 : i32
        %add3A_84 = arith.constant 1 : i32
        %add3A_85 = arith.addi %mul3A_83, %add3A_84 : i32
        %mul3A_86 = arith.constant 16 : i32
        %mul3A_87 = arith.muli %scan3A_81, %mul3A_86 : i32
        %get3A = arith.index_cast %add3A_85 : i32 to index
        %get3A_88 = arith.index_cast %mul3A_87 : i32 to index
        %get3A_89 = tpu.vector_load %arg5[%get3A, %get3A_88] {strides = array<i32>} : memref<200x128xi32, #tpu.memory_space<vmem>>, vector<1x16xi32>,
        %get3A_90 = vector.shape_cast %get3A_89 : vector<1x16xi32> to vector<16xi32>
        %mul3A_91 = arith.constant 256 : i32
        %mul3A_92 = arith.muli %rem3A_56, %mul3A_91 : i32
        %add3A_93 = arith.constant 128 : i32
        %add3A_94 = arith.addi %mul3A_92, %add3A_93 : i32
        %mul3A_95 = arith.constant 16 : i32
        %mul3A_96 = arith.muli %scan3A_81, %mul3A_95 : i32
        %add3A_97 = arith.addi %add3A_94, %mul3A_96 : i32
        %mul3A_98 = arith.constant 128 : i32
        %mul3A_99 = arith.muli %add3A_97, %mul3A_98 : i32
        %slice3A = vector.extract_strided_slice %get3A_90 {offsets = [0], sizes = [1], strides = [1]} : vector<16xi32> to vector<1xi32>
        %squeeze3A = vector.extract %slice3A[0] : i32 from vector<1xi32>
        %shift_left3A = arith.constant 7 : i32
        %shift_left3A_100 = arith.shli %squeeze3A, %shift_left3A : i32
        %slice3A_101 = vector.extract_strided_slice %get3A_90 {offsets = [1], sizes = [1], strides = [1]} : vector<16xi32> to vector<1xi32>
        %squeeze3A_102 = vector.extract %slice3A_101[0] : i32 from vector<1xi32>
        %shift_left3A_103 = arith.constant 7 : i32
        %shift_left3A_104 = arith.shli %squeeze3A_102, %shift_left3A_103 : i32
        %slice3A_105 = vector.extract_strided_slice %get3A_90 {offsets = [2], sizes = [1], strides = [1]} : vector<16xi32> to vector<1xi32>
        %squeeze3A_106 = vector.extract %slice3A_105[0] : i32 from vector<1xi32>
        %shift_left3A_107 = arith.constant 7 : i32
        %shift_left3A_108 = arith.shli %squeeze3A_106, %shift_left3A_107 : i32
        %slice3A_109 = vector.extract_strided_slice %get3A_90 {offsets = [3], sizes = [1], strides = [1]} : vector<16xi32> to vector<1xi32>
        %squeeze3A_110 = vector.extract %slice3A_109[0] : i32 from vector<1xi32>
        %shift_left3A_111 = arith.constant 7 : i32
        %shift_left3A_112 = arith.shli %squeeze3A_110, %shift_left3A_111 : i32
        %slice3A_113 = vector.extract_strided_slice %get3A_90 {offsets = [4], sizes = [1], strides = [1]} : vector<16xi32> to vector<1xi32>
        %squeeze3A_114 = vector.extract %slice3A_113[0] : i32 from vector<1xi32>
        %shift_left3A_115 = arith.constant 7 : i32
        %shift_left3A_116 = arith.shli %squeeze3A_114, %shift_left3A_115 : i32
        %slice3A_117 = vector.extract_strided_slice %get3A_90 {offsets = [5], sizes = [1], strides = [1]} : vector<16xi32> to vector<1xi32>
        %squeeze3A_118 = vector.extract %slice3A_117[0] : i32 from vector<1xi32>
        %shift_left3A_119 = arith.constant 7 : i32
        %shift_left3A_120 = arith.shli %squeeze3A_118, %shift_left3A_119 : i32
        %slice3A_121 = vector.extract_strided_slice %get3A_90 {offsets = [6], sizes = [1], strides = [1]} : vector<16xi32> to vector<1xi32>
        %squeeze3A_122 = vector.extract %slice3A_121[0] : i32 from vector<1xi32>
        %shift_left3A_123 = arith.constant 7 : i32
        %shift_left3A_124 = arith.shli %squeeze3A_122, %shift_left3A_123 : i32
        %slice3A_125 = vector.extract_strided_slice %get3A_90 {offsets = [7], sizes = [1], strides = [1]} : vector<16xi32> to vector<1xi32>
        %squeeze3A_126 = vector.extract %slice3A_125[0] : i32 from vector<1xi32>
        %shift_left3A_127 = arith.constant 7 : i32
        %shift_left3A_128 = arith.shli %squeeze3A_126, %shift_left3A_127 : i32
        %slice3A_129 = vector.extract_strided_slice %get3A_90 {offsets = [8], sizes = [1], strides = [1]} : vector<16xi32> to vector<1xi32>
        %squeeze3A_130 = vector.extract %slice3A_129[0] : i32 from vector<1xi32>
        %shift_left3A_131 = arith.constant 7 : i32
        %shift_left3A_132 = arith.shli %squeeze3A_130, %shift_left3A_131 : i32
        %slice3A_133 = vector.extract_strided_slice %get3A_90 {offsets = [9], sizes = [1], strides = [1]} : vector<16xi32> to vector<1xi32>
        %squeeze3A_134 = vector.extract %slice3A_133[0] : i32 from vector<1xi32>
        %shift_left3A_135 = arith.constant 7 : i32
        %shift_left3A_136 = arith.shli %squeeze3A_134, %shift_left3A_135 : i32
        %slice3A_137 = vector.extract_strided_slice %get3A_90 {offsets = [10], sizes = [1], strides = [1]} : vector<16xi32> to vector<1xi32>
        %squeeze3A_138 = vector.extract %slice3A_137[0] : i32 from vector<1xi32>
        %shift_left3A_139 = arith.constant 7 : i32
        %shift_left3A_140 = arith.shli %squeeze3A_138, %shift_left3A_139 : i32
        %slice3A_141 = vector.extract_strided_slice %get3A_90 {offsets = [11], sizes = [1], strides = [1]} : vector<16xi32> to vector<1xi32>
        %squeeze3A_142 = vector.extract %slice3A_141[0] : i32 from vector<1xi32>
        %shift_left3A_143 = arith.constant 7 : i32
        %shift_left3A_144 = arith.shli %squeeze3A_142, %shift_left3A_143 : i32
        %slice3A_145 = vector.extract_strided_slice %get3A_90 {offsets = [12], sizes = [1], strides = [1]} : vector<16xi32> to vector<1xi32>
        %squeeze3A_146 = vector.extract %slice3A_145[0] : i32 from vector<1xi32>
        %shift_left3A_147 = arith.constant 7 : i32
        %shift_left3A_148 = arith.shli %squeeze3A_146, %shift_left3A_147 : i32
        %slice3A_149 = vector.extract_strided_slice %get3A_90 {offsets = [13], sizes = [1], strides = [1]} : vector<16xi32> to vector<1xi32>
        %squeeze3A_150 = vector.extract %slice3A_149[0] : i32 from vector<1xi32>
        %shift_left3A_151 = arith.constant 7 : i32
        %shift_left3A_152 = arith.shli %squeeze3A_150, %shift_left3A_151 : i32
        %slice3A_153 = vector.extract_strided_slice %get3A_90 {offsets = [14], sizes = [1], strides = [1]} : vector<16xi32> to vector<1xi32>
        %squeeze3A_154 = vector.extract %slice3A_153[0] : i32 from vector<1xi32>
        %shift_left3A_155 = arith.constant 7 : i32
        %shift_left3A_156 = arith.shli %squeeze3A_154, %shift_left3A_155 : i32
        %slice3A_157 = vector.extract_strided_slice %get3A_90 {offsets = [15], sizes = [1], strides = [1]} : vector<16xi32> to vector<1xi32>
        %squeeze3A_158 = vector.extract %slice3A_157[0] : i32 from vector<1xi32>
        %shift_left3A_159 = arith.constant 7 : i32
        %shift_left3A_160 = arith.shli %squeeze3A_158, %shift_left3A_159 : i32
        %add3A_161 = arith.constant 0 : i32
        %add3A_162 = arith.addi %shift_left3A_100, %add3A_161 : i32
        %get3A_163 = arith.index_cast %add3A_162 : i32 to index
        %get3A_164 = tpu.vector_load %arg6[%get3A_163] {strides = array<i32>} : memref<768xf32, #tpu.memory_space<vmem>>, vector<16xf32>,
        %get3A_165 = vector.shape_cast %get3A_164 : vector<16xf32> to vector<16xf32>
        %add3A_166 = arith.constant 16 : i32
        %add3A_167 = arith.addi %shift_left3A_100, %add3A_166 : i32
        %get3A_168 = arith.index_cast %add3A_167 : i32 to index
        %get3A_169 = tpu.vector_load %arg6[%get3A_168] {strides = array<i32>} : memref<768xf32, #tpu.memory_space<vmem>>, vector<16xf32>,
        %get3A_170 = vector.shape_cast %get3A_169 : vector<16xf32> to vector<16xf32>
        %add3A_171 = arith.constant 32 : i32
        %add3A_172 = arith.addi %shift_left3A_100, %add3A_171 : i32
        %get3A_173 = arith.index_cast %add3A_172 : i32 to index
        %get3A_174 = tpu.vector_load %arg6[%get3A_173] {strides = array<i32>} : memref<768xf32, #tpu.memory_space<vmem>>, vector<16xf32>,
        %get3A_175 = vector.shape_cast %get3A_174 : vector<16xf32> to vector<16xf32>
        %add3A_176 = arith.constant 48 : i32
        %add3A_177 = arith.addi %shift_left3A_100, %add3A_176 : i32
        %get3A_178 = arith.index_cast %add3A_177 : i32 to index
        %get3A_179 = tpu.vector_load %arg6[%get3A_178] {strides = array<i32>} : memref<768xf32, #tpu.memory_space<vmem>>, vector<16xf32>,
        %get3A_180 = vector.shape_cast %get3A_179 : vector<16xf32> to vector<16xf32>
        %add3A_181 = arith.constant 64 : i32
        %add3A_182 = arith.addi %shift_left3A_100, %add3A_181 : i32
        %get3A_183 = arith.index_cast %add3A_182 : i32 to index
        %get3A_184 = tpu.vector_load %arg6[%get3A_183] {strides = array<i32>} : memref<768xf32, #tpu.memory_space<vmem>>, vector<16xf32>,
        %get3A_185 = vector.shape_cast %get3A_184 : vector<16xf32> to vector<16xf32>
        %add3A_186 = arith.constant 80 : i32
        %add3A_187 = arith.addi %shift_left3A_100, %add3A_186 : i32
        %get3A_188 = arith.index_cast %add3A_187 : i32 to index
        %get3A_189 = tpu.vector_load %arg6[%get3A_188] {strides = array<i32>} : memref<768xf32, #tpu.memory_space<vmem>>, vector<16xf32>,
        %get3A_190 = vector.shape_cast %get3A_189 : vector<16xf32> to vector<16xf32>
        %add3A_191 = arith.constant 96 : i32
        %add3A_192 = arith.addi %shift_left3A_100, %add3A_191 : i32
        %get3A_193 = arith.index_cast %add3A_192 : i32 to index
        %get3A_194 = tpu.vector_load %arg6[%get3A_193] {strides = array<i32>} : memref<768xf32, #tpu.memory_space<vmem>>, vector<16xf32>,
        %get3A_195 = vector.shape_cast %get3A_194 : vector<16xf32> to vector<16xf32>
        %add3A_196 = arith.constant 112 : i32
        %add3A_197 = arith.addi %shift_left3A_100, %add3A_196 : i32
        %get3A_198 = arith.index_cast %add3A_197 : i32 to index
        %get3A_199 = tpu.vector_load %arg6[%get3A_198] {strides = array<i32>} : memref<768xf32, #tpu.memory_space<vmem>>, vector<16xf32>,
        %get3A_200 = vector.shape_cast %get3A_199 : vector<16xf32> to vector<16xf32>
        %add3A_201 = arith.constant 0 : i32
        %add3A_202 = arith.addi %shift_left3A_104, %add3A_201 : i32
        %get3A_203 = arith.index_cast %add3A_202 : i32 to index
        %get3A_204 = tpu.vector_load %arg6[%get3A_203] {strides = array<i32>} : memref<768xf32, #tpu.memory_space<vmem>>, vector<16xf32>,
        %get3A_205 = vector.shape_cast %get3A_204 : vector<16xf32> to vector<16xf32>
        %add3A_206 = arith.constant 16 : i32
        %add3A_207 = arith.addi %shift_left3A_104, %add3A_206 : i32
        %get3A_208 = arith.index_cast %add3A_207 : i32 to index
        %get3A_209 = tpu.vector_load %arg6[%get3A_208] {strides = array<i32>} : memref<768xf32, #tpu.memory_space<vmem>>, vector<16xf32>,
        %get3A_210 = vector.shape_cast %get3A_209 : vector<16xf32> to vector<16xf32>
        %add3A_211 = arith.constant 32 : i32
        %add3A_212 = arith.addi %shift_left3A_104, %add3A_211 : i32
        %get3A_213 = arith.index_cast %add3A_212 : i32 to index
        %get3A_214 = tpu.vector_load %arg6[%get3A_213] {strides = array<i32>} : memref<768xf32, #tpu.memory_space<vmem>>, vector<16xf32>,
        %get3A_215 = vector.shape_cast %get3A_214 : vector<16xf32> to vector<16xf32>
        %add3A_216 = arith.constant 48 : i32
        %add3A_217 = arith.addi %shift_left3A_104, %add3A_216 : i32
        %get3A_218 = arith.index_cast %add3A_217 : i32 to index
        %get3A_219 = tpu.vector_load %arg6[%get3A_218] {strides = array<i32>} : memref<768xf32, #tpu.memory_space<vmem>>, vector<16xf32>,
        %get3A_220 = vector.shape_cast %get3A_219 : vector<16xf32> to vector<16xf32>
        %add3A_221 = arith.constant 64 : i32
        %add3A_222 = arith.addi %shift_left3A_104, %add3A_221 : i32
        %get3A_223 = arith.index_cast %add3A_222 : i32 to index
        %get3A_224 = tpu.vector_load %arg6[%get3A_223] {strides = array<i32>} : memref<768xf32, #tpu.memory_space<vmem>>, vector<16xf32>,
        %get3A_225 = vector.shape_cast %get3A_224 : vector<16xf32> to vector<16xf32>
        %add3A_226 = arith.constant 80 : i32
        %add3A_227 = arith.addi %shift_left3A_104, %add3A_226 : i32
        %get3A_228 = arith.index_cast %add3A_227 : i32 to index
        %get3A_229 = tpu.vector_load %arg6[%get3A_228] {strides = array<i32>} : memref<768xf32, #tpu.memory_space<vmem>>, vector<16xf32>,
        %get3A_230 = vector.shape_cast %get3A_229 : vector<16xf32> to vector<16xf32>
        %add3A_231 = arith.constant 96 : i32
        %add3A_232 = arith.addi %shift_left3A_104, %add3A_231 : i32
        %get3A_233 = arith.index_cast %add3A_232 : i32 to index
        %get3A_234 = tpu.vector_load %arg6[%get3A_233] {strides = array<i32>} : memref<768xf32, #tpu.memory_space<vmem>>, vector<16xf32>,
        %get3A_235 = vector.shape_cast %get3A_234 : vector<16xf32> to vector<16xf32>
        %add3A_236 = arith.constant 112 : i32
        %add3A_237 = arith.addi %shift_left3A_104, %add3A_236 : i32
        %get3A_238 = arith.index_cast %add3A_237 : i32 to index
        %get3A_239 = tpu.vector_load %arg6[%get3A_238] {strides = array<i32>} : memref<768xf32, #tpu.memory_space<vmem>>, vector<16xf32>,
        %get3A_240 = vector.shape_cast %get3A_239 : vector<16xf32> to vector<16xf32>
        %add3A_241 = arith.constant 0 : i32
        %add3A_242 = arith.addi %mul3A_99, %add3A_241 : i32
        %add3A_243 = arith.constant 0 : i32
        %add3A_244 = arith.addi %add3A_242, %add3A_243 : i32
        %swap3A_245 = arith.index_cast %add3A_244 : i32 to index
        %swap3A_246 = tpu.vector_load %arg7[%swap3A_245] {strides = array<i32>} : memref<65536xf32, #tpu.memory_space<vmem>>, vector<16xf32>,
        %swap3A_247 = vector.shape_cast %swap3A_246 : vector<16xf32> to vector<16xf32>
        %swap3A_248 = vector.shape_cast %get3A_165 : vector<16xf32> to vector<16xf32>
        tpu.vector_store %arg7[%swap3A_245], %swap3A_248 {strides = array<i32>} : memref<65536xf32, #tpu.memory_space<vmem>>, vector<16xf32>,
        %add3A_249 = arith.constant 0 : i32
        %add3A_250 = arith.addi %mul3A_99, %add3A_249 : i32
        %add3A_251 = arith.constant 16 : i32
        %add3A_252 = arith.addi %add3A_250, %add3A_251 : i32
        %swap3A_253 = arith.index_cast %add3A_252 : i32 to index
        %swap3A_254 = tpu.vector_load %arg7[%swap3A_253] {strides = array<i32>} : memref<65536xf32, #tpu.memory_space<vmem>>, vector<16xf32>,
        %swap3A_255 = vector.shape_cast %swap3A_254 : vector<16xf32> to vector<16xf32>
        %swap3A_256 = vector.shape_cast %get3A_170 : vector<16xf32> to vector<16xf32>
        tpu.vector_store %arg7[%swap3A_253], %swap3A_256 {strides = array<i32>} : memref<65536xf32, #tpu.memory_space<vmem>>, vector<16xf32>,
        %add3A_257 = arith.constant 0 : i32
        %add3A_258 = arith.addi %mul3A_99, %add3A_257 : i32
        %add3A_259 = arith.constant 32 : i32
        %add3A_260 = arith.addi %add3A_258, %add3A_259 : i32
        %swap3A_261 = arith.index_cast %add3A_260 : i32 to index
        %swap3A_262 = tpu.vector_load %arg7[%swap3A_261] {strides = array<i32>} : memref<65536xf32, #tpu.memory_space<vmem>>, vector<16xf32>,
        %swap3A_263 = vector.shape_cast %swap3A_262 : vector<16xf32> to vector<16xf32>
        %swap3A_264 = vector.shape_cast %get3A_175 : vector<16xf32> to vector<16xf32>
        tpu.vector_store %arg7[%swap3A_261], %swap3A_264 {strides = array<i32>} : memref<65536xf32, #tpu.memory_space<vmem>>, vector<16xf32>,
        %add3A_265 = arith.constant 0 : i32
        %add3A_266 = arith.addi %mul3A_99, %add3A_265 : i32
        %add3A_267 = arith.constant 48 : i32
        %add3A_268 = arith.addi %add3A_266, %add3A_267 : i32
        %swap3A_269 = arith.index_cast %add3A_268 : i32 to index
        %swap3A_270 = tpu.vector_load %arg7[%swap3A_269] {strides = array<i32>} : memref<65536xf32, #tpu.memory_space<vmem>>, vector<16xf32>,
        %swap3A_271 = vector.shape_cast %swap3A_270 : vector<16xf32> to vector<16xf32>
        %swap3A_272 = vector.shape_cast %get3A_180 : vector<16xf32> to vector<16xf32>
        tpu.vector_store %arg7[%swap3A_269], %swap3A_272 {strides = array<i32>} : memref<65536xf32, #tpu.memory_space<vmem>>, vector<16xf32>,
        %add3A_273 = arith.constant 0 : i32
        %add3A_274 = arith.addi %mul3A_99, %add3A_273 : i32
        %add3A_275 = arith.constant 64 : i32
        %add3A_276 = arith.addi %add3A_274, %add3A_275 : i32
        %swap3A_277 = arith.index_cast %add3A_276 : i32 to index
        %swap3A_278 = tpu.vector_load %arg7[%swap3A_277] {strides = array<i32>} : memref<65536xf32, #tpu.memory_space<vmem>>, vector<16xf32>,
        %swap3A_279 = vector.shape_cast %swap3A_278 : vector<16xf32> to vector<16xf32>
        %swap3A_280 = vector.shape_cast %get3A_185 : vector<16xf32> to vector<16xf32>
        tpu.vector_store %arg7[%swap3A_277], %swap3A_280 {strides = array<i32>} : memref<65536xf32, #tpu.memory_space<vmem>>, vector<16xf32>,
        %add3A_281 = arith.constant 0 : i32
        %add3A_282 = arith.addi %mul3A_99, %add3A_281 : i32
        %add3A_283 = arith.constant 80 : i32
        %add3A_284 = arith.addi %add3A_282, %add3A_283 : i32
        %swap3A_285 = arith.index_cast %add3A_284 : i32 to index
        %swap3A_286 = tpu.vector_load %arg7[%swap3A_285] {strides = array<i32>} : memref<65536xf32, #tpu.memory_space<vmem>>, vector<16xf32>,
        %swap3A_287 = vector.shape_cast %swap3A_286 : vector<16xf32> to vector<16xf32>
        %swap3A_288 = vector.shape_cast %get3A_190 : vector<16xf32> to vector<16xf32>
        tpu.vector_store %arg7[%swap3A_285], %swap3A_288 {strides = array<i32>} : memref<65536xf32, #tpu.memory_space<vmem>>, vector<16xf32>,
        %add3A_289 = arith.constant 0 : i32
        %add3A_290 = arith.addi %mul3A_99, %add3A_289 : i32
        %add3A_291 = arith.constant 96 : i32
        %add3A_292 = arith.addi %add3A_290, %add3A_291 : i32
        %swap3A_293 = arith.index_cast %add3A_292 : i32 to index
        %swap3A_294 = tpu.vector_load %arg7[%swap3A_293] {strides = array<i32>} : memref<65536xf32, #tpu.memory_space<vmem>>, vector<16xf32>,
        %swap3A_295 = vector.shape_cast %swap3A_294 : vector<16xf32> to vector<16xf32>
        %swap3A_296 = vector.shape_cast %get3A_195 : vector<16xf32> to vector<16xf32>
        tpu.vector_store %arg7[%swap3A_293], %swap3A_296 {strides = array<i32>} : memref<65536xf32, #tpu.memory_space<vmem>>, vector<16xf32>,
        %add3A_297 = arith.constant 0 : i32
        %add3A_298 = arith.addi %mul3A_99, %add3A_297 : i32
        %add3A_299 = arith.constant 112 : i32
        %add3A_300 = arith.addi %add3A_298, %add3A_299 : i32
        %swap3A_301 = arith.index_cast %add3A_300 : i32 to index
        %swap3A_302 = tpu.vector_load %arg7[%swap3A_301] {strides = array<i32>} : memref<65536xf32, #tpu.memory_space<vmem>>, vector<16xf32>,
        %swap3A_303 = vector.shape_cast %swap3A_302 : vector<16xf32> to vector<16xf32>
        %swap3A_304 = vector.shape_cast %get3A_200 : vector<16xf32> to vector<16xf32>
        tpu.vector_store %arg7[%swap3A_301], %swap3A_304 {strides = array<i32>} : memref<65536xf32, #tpu.memory_space<vmem>>, vector<16xf32>,
        %add3A_305 = arith.constant 0 : i32
        %add3A_306 = arith.addi %shift_left3A_108, %add3A_305 : i32
        %get3A_307 = arith.index_cast %add3A_306 : i32 to index
        %get3A_308 = tpu.vector_load %arg6[%get3A_307] {strides = array<i32>} : memref<768xf32, #tpu.memory_space<vmem>>, vector<16xf32>,
        %get3A_309 = vector.shape_cast %get3A_308 : vector<16xf32> to vector<16xf32>
        %add3A_310 = arith.constant 16 : i32
        %add3A_311 = arith.addi %shift_left3A_108, %add3A_310 : i32
        %get3A_312 = arith.index_cast %add3A_311 : i32 to index
        %get3A_313 = tpu.vector_load %arg6[%get3A_312] {strides = array<i32>} : memref<768xf32, #tpu.memory_space<vmem>>, vector<16xf32>,
        %get3A_314 = vector.shape_cast %get3A_313 : vector<16xf32> to vector<16xf32>
        %add3A_315 = arith.constant 32 : i32
        %add3A_316 = arith.addi %shift_left3A_108, %add3A_315 : i32
        %get3A_317 = arith.index_cast %add3A_316 : i32 to index
        %get3A_318 = tpu.vector_load %arg6[%get3A_317] {strides = array<i32>} : memref<768xf32, #tpu.memory_space<vmem>>, vector<16xf32>,
        %get3A_319 = vector.shape_cast %get3A_318 : vector<16xf32> to vector<16xf32>
        %add3A_320 = arith.constant 48 : i32
        %add3A_321 = arith.addi %shift_left3A_108, %add3A_320 : i32
        %get3A_322 = arith.index_cast %add3A_321 : i32 to index
        %get3A_323 = tpu.vector_load %arg6[%get3A_322] {strides = array<i32>} : memref<768xf32, #tpu.memory_space<vmem>>, vector<16xf32>,
        %get3A_324 = vector.shape_cast %get3A_323 : vector<16xf32> to vector<16xf32>
        %add3A_325 = arith.constant 64 : i32
        %add3A_326 = arith.addi %shift_left3A_108, %add3A_325 : i32
        %get3A_327 = arith.index_cast %add3A_326 : i32 to index
        %get3A_328 = tpu.vector_load %arg6[%get3A_327] {strides = array<i32>} : memref<768xf32, #tpu.memory_space<vmem>>, vector<16xf32>,
        %get3A_329 = vector.shape_cast %get3A_328 : vector<16xf32> to vector<16xf32>
        %add3A_330 = arith.constant 80 : i32
        %add3A_331 = arith.addi %shift_left3A_108, %add3A_330 : i32
        %get3A_332 = arith.index_cast %add3A_331 : i32 to index
        %get3A_333 = tpu.vector_load %arg6[%get3A_332] {strides = array<i32>} : memref<768xf32, #tpu.memory_space<vmem>>, vector<16xf32>,
        %get3A_334 = vector.shape_cast %get3A_333 : vector<16xf32> to vector<16xf32>
        %add3A_335 = arith.constant 96 : i32
        %add3A_336 = arith.addi %shift_left3A_108, %add3A_335 : i32
        %get3A_337 = arith.index_cast %add3A_336 : i32 to index
        %get3A_338 = tpu.vector_load %arg6[%get3A_337] {strides = array<i32>} : memref<768xf32, #tpu.memory_space<vmem>>, vector<16xf32>,
        %get3A_339 = vector.shape_cast %get3A_338 : vector<16xf32> to vector<16xf32>
        %add3A_340 = arith.constant 112 : i32
        %add3A_341 = arith.addi %shift_left3A_108, %add3A_340 : i32
        %get3A_342 = arith.index_cast %add3A_341 : i32 to index
        %get3A_343 = tpu.vector_load %arg6[%get3A_342] {strides = array<i32>} : memref<768xf32, #tpu.memory_space<vmem>>, vector<16xf32>,
        %get3A_344 = vector.shape_cast %get3A_343 : vector<16xf32> to vector<16xf32>
        %add3A_345 = arith.constant 128 : i32
        %add3A_346 = arith.addi %mul3A_99, %add3A_345 : i32
        %add3A_347 = arith.constant 0 : i32
        %add3A_348 = arith.addi %add3A_346, %add3A_347 : i32
        %swap3A_349 = arith.index_cast %add3A_348 : i32 to index
        %swap3A_350 = tpu.vector_load %arg7[%swap3A_349] {strides = array<i32>} : memref<65536xf32, #tpu.memory_space<vmem>>, vector<16xf32>,
        %swap3A_351 = vector.shape_cast %swap3A_350 : vector<16xf32> to vector<16xf32>
        %swap3A_352 = vector.shape_cast %get3A_205 : vector<16xf32> to vector<16xf32>
        tpu.vector_store %arg7[%swap3A_349], %swap3A_352 {strides = array<i32>} : memref<65536xf32, #tpu.memory_space<vmem>>, vector<16xf32>,
        %add3A_353 = arith.constant 128 : i32
        %add3A_354 = arith.addi %mul3A_99, %add3A_353 : i32
        %add3A_355 = arith.constant 16 : i32
        %add3A_356 = arith.addi %add3A_354, %add3A_355 : i32
        %swap3A_357 = arith.index_cast %add3A_356 : i32 to index
        %swap3A_358 = tpu.vector_load %arg7[%swap3A_357] {strides = array<i32>} : memref<65536xf32, #tpu.memory_space<vmem>>, vector<16xf32>,
        %swap3A_359 = vector.shape_cast %swap3A_358 : vector<16xf32> to vector<16xf32>
        %swap3A_360 = vector.shape_cast %get3A_210 : vector<16xf32> to vector<16xf32>
        tpu.vector_store %arg7[%swap3A_357], %swap3A_360 {strides = array<i32>} : memref<65536xf32, #tpu.memory_space<vmem>>, vector<16xf32>,
        %add3A_361 = arith.constant 128 : i32
        %add3A_362 = arith.addi %mul3A_99, %add3A_361 : i32
        %add3A_363 = arith.constant 32 : i32
        %add3A_364 = arith.addi %add3A_362, %add3A_363 : i32
        %swap3A_365 = arith.index_cast %add3A_364 : i32 to index
        %swap3A_366 = tpu.vector_load %arg7[%swap3A_365] {strides = array<i32>} : memref<65536xf32, #tpu.memory_space<vmem>>, vector<16xf32>,
        %swap3A_367 = vector.shape_cast %swap3A_366 : vector<16xf32> to vector<16xf32>
        %swap3A_368 = vector.shape_cast %get3A_215 : vector<16xf32> to vector<16xf32>
        tpu.vector_store %arg7[%swap3A_365], %swap3A_368 {strides = array<i32>} : memref<65536xf32, #tpu.memory_space<vmem>>, vector<16xf32>,
        %add3A_369 = arith.constant 128 : i32
        %add3A_370 = arith.addi %mul3A_99, %add3A_369 : i32
        %add3A_371 = arith.constant 48 : i32
        %add3A_372 = arith.addi %add3A_370, %add3A_371 : i32
        %swap3A_373 = arith.index_cast %add3A_372 : i32 to index
        %swap3A_374 = tpu.vector_load %arg7[%swap3A_373] {strides = array<i32>} : memref<65536xf32, #tpu.memory_space<vmem>>, vector<16xf32>,
        %swap3A_375 = vector.shape_cast %swap3A_374 : vector<16xf32> to vector<16xf32>
        %swap3A_376 = vector.shape_cast %get3A_220 : vector<16xf32> to vector<16xf32>
        tpu.vector_store %arg7[%swap3A_373], %swap3A_376 {strides = array<i32>} : memref<65536xf32, #tpu.memory_space<vmem>>, vector<16xf32>,
        %add3A_377 = arith.constant 128 : i32
        %add3A_378 = arith.addi %mul3A_99, %add3A_377 : i32
        %add3A_379 = arith.constant 64 : i32
        %add3A_380 = arith.addi %add3A_378, %add3A_379 : i32
        %swap3A_381 = arith.index_cast %add3A_380 : i32 to index
        %swap3A_382 = tpu.vector_load %arg7[%swap3A_381] {strides = array<i32>} : memref<65536xf32, #tpu.memory_space<vmem>>, vector<16xf32>,
        %swap3A_383 = vector.shape_cast %swap3A_382 : vector<16xf32> to vector<16xf32>
        %swap3A_384 = vector.shape_cast %get3A_225 : vector<16xf32> to vector<16xf32>
        tpu.vector_store %arg7[%swap3A_381], %swap3A_384 {strides = array<i32>} : memref<65536xf32, #tpu.memory_space<vmem>>, vector<16xf32>,
        %add3A_385 = arith.constant 128 : i32
        %add3A_386 = arith.addi %mul3A_99, %add3A_385 : i32
        %add3A_387 = arith.constant 80 : i32
        %add3A_388 = arith.addi %add3A_386, %add3A_387 : i32
        %swap3A_389 = arith.index_cast %add3A_388 : i32 to index
        %swap3A_390 = tpu.vector_load %arg7[%swap3A_389] {strides = array<i32>} : memref<65536xf32, #tpu.memory_space<vmem>>, vector<16xf32>,
        %swap3A_391 = vector.shape_cast %swap3A_390 : vector<16xf32> to vector<16xf32>
        %swap3A_392 = vector.shape_cast %get3A_230 : vector<16xf32> to vector<16xf32>
        tpu.vector_store %arg7[%swap3A_389], %swap3A_392 {strides = array<i32>} : memref<65536xf32, #tpu.memory_space<vmem>>, vector<16xf32>,
        %add3A_393 = arith.constant 128 : i32
        %add3A_394 = arith.addi %mul3A_99, %add3A_393 : i32
        %add3A_395 = arith.constant 96 : i32
        %add3A_396 = arith.addi %add3A_394, %add3A_395 : i32
        %swap3A_397 = arith.index_cast %add3A_396 : i32 to index
        %swap3A_398 = tpu.vector_load %arg7[%swap3A_397] {strides = array<i32>} : memref<65536xf32, #tpu.memory_space<vmem>>, vector<16xf32>,
        %swap3A_399 = vector.shape_cast %swap3A_398 : vector<16xf32> to vector<16xf32>
        %swap3A_400 = vector.shape_cast %get3A_235 : vector<16xf32> to vector<16xf32>
        tpu.vector_store %arg7[%swap3A_397], %swap3A_400 {strides = array<i32>} : memref<65536xf32, #tpu.memory_space<vmem>>, vector<16xf32>,
        %add3A_401 = arith.constant 128 : i32
        %add3A_402 = arith.addi %mul3A_99, %add3A_401 : i32
        %add3A_403 = arith.constant 112 : i32
        %add3A_404 = arith.addi %add3A_402, %add3A_403 : i32
        %swap3A_405 = arith.index_cast %add3A_404 : i32 to index
        %swap3A_406 = tpu.vector_load %arg7[%swap3A_405] {strides = array<i32>} : memref<65536xf32, #tpu.memory_space<vmem>>, vector<16xf32>,
        %swap3A_407 = vector.shape_cast %swap3A_406 : vector<16xf32> to vector<16xf32>
        %swap3A_408 = vector.shape_cast %get3A_240 : vector<16xf32> to vector<16xf32>
        tpu.vector_store %arg7[%swap3A_405], %swap3A_408 {strides = array<i32>} : memref<65536xf32, #tpu.memory_space<vmem>>, vector<16xf32>,
        %add3A_409 = arith.constant 0 : i32
        %add3A_410 = arith.addi %shift_left3A_112, %add3A_409 : i32
        %get3A_411 = arith.index_cast %add3A_410 : i32 to index
        %get3A_412 = tpu.vector_load %arg6[%get3A_411] {strides = array<i32>} : memref<768xf32, #tpu.memory_space<vmem>>, vector<16xf32>,
        %get3A_413 = vector.shape_cast %get3A_412 : vector<16xf32> to vector<16xf32>
        %add3A_414 = arith.constant 16 : i32
        %add3A_415 = arith.addi %shift_left3A_112, %add3A_414 : i32
        %get3A_416 = arith.index_cast %add3A_415 : i32 to index
        %get3A_417 = tpu.vector_load %arg6[%get3A_416] {strides = array<i32>} : memref<768xf32, #tpu.memory_space<vmem>>, vector<16xf32>,
        %get3A_418 = vector.shape_cast %get3A_417 : vector<16xf32> to vector<16xf32>
        %add3A_419 = arith.constant 32 : i32
        %add3A_420 = arith.addi %shift_left3A_112, %add3A_419 : i32
        %get3A_421 = arith.index_cast %add3A_420 : i32 to index
        %get3A_422 = tpu.vector_load %arg6[%get3A_421] {strides = array<i32>} : memref<768xf32, #tpu.memory_space<vmem>>, vector<16xf32>,
        %get3A_423 = vector.shape_cast %get3A_422 : vector<16xf32> to vector<16xf32>
        %add3A_424 = arith.constant 48 : i32
        %add3A_425 = arith.addi %shift_left3A_112, %add3A_424 : i32
        %get3A_426 = arith.index_cast %add3A_425 : i32 to index
        %get3A_427 = tpu.vector_load %arg6[%get3A_426] {strides = array<i32>} : memref<768xf32, #tpu.memory_space<vmem>>, vector<16xf32>,
        %get3A_428 = vector.shape_cast %get3A_427 : vector<16xf32> to vector<16xf32>
        %add3A_429 = arith.constant 64 : i32
        %add3A_430 = arith.addi %shift_left3A_112, %add3A_429 : i32
        %get3A_431 = arith.index_cast %add3A_430 : i32 to index
        %get3A_432 = tpu.vector_load %arg6[%get3A_431] {strides = array<i32>} : memref<768xf32, #tpu.memory_space<vmem>>, vector<16xf32>,
        %get3A_433 = vector.shape_cast %get3A_432 : vector<16xf32> to vector<16xf32>
        %add3A_434 = arith.constant 80 : i32
        %add3A_435 = arith.addi %shift_left3A_112, %add3A_434 : i32
        %get3A_436 = arith.index_cast %add3A_435 : i32 to index
        %get3A_437 = tpu.vector_load %arg6[%get3A_436] {strides = array<i32>} : memref<768xf32, #tpu.memory_space<vmem>>, vector<16xf32>,
        %get3A_438 = vector.shape_cast %get3A_437 : vector<16xf32> to vector<16xf32>
        %add3A_439 = arith.constant 96 : i32
        %add3A_440 = arith.addi %shift_left3A_112, %add3A_439 : i32
        %get3A_441 = arith.index_cast %add3A_440 : i32 to index
        %get3A_442 = tpu.vector_load %arg6[%get3A_441] {strides = array<i32>} : memref<768xf32, #tpu.memory_space<vmem>>, vector<16xf32>,
        %get3A_443 = vector.shape_cast %get3A_442 : vector<16xf32> to vector<16xf32>
        %add3A_444 = arith.constant 112 : i32
        %add3A_445 = arith.addi %shift_left3A_112, %add3A_444 : i32
        %get3A_446 = arith.index_cast %add3A_445 : i32 to index
        %get3A_447 = tpu.vector_load %arg6[%get3A_446] {strides = array<i32>} : memref<768xf32, #tpu.memory_space<vmem>>, vector<16xf32>,
        %get3A_448 = vector.shape_cast %get3A_447 : vector<16xf32> to vector<16xf32>
        %add3A_449 = arith.constant 256 : i32
        %add3A_450 = arith.addi %mul3A_99, %add3A_449 : i32
        %add3A_451 = arith.constant 0 : i32
        %add3A_452 = arith.addi %add3A_450, %add3A_451 : i32
        %swap3A_453 = arith.index_cast %add3A_452 : i32 to index
        %swap3A_454 = tpu.vector_load %arg7[%swap3A_453] {strides = array<i32>} : memref<65536xf32, #tpu.memory_space<vmem>>, vector<16xf32>,
        %swap3A_455 = vector.shape_cast %swap3A_454 : vector<16xf32> to vector<16xf32>
        %swap3A_456 = vector.shape_cast %get3A_309 : vector<16xf32> to vector<16xf32>
        tpu.vector_store %arg7[%swap3A_453], %swap3A_456 {strides = array<i32>} : memref<65536xf32, #tpu.memory_space<vmem>>, vector<16xf32>,
        %add3A_457 = arith.constant 256 : i32
        %add3A_458 = arith.addi %mul3A_99, %add3A_457 : i32
        %add3A_459 = arith.constant 16 : i32
        %add3A_460 = arith.addi %add3A_458, %add3A_459 : i32
        %swap3A_461 = arith.index_cast %add3A_460 : i32 to index
        %swap3A_462 = tpu.vector_load %arg7[%swap3A_461] {strides = array<i32>} : memref<65536xf32, #tpu.memory_space<vmem>>, vector<16xf32>,
        %swap3A_463 = vector.shape_cast %swap3A_462 : vector<16xf32> to vector<16xf32>
        %swap3A_464 = vector.shape_cast %get3A_314 : vector<16xf32> to vector<16xf32>
        tpu.vector_store %arg7[%swap3A_461], %swap3A_464 {strides = array<i32>} : memref<65536xf32, #tpu.memory_space<vmem>>, vector<16xf32>,
        %add3A_465 = arith.constant 256 : i32
        %add3A_466 = arith.addi %mul3A_99, %add3A_465 : i32
        %add3A_467 = arith.constant 32 : i32
        %add3A_468 = arith.addi %add3A_466, %add3A_467 : i32
        %swap3A_469 = arith.index_cast %add3A_468 : i32 to index
        %swap3A_470 = tpu.vector_load %arg7[%swap3A_469] {strides = array<i32>} : memref<65536xf32, #tpu.memory_space<vmem>>, vector<16xf32>,
        %swap3A_471 = vector.shape_cast %swap3A_470 : vector<16xf32> to vector<16xf32>
        %swap3A_472 = vector.shape_cast %get3A_319 : vector<16xf32> to vector<16xf32>
        tpu.vector_store %arg7[%swap3A_469], %swap3A_472 {strides = array<i32>} : memref<65536xf32, #tpu.memory_space<vmem>>, vector<16xf32>,
        %add3A_473 = arith.constant 256 : i32
        %add3A_474 = arith.addi %mul3A_99, %add3A_473 : i32
        %add3A_475 = arith.constant 48 : i32
        %add3A_476 = arith.addi %add3A_474, %add3A_475 : i32
        %swap3A_477 = arith.index_cast %add3A_476 : i32 to index
        %swap3A_478 = tpu.vector_load %arg7[%swap3A_477] {strides = array<i32>} : memref<65536xf32, #tpu.memory_space<vmem>>, vector<16xf32>,
        %swap3A_479 = vector.shape_cast %swap3A_478 : vector<16xf32> to vector<16xf32>
        %swap3A_480 = vector.shape_cast %get3A_324 : vector<16xf32> to vector<16xf32>
        tpu.vector_store %arg7[%swap3A_477], %swap3A_480 {strides = array<i32>} : memref<65536xf32, #tpu.memory_space<vmem>>, vector<16xf32>,
        %add3A_481 = arith.constant 256 : i32
        %add3A_482 = arith.addi %mul3A_99, %add3A_481 : i32
        %add3A_483 = arith.constant 64 : i32
        %add3A_484 = arith.addi %add3A_482, %add3A_483 : i32
        %swap3A_485 = arith.index_cast %add3A_484 : i32 to index
        %swap3A_486 = tpu.vector_load %arg7[%swap3A_485] {strides = array<i32>} : memref<65536xf32, #tpu.memory_space<vmem>>, vector<16xf32>,
        %swap3A_487 = vector.shape_cast %swap3A_486 : vector<16xf32> to vector<16xf32>
        %swap3A_488 = vector.shape_cast %get3A_329 : vector<16xf32> to vector<16xf32>
        tpu.vector_store %arg7[%swap3A_485], %swap3A_488 {strides = array<i32>} : memref<65536xf32, #tpu.memory_space<vmem>>, vector<16xf32>,
        %add3A_489 = arith.constant 256 : i32
        %add3A_490 = arith.addi %mul3A_99, %add3A_489 : i32
        %add3A_491 = arith.constant 80 : i32
        %add3A_492 = arith.addi %add3A_490, %add3A_491 : i32
        %swap3A_493 = arith.index_cast %add3A_492 : i32 to index
        %swap3A_494 = tpu.vector_load %arg7[%swap3A_493] {strides = array<i32>} : memref<65536xf32, #tpu.memory_space<vmem>>, vector<16xf32>,
        %swap3A_495 = vector.shape_cast %swap3A_494 : vector<16xf32> to vector<16xf32>
        %swap3A_496 = vector.shape_cast %get3A_334 : vector<16xf32> to vector<16xf32>
        tpu.vector_store %arg7[%swap3A_493], %swap3A_496 {strides = array<i32>} : memref<65536xf32, #tpu.memory_space<vmem>>, vector<16xf32>,
        %add3A_497 = arith.constant 256 : i32
        %add3A_498 = arith.addi %mul3A_99, %add3A_497 : i32
        %add3A_499 = arith.constant 96 : i32
        %add3A_500 = arith.addi %add3A_498, %add3A_499 : i32
        %swap3A_501 = arith.index_cast %add3A_500 : i32 to index
        %swap3A_502 = tpu.vector_load %arg7[%swap3A_501] {strides = array<i32>} : memref<65536xf32, #tpu.memory_space<vmem>>, vector<16xf32>,
        %swap3A_503 = vector.shape_cast %swap3A_502 : vector<16xf32> to vector<16xf32>
        %swap3A_504 = vector.shape_cast %get3A_339 : vector<16xf32> to vector<16xf32>
        tpu.vector_store %arg7[%swap3A_501], %swap3A_504 {strides = array<i32>} : memref<65536xf32, #tpu.memory_space<vmem>>, vector<16xf32>,
        %add3A_505 = arith.constant 256 : i32
        %add3A_506 = arith.addi %mul3A_99, %add3A_505 : i32
        %add3A_507 = arith.constant 112 : i32
        %add3A_508 = arith.addi %add3A_506, %add3A_507 : i32
        %swap3A_509 = arith.index_cast %add3A_508 : i32 to index
        %swap3A_510 = tpu.vector_load %arg7[%swap3A_509] {strides = array<i32>} : memref<65536xf32, #tpu.memory_space<vmem>>, vector<16xf32>,
        %swap3A_511 = vector.shape_cast %swap3A_510 : vector<16xf32> to vector<16xf32>
        %swap3A_512 = vector.shape_cast %get3A_344 : vector<16xf32> to vector<16xf32>
        tpu.vector_store %arg7[%swap3A_509], %swap3A_512 {strides = array<i32>} : memref<65536xf32, #tpu.memory_space<vmem>>, vector<16xf32>,
        %add3A_513 = arith.constant 0 : i32
        %add3A_514 = arith.addi %shift_left3A_116, %add3A_513 : i32
        %get3A_515 = arith.index_cast %add3A_514 : i32 to index
        %get3A_516 = tpu.vector_load %arg6[%get3A_515] {strides = array<i32>} : memref<768xf32, #tpu.memory_space<vmem>>, vector<16xf32>,
        %get3A_517 = vector.shape_cast %get3A_516 : vector<16xf32> to vector<16xf32>
        %add3A_518 = arith.constant 16 : i32
        %add3A_519 = arith.addi %shift_left3A_116, %add3A_518 : i32
        %get3A_520 = arith.index_cast %add3A_519 : i32 to index
        %get3A_521 = tpu.vector_load %arg6[%get3A_520] {strides = array<i32>} : memref<768xf32, #tpu.memory_space<vmem>>, vector<16xf32>,
        %get3A_522 = vector.shape_cast %get3A_521 : vector<16xf32> to vector<16xf32>
        %add3A_523 = arith.constant 32 : i32
        %add3A_524 = arith.addi %shift_left3A_116, %add3A_523 : i32
        %get3A_525 = arith.index_cast %add3A_524 : i32 to index
        %get3A_526 = tpu.vector_load %arg6[%get3A_525] {strides = array<i32>} : memref<768xf32, #tpu.memory_space<vmem>>, vector<16xf32>,
        %get3A_527 = vector.shape_cast %get3A_526 : vector<16xf32> to vector<16xf32>
        %add3A_528 = arith.constant 48 : i32
        %add3A_529 = arith.addi %shift_left3A_116, %add3A_528 : i32
        %get3A_530 = arith.index_cast %add3A_529 : i32 to index
        %get3A_531 = tpu.vector_load %arg6[%get3A_530] {strides = array<i32>} : memref<768xf32, #tpu.memory_space<vmem>>, vector<16xf32>,
        %get3A_532 = vector.shape_cast %get3A_531 : vector<16xf32> to vector<16xf32>
        %add3A_533 = arith.constant 64 : i32
        %add3A_534 = arith.addi %shift_left3A_116, %add3A_533 : i32
        %get3A_535 = arith.index_cast %add3A_534 : i32 to index
        %get3A_536 = tpu.vector_load %arg6[%get3A_535] {strides = array<i32>} : memref<768xf32, #tpu.memory_space<vmem>>, vector<16xf32>,
        %get3A_537 = vector.shape_cast %get3A_536 : vector<16xf32> to vector<16xf32>
        %add3A_538 = arith.constant 80 : i32
        %add3A_539 = arith.addi %shift_left3A_116, %add3A_538 : i32
        %get3A_540 = arith.index_cast %add3A_539 : i32 to index
        %get3A_541 = tpu.vector_load %arg6[%get3A_540] {strides = array<i32>} : memref<768xf32, #tpu.memory_space<vmem>>, vector<16xf32>,
        %get3A_542 = vector.shape_cast %get3A_541 : vector<16xf32> to vector<16xf32>
        %add3A_543 = arith.constant 96 : i32
        %add3A_544 = arith.addi %shift_left3A_116, %add3A_543 : i32
        %get3A_545 = arith.index_cast %add3A_544 : i32 to index
        %get3A_546 = tpu.vector_load %arg6[%get3A_545] {strides = array<i32>} : memref<768xf32, #tpu.memory_space<vmem>>, vector<16xf32>,
        %get3A_547 = vector.shape_cast %get3A_546 : vector<16xf32> to vector<16xf32>
        %add3A_548 = arith.constant 112 : i32
        %add3A_549 = arith.addi %shift_left3A_116, %add3A_548 : i32
        %get3A_550 = arith.index_cast %add3A_549 : i32 to index
        %get3A_551 = tpu.vector_load %arg6[%get3A_550] {strides = array<i32>} : memref<768xf32, #tpu.memory_space<vmem>>, vector<16xf32>,
        %get3A_552 = vector.shape_cast %get3A_551 : vector<16xf32> to vector<16xf32>
        %add3A_553 = arith.constant 384 : i32
        %add3A_554 = arith.addi %mul3A_99, %add3A_553 : i32
        %add3A_555 = arith.constant 0 : i32
        %add3A_556 = arith.addi %add3A_554, %add3A_555 : i32
        %swap3A_557 = arith.index_cast %add3A_556 : i32 to index
        %swap3A_558 = tpu.vector_load %arg7[%swap3A_557] {strides = array<i32>} : memref<65536xf32, #tpu.memory_space<vmem>>, vector<16xf32>,
        %swap3A_559 = vector.shape_cast %swap3A_558 : vector<16xf32> to vector<16xf32>
        %swap3A_560 = vector.shape_cast %get3A_413 : vector<16xf32> to vector<16xf32>
        tpu.vector_store %arg7[%swap3A_557], %swap3A_560 {strides = array<i32>} : memref<65536xf32, #tpu.memory_space<vmem>>, vector<16xf32>,
        %add3A_561 = arith.constant 384 : i32
        %add3A_562 = arith.addi %mul3A_99, %add3A_561 : i32
        %add3A_563 = arith.constant 16 : i32
        %add3A_564 = arith.addi %add3A_562, %add3A_563 : i32
        %swap3A_565 = arith.index_cast %add3A_564 : i32 to index
        %swap3A_566 = tpu.vector_load %arg7[%swap3A_565] {strides = array<i32>} : memref<65536xf32, #tpu.memory_space<vmem>>, vector<16xf32>,
        %swap3A_567 = vector.shape_cast %swap3A_566 : vector<16xf32> to vector<16xf32>
        %swap3A_568 = vector.shape_cast %get3A_418 : vector<16xf32> to vector<16xf32>
        tpu.vector_store %arg7[%swap3A_565], %swap3A_568 {strides = array<i32>} : memref<65536xf32, #tpu.memory_space<vmem>>, vector<16xf32>,
        %add3A_569 = arith.constant 384 : i32
        %add3A_570 = arith.addi %mul3A_99, %add3A_569 : i32
        %add3A_571 = arith.constant 32 : i32
        %add3A_572 = arith.addi %add3A_570, %add3A_571 : i32
        %swap3A_573 = arith.index_cast %add3A_572 : i32 to index
        %swap3A_574 = tpu.vector_load %arg7[%swap3A_573] {strides = array<i32>} : memref<65536xf32, #tpu.memory_space<vmem>>, vector<16xf32>,
        %swap3A_575 = vector.shape_cast %swap3A_574 : vector<16xf32> to vector<16xf32>
        %swap3A_576 = vector.shape_cast %get3A_423 : vector<16xf32> to vector<16xf32>
        tpu.vector_store %arg7[%swap3A_573], %swap3A_576 {strides = array<i32>} : memref<65536xf32, #tpu.memory_space<vmem>>, vector<16xf32>,
        %add3A_577 = arith.constant 384 : i32
        %add3A_578 = arith.addi %mul3A_99, %add3A_577 : i32
        %add3A_579 = arith.constant 48 : i32
        %add3A_580 = arith.addi %add3A_578, %add3A_579 : i32
        %swap3A_581 = arith.index_cast %add3A_580 : i32 to index
        %swap3A_582 = tpu.vector_load %arg7[%swap3A_581] {strides = array<i32>} : memref<65536xf32, #tpu.memory_space<vmem>>, vector<16xf32>,
        %swap3A_583 = vector.shape_cast %swap3A_582 : vector<16xf32> to vector<16xf32>
        %swap3A_584 = vector.shape_cast %get3A_428 : vector<16xf32> to vector<16xf32>
        tpu.vector_store %arg7[%swap3A_581], %swap3A_584 {strides = array<i32>} : memref<65536xf32, #tpu.memory_space<vmem>>, vector<16xf32>,
        %add3A_585 = arith.constant 384 : i32
        %add3A_586 = arith.addi %mul3A_99, %add3A_585 : i32
        %add3A_587 = arith.constant 64 : i32
        %add3A_588 = arith.addi %add3A_586, %add3A_587 : i32
        %swap3A_589 = arith.index_cast %add3A_588 : i32 to index
        %swap3A_590 = tpu.vector_load %arg7[%swap3A_589] {strides = array<i32>} : memref<65536xf32, #tpu.memory_space<vmem>>, vector<16xf32>,
        %swap3A_591 = vector.shape_cast %swap3A_590 : vector<16xf32> to vector<16xf32>
        %swap3A_592 = vector.shape_cast %get3A_433 : vector<16xf32> to vector<16xf32>
        tpu.vector_store %arg7[%swap3A_589], %swap3A_592 {strides = array<i32>} : memref<65536xf32, #tpu.memory_space<vmem>>, vector<16xf32>,
        %add3A_593 = arith.constant 384 : i32
        %add3A_594 = arith.addi %mul3A_99, %add3A_593 : i32
        %add3A_595 = arith.constant 80 : i32
        %add3A_596 = arith.addi %add3A_594, %add3A_595 : i32
        %swap3A_597 = arith.index_cast %add3A_596 : i32 to index
        %swap3A_598 = tpu.vector_load %arg7[%swap3A_597] {strides = array<i32>} : memref<65536xf32, #tpu.memory_space<vmem>>, vector<16xf32>,
        %swap3A_599 = vector.shape_cast %swap3A_598 : vector<16xf32> to vector<16xf32>
        %swap3A_600 = vector.shape_cast %get3A_438 : vector<16xf32> to vector<16xf32>
        tpu.vector_store %arg7[%swap3A_597], %swap3A_600 {strides = array<i32>} : memref<65536xf32, #tpu.memory_space<vmem>>, vector<16xf32>,
        %add3A_601 = arith.constant 384 : i32
        %add3A_602 = arith.addi %mul3A_99, %add3A_601 : i32
        %add3A_603 = arith.constant 96 : i32
        %add3A_604 = arith.addi %add3A_602, %add3A_603 : i32
        %swap3A_605 = arith.index_cast %add3A_604 : i32 to index
        %swap3A_606 = tpu.vector_load %arg7[%swap3A_605] {strides = array<i32>} : memref<65536xf32, #tpu.memory_space<vmem>>, vector<16xf32>,
        %swap3A_607 = vector.shape_cast %swap3A_606 : vector<16xf32> to vector<16xf32>
        %swap3A_608 = vector.shape_cast %get3A_443 : vector<16xf32> to vector<16xf32>
        tpu.vector_store %arg7[%swap3A_605], %swap3A_608 {strides = array<i32>} : memref<65536xf32, #tpu.memory_space<vmem>>, vector<16xf32>,
        %add3A_609 = arith.constant 384 : i32
        %add3A_610 = arith.addi %mul3A_99, %add3A_609 : i32
        %add3A_611 = arith.constant 112 : i32
        %add3A_612 = arith.addi %add3A_610, %add3A_611 : i32
        %swap3A_613 = arith.index_cast %add3A_612 : i32 to index
        %swap3A_614 = tpu.vector_load %arg7[%swap3A_613] {strides = array<i32>} : memref<65536xf32, #tpu.memory_space<vmem>>, vector<16xf32>,
        %swap3A_615 = vector.shape_cast %swap3A_614 : vector<16xf32> to vector<16xf32>
        %swap3A_616 = vector.shape_cast %get3A_448 : vector<16xf32> to vector<16xf32>
        tpu.vector_store %arg7[%swap3A_613], %swap3A_616 {strides = array<i32>} : memref<65536xf32, #tpu.memory_space<vmem>>, vector<16xf32>,
        %add3A_617 = arith.constant 0 : i32
        %add3A_618 = arith.addi %shift_left3A_120, %add3A_617 : i32
        %get3A_619 = arith.index_cast %add3A_618 : i32 to index
        %get3A_620 = tpu.vector_load %arg6[%get3A_619] {strides = array<i32>} : memref<768xf32, #tpu.memory_space<vmem>>, vector<16xf32>,
        %get3A_621 = vector.shape_cast %get3A_620 : vector<16xf32> to vector<16xf32>
        %add3A_622 = arith.constant 16 : i32
        %add3A_623 = arith.addi %shift_left3A_120, %add3A_622 : i32
        %get3A_624 = arith.index_cast %add3A_623 : i32 to index
        %get3A_625 = tpu.vector_load %arg6[%get3A_624] {strides = array<i32>} : memref<768xf32, #tpu.memory_space<vmem>>, vector<16xf32>,
        %get3A_626 = vector.shape_cast %get3A_625 : vector<16xf32> to vector<16xf32>
        %add3A_627 = arith.constant 32 : i32
        %add3A_628 = arith.addi %shift_left3A_120, %add3A_627 : i32
        %get3A_629 = arith.index_cast %add3A_628 : i32 to index
        %get3A_630 = tpu.vector_load %arg6[%get3A_629] {strides = array<i32>} : memref<768xf32, #tpu.memory_space<vmem>>, vector<16xf32>,
        %get3A_631 = vector.shape_cast %get3A_630 : vector<16xf32> to vector<16xf32>
        %add3A_632 = arith.constant 48 : i32
        %add3A_633 = arith.addi %shift_left3A_120, %add3A_632 : i32
        %get3A_634 = arith.index_cast %add3A_633 : i32 to index
        %get3A_635 = tpu.vector_load %arg6[%get3A_634] {strides = array<i32>} : memref<768xf32, #tpu.memory_space<vmem>>, vector<16xf32>,
        %get3A_636 = vector.shape_cast %get3A_635 : vector<16xf32> to vector<16xf32>
        %add3A_637 = arith.constant 64 : i32
        %add3A_638 = arith.addi %shift_left3A_120, %add3A_637 : i32
        %get3A_639 = arith.index_cast %add3A_638 : i32 to index
        %get3A_640 = tpu.vector_load %arg6[%get3A_639] {strides = array<i32>} : memref<768xf32, #tpu.memory_space<vmem>>, vector<16xf32>,
        %get3A_641 = vector.shape_cast %get3A_640 : vector<16xf32> to vector<16xf32>
        %add3A_642 = arith.constant 80 : i32
        %add3A_643 = arith.addi %shift_left3A_120, %add3A_642 : i32
        %get3A_644 = arith.index_cast %add3A_643 : i32 to index
        %get3A_645 = tpu.vector_load %arg6[%get3A_644] {strides = array<i32>} : memref<768xf32, #tpu.memory_space<vmem>>, vector<16xf32>,
        %get3A_646 = vector.shape_cast %get3A_645 : vector<16xf32> to vector<16xf32>
        %add3A_647 = arith.constant 96 : i32
        %add3A_648 = arith.addi %shift_left3A_120, %add3A_647 : i32
        %get3A_649 = arith.index_cast %add3A_648 : i32 to index
        %get3A_650 = tpu.vector_load %arg6[%get3A_649] {strides = array<i32>} : memref<768xf32, #tpu.memory_space<vmem>>, vector<16xf32>,
        %get3A_651 = vector.shape_cast %get3A_650 : vector<16xf32> to vector<16xf32>
        %add3A_652 = arith.constant 112 : i32
        %add3A_653 = arith.addi %shift_left3A_120, %add3A_652 : i32
        %get3A_654 = arith.index_cast %add3A_653 : i32 to index
        %get3A_655 = tpu.vector_load %arg6[%get3A_654] {strides = array<i32>} : memref<768xf32, #tpu.memory_space<vmem>>, vector<16xf32>,
        %get3A_656 = vector.shape_cast %get3A_655 : vector<16xf32> to vector<16xf32>
        %add3A_657 = arith.constant 512 : i32
        %add3A_658 = arith.addi %mul3A_99, %add3A_657 : i32
        %add3A_659 = arith.constant 0 : i32
        %add3A_660 = arith.addi %add3A_658, %add3A_659 : i32
        %swap3A_661 = arith.index_cast %add3A_660 : i32 to index
        %swap3A_662 = tpu.vector_load %arg7[%swap3A_661] {strides = array<i32>} : memref<65536xf32, #tpu.memory_space<vmem>>, vector<16xf32>,
        %swap3A_663 = vector.shape_cast %swap3A_662 : vector<16xf32> to vector<16xf32>
        %swap3A_664 = vector.shape_cast %get3A_517 : vector<16xf32> to vector<16xf32>
        tpu.vector_store %arg7[%swap3A_661], %swap3A_664 {strides = array<i32>} : memref<65536xf32, #tpu.memory_space<vmem>>, vector<16xf32>,
        %add3A_665 = arith.constant 512 : i32
        %add3A_666 = arith.addi %mul3A_99, %add3A_665 : i32
        %add3A_667 = arith.constant 16 : i32
        %add3A_668 = arith.addi %add3A_666, %add3A_667 : i32
        %swap3A_669 = arith.index_cast %add3A_668 : i32 to index
        %swap3A_670 = tpu.vector_load %arg7[%swap3A_669] {strides = array<i32>} : memref<65536xf32, #tpu.memory_space<vmem>>, vector<16xf32>,
        %swap3A_671 = vector.shape_cast %swap3A_670 : vector<16xf32> to vector<16xf32>
        %swap3A_672 = vector.shape_cast %get3A_522 : vector<16xf32> to vector<16xf32>
        tpu.vector_store %arg7[%swap3A_669], %swap3A_672 {strides = array<i32>} : memref<65536xf32, #tpu.memory_space<vmem>>, vector<16xf32>,
        %add3A_673 = arith.constant 512 : i32
        %add3A_674 = arith.addi %mul3A_99, %add3A_673 : i32
        %add3A_675 = arith.constant 32 : i32
        %add3A_676 = arith.addi %add3A_674, %add3A_675 : i32
        %swap3A_677 = arith.index_cast %add3A_676 : i32 to index
        %swap3A_678 = tpu.vector_load %arg7[%swap3A_677] {strides = array<i32>} : memref<65536xf32, #tpu.memory_space<vmem>>, vector<16xf32>,
        %swap3A_679 = vector.shape_cast %swap3A_678 : vector<16xf32> to vector<16xf32>
        %swap3A_680 = vector.shape_cast %get3A_527 : vector<16xf32> to vector<16xf32>
        tpu.vector_store %arg7[%swap3A_677], %swap3A_680 {strides = array<i32>} : memref<65536xf32, #tpu.memory_space<vmem>>, vector<16xf32>,
        %add3A_681 = arith.constant 512 : i32
        %add3A_682 = arith.addi %mul3A_99, %add3A_681 : i32
        %add3A_683 = arith.constant 48 : i32
        %add3A_684 = arith.addi %add3A_682, %add3A_683 : i32
        %swap3A_685 = arith.index_cast %add3A_684 : i32 to index
        %swap3A_686 = tpu.vector_load %arg7[%swap3A_685] {strides = array<i32>} : memref<65536xf32, #tpu.memory_space<vmem>>, vector<16xf32>,
        %swap3A_687 = vector.shape_cast %swap3A_686 : vector<16xf32> to vector<16xf32>
        %swap3A_688 = vector.shape_cast %get3A_532 : vector<16xf32> to vector<16xf32>
        tpu.vector_store %arg7[%swap3A_685], %swap3A_688 {strides = array<i32>} : memref<65536xf32, #tpu.memory_space<vmem>>, vector<16xf32>,
        %add3A_689 = arith.constant 512 : i32
        %add3A_690 = arith.addi %mul3A_99, %add3A_689 : i32
        %add3A_691 = arith.constant 64 : i32
        %add3A_692 = arith.addi %add3A_690, %add3A_691 : i32
        %swap3A_693 = arith.index_cast %add3A_692 : i32 to index
        %swap3A_694 = tpu.vector_load %arg7[%swap3A_693] {strides = array<i32>} : memref<65536xf32, #tpu.memory_space<vmem>>, vector<16xf32>,
        %swap3A_695 = vector.shape_cast %swap3A_694 : vector<16xf32> to vector<16xf32>
        %swap3A_696 = vector.shape_cast %get3A_537 : vector<16xf32> to vector<16xf32>
        tpu.vector_store %arg7[%swap3A_693], %swap3A_696 {strides = array<i32>} : memref<65536xf32, #tpu.memory_space<vmem>>, vector<16xf32>,
        %add3A_697 = arith.constant 512 : i32
        %add3A_698 = arith.addi %mul3A_99, %add3A_697 : i32
        %add3A_699 = arith.constant 80 : i32
        %add3A_700 = arith.addi %add3A_698, %add3A_699 : i32
        %swap3A_701 = arith.index_cast %add3A_700 : i32 to index
        %swap3A_702 = tpu.vector_load %arg7[%swap3A_701] {strides = array<i32>} : memref<65536xf32, #tpu.memory_space<vmem>>, vector<16xf32>,
        %swap3A_703 = vector.shape_cast %swap3A_702 : vector<16xf32> to vector<16xf32>
        %swap3A_704 = vector.shape_cast %get3A_542 : vector<16xf32> to vector<16xf32>
        tpu.vector_store %arg7[%swap3A_701], %swap3A_704 {strides = array<i32>} : memref<65536xf32, #tpu.memory_space<vmem>>, vector<16xf32>,
        %add3A_705 = arith.constant 512 : i32
        %add3A_706 = arith.addi %mul3A_99, %add3A_705 : i32
        %add3A_707 = arith.constant 96 : i32
        %add3A_708 = arith.addi %add3A_706, %add3A_707 : i32
        %swap3A_709 = arith.index_cast %add3A_708 : i32 to index
        %swap3A_710 = tpu.vector_load %arg7[%swap3A_709] {strides = array<i32>} : memref<65536xf32, #tpu.memory_space<vmem>>, vector<16xf32>,
        %swap3A_711 = vector.shape_cast %swap3A_710 : vector<16xf32> to vector<16xf32>
        %swap3A_712 = vector.shape_cast %get3A_547 : vector<16xf32> to vector<16xf32>
        tpu.vector_store %arg7[%swap3A_709], %swap3A_712 {strides = array<i32>} : memref<65536xf32, #tpu.memory_space<vmem>>, vector<16xf32>,
        %add3A_713 = arith.constant 512 : i32
        %add3A_714 = arith.addi %mul3A_99, %add3A_713 : i32
        %add3A_715 = arith.constant 112 : i32
        %add3A_716 = arith.addi %add3A_714, %add3A_715 : i32
        %swap3A_717 = arith.index_cast %add3A_716 : i32 to index
        %swap3A_718 = tpu.vector_load %arg7[%swap3A_717] {strides = array<i32>} : memref<65536xf32, #tpu.memory_space<vmem>>, vector<16xf32>,
        %swap3A_719 = vector.shape_cast %swap3A_718 : vector<16xf32> to vector<16xf32>
        %swap3A_720 = vector.shape_cast %get3A_552 : vector<16xf32> to vector<16xf32>
        tpu.vector_store %arg7[%swap3A_717], %swap3A_720 {strides = array<i32>} : memref<65536xf32, #tpu.memory_space<vmem>>, vector<16xf32>,
        %add3A_721 = arith.constant 0 : i32
        %add3A_722 = arith.addi %shift_left3A_124, %add3A_721 : i32
        %get3A_723 = arith.index_cast %add3A_722 : i32 to index
        %get3A_724 = tpu.vector_load %arg6[%get3A_723] {strides = array<i32>} : memref<768xf32, #tpu.memory_space<vmem>>, vector<16xf32>,
        %get3A_725 = vector.shape_cast %get3A_724 : vector<16xf32> to vector<16xf32>
        %add3A_726 = arith.constant 16 : i32
        %add3A_727 = arith.addi %shift_left3A_124, %add3A_726 : i32
        %get3A_728 = arith.index_cast %add3A_727 : i32 to index
        %get3A_729 = tpu.vector_load %arg6[%get3A_728] {strides = array<i32>} : memref<768xf32, #tpu.memory_space<vmem>>, vector<16xf32>,
        %get3A_730 = vector.shape_cast %get3A_729 : vector<16xf32> to vector<16xf32>
        %add3A_731 = arith.constant 32 : i32
        %add3A_732 = arith.addi %shift_left3A_124, %add3A_731 : i32
        %get3A_733 = arith.index_cast %add3A_732 : i32 to index
        %get3A_734 = tpu.vector_load %arg6[%get3A_733] {strides = array<i32>} : memref<768xf32, #tpu.memory_space<vmem>>, vector<16xf32>,
        %get3A_735 = vector.shape_cast %get3A_734 : vector<16xf32> to vector<16xf32>
        %add3A_736 = arith.constant 48 : i32
        %add3A_737 = arith.addi %shift_left3A_124, %add3A_736 : i32
        %get3A_738 = arith.index_cast %add3A_737 : i32 to index
        %get3A_739 = tpu.vector_load %arg6[%get3A_738] {strides = array<i32>} : memref<768xf32, #tpu.memory_space<vmem>>, vector<16xf32>,
        %get3A_740 = vector.shape_cast %get3A_739 : vector<16xf32> to vector<16xf32>
        %add3A_741 = arith.constant 64 : i32
        %add3A_742 = arith.addi %shift_left3A_124, %add3A_741 : i32
        %get3A_743 = arith.index_cast %add3A_742 : i32 to index
        %get3A_744 = tpu.vector_load %arg6[%get3A_743] {strides = array<i32>} : memref<768xf32, #tpu.memory_space<vmem>>, vector<16xf32>,
        %get3A_745 = vector.shape_cast %get3A_744 : vector<16xf32> to vector<16xf32>
        %add3A_746 = arith.constant 80 : i32
        %add3A_747 = arith.addi %shift_left3A_124, %add3A_746 : i32
        %get3A_748 = arith.index_cast %add3A_747 : i32 to index
        %get3A_749 = tpu.vector_load %arg6[%get3A_748] {strides = array<i32>} : memref<768xf32, #tpu.memory_space<vmem>>, vector<16xf32>,
        %get3A_750 = vector.shape_cast %get3A_749 : vector<16xf32> to vector<16xf32>
        %add3A_751 = arith.constant 96 : i32
        %add3A_752 = arith.addi %shift_left3A_124, %add3A_751 : i32
        %get3A_753 = arith.index_cast %add3A_752 : i32 to index
        %get3A_754 = tpu.vector_load %arg6[%get3A_753] {strides = array<i32>} : memref<768xf32, #tpu.memory_space<vmem>>, vector<16xf32>,
        %get3A_755 = vector.shape_cast %get3A_754 : vector<16xf32> to vector<16xf32>
        %add3A_756 = arith.constant 112 : i32
        %add3A_757 = arith.addi %shift_left3A_124, %add3A_756 : i32
        %get3A_758 = arith.index_cast %add3A_757 : i32 to index
        %get3A_759 = tpu.vector_load %arg6[%get3A_758] {strides = array<i32>} : memref<768xf32, #tpu.memory_space<vmem>>, vector<16xf32>,
        %get3A_760 = vector.shape_cast %get3A_759 : vector<16xf32> to vector<16xf32>
        %add3A_761 = arith.constant 640 : i32
        %add3A_762 = arith.addi %mul3A_99, %add3A_761 : i32
        %add3A_763 = arith.constant 0 : i32
        %add3A_764 = arith.addi %add3A_762, %add3A_763 : i32
        %swap3A_765 = arith.index_cast %add3A_764 : i32 to index
        %swap3A_766 = tpu.vector_load %arg7[%swap3A_765] {strides = array<i32>} : memref<65536xf32, #tpu.memory_space<vmem>>, vector<16xf32>,
        %swap3A_767 = vector.shape_cast %swap3A_766 : vector<16xf32> to vector<16xf32>
        %swap3A_768 = vector.shape_cast %get3A_621 : vector<16xf32> to vector<16xf32>
        tpu.vector_store %arg7[%swap3A_765], %swap3A_768 {strides = array<i32>} : memref<65536xf32, #tpu.memory_space<vmem>>, vector<16xf32>,
        %add3A_769 = arith.constant 640 : i32
        %add3A_770 = arith.addi %mul3A_99, %add3A_769 : i32
        %add3A_771 = arith.constant 16 : i32
        %add3A_772 = arith.addi %add3A_770, %add3A_771 : i32
        %swap3A_773 = arith.index_cast %add3A_772 : i32 to index
        %swap3A_774 = tpu.vector_load %arg7[%swap3A_773] {strides = array<i32>} : memref<65536xf32, #tpu.memory_space<vmem>>, vector<16xf32>,
        %swap3A_775 = vector.shape_cast %swap3A_774 : vector<16xf32> to vector<16xf32>
        %swap3A_776 = vector.shape_cast %get3A_626 : vector<16xf32> to vector<16xf32>
        tpu.vector_store %arg7[%swap3A_773], %swap3A_776 {strides = array<i32>} : memref<65536xf32, #tpu.memory_space<vmem>>, vector<16xf32>,
        %add3A_777 = arith.constant 640 : i32
        %add3A_778 = arith.addi %mul3A_99, %add3A_777 : i32
        %add3A_779 = arith.constant 32 : i32
        %add3A_780 = arith.addi %add3A_778, %add3A_779 : i32
        %swap3A_781 = arith.index_cast %add3A_780 : i32 to index
        %swap3A_782 = tpu.vector_load %arg7[%swap3A_781] {strides = array<i32>} : memref<65536xf32, #tpu.memory_space<vmem>>, vector<16xf32>,
        %swap3A_783 = vector.shape_cast %swap3A_782 : vector<16xf32> to vector<16xf32>
        %swap3A_784 = vector.shape_cast %get3A_631 : vector<16xf32> to vector<16xf32>
        tpu.vector_store %arg7[%swap3A_781], %swap3A_784 {strides = array<i32>} : memref<65536xf32, #tpu.memory_space<vmem>>, vector<16xf32>,
        %add3A_785 = arith.constant 640 : i32
        %add3A_786 = arith.addi %mul3A_99, %add3A_785 : i32
        %add3A_787 = arith.constant 48 : i32
        %add3A_788 = arith.addi %add3A_786, %add3A_787 : i32
        %swap3A_789 = arith.index_cast %add3A_788 : i32 to index
        %swap3A_790 = tpu.vector_load %arg7[%swap3A_789] {strides = array<i32>} : memref<65536xf32, #tpu.memory_space<vmem>>, vector<16xf32>,
        %swap3A_791 = vector.shape_cast %swap3A_790 : vector<16xf32> to vector<16xf32>
        %swap3A_792 = vector.shape_cast %get3A_636 : vector<16xf32> to vector<16xf32>
        tpu.vector_store %arg7[%swap3A_789], %swap3A_792 {strides = array<i32>} : memref<65536xf32, #tpu.memory_space<vmem>>, vector<16xf32>,
        %add3A_793 = arith.constant 640 : i32
        %add3A_794 = arith.addi %mul3A_99, %add3A_793 : i32
        %add3A_795 = arith.constant 64 : i32
        %add3A_796 = arith.addi %add3A_794, %add3A_795 : i32
        %swap3A_797 = arith.index_cast %add3A_796 : i32 to index
        %swap3A_798 = tpu.vector_load %arg7[%swap3A_797] {strides = array<i32>} : memref<65536xf32, #tpu.memory_space<vmem>>, vector<16xf32>,
        %swap3A_799 = vector.shape_cast %swap3A_798 : vector<16xf32> to vector<16xf32>
        %swap3A_800 = vector.shape_cast %get3A_641 : vector<16xf32> to vector<16xf32>
        tpu.vector_store %arg7[%swap3A_797], %swap3A_800 {strides = array<i32>} : memref<65536xf32, #tpu.memory_space<vmem>>, vector<16xf32>,
        %add3A_801 = arith.constant 640 : i32
        %add3A_802 = arith.addi %mul3A_99, %add3A_801 : i32
        %add3A_803 = arith.constant 80 : i32
        %add3A_804 = arith.addi %add3A_802, %add3A_803 : i32
        %swap3A_805 = arith.index_cast %add3A_804 : i32 to index
        %swap3A_806 = tpu.vector_load %arg7[%swap3A_805] {strides = array<i32>} : memref<65536xf32, #tpu.memory_space<vmem>>, vector<16xf32>,
        %swap3A_807 = vector.shape_cast %swap3A_806 : vector<16xf32> to vector<16xf32>
        %swap3A_808 = vector.shape_cast %get3A_646 : vector<16xf32> to vector<16xf32>
        tpu.vector_store %arg7[%swap3A_805], %swap3A_808 {strides = array<i32>} : memref<65536xf32, #tpu.memory_space<vmem>>, vector<16xf32>,
        %add3A_809 = arith.constant 640 : i32
        %add3A_810 = arith.addi %mul3A_99, %add3A_809 : i32
        %add3A_811 = arith.constant 96 : i32
        %add3A_812 = arith.addi %add3A_810, %add3A_811 : i32
        %swap3A_813 = arith.index_cast %add3A_812 : i32 to index
        %swap3A_814 = tpu.vector_load %arg7[%swap3A_813] {strides = array<i32>} : memref<65536xf32, #tpu.memory_space<vmem>>, vector<16xf32>,
        %swap3A_815 = vector.shape_cast %swap3A_814 : vector<16xf32> to vector<16xf32>
        %swap3A_816 = vector.shape_cast %get3A_651 : vector<16xf32> to vector<16xf32>
        tpu.vector_store %arg7[%swap3A_813], %swap3A_816 {strides = array<i32>} : memref<65536xf32, #tpu.memory_space<vmem>>, vector<16xf32>,
        %add3A_817 = arith.constant 640 : i32
        %add3A_818 = arith.addi %mul3A_99, %add3A_817 : i32
        %add3A_819 = arith.constant 112 : i32
        %add3A_820 = arith.addi %add3A_818, %add3A_819 : i32
        %swap3A_821 = arith.index_cast %add3A_820 : i32 to index
        %swap3A_822 = tpu.vector_load %arg7[%swap3A_821] {strides = array<i32>} : memref<65536xf32, #tpu.memory_space<vmem>>, vector<16xf32>,
        %swap3A_823 = vector.shape_cast %swap3A_822 : vector<16xf32> to vector<16xf32>
        %swap3A_824 = vector.shape_cast %get3A_656 : vector<16xf32> to vector<16xf32>
        tpu.vector_store %arg7[%swap3A_821], %swap3A_824 {strides = array<i32>} : memref<65536xf32, #tpu.memory_space<vmem>>, vector<16xf32>,
        %add3A_825 = arith.constant 0 : i32
        %add3A_826 = arith.addi %shift_left3A_128, %add3A_825 : i32
        %get3A_827 = arith.index_cast %add3A_826 : i32 to index
        %get3A_828 = tpu.vector_load %arg6[%get3A_827] {strides = array<i32>} : memref<768xf32, #tpu.memory_space<vmem>>, vector<16xf32>,
        %get3A_829 = vector.shape_cast %get3A_828 : vector<16xf32> to vector<16xf32>
        %add3A_830 = arith.constant 16 : i32
        %add3A_831 = arith.addi %shift_left3A_128, %add3A_830 : i32
        %get3A_832 = arith.index_cast %add3A_831 : i32 to index
        %get3A_833 = tpu.vector_load %arg6[%get3A_832] {strides = array<i32>} : memref<768xf32, #tpu.memory_space<vmem>>, vector<16xf32>,
        %get3A_834 = vector.shape_cast %get3A_833 : vector<16xf32> to vector<16xf32>
        %add3A_835 = arith.constant 32 : i32
        %add3A_836 = arith.addi %shift_left3A_128, %add3A_835 : i32
        %get3A_837 = arith.index_cast %add3A_836 : i32 to index
        %get3A_838 = tpu.vector_load %arg6[%get3A_837] {strides = array<i32>} : memref<768xf32, #tpu.memory_space<vmem>>, vector<16xf32>,
        %get3A_839 = vector.shape_cast %get3A_838 : vector<16xf32> to vector<16xf32>
        %add3A_840 = arith.constant 48 : i32
        %add3A_841 = arith.addi %shift_left3A_128, %add3A_840 : i32
        %get3A_842 = arith.index_cast %add3A_841 : i32 to index
        %get3A_843 = tpu.vector_load %arg6[%get3A_842] {strides = array<i32>} : memref<768xf32, #tpu.memory_space<vmem>>, vector<16xf32>,
        %get3A_844 = vector.shape_cast %get3A_843 : vector<16xf32> to vector<16xf32>
        %add3A_845 = arith.constant 64 : i32
        %add3A_846 = arith.addi %shift_left3A_128, %add3A_845 : i32
        %get3A_847 = arith.index_cast %add3A_846 : i32 to index
        %get3A_848 = tpu.vector_load %arg6[%get3A_847] {strides = array<i32>} : memref<768xf32, #tpu.memory_space<vmem>>, vector<16xf32>,
        %get3A_849 = vector.shape_cast %get3A_848 : vector<16xf32> to vector<16xf32>
        %add3A_850 = arith.constant 80 : i32
        %add3A_851 = arith.addi %shift_left3A_128, %add3A_850 : i32
        %get3A_852 = arith.index_cast %add3A_851 : i32 to index
        %get3A_853 = tpu.vector_load %arg6[%get3A_852] {strides = array<i32>} : memref<768xf32, #tpu.memory_space<vmem>>, vector<16xf32>,
        %get3A_854 = vector.shape_cast %get3A_853 : vector<16xf32> to vector<16xf32>
        %add3A_855 = arith.constant 96 : i32
        %add3A_856 = arith.addi %shift_left3A_128, %add3A_855 : i32
        %get3A_857 = arith.index_cast %add3A_856 : i32 to index
        %get3A_858 = tpu.vector_load %arg6[%get3A_857] {strides = array<i32>} : memref<768xf32, #tpu.memory_space<vmem>>, vector<16xf32>,
        %get3A_859 = vector.shape_cast %get3A_858 : vector<16xf32> to vector<16xf32>
        %add3A_860 = arith.constant 112 : i32
        %add3A_861 = arith.addi %shift_left3A_128, %add3A_860 : i32
        %get3A_862 = arith.index_cast %add3A_861 : i32 to index
        %get3A_863 = tpu.vector_load %arg6[%get3A_862] {strides = array<i32>} : memref<768xf32, #tpu.memory_space<vmem>>, vector<16xf32>,
        %get3A_864 = vector.shape_cast %get3A_863 : vector<16xf32> to vector<16xf32>
        %add3A_865 = arith.constant 768 : i32
        %add3A_866 = arith.addi %mul3A_99, %add3A_865 : i32
        %add3A_867 = arith.constant 0 : i32
        %add3A_868 = arith.addi %add3A_866, %add3A_867 : i32
        %swap3A_869 = arith.index_cast %add3A_868 : i32 to index
        %swap3A_870 = tpu.vector_load %arg7[%swap3A_869] {strides = array<i32>} : memref<65536xf32, #tpu.memory_space<vmem>>, vector<16xf32>,
        %swap3A_871 = vector.shape_cast %swap3A_870 : vector<16xf32> to vector<16xf32>
        %swap3A_872 = vector.shape_cast %get3A_725 : vector<16xf32> to vector<16xf32>
        tpu.vector_store %arg7[%swap3A_869], %swap3A_872 {strides = array<i32>} : memref<65536xf32, #tpu.memory_space<vmem>>, vector<16xf32>,
        %add3A_873 = arith.constant 768 : i32
        %add3A_874 = arith.addi %mul3A_99, %add3A_873 : i32
        %add3A_875 = arith.constant 16 : i32
        %add3A_876 = arith.addi %add3A_874, %add3A_875 : i32
        %swap3A_877 = arith.index_cast %add3A_876 : i32 to index
        %swap3A_878 = tpu.vector_load %arg7[%swap3A_877] {strides = array<i32>} : memref<65536xf32, #tpu.memory_space<vmem>>, vector<16xf32>,
        %swap3A_879 = vector.shape_cast %swap3A_878 : vector<16xf32> to vector<16xf32>
        %swap3A_880 = vector.shape_cast %get3A_730 : vector<16xf32> to vector<16xf32>
        tpu.vector_store %arg7[%swap3A_877], %swap3A_880 {strides = array<i32>} : memref<65536xf32, #tpu.memory_space<vmem>>, vector<16xf32>,
        %add3A_881 = arith.constant 768 : i32
        %add3A_882 = arith.addi %mul3A_99, %add3A_881 : i32
        %add3A_883 = arith.constant 32 : i32
        %add3A_884 = arith.addi %add3A_882, %add3A_883 : i32
        %swap3A_885 = arith.index_cast %add3A_884 : i32 to index
        %swap3A_886 = tpu.vector_load %arg7[%swap3A_885] {strides = array<i32>} : memref<65536xf32, #tpu.memory_space<vmem>>, vector<16xf32>,
        %swap3A_887 = vector.shape_cast %swap3A_886 : vector<16xf32> to vector<16xf32>
        %swap3A_888 = vector.shape_cast %get3A_735 : vector<16xf32> to vector<16xf32>
        tpu.vector_store %arg7[%swap3A_885], %swap3A_888 {strides = array<i32>} : memref<65536xf32, #tpu.memory_space<vmem>>, vector<16xf32>,
        %add3A_889 = arith.constant 768 : i32
        %add3A_890 = arith.addi %mul3A_99, %add3A_889 : i32
        %add3A_891 = arith.constant 48 : i32
        %add3A_892 = arith.addi %add3A_890, %add3A_891 : i32
        %swap3A_893 = arith.index_cast %add3A_892 : i32 to index
        %swap3A_894 = tpu.vector_load %arg7[%swap3A_893] {strides = array<i32>} : memref<65536xf32, #tpu.memory_space<vmem>>, vector<16xf32>,
        %swap3A_895 = vector.shape_cast %swap3A_894 : vector<16xf32> to vector<16xf32>
        %swap3A_896 = vector.shape_cast %get3A_740 : vector<16xf32> to vector<16xf32>
        tpu.vector_store %arg7[%swap3A_893], %swap3A_896 {strides = array<i32>} : memref<65536xf32, #tpu.memory_space<vmem>>, vector<16xf32>,
        %add3A_897 = arith.constant 768 : i32
        %add3A_898 = arith.addi %mul3A_99, %add3A_897 : i32
        %add3A_899 = arith.constant 64 : i32
        %add3A_900 = arith.addi %add3A_898, %add3A_899 : i32
        %swap3A_901 = arith.index_cast %add3A_900 : i32 to index
        %swap3A_902 = tpu.vector_load %arg7[%swap3A_901] {strides = array<i32>} : memref<65536xf32, #tpu.memory_space<vmem>>, vector<16xf32>,
        %swap3A_903 = vector.shape_cast %swap3A_902 : vector<16xf32> to vector<16xf32>
        %swap3A_904 = vector.shape_cast %get3A_745 : vector<16xf32> to vector<16xf32>
        tpu.vector_store %arg7[%swap3A_901], %swap3A_904 {strides = array<i32>} : memref<65536xf32, #tpu.memory_space<vmem>>, vector<16xf32>,
        %add3A_905 = arith.constant 768 : i32
        %add3A_906 = arith.addi %mul3A_99, %add3A_905 : i32
        %add3A_907 = arith.constant 80 : i32
        %add3A_908 = arith.addi %add3A_906, %add3A_907 : i32
        %swap3A_909 = arith.index_cast %add3A_908 : i32 to index
        %swap3A_910 = tpu.vector_load %arg7[%swap3A_909] {strides = array<i32>} : memref<65536xf32, #tpu.memory_space<vmem>>, vector<16xf32>,
        %swap3A_911 = vector.shape_cast %swap3A_910 : vector<16xf32> to vector<16xf32>
        %swap3A_912 = vector.shape_cast %get3A_750 : vector<16xf32> to vector<16xf32>
        tpu.vector_store %arg7[%swap3A_909], %swap3A_912 {strides = array<i32>} : memref<65536xf32, #tpu.memory_space<vmem>>, vector<16xf32>,
        %add3A_913 = arith.constant 768 : i32
        %add3A_914 = arith.addi %mul3A_99, %add3A_913 : i32
        %add3A_915 = arith.constant 96 : i32
        %add3A_916 = arith.addi %add3A_914, %add3A_915 : i32
        %swap3A_917 = arith.index_cast %add3A_916 : i32 to index
        %swap3A_918 = tpu.vector_load %arg7[%swap3A_917] {strides = array<i32>} : memref<65536xf32, #tpu.memory_space<vmem>>, vector<16xf32>,
        %swap3A_919 = vector.shape_cast %swap3A_918 : vector<16xf32> to vector<16xf32>
        %swap3A_920 = vector.shape_cast %get3A_755 : vector<16xf32> to vector<16xf32>
        tpu.vector_store %arg7[%swap3A_917], %swap3A_920 {strides = array<i32>} : memref<65536xf32, #tpu.memory_space<vmem>>, vector<16xf32>,
        %add3A_921 = arith.constant 768 : i32
        %add3A_922 = arith.addi %mul3A_99, %add3A_921 : i32
        %add3A_923 = arith.constant 112 : i32
        %add3A_924 = arith.addi %add3A_922, %add3A_923 : i32
        %swap3A_925 = arith.index_cast %add3A_924 : i32 to index
        %swap3A_926 = tpu.vector_load %arg7[%swap3A_925] {strides = array<i32>} : memref<65536xf32, #tpu.memory_space<vmem>>, vector<16xf32>,
        %swap3A_927 = vector.shape_cast %swap3A_926 : vector<16xf32> to vector<16xf32>
        %swap3A_928 = vector.shape_cast %get3A_760 : vector<16xf32> to vector<16xf32>
        tpu.vector_store %arg7[%swap3A_925], %swap3A_928 {strides = array<i32>} : memref<65536xf32, #tpu.memory_space<vmem>>, vector<16xf32>,
        %add3A_929 = arith.constant 0 : i32
        %add3A_930 = arith.addi %shift_left3A_132, %add3A_929 : i32
        %get3A_931 = arith.index_cast %add3A_930 : i32 to index
        %get3A_932 = tpu.vector_load %arg6[%get3A_931] {strides = array<i32>} : memref<768xf32, #tpu.memory_space<vmem>>, vector<16xf32>,
        %get3A_933 = vector.shape_cast %get3A_932 : vector<16xf32> to vector<16xf32>
        %add3A_934 = arith.constant 16 : i32
        %add3A_935 = arith.addi %shift_left3A_132, %add3A_934 : i32
        %get3A_936 = arith.index_cast %add3A_935 : i32 to index
        %get3A_937 = tpu.vector_load %arg6[%get3A_936] {strides = array<i32>} : memref<768xf32, #tpu.memory_space<vmem>>, vector<16xf32>,
        %get3A_938 = vector.shape_cast %get3A_937 : vector<16xf32> to vector<16xf32>
        %add3A_939 = arith.constant 32 : i32
        %add3A_940 = arith.addi %shift_left3A_132, %add3A_939 : i32
        %get3A_941 = arith.index_cast %add3A_940 : i32 to index
        %get3A_942 = tpu.vector_load %arg6[%get3A_941] {strides = array<i32>} : memref<768xf32, #tpu.memory_space<vmem>>, vector<16xf32>,
        %get3A_943 = vector.shape_cast %get3A_942 : vector<16xf32> to vector<16xf32>
        %add3A_944 = arith.constant 48 : i32
        %add3A_945 = arith.addi %shift_left3A_132, %add3A_944 : i32
        %get3A_946 = arith.index_cast %add3A_945 : i32 to index
        %get3A_947 = tpu.vector_load %arg6[%get3A_946] {strides = array<i32>} : memref<768xf32, #tpu.memory_space<vmem>>, vector<16xf32>,
        %get3A_948 = vector.shape_cast %get3A_947 : vector<16xf32> to vector<16xf32>
        %add3A_949 = arith.constant 64 : i32
        %add3A_950 = arith.addi %shift_left3A_132, %add3A_949 : i32
        %get3A_951 = arith.index_cast %add3A_950 : i32 to index
        %get3A_952 = tpu.vector_load %arg6[%get3A_951] {strides = array<i32>} : memref<768xf32, #tpu.memory_space<vmem>>, vector<16xf32>,
        %get3A_953 = vector.shape_cast %get3A_952 : vector<16xf32> to vector<16xf32>
        %add3A_954 = arith.constant 80 : i32
        %add3A_955 = arith.addi %shift_left3A_132, %add3A_954 : i32
        %get3A_956 = arith.index_cast %add3A_955 : i32 to index
        %get3A_957 = tpu.vector_load %arg6[%get3A_956] {strides = array<i32>} : memref<768xf32, #tpu.memory_space<vmem>>, vector<16xf32>,
        %get3A_958 = vector.shape_cast %get3A_957 : vector<16xf32> to vector<16xf32>
        %add3A_959 = arith.constant 96 : i32
        %add3A_960 = arith.addi %shift_left3A_132, %add3A_959 : i32
        %get3A_961 = arith.index_cast %add3A_960 : i32 to index
        %get3A_962 = tpu.vector_load %arg6[%get3A_961] {strides = array<i32>} : memref<768xf32, #tpu.memory_space<vmem>>, vector<16xf32>,
        %get3A_963 = vector.shape_cast %get3A_962 : vector<16xf32> to vector<16xf32>
        %add3A_964 = arith.constant 112 : i32
        %add3A_965 = arith.addi %shift_left3A_132, %add3A_964 : i32
        %get3A_966 = arith.index_cast %add3A_965 : i32 to index
        %get3A_967 = tpu.vector_load %arg6[%get3A_966] {strides = array<i32>} : memref<768xf32, #tpu.memory_space<vmem>>, vector<16xf32>,
        %get3A_968 = vector.shape_cast %get3A_967 : vector<16xf32> to vector<16xf32>
        %add3A_969 = arith.constant 896 : i32
        %add3A_970 = arith.addi %mul3A_99, %add3A_969 : i32
        %add3A_971 = arith.constant 0 : i32
        %add3A_972 = arith.addi %add3A_970, %add3A_971 : i32
        %swap3A_973 = arith.index_cast %add3A_972 : i32 to index
        %swap3A_974 = tpu.vector_load %arg7[%swap3A_973] {strides = array<i32>} : memref<65536xf32, #tpu.memory_space<vmem>>, vector<16xf32>,
        %swap3A_975 = vector.shape_cast %swap3A_974 : vector<16xf32> to vector<16xf32>
        %swap3A_976 = vector.shape_cast %get3A_829 : vector<16xf32> to vector<16xf32>
        tpu.vector_store %arg7[%swap3A_973], %swap3A_976 {strides = array<i32>} : memref<65536xf32, #tpu.memory_space<vmem>>, vector<16xf32>,
        %add3A_977 = arith.constant 896 : i32
        %add3A_978 = arith.addi %mul3A_99, %add3A_977 : i32
        %add3A_979 = arith.constant 16 : i32
        %add3A_980 = arith.addi %add3A_978, %add3A_979 : i32
        %swap3A_981 = arith.index_cast %add3A_980 : i32 to index
        %swap3A_982 = tpu.vector_load %arg7[%swap3A_981] {strides = array<i32>} : memref<65536xf32, #tpu.memory_space<vmem>>, vector<16xf32>,
        %swap3A_983 = vector.shape_cast %swap3A_982 : vector<16xf32> to vector<16xf32>
        %swap3A_984 = vector.shape_cast %get3A_834 : vector<16xf32> to vector<16xf32>
        tpu.vector_store %arg7[%swap3A_981], %swap3A_984 {strides = array<i32>} : memref<65536xf32, #tpu.memory_space<vmem>>, vector<16xf32>,
        %add3A_985 = arith.constant 896 : i32
        %add3A_986 = arith.addi %mul3A_99, %add3A_985 : i32
        %add3A_987 = arith.constant 32 : i32
        %add3A_988 = arith.addi %add3A_986, %add3A_987 : i32
        %swap3A_989 = arith.index_cast %add3A_988 : i32 to index
        %swap3A_990 = tpu.vector_load %arg7[%swap3A_989] {strides = array<i32>} : memref<65536xf32, #tpu.memory_space<vmem>>, vector<16xf32>,
        %swap3A_991 = vector.shape_cast %swap3A_990 : vector<16xf32> to vector<16xf32>
        %swap3A_992 = vector.shape_cast %get3A_839 : vector<16xf32> to vector<16xf32>
        tpu.vector_store %arg7[%swap3A_989], %swap3A_992 {strides = array<i32>} : memref<65536xf32, #tpu.memory_space<vmem>>, vector<16xf32>,
        %add3A_993 = arith.constant 896 : i32
        %add3A_994 = arith.addi %mul3A_99, %add3A_993 : i32
        %add3A_995 = arith.constant 48 : i32
        %add3A_996 = arith.addi %add3A_994, %add3A_995 : i32
        %swap3A_997 = arith.index_cast %add3A_996 : i32 to index
        %swap3A_998 = tpu.vector_load %arg7[%swap3A_997] {strides = array<i32>} : memref<65536xf32, #tpu.memory_space<vmem>>, vector<16xf32>,
        %swap3A_999 = vector.shape_cast %swap3A_998 : vector<16xf32> to vector<16xf32>
        %swap3A_1000 = vector.shape_cast %get3A_844 : vector<16xf32> to vector<16xf32>
        tpu.vector_store %arg7[%swap3A_997], %swap3A_1000 {strides = array<i32>} : memref<65536xf32, #tpu.memory_space<vmem>>, vector<16xf32>,
        %add3A_1001 = arith.constant 896 : i32
        %add3A_1002 = arith.addi %mul3A_99, %add3A_1001 : i32
        %add3A_1003 = arith.constant 64 : i32
        %add3A_1004 = arith.addi %add3A_1002, %add3A_1003 : i32
        %swap3A_1005 = arith.index_cast %add3A_1004 : i32 to index
        %swap3A_1006 = tpu.vector_load %arg7[%swap3A_1005] {strides = array<i32>} : memref<65536xf32, #tpu.memory_space<vmem>>, vector<16xf32>,
        %swap3A_1007 = vector.shape_cast %swap3A_1006 : vector<16xf32> to vector<16xf32>
        %swap3A_1008 = vector.shape_cast %get3A_849 : vector<16xf32> to vector<16xf32>
        tpu.vector_store %arg7[%swap3A_1005], %swap3A_1008 {strides = array<i32>} : memref<65536xf32, #tpu.memory_space<vmem>>, vector<16xf32>,
        %add3A_1009 = arith.constant 896 : i32
        %add3A_1010 = arith.addi %mul3A_99, %add3A_1009 : i32
        %add3A_1011 = arith.constant 80 : i32
        %add3A_1012 = arith.addi %add3A_1010, %add3A_1011 : i32
        %swap3A_1013 = arith.index_cast %add3A_1012 : i32 to index
        %swap3A_1014 = tpu.vector_load %arg7[%swap3A_1013] {strides = array<i32>} : memref<65536xf32, #tpu.memory_space<vmem>>, vector<16xf32>,
        %swap3A_1015 = vector.shape_cast %swap3A_1014 : vector<16xf32> to vector<16xf32>
        %swap3A_1016 = vector.shape_cast %get3A_854 : vector<16xf32> to vector<16xf32>
        tpu.vector_store %arg7[%swap3A_1013], %swap3A_1016 {strides = array<i32>} : memref<65536xf32, #tpu.memory_space<vmem>>, vector<16xf32>,
        %add3A_1017 = arith.constant 896 : i32
        %add3A_1018 = arith.addi %mul3A_99, %add3A_1017 : i32
        %add3A_1019 = arith.constant 96 : i32
        %add3A_1020 = arith.addi %add3A_1018, %add3A_1019 : i32
        %swap3A_1021 = arith.index_cast %add3A_1020 : i32 to index
        %swap3A_1022 = tpu.vector_load %arg7[%swap3A_1021] {strides = array<i32>} : memref<65536xf32, #tpu.memory_space<vmem>>, vector<16xf32>,
        %swap3A_1023 = vector.shape_cast %swap3A_1022 : vector<16xf32> to vector<16xf32>
        %swap3A_1024 = vector.shape_cast %get3A_859 : vector<16xf32> to vector<16xf32>
        tpu.vector_store %arg7[%swap3A_1021], %swap3A_1024 {strides = array<i32>} : memref<65536xf32, #tpu.memory_space<vmem>>, vector<16xf32>,
        %add3A_1025 = arith.constant 896 : i32
        %add3A_1026 = arith.addi %mul3A_99, %add3A_1025 : i32
        %add3A_1027 = arith.constant 112 : i32
        %add3A_1028 = arith.addi %add3A_1026, %add3A_1027 : i32
        %swap3A_1029 = arith.index_cast %add3A_1028 : i32 to index
        %swap3A_1030 = tpu.vector_load %arg7[%swap3A_1029] {strides = array<i32>} : memref<65536xf32, #tpu.memory_space<vmem>>, vector<16xf32>,
        %swap3A_1031 = vector.shape_cast %swap3A_1030 : vector<16xf32> to vector<16xf32>
        %swap3A_1032 = vector.shape_cast %get3A_864 : vector<16xf32> to vector<16xf32>
        tpu.vector_store %arg7[%swap3A_1029], %swap3A_1032 {strides = array<i32>} : memref<65536xf32, #tpu.memory_space<vmem>>, vector<16xf32>,
        %add3A_1033 = arith.constant 0 : i32
        %add3A_1034 = arith.addi %shift_left3A_136, %add3A_1033 : i32
        %get3A_1035 = arith.index_cast %add3A_1034 : i32 to index
        %get3A_1036 = tpu.vector_load %arg6[%get3A_1035] {strides = array<i32>} : memref<768xf32, #tpu.memory_space<vmem>>, vector<16xf32>,
        %get3A_1037 = vector.shape_cast %get3A_1036 : vector<16xf32> to vector<16xf32>
        %add3A_1038 = arith.constant 16 : i32
        %add3A_1039 = arith.addi %shift_left3A_136, %add3A_1038 : i32
        %get3A_1040 = arith.index_cast %add3A_1039 : i32 to index
        %get3A_1041 = tpu.vector_load %arg6[%get3A_1040] {strides = array<i32>} : memref<768xf32, #tpu.memory_space<vmem>>, vector<16xf32>,
        %get3A_1042 = vector.shape_cast %get3A_1041 : vector<16xf32> to vector<16xf32>
        %add3A_1043 = arith.constant 32 : i32
        %add3A_1044 = arith.addi %shift_left3A_136, %add3A_1043 : i32
        %get3A_1045 = arith.index_cast %add3A_1044 : i32 to index
        %get3A_1046 = tpu.vector_load %arg6[%get3A_1045] {strides = array<i32>} : memref<768xf32, #tpu.memory_space<vmem>>, vector<16xf32>,
        %get3A_1047 = vector.shape_cast %get3A_1046 : vector<16xf32> to vector<16xf32>
        %add3A_1048 = arith.constant 48 : i32
        %add3A_1049 = arith.addi %shift_left3A_136, %add3A_1048 : i32
        %get3A_1050 = arith.index_cast %add3A_1049 : i32 to index
        %get3A_1051 = tpu.vector_load %arg6[%get3A_1050] {strides = array<i32>} : memref<768xf32, #tpu.memory_space<vmem>>, vector<16xf32>,
        %get3A_1052 = vector.shape_cast %get3A_1051 : vector<16xf32> to vector<16xf32>
        %add3A_1053 = arith.constant 64 : i32
        %add3A_1054 = arith.addi %shift_left3A_136, %add3A_1053 : i32
        %get3A_1055 = arith.index_cast %add3A_1054 : i32 to index
        %get3A_1056 = tpu.vector_load %arg6[%get3A_1055] {strides = array<i32>} : memref<768xf32, #tpu.memory_space<vmem>>, vector<16xf32>,
        %get3A_1057 = vector.shape_cast %get3A_1056 : vector<16xf32> to vector<16xf32>
        %add3A_1058 = arith.constant 80 : i32
        %add3A_1059 = arith.addi %shift_left3A_136, %add3A_1058 : i32
        %get3A_1060 = arith.index_cast %add3A_1059 : i32 to index
        %get3A_1061 = tpu.vector_load %arg6[%get3A_1060] {strides = array<i32>} : memref<768xf32, #tpu.memory_space<vmem>>, vector<16xf32>,
        %get3A_1062 = vector.shape_cast %get3A_1061 : vector<16xf32> to vector<16xf32>
        %add3A_1063 = arith.constant 96 : i32
        %add3A_1064 = arith.addi %shift_left3A_136, %add3A_1063 : i32
        %get3A_1065 = arith.index_cast %add3A_1064 : i32 to index
        %get3A_1066 = tpu.vector_load %arg6[%get3A_1065] {strides = array<i32>} : memref<768xf32, #tpu.memory_space<vmem>>, vector<16xf32>,
        %get3A_1067 = vector.shape_cast %get3A_1066 : vector<16xf32> to vector<16xf32>
        %add3A_1068 = arith.constant 112 : i32
        %add3A_1069 = arith.addi %shift_left3A_136, %add3A_1068 : i32
        %get3A_1070 = arith.index_cast %add3A_1069 : i32 to index
        %get3A_1071 = tpu.vector_load %arg6[%get3A_1070] {strides = array<i32>} : memref<768xf32, #tpu.memory_space<vmem>>, vector<16xf32>,
        %get3A_1072 = vector.shape_cast %get3A_1071 : vector<16xf32> to vector<16xf32>
        %add3A_1073 = arith.constant 1024 : i32
        %add3A_1074 = arith.addi %mul3A_99, %add3A_1073 : i32
        %add3A_1075 = arith.constant 0 : i32
        %add3A_1076 = arith.addi %add3A_1074, %add3A_1075 : i32
        %swap3A_1077 = arith.index_cast %add3A_1076 : i32 to index
        %swap3A_1078 = tpu.vector_load %arg7[%swap3A_1077] {strides = array<i32>} : memref<65536xf32, #tpu.memory_space<vmem>>, vector<16xf32>,
        %swap3A_1079 = vector.shape_cast %swap3A_1078 : vector<16xf32> to vector<16xf32>
        %swap3A_1080 = vector.shape_cast %get3A_933 : vector<16xf32> to vector<16xf32>
        tpu.vector_store %arg7[%swap3A_1077], %swap3A_1080 {strides = array<i32>} : memref<65536xf32, #tpu.memory_space<vmem>>, vector<16xf32>,
        %add3A_1081 = arith.constant 1024 : i32
        %add3A_1082 = arith.addi %mul3A_99, %add3A_1081 : i32
        %add3A_1083 = arith.constant 16 : i32
        %add3A_1084 = arith.addi %add3A_1082, %add3A_1083 : i32
        %swap3A_1085 = arith.index_cast %add3A_1084 : i32 to index
        %swap3A_1086 = tpu.vector_load %arg7[%swap3A_1085] {strides = array<i32>} : memref<65536xf32, #tpu.memory_space<vmem>>, vector<16xf32>,
        %swap3A_1087 = vector.shape_cast %swap3A_1086 : vector<16xf32> to vector<16xf32>
        %swap3A_1088 = vector.shape_cast %get3A_938 : vector<16xf32> to vector<16xf32>
        tpu.vector_store %arg7[%swap3A_1085], %swap3A_1088 {strides = array<i32>} : memref<65536xf32, #tpu.memory_space<vmem>>, vector<16xf32>,
        %add3A_1089 = arith.constant 1024 : i32
        %add3A_1090 = arith.addi %mul3A_99, %add3A_1089 : i32
        %add3A_1091 = arith.constant 32 : i32
        %add3A_1092 = arith.addi %add3A_1090, %add3A_1091 : i32
        %swap3A_1093 = arith.index_cast %add3A_1092 : i32 to index
        %swap3A_1094 = tpu.vector_load %arg7[%swap3A_1093] {strides = array<i32>} : memref<65536xf32, #tpu.memory_space<vmem>>, vector<16xf32>,
        %swap3A_1095 = vector.shape_cast %swap3A_1094 : vector<16xf32> to vector<16xf32>
        %swap3A_1096 = vector.shape_cast %get3A_943 : vector<16xf32> to vector<16xf32>
        tpu.vector_store %arg7[%swap3A_1093], %swap3A_1096 {strides = array<i32>} : memref<65536xf32, #tpu.memory_space<vmem>>, vector<16xf32>,
        %add3A_1097 = arith.constant 1024 : i32
        %add3A_1098 = arith.addi %mul3A_99, %add3A_1097 : i32
        %add3A_1099 = arith.constant 48 : i32
        %add3A_1100 = arith.addi %add3A_1098, %add3A_1099 : i32
        %swap3A_1101 = arith.index_cast %add3A_1100 : i32 to index
        %swap3A_1102 = tpu.vector_load %arg7[%swap3A_1101] {strides = array<i32>} : memref<65536xf32, #tpu.memory_space<vmem>>, vector<16xf32>,
        %swap3A_1103 = vector.shape_cast %swap3A_1102 : vector<16xf32> to vector<16xf32>
        %swap3A_1104 = vector.shape_cast %get3A_948 : vector<16xf32> to vector<16xf32>
        tpu.vector_store %arg7[%swap3A_1101], %swap3A_1104 {strides = array<i32>} : memref<65536xf32, #tpu.memory_space<vmem>>, vector<16xf32>,
        %add3A_1105 = arith.constant 1024 : i32
        %add3A_1106 = arith.addi %mul3A_99, %add3A_1105 : i32
        %add3A_1107 = arith.constant 64 : i32
        %add3A_1108 = arith.addi %add3A_1106, %add3A_1107 : i32
        %swap3A_1109 = arith.index_cast %add3A_1108 : i32 to index
        %swap3A_1110 = tpu.vector_load %arg7[%swap3A_1109] {strides = array<i32>} : memref<65536xf32, #tpu.memory_space<vmem>>, vector<16xf32>,
        %swap3A_1111 = vector.shape_cast %swap3A_1110 : vector<16xf32> to vector<16xf32>
        %swap3A_1112 = vector.shape_cast %get3A_953 : vector<16xf32> to vector<16xf32>
        tpu.vector_store %arg7[%swap3A_1109], %swap3A_1112 {strides = array<i32>} : memref<65536xf32, #tpu.memory_space<vmem>>, vector<16xf32>,
        %add3A_1113 = arith.constant 1024 : i32
        %add3A_1114 = arith.addi %mul3A_99, %add3A_1113 : i32
        %add3A_1115 = arith.constant 80 : i32
        %add3A_1116 = arith.addi %add3A_1114, %add3A_1115 : i32
        %swap3A_1117 = arith.index_cast %add3A_1116 : i32 to index
        %swap3A_1118 = tpu.vector_load %arg7[%swap3A_1117] {strides = array<i32>} : memref<65536xf32, #tpu.memory_space<vmem>>, vector<16xf32>,
        %swap3A_1119 = vector.shape_cast %swap3A_1118 : vector<16xf32> to vector<16xf32>
        %swap3A_1120 = vector.shape_cast %get3A_958 : vector<16xf32> to vector<16xf32>
        tpu.vector_store %arg7[%swap3A_1117], %swap3A_1120 {strides = array<i32>} : memref<65536xf32, #tpu.memory_space<vmem>>, vector<16xf32>,
        %add3A_1121 = arith.constant 1024 : i32
        %add3A_1122 = arith.addi %mul3A_99, %add3A_1121 : i32
        %add3A_1123 = arith.constant 96 : i32
        %add3A_1124 = arith.addi %add3A_1122, %add3A_1123 : i32
        %swap3A_1125 = arith.index_cast %add3A_1124 : i32 to index
        %swap3A_1126 = tpu.vector_load %arg7[%swap3A_1125] {strides = array<i32>} : memref<65536xf32, #tpu.memory_space<vmem>>, vector<16xf32>,
        %swap3A_1127 = vector.shape_cast %swap3A_1126 : vector<16xf32> to vector<16xf32>
        %swap3A_1128 = vector.shape_cast %get3A_963 : vector<16xf32> to vector<16xf32>
        tpu.vector_store %arg7[%swap3A_1125], %swap3A_1128 {strides = array<i32>} : memref<65536xf32, #tpu.memory_space<vmem>>, vector<16xf32>,
        %add3A_1129 = arith.constant 1024 : i32
        %add3A_1130 = arith.addi %mul3A_99, %add3A_1129 : i32
        %add3A_1131 = arith.constant 112 : i32
        %add3A_1132 = arith.addi %add3A_1130, %add3A_1131 : i32
        %swap3A_1133 = arith.index_cast %add3A_1132 : i32 to index
        %swap3A_1134 = tpu.vector_load %arg7[%swap3A_1133] {strides = array<i32>} : memref<65536xf32, #tpu.memory_space<vmem>>, vector<16xf32>,
        %swap3A_1135 = vector.shape_cast %swap3A_1134 : vector<16xf32> to vector<16xf32>
        %swap3A_1136 = vector.shape_cast %get3A_968 : vector<16xf32> to vector<16xf32>
        tpu.vector_store %arg7[%swap3A_1133], %swap3A_1136 {strides = array<i32>} : memref<65536xf32, #tpu.memory_space<vmem>>, vector<16xf32>,
        %add3A_1137 = arith.constant 0 : i32
        %add3A_1138 = arith.addi %shift_left3A_140, %add3A_1137 : i32
        %get3A_1139 = arith.index_cast %add3A_1138 : i32 to index
        %get3A_1140 = tpu.vector_load %arg6[%get3A_1139] {strides = array<i32>} : memref<768xf32, #tpu.memory_space<vmem>>, vector<16xf32>,
        %get3A_1141 = vector.shape_cast %get3A_1140 : vector<16xf32> to vector<16xf32>
        %add3A_1142 = arith.constant 16 : i32
        %add3A_1143 = arith.addi %shift_left3A_140, %add3A_1142 : i32
        %get3A_1144 = arith.index_cast %add3A_1143 : i32 to index
        %get3A_1145 = tpu.vector_load %arg6[%get3A_1144] {strides = array<i32>} : memref<768xf32, #tpu.memory_space<vmem>>, vector<16xf32>,
        %get3A_1146 = vector.shape_cast %get3A_1145 : vector<16xf32> to vector<16xf32>
        %add3A_1147 = arith.constant 32 : i32
        %add3A_1148 = arith.addi %shift_left3A_140, %add3A_1147 : i32
        %get3A_1149 = arith.index_cast %add3A_1148 : i32 to index
        %get3A_1150 = tpu.vector_load %arg6[%get3A_1149] {strides = array<i32>} : memref<768xf32, #tpu.memory_space<vmem>>, vector<16xf32>,
        %get3A_1151 = vector.shape_cast %get3A_1150 : vector<16xf32> to vector<16xf32>
        %add3A_1152 = arith.constant 48 : i32
        %add3A_1153 = arith.addi %shift_left3A_140, %add3A_1152 : i32
        %get3A_1154 = arith.index_cast %add3A_1153 : i32 to index
        %get3A_1155 = tpu.vector_load %arg6[%get3A_1154] {strides = array<i32>} : memref<768xf32, #tpu.memory_space<vmem>>, vector<16xf32>,
        %get3A_1156 = vector.shape_cast %get3A_1155 : vector<16xf32> to vector<16xf32>
        %add3A_1157 = arith.constant 64 : i32
        %add3A_1158 = arith.addi %shift_left3A_140, %add3A_1157 : i32
        %get3A_1159 = arith.index_cast %add3A_1158 : i32 to index
        %get3A_1160 = tpu.vector_load %arg6[%get3A_1159] {strides = array<i32>} : memref<768xf32, #tpu.memory_space<vmem>>, vector<16xf32>,
        %get3A_1161 = vector.shape_cast %get3A_1160 : vector<16xf32> to vector<16xf32>
        %add3A_1162 = arith.constant 80 : i32
        %add3A_1163 = arith.addi %shift_left3A_140, %add3A_1162 : i32
        %get3A_1164 = arith.index_cast %add3A_1163 : i32 to index
        %get3A_1165 = tpu.vector_load %arg6[%get3A_1164] {strides = array<i32>} : memref<768xf32, #tpu.memory_space<vmem>>, vector<16xf32>,
        %get3A_1166 = vector.shape_cast %get3A_1165 : vector<16xf32> to vector<16xf32>
        %add3A_1167 = arith.constant 96 : i32
        %add3A_1168 = arith.addi %shift_left3A_140, %add3A_1167 : i32
        %get3A_1169 = arith.index_cast %add3A_1168 : i32 to index
        %get3A_1170 = tpu.vector_load %arg6[%get3A_1169] {strides = array<i32>} : memref<768xf32, #tpu.memory_space<vmem>>, vector<16xf32>,
        %get3A_1171 = vector.shape_cast %get3A_1170 : vector<16xf32> to vector<16xf32>
        %add3A_1172 = arith.constant 112 : i32
        %add3A_1173 = arith.addi %shift_left3A_140, %add3A_1172 : i32
        %get3A_1174 = arith.index_cast %add3A_1173 : i32 to index
        %get3A_1175 = tpu.vector_load %arg6[%get3A_1174] {strides = array<i32>} : memref<768xf32, #tpu.memory_space<vmem>>, vector<16xf32>,
        %get3A_1176 = vector.shape_cast %get3A_1175 : vector<16xf32> to vector<16xf32>
        %add3A_1177 = arith.constant 1152 : i32
        %add3A_1178 = arith.addi %mul3A_99, %add3A_1177 : i32
        %add3A_1179 = arith.constant 0 : i32
        %add3A_1180 = arith.addi %add3A_1178, %add3A_1179 : i32
        %swap3A_1181 = arith.index_cast %add3A_1180 : i32 to index
        %swap3A_1182 = tpu.vector_load %arg7[%swap3A_1181] {strides = array<i32>} : memref<65536xf32, #tpu.memory_space<vmem>>, vector<16xf32>,
        %swap3A_1183 = vector.shape_cast %swap3A_1182 : vector<16xf32> to vector<16xf32>
        %swap3A_1184 = vector.shape_cast %get3A_1037 : vector<16xf32> to vector<16xf32>
        tpu.vector_store %arg7[%swap3A_1181], %swap3A_1184 {strides = array<i32>} : memref<65536xf32, #tpu.memory_space<vmem>>, vector<16xf32>,
        %add3A_1185 = arith.constant 1152 : i32
        %add3A_1186 = arith.addi %mul3A_99, %add3A_1185 : i32
        %add3A_1187 = arith.constant 16 : i32
        %add3A_1188 = arith.addi %add3A_1186, %add3A_1187 : i32
        %swap3A_1189 = arith.index_cast %add3A_1188 : i32 to index
        %swap3A_1190 = tpu.vector_load %arg7[%swap3A_1189] {strides = array<i32>} : memref<65536xf32, #tpu.memory_space<vmem>>, vector<16xf32>,
        %swap3A_1191 = vector.shape_cast %swap3A_1190 : vector<16xf32> to vector<16xf32>
        %swap3A_1192 = vector.shape_cast %get3A_1042 : vector<16xf32> to vector<16xf32>
        tpu.vector_store %arg7[%swap3A_1189], %swap3A_1192 {strides = array<i32>} : memref<65536xf32, #tpu.memory_space<vmem>>, vector<16xf32>,
        %add3A_1193 = arith.constant 1152 : i32
        %add3A_1194 = arith.addi %mul3A_99, %add3A_1193 : i32
        %add3A_1195 = arith.constant 32 : i32
        %add3A_1196 = arith.addi %add3A_1194, %add3A_1195 : i32
        %swap3A_1197 = arith.index_cast %add3A_1196 : i32 to index
        %swap3A_1198 = tpu.vector_load %arg7[%swap3A_1197] {strides = array<i32>} : memref<65536xf32, #tpu.memory_space<vmem>>, vector<16xf32>,
        %swap3A_1199 = vector.shape_cast %swap3A_1198 : vector<16xf32> to vector<16xf32>
        %swap3A_1200 = vector.shape_cast %get3A_1047 : vector<16xf32> to vector<16xf32>
        tpu.vector_store %arg7[%swap3A_1197], %swap3A_1200 {strides = array<i32>} : memref<65536xf32, #tpu.memory_space<vmem>>, vector<16xf32>,
        %add3A_1201 = arith.constant 1152 : i32
        %add3A_1202 = arith.addi %mul3A_99, %add3A_1201 : i32
        %add3A_1203 = arith.constant 48 : i32
        %add3A_1204 = arith.addi %add3A_1202, %add3A_1203 : i32
        %swap3A_1205 = arith.index_cast %add3A_1204 : i32 to index
        %swap3A_1206 = tpu.vector_load %arg7[%swap3A_1205] {strides = array<i32>} : memref<65536xf32, #tpu.memory_space<vmem>>, vector<16xf32>,
        %swap3A_1207 = vector.shape_cast %swap3A_1206 : vector<16xf32> to vector<16xf32>
        %swap3A_1208 = vector.shape_cast %get3A_1052 : vector<16xf32> to vector<16xf32>
        tpu.vector_store %arg7[%swap3A_1205], %swap3A_1208 {strides = array<i32>} : memref<65536xf32, #tpu.memory_space<vmem>>, vector<16xf32>,
        %add3A_1209 = arith.constant 1152 : i32
        %add3A_1210 = arith.addi %mul3A_99, %add3A_1209 : i32
        %add3A_1211 = arith.constant 64 : i32
        %add3A_1212 = arith.addi %add3A_1210, %add3A_1211 : i32
        %swap3A_1213 = arith.index_cast %add3A_1212 : i32 to index
        %swap3A_1214 = tpu.vector_load %arg7[%swap3A_1213] {strides = array<i32>} : memref<65536xf32, #tpu.memory_space<vmem>>, vector<16xf32>,
        %swap3A_1215 = vector.shape_cast %swap3A_1214 : vector<16xf32> to vector<16xf32>
        %swap3A_1216 = vector.shape_cast %get3A_1057 : vector<16xf32> to vector<16xf32>
        tpu.vector_store %arg7[%swap3A_1213], %swap3A_1216 {strides = array<i32>} : memref<65536xf32, #tpu.memory_space<vmem>>, vector<16xf32>,
        %add3A_1217 = arith.constant 1152 : i32
        %add3A_1218 = arith.addi %mul3A_99, %add3A_1217 : i32
        %add3A_1219 = arith.constant 80 : i32
        %add3A_1220 = arith.addi %add3A_1218, %add3A_1219 : i32
        %swap3A_1221 = arith.index_cast %add3A_1220 : i32 to index
        %swap3A_1222 = tpu.vector_load %arg7[%swap3A_1221] {strides = array<i32>} : memref<65536xf32, #tpu.memory_space<vmem>>, vector<16xf32>,
        %swap3A_1223 = vector.shape_cast %swap3A_1222 : vector<16xf32> to vector<16xf32>
        %swap3A_1224 = vector.shape_cast %get3A_1062 : vector<16xf32> to vector<16xf32>
        tpu.vector_store %arg7[%swap3A_1221], %swap3A_1224 {strides = array<i32>} : memref<65536xf32, #tpu.memory_space<vmem>>, vector<16xf32>,
        %add3A_1225 = arith.constant 1152 : i32
        %add3A_1226 = arith.addi %mul3A_99, %add3A_1225 : i32
        %add3A_1227 = arith.constant 96 : i32
        %add3A_1228 = arith.addi %add3A_1226, %add3A_1227 : i32
        %swap3A_1229 = arith.index_cast %add3A_1228 : i32 to index
        %swap3A_1230 = tpu.vector_load %arg7[%swap3A_1229] {strides = array<i32>} : memref<65536xf32, #tpu.memory_space<vmem>>, vector<16xf32>,
        %swap3A_1231 = vector.shape_cast %swap3A_1230 : vector<16xf32> to vector<16xf32>
        %swap3A_1232 = vector.shape_cast %get3A_1067 : vector<16xf32> to vector<16xf32>
        tpu.vector_store %arg7[%swap3A_1229], %swap3A_1232 {strides = array<i32>} : memref<65536xf32, #tpu.memory_space<vmem>>, vector<16xf32>,
        %add3A_1233 = arith.constant 1152 : i32
        %add3A_1234 = arith.addi %mul3A_99, %add3A_1233 : i32
        %add3A_1235 = arith.constant 112 : i32
        %add3A_1236 = arith.addi %add3A_1234, %add3A_1235 : i32
        %swap3A_1237 = arith.index_cast %add3A_1236 : i32 to index
        %swap3A_1238 = tpu.vector_load %arg7[%swap3A_1237] {strides = array<i32>} : memref<65536xf32, #tpu.memory_space<vmem>>, vector<16xf32>,
        %swap3A_1239 = vector.shape_cast %swap3A_1238 : vector<16xf32> to vector<16xf32>
        %swap3A_1240 = vector.shape_cast %get3A_1072 : vector<16xf32> to vector<16xf32>
        tpu.vector_store %arg7[%swap3A_1237], %swap3A_1240 {strides = array<i32>} : memref<65536xf32, #tpu.memory_space<vmem>>, vector<16xf32>,
        %add3A_1241 = arith.constant 0 : i32
        %add3A_1242 = arith.addi %shift_left3A_144, %add3A_1241 : i32
        %get3A_1243 = arith.index_cast %add3A_1242 : i32 to index
        %get3A_1244 = tpu.vector_load %arg6[%get3A_1243] {strides = array<i32>} : memref<768xf32, #tpu.memory_space<vmem>>, vector<16xf32>,
        %get3A_1245 = vector.shape_cast %get3A_1244 : vector<16xf32> to vector<16xf32>
        %add3A_1246 = arith.constant 16 : i32
        %add3A_1247 = arith.addi %shift_left3A_144, %add3A_1246 : i32
        %get3A_1248 = arith.index_cast %add3A_1247 : i32 to index
        %get3A_1249 = tpu.vector_load %arg6[%get3A_1248] {strides = array<i32>} : memref<768xf32, #tpu.memory_space<vmem>>, vector<16xf32>,
        %get3A_1250 = vector.shape_cast %get3A_1249 : vector<16xf32> to vector<16xf32>
        %add3A_1251 = arith.constant 32 : i32
        %add3A_1252 = arith.addi %shift_left3A_144, %add3A_1251 : i32
        %get3A_1253 = arith.index_cast %add3A_1252 : i32 to index
        %get3A_1254 = tpu.vector_load %arg6[%get3A_1253] {strides = array<i32>} : memref<768xf32, #tpu.memory_space<vmem>>, vector<16xf32>,
        %get3A_1255 = vector.shape_cast %get3A_1254 : vector<16xf32> to vector<16xf32>
        %add3A_1256 = arith.constant 48 : i32
        %add3A_1257 = arith.addi %shift_left3A_144, %add3A_1256 : i32
        %get3A_1258 = arith.index_cast %add3A_1257 : i32 to index
        %get3A_1259 = tpu.vector_load %arg6[%get3A_1258] {strides = array<i32>} : memref<768xf32, #tpu.memory_space<vmem>>, vector<16xf32>,
        %get3A_1260 = vector.shape_cast %get3A_1259 : vector<16xf32> to vector<16xf32>
        %add3A_1261 = arith.constant 64 : i32
        %add3A_1262 = arith.addi %shift_left3A_144, %add3A_1261 : i32
        %get3A_1263 = arith.index_cast %add3A_1262 : i32 to index
        %get3A_1264 = tpu.vector_load %arg6[%get3A_1263] {strides = array<i32>} : memref<768xf32, #tpu.memory_space<vmem>>, vector<16xf32>,
        %get3A_1265 = vector.shape_cast %get3A_1264 : vector<16xf32> to vector<16xf32>
        %add3A_1266 = arith.constant 80 : i32
        %add3A_1267 = arith.addi %shift_left3A_144, %add3A_1266 : i32
        %get3A_1268 = arith.index_cast %add3A_1267 : i32 to index
        %get3A_1269 = tpu.vector_load %arg6[%get3A_1268] {strides = array<i32>} : memref<768xf32, #tpu.memory_space<vmem>>, vector<16xf32>,
        %get3A_1270 = vector.shape_cast %get3A_1269 : vector<16xf32> to vector<16xf32>
        %add3A_1271 = arith.constant 96 : i32
        %add3A_1272 = arith.addi %shift_left3A_144, %add3A_1271 : i32
        %get3A_1273 = arith.index_cast %add3A_1272 : i32 to index
        %get3A_1274 = tpu.vector_load %arg6[%get3A_1273] {strides = array<i32>} : memref<768xf32, #tpu.memory_space<vmem>>, vector<16xf32>,
        %get3A_1275 = vector.shape_cast %get3A_1274 : vector<16xf32> to vector<16xf32>
        %add3A_1276 = arith.constant 112 : i32
        %add3A_1277 = arith.addi %shift_left3A_144, %add3A_1276 : i32
        %get3A_1278 = arith.index_cast %add3A_1277 : i32 to index
        %get3A_1279 = tpu.vector_load %arg6[%get3A_1278] {strides = array<i32>} : memref<768xf32, #tpu.memory_space<vmem>>, vector<16xf32>,
        %get3A_1280 = vector.shape_cast %get3A_1279 : vector<16xf32> to vector<16xf32>
        %add3A_1281 = arith.constant 1280 : i32
        %add3A_1282 = arith.addi %mul3A_99, %add3A_1281 : i32
        %add3A_1283 = arith.constant 0 : i32
        %add3A_1284 = arith.addi %add3A_1282, %add3A_1283 : i32
        %swap3A_1285 = arith.index_cast %add3A_1284 : i32 to index
        %swap3A_1286 = tpu.vector_load %arg7[%swap3A_1285] {strides = array<i32>} : memref<65536xf32, #tpu.memory_space<vmem>>, vector<16xf32>,
        %swap3A_1287 = vector.shape_cast %swap3A_1286 : vector<16xf32> to vector<16xf32>
        %swap3A_1288 = vector.shape_cast %get3A_1141 : vector<16xf32> to vector<16xf32>
        tpu.vector_store %arg7[%swap3A_1285], %swap3A_1288 {strides = array<i32>} : memref<65536xf32, #tpu.memory_space<vmem>>, vector<16xf32>,
        %add3A_1289 = arith.constant 1280 : i32
        %add3A_1290 = arith.addi %mul3A_99, %add3A_1289 : i32
        %add3A_1291 = arith.constant 16 : i32
        %add3A_1292 = arith.addi %add3A_1290, %add3A_1291 : i32
        %swap3A_1293 = arith.index_cast %add3A_1292 : i32 to index
        %swap3A_1294 = tpu.vector_load %arg7[%swap3A_1293] {strides = array<i32>} : memref<65536xf32, #tpu.memory_space<vmem>>, vector<16xf32>,
        %swap3A_1295 = vector.shape_cast %swap3A_1294 : vector<16xf32> to vector<16xf32>
        %swap3A_1296 = vector.shape_cast %get3A_1146 : vector<16xf32> to vector<16xf32>
        tpu.vector_store %arg7[%swap3A_1293], %swap3A_1296 {strides = array<i32>} : memref<65536xf32, #tpu.memory_space<vmem>>, vector<16xf32>,
        %add3A_1297 = arith.constant 1280 : i32
        %add3A_1298 = arith.addi %mul3A_99, %add3A_1297 : i32
        %add3A_1299 = arith.constant 32 : i32
        %add3A_1300 = arith.addi %add3A_1298, %add3A_1299 : i32
        %swap3A_1301 = arith.index_cast %add3A_1300 : i32 to index
        %swap3A_1302 = tpu.vector_load %arg7[%swap3A_1301] {strides = array<i32>} : memref<65536xf32, #tpu.memory_space<vmem>>, vector<16xf32>,
        %swap3A_1303 = vector.shape_cast %swap3A_1302 : vector<16xf32> to vector<16xf32>
        %swap3A_1304 = vector.shape_cast %get3A_1151 : vector<16xf32> to vector<16xf32>
        tpu.vector_store %arg7[%swap3A_1301], %swap3A_1304 {strides = array<i32>} : memref<65536xf32, #tpu.memory_space<vmem>>, vector<16xf32>,
        %add3A_1305 = arith.constant 1280 : i32
        %add3A_1306 = arith.addi %mul3A_99, %add3A_1305 : i32
        %add3A_1307 = arith.constant 48 : i32
        %add3A_1308 = arith.addi %add3A_1306, %add3A_1307 : i32
        %swap3A_1309 = arith.index_cast %add3A_1308 : i32 to index
        %swap3A_1310 = tpu.vector_load %arg7[%swap3A_1309] {strides = array<i32>} : memref<65536xf32, #tpu.memory_space<vmem>>, vector<16xf32>,
        %swap3A_1311 = vector.shape_cast %swap3A_1310 : vector<16xf32> to vector<16xf32>
        %swap3A_1312 = vector.shape_cast %get3A_1156 : vector<16xf32> to vector<16xf32>
        tpu.vector_store %arg7[%swap3A_1309], %swap3A_1312 {strides = array<i32>} : memref<65536xf32, #tpu.memory_space<vmem>>, vector<16xf32>,
        %add3A_1313 = arith.constant 1280 : i32
        %add3A_1314 = arith.addi %mul3A_99, %add3A_1313 : i32
        %add3A_1315 = arith.constant 64 : i32
        %add3A_1316 = arith.addi %add3A_1314, %add3A_1315 : i32
        %swap3A_1317 = arith.index_cast %add3A_1316 : i32 to index
        %swap3A_1318 = tpu.vector_load %arg7[%swap3A_1317] {strides = array<i32>} : memref<65536xf32, #tpu.memory_space<vmem>>, vector<16xf32>,
        %swap3A_1319 = vector.shape_cast %swap3A_1318 : vector<16xf32> to vector<16xf32>
        %swap3A_1320 = vector.shape_cast %get3A_1161 : vector<16xf32> to vector<16xf32>
        tpu.vector_store %arg7[%swap3A_1317], %swap3A_1320 {strides = array<i32>} : memref<65536xf32, #tpu.memory_space<vmem>>, vector<16xf32>,
        %add3A_1321 = arith.constant 1280 : i32
        %add3A_1322 = arith.addi %mul3A_99, %add3A_1321 : i32
        %add3A_1323 = arith.constant 80 : i32
        %add3A_1324 = arith.addi %add3A_1322, %add3A_1323 : i32
        %swap3A_1325 = arith.index_cast %add3A_1324 : i32 to index
        %swap3A_1326 = tpu.vector_load %arg7[%swap3A_1325] {strides = array<i32>} : memref<65536xf32, #tpu.memory_space<vmem>>, vector<16xf32>,
        %swap3A_1327 = vector.shape_cast %swap3A_1326 : vector<16xf32> to vector<16xf32>
        %swap3A_1328 = vector.shape_cast %get3A_1166 : vector<16xf32> to vector<16xf32>
        tpu.vector_store %arg7[%swap3A_1325], %swap3A_1328 {strides = array<i32>} : memref<65536xf32, #tpu.memory_space<vmem>>, vector<16xf32>,
        %add3A_1329 = arith.constant 1280 : i32
        %add3A_1330 = arith.addi %mul3A_99, %add3A_1329 : i32
        %add3A_1331 = arith.constant 96 : i32
        %add3A_1332 = arith.addi %add3A_1330, %add3A_1331 : i32
        %swap3A_1333 = arith.index_cast %add3A_1332 : i32 to index
        %swap3A_1334 = tpu.vector_load %arg7[%swap3A_1333] {strides = array<i32>} : memref<65536xf32, #tpu.memory_space<vmem>>, vector<16xf32>,
        %swap3A_1335 = vector.shape_cast %swap3A_1334 : vector<16xf32> to vector<16xf32>
        %swap3A_1336 = vector.shape_cast %get3A_1171 : vector<16xf32> to vector<16xf32>
        tpu.vector_store %arg7[%swap3A_1333], %swap3A_1336 {strides = array<i32>} : memref<65536xf32, #tpu.memory_space<vmem>>, vector<16xf32>,
        %add3A_1337 = arith.constant 1280 : i32
        %add3A_1338 = arith.addi %mul3A_99, %add3A_1337 : i32
        %add3A_1339 = arith.constant 112 : i32
        %add3A_1340 = arith.addi %add3A_1338, %add3A_1339 : i32
        %swap3A_1341 = arith.index_cast %add3A_1340 : i32 to index
        %swap3A_1342 = tpu.vector_load %arg7[%swap3A_1341] {strides = array<i32>} : memref<65536xf32, #tpu.memory_space<vmem>>, vector<16xf32>,
        %swap3A_1343 = vector.shape_cast %swap3A_1342 : vector<16xf32> to vector<16xf32>
        %swap3A_1344 = vector.shape_cast %get3A_1176 : vector<16xf32> to vector<16xf32>
        tpu.vector_store %arg7[%swap3A_1341], %swap3A_1344 {strides = array<i32>} : memref<65536xf32, #tpu.memory_space<vmem>>, vector<16xf32>,
        %add3A_1345 = arith.constant 0 : i32
        %add3A_1346 = arith.addi %shift_left3A_148, %add3A_1345 : i32
        %get3A_1347 = arith.index_cast %add3A_1346 : i32 to index
        %get3A_1348 = tpu.vector_load %arg6[%get3A_1347] {strides = array<i32>} : memref<768xf32, #tpu.memory_space<vmem>>, vector<16xf32>,
        %get3A_1349 = vector.shape_cast %get3A_1348 : vector<16xf32> to vector<16xf32>
        %add3A_1350 = arith.constant 16 : i32
        %add3A_1351 = arith.addi %shift_left3A_148, %add3A_1350 : i32
        %get3A_1352 = arith.index_cast %add3A_1351 : i32 to index
        %get3A_1353 = tpu.vector_load %arg6[%get3A_1352] {strides = array<i32>} : memref<768xf32, #tpu.memory_space<vmem>>, vector<16xf32>,
        %get3A_1354 = vector.shape_cast %get3A_1353 : vector<16xf32> to vector<16xf32>
        %add3A_1355 = arith.constant 32 : i32
        %add3A_1356 = arith.addi %shift_left3A_148, %add3A_1355 : i32
        %get3A_1357 = arith.index_cast %add3A_1356 : i32 to index
        %get3A_1358 = tpu.vector_load %arg6[%get3A_1357] {strides = array<i32>} : memref<768xf32, #tpu.memory_space<vmem>>, vector<16xf32>,
        %get3A_1359 = vector.shape_cast %get3A_1358 : vector<16xf32> to vector<16xf32>
        %add3A_1360 = arith.constant 48 : i32
        %add3A_1361 = arith.addi %shift_left3A_148, %add3A_1360 : i32
        %get3A_1362 = arith.index_cast %add3A_1361 : i32 to index
        %get3A_1363 = tpu.vector_load %arg6[%get3A_1362] {strides = array<i32>} : memref<768xf32, #tpu.memory_space<vmem>>, vector<16xf32>,
        %get3A_1364 = vector.shape_cast %get3A_1363 : vector<16xf32> to vector<16xf32>
        %add3A_1365 = arith.constant 64 : i32
        %add3A_1366 = arith.addi %shift_left3A_148, %add3A_1365 : i32
        %get3A_1367 = arith.index_cast %add3A_1366 : i32 to index
        %get3A_1368 = tpu.vector_load %arg6[%get3A_1367] {strides = array<i32>} : memref<768xf32, #tpu.memory_space<vmem>>, vector<16xf32>,
        %get3A_1369 = vector.shape_cast %get3A_1368 : vector<16xf32> to vector<16xf32>
        %add3A_1370 = arith.constant 80 : i32
        %add3A_1371 = arith.addi %shift_left3A_148, %add3A_1370 : i32
        %get3A_1372 = arith.index_cast %add3A_1371 : i32 to index
        %get3A_1373 = tpu.vector_load %arg6[%get3A_1372] {strides = array<i32>} : memref<768xf32, #tpu.memory_space<vmem>>, vector<16xf32>,
        %get3A_1374 = vector.shape_cast %get3A_1373 : vector<16xf32> to vector<16xf32>
        %add3A_1375 = arith.constant 96 : i32
        %add3A_1376 = arith.addi %shift_left3A_148, %add3A_1375 : i32
        %get3A_1377 = arith.index_cast %add3A_1376 : i32 to index
        %get3A_1378 = tpu.vector_load %arg6[%get3A_1377] {strides = array<i32>} : memref<768xf32, #tpu.memory_space<vmem>>, vector<16xf32>,
        %get3A_1379 = vector.shape_cast %get3A_1378 : vector<16xf32> to vector<16xf32>
        %add3A_1380 = arith.constant 112 : i32
        %add3A_1381 = arith.addi %shift_left3A_148, %add3A_1380 : i32
        %get3A_1382 = arith.index_cast %add3A_1381 : i32 to index
        %get3A_1383 = tpu.vector_load %arg6[%get3A_1382] {strides = array<i32>} : memref<768xf32, #tpu.memory_space<vmem>>, vector<16xf32>,
        %get3A_1384 = vector.shape_cast %get3A_1383 : vector<16xf32> to vector<16xf32>
        %add3A_1385 = arith.constant 1408 : i32
        %add3A_1386 = arith.addi %mul3A_99, %add3A_1385 : i32
        %add3A_1387 = arith.constant 0 : i32
        %add3A_1388 = arith.addi %add3A_1386, %add3A_1387 : i32
        %swap3A_1389 = arith.index_cast %add3A_1388 : i32 to index
        %swap3A_1390 = tpu.vector_load %arg7[%swap3A_1389] {strides = array<i32>} : memref<65536xf32, #tpu.memory_space<vmem>>, vector<16xf32>,
        %swap3A_1391 = vector.shape_cast %swap3A_1390 : vector<16xf32> to vector<16xf32>
        %swap3A_1392 = vector.shape_cast %get3A_1245 : vector<16xf32> to vector<16xf32>
        tpu.vector_store %arg7[%swap3A_1389], %swap3A_1392 {strides = array<i32>} : memref<65536xf32, #tpu.memory_space<vmem>>, vector<16xf32>,
        %add3A_1393 = arith.constant 1408 : i32
        %add3A_1394 = arith.addi %mul3A_99, %add3A_1393 : i32
        %add3A_1395 = arith.constant 16 : i32
        %add3A_1396 = arith.addi %add3A_1394, %add3A_1395 : i32
        %swap3A_1397 = arith.index_cast %add3A_1396 : i32 to index
        %swap3A_1398 = tpu.vector_load %arg7[%swap3A_1397] {strides = array<i32>} : memref<65536xf32, #tpu.memory_space<vmem>>, vector<16xf32>,
        %swap3A_1399 = vector.shape_cast %swap3A_1398 : vector<16xf32> to vector<16xf32>
        %swap3A_1400 = vector.shape_cast %get3A_1250 : vector<16xf32> to vector<16xf32>
        tpu.vector_store %arg7[%swap3A_1397], %swap3A_1400 {strides = array<i32>} : memref<65536xf32, #tpu.memory_space<vmem>>, vector<16xf32>,
        %add3A_1401 = arith.constant 1408 : i32
        %add3A_1402 = arith.addi %mul3A_99, %add3A_1401 : i32
        %add3A_1403 = arith.constant 32 : i32
        %add3A_1404 = arith.addi %add3A_1402, %add3A_1403 : i32
        %swap3A_1405 = arith.index_cast %add3A_1404 : i32 to index
        %swap3A_1406 = tpu.vector_load %arg7[%swap3A_1405] {strides = array<i32>} : memref<65536xf32, #tpu.memory_space<vmem>>, vector<16xf32>,
        %swap3A_1407 = vector.shape_cast %swap3A_1406 : vector<16xf32> to vector<16xf32>
        %swap3A_1408 = vector.shape_cast %get3A_1255 : vector<16xf32> to vector<16xf32>
        tpu.vector_store %arg7[%swap3A_1405], %swap3A_1408 {strides = array<i32>} : memref<65536xf32, #tpu.memory_space<vmem>>, vector<16xf32>,
        %add3A_1409 = arith.constant 1408 : i32
        %add3A_1410 = arith.addi %mul3A_99, %add3A_1409 : i32
        %add3A_1411 = arith.constant 48 : i32
        %add3A_1412 = arith.addi %add3A_1410, %add3A_1411 : i32
        %swap3A_1413 = arith.index_cast %add3A_1412 : i32 to index
        %swap3A_1414 = tpu.vector_load %arg7[%swap3A_1413] {strides = array<i32>} : memref<65536xf32, #tpu.memory_space<vmem>>, vector<16xf32>,
        %swap3A_1415 = vector.shape_cast %swap3A_1414 : vector<16xf32> to vector<16xf32>
        %swap3A_1416 = vector.shape_cast %get3A_1260 : vector<16xf32> to vector<16xf32>
        tpu.vector_store %arg7[%swap3A_1413], %swap3A_1416 {strides = array<i32>} : memref<65536xf32, #tpu.memory_space<vmem>>, vector<16xf32>,
        %add3A_1417 = arith.constant 1408 : i32
        %add3A_1418 = arith.addi %mul3A_99, %add3A_1417 : i32
        %add3A_1419 = arith.constant 64 : i32
        %add3A_1420 = arith.addi %add3A_1418, %add3A_1419 : i32
        %swap3A_1421 = arith.index_cast %add3A_1420 : i32 to index
        %swap3A_1422 = tpu.vector_load %arg7[%swap3A_1421] {strides = array<i32>} : memref<65536xf32, #tpu.memory_space<vmem>>, vector<16xf32>,
        %swap3A_1423 = vector.shape_cast %swap3A_1422 : vector<16xf32> to vector<16xf32>
        %swap3A_1424 = vector.shape_cast %get3A_1265 : vector<16xf32> to vector<16xf32>
        tpu.vector_store %arg7[%swap3A_1421], %swap3A_1424 {strides = array<i32>} : memref<65536xf32, #tpu.memory_space<vmem>>, vector<16xf32>,
        %add3A_1425 = arith.constant 1408 : i32
        %add3A_1426 = arith.addi %mul3A_99, %add3A_1425 : i32
        %add3A_1427 = arith.constant 80 : i32
        %add3A_1428 = arith.addi %add3A_1426, %add3A_1427 : i32
        %swap3A_1429 = arith.index_cast %add3A_1428 : i32 to index
        %swap3A_1430 = tpu.vector_load %arg7[%swap3A_1429] {strides = array<i32>} : memref<65536xf32, #tpu.memory_space<vmem>>, vector<16xf32>,
        %swap3A_1431 = vector.shape_cast %swap3A_1430 : vector<16xf32> to vector<16xf32>
        %swap3A_1432 = vector.shape_cast %get3A_1270 : vector<16xf32> to vector<16xf32>
        tpu.vector_store %arg7[%swap3A_1429], %swap3A_1432 {strides = array<i32>} : memref<65536xf32, #tpu.memory_space<vmem>>, vector<16xf32>,
        %add3A_1433 = arith.constant 1408 : i32
        %add3A_1434 = arith.addi %mul3A_99, %add3A_1433 : i32
        %add3A_1435 = arith.constant 96 : i32
        %add3A_1436 = arith.addi %add3A_1434, %add3A_1435 : i32
        %swap3A_1437 = arith.index_cast %add3A_1436 : i32 to index
        %swap3A_1438 = tpu.vector_load %arg7[%swap3A_1437] {strides = array<i32>} : memref<65536xf32, #tpu.memory_space<vmem>>, vector<16xf32>,
        %swap3A_1439 = vector.shape_cast %swap3A_1438 : vector<16xf32> to vector<16xf32>
        %swap3A_1440 = vector.shape_cast %get3A_1275 : vector<16xf32> to vector<16xf32>
        tpu.vector_store %arg7[%swap3A_1437], %swap3A_1440 {strides = array<i32>} : memref<65536xf32, #tpu.memory_space<vmem>>, vector<16xf32>,
        %add3A_1441 = arith.constant 1408 : i32
        %add3A_1442 = arith.addi %mul3A_99, %add3A_1441 : i32
        %add3A_1443 = arith.constant 112 : i32
        %add3A_1444 = arith.addi %add3A_1442, %add3A_1443 : i32
        %swap3A_1445 = arith.index_cast %add3A_1444 : i32 to index
        %swap3A_1446 = tpu.vector_load %arg7[%swap3A_1445] {strides = array<i32>} : memref<65536xf32, #tpu.memory_space<vmem>>, vector<16xf32>,
        %swap3A_1447 = vector.shape_cast %swap3A_1446 : vector<16xf32> to vector<16xf32>
        %swap3A_1448 = vector.shape_cast %get3A_1280 : vector<16xf32> to vector<16xf32>
        tpu.vector_store %arg7[%swap3A_1445], %swap3A_1448 {strides = array<i32>} : memref<65536xf32, #tpu.memory_space<vmem>>, vector<16xf32>,
        %add3A_1449 = arith.constant 0 : i32
        %add3A_1450 = arith.addi %shift_left3A_152, %add3A_1449 : i32
        %get3A_1451 = arith.index_cast %add3A_1450 : i32 to index
        %get3A_1452 = tpu.vector_load %arg6[%get3A_1451] {strides = array<i32>} : memref<768xf32, #tpu.memory_space<vmem>>, vector<16xf32>,
        %get3A_1453 = vector.shape_cast %get3A_1452 : vector<16xf32> to vector<16xf32>
        %add3A_1454 = arith.constant 16 : i32
        %add3A_1455 = arith.addi %shift_left3A_152, %add3A_1454 : i32
        %get3A_1456 = arith.index_cast %add3A_1455 : i32 to index
        %get3A_1457 = tpu.vector_load %arg6[%get3A_1456] {strides = array<i32>} : memref<768xf32, #tpu.memory_space<vmem>>, vector<16xf32>,
        %get3A_1458 = vector.shape_cast %get3A_1457 : vector<16xf32> to vector<16xf32>
        %add3A_1459 = arith.constant 32 : i32
        %add3A_1460 = arith.addi %shift_left3A_152, %add3A_1459 : i32
        %get3A_1461 = arith.index_cast %add3A_1460 : i32 to index
        %get3A_1462 = tpu.vector_load %arg6[%get3A_1461] {strides = array<i32>} : memref<768xf32, #tpu.memory_space<vmem>>, vector<16xf32>,
        %get3A_1463 = vector.shape_cast %get3A_1462 : vector<16xf32> to vector<16xf32>
        %add3A_1464 = arith.constant 48 : i32
        %add3A_1465 = arith.addi %shift_left3A_152, %add3A_1464 : i32
        %get3A_1466 = arith.index_cast %add3A_1465 : i32 to index
        %get3A_1467 = tpu.vector_load %arg6[%get3A_1466] {strides = array<i32>} : memref<768xf32, #tpu.memory_space<vmem>>, vector<16xf32>,
        %get3A_1468 = vector.shape_cast %get3A_1467 : vector<16xf32> to vector<16xf32>
        %add3A_1469 = arith.constant 64 : i32
        %add3A_1470 = arith.addi %shift_left3A_152, %add3A_1469 : i32
        %get3A_1471 = arith.index_cast %add3A_1470 : i32 to index
        %get3A_1472 = tpu.vector_load %arg6[%get3A_1471] {strides = array<i32>} : memref<768xf32, #tpu.memory_space<vmem>>, vector<16xf32>,
        %get3A_1473 = vector.shape_cast %get3A_1472 : vector<16xf32> to vector<16xf32>
        %add3A_1474 = arith.constant 80 : i32
        %add3A_1475 = arith.addi %shift_left3A_152, %add3A_1474 : i32
        %get3A_1476 = arith.index_cast %add3A_1475 : i32 to index
        %get3A_1477 = tpu.vector_load %arg6[%get3A_1476] {strides = array<i32>} : memref<768xf32, #tpu.memory_space<vmem>>, vector<16xf32>,
        %get3A_1478 = vector.shape_cast %get3A_1477 : vector<16xf32> to vector<16xf32>
        %add3A_1479 = arith.constant 96 : i32
        %add3A_1480 = arith.addi %shift_left3A_152, %add3A_1479 : i32
        %get3A_1481 = arith.index_cast %add3A_1480 : i32 to index
        %get3A_1482 = tpu.vector_load %arg6[%get3A_1481] {strides = array<i32>} : memref<768xf32, #tpu.memory_space<vmem>>, vector<16xf32>,
        %get3A_1483 = vector.shape_cast %get3A_1482 : vector<16xf32> to vector<16xf32>
        %add3A_1484 = arith.constant 112 : i32
        %add3A_1485 = arith.addi %shift_left3A_152, %add3A_1484 : i32
        %get3A_1486 = arith.index_cast %add3A_1485 : i32 to index
        %get3A_1487 = tpu.vector_load %arg6[%get3A_1486] {strides = array<i32>} : memref<768xf32, #tpu.memory_space<vmem>>, vector<16xf32>,
        %get3A_1488 = vector.shape_cast %get3A_1487 : vector<16xf32> to vector<16xf32>
        %add3A_1489 = arith.constant 1536 : i32
        %add3A_1490 = arith.addi %mul3A_99, %add3A_1489 : i32
        %add3A_1491 = arith.constant 0 : i32
        %add3A_1492 = arith.addi %add3A_1490, %add3A_1491 : i32
        %swap3A_1493 = arith.index_cast %add3A_1492 : i32 to index
        %swap3A_1494 = tpu.vector_load %arg7[%swap3A_1493] {strides = array<i32>} : memref<65536xf32, #tpu.memory_space<vmem>>, vector<16xf32>,
        %swap3A_1495 = vector.shape_cast %swap3A_1494 : vector<16xf32> to vector<16xf32>
        %swap3A_1496 = vector.shape_cast %get3A_1349 : vector<16xf32> to vector<16xf32>
        tpu.vector_store %arg7[%swap3A_1493], %swap3A_1496 {strides = array<i32>} : memref<65536xf32, #tpu.memory_space<vmem>>, vector<16xf32>,
        %add3A_1497 = arith.constant 1536 : i32
        %add3A_1498 = arith.addi %mul3A_99, %add3A_1497 : i32
        %add3A_1499 = arith.constant 16 : i32
        %add3A_1500 = arith.addi %add3A_1498, %add3A_1499 : i32
        %swap3A_1501 = arith.index_cast %add3A_1500 : i32 to index
        %swap3A_1502 = tpu.vector_load %arg7[%swap3A_1501] {strides = array<i32>} : memref<65536xf32, #tpu.memory_space<vmem>>, vector<16xf32>,
        %swap3A_1503 = vector.shape_cast %swap3A_1502 : vector<16xf32> to vector<16xf32>
        %swap3A_1504 = vector.shape_cast %get3A_1354 : vector<16xf32> to vector<16xf32>
        tpu.vector_store %arg7[%swap3A_1501], %swap3A_1504 {strides = array<i32>} : memref<65536xf32, #tpu.memory_space<vmem>>, vector<16xf32>,
        %add3A_1505 = arith.constant 1536 : i32
        %add3A_1506 = arith.addi %mul3A_99, %add3A_1505 : i32
        %add3A_1507 = arith.constant 32 : i32
        %add3A_1508 = arith.addi %add3A_1506, %add3A_1507 : i32
        %swap3A_1509 = arith.index_cast %add3A_1508 : i32 to index
        %swap3A_1510 = tpu.vector_load %arg7[%swap3A_1509] {strides = array<i32>} : memref<65536xf32, #tpu.memory_space<vmem>>, vector<16xf32>,
        %swap3A_1511 = vector.shape_cast %swap3A_1510 : vector<16xf32> to vector<16xf32>
        %swap3A_1512 = vector.shape_cast %get3A_1359 : vector<16xf32> to vector<16xf32>
        tpu.vector_store %arg7[%swap3A_1509], %swap3A_1512 {strides = array<i32>} : memref<65536xf32, #tpu.memory_space<vmem>>, vector<16xf32>,
        %add3A_1513 = arith.constant 1536 : i32
        %add3A_1514 = arith.addi %mul3A_99, %add3A_1513 : i32
        %add3A_1515 = arith.constant 48 : i32
        %add3A_1516 = arith.addi %add3A_1514, %add3A_1515 : i32
        %swap3A_1517 = arith.index_cast %add3A_1516 : i32 to index
        %swap3A_1518 = tpu.vector_load %arg7[%swap3A_1517] {strides = array<i32>} : memref<65536xf32, #tpu.memory_space<vmem>>, vector<16xf32>,
        %swap3A_1519 = vector.shape_cast %swap3A_1518 : vector<16xf32> to vector<16xf32>
        %swap3A_1520 = vector.shape_cast %get3A_1364 : vector<16xf32> to vector<16xf32>
        tpu.vector_store %arg7[%swap3A_1517], %swap3A_1520 {strides = array<i32>} : memref<65536xf32, #tpu.memory_space<vmem>>, vector<16xf32>,
        %add3A_1521 = arith.constant 1536 : i32
        %add3A_1522 = arith.addi %mul3A_99, %add3A_1521 : i32
        %add3A_1523 = arith.constant 64 : i32
        %add3A_1524 = arith.addi %add3A_1522, %add3A_1523 : i32
        %swap3A_1525 = arith.index_cast %add3A_1524 : i32 to index
        %swap3A_1526 = tpu.vector_load %arg7[%swap3A_1525] {strides = array<i32>} : memref<65536xf32, #tpu.memory_space<vmem>>, vector<16xf32>,
        %swap3A_1527 = vector.shape_cast %swap3A_1526 : vector<16xf32> to vector<16xf32>
        %swap3A_1528 = vector.shape_cast %get3A_1369 : vector<16xf32> to vector<16xf32>
        tpu.vector_store %arg7[%swap3A_1525], %swap3A_1528 {strides = array<i32>} : memref<65536xf32, #tpu.memory_space<vmem>>, vector<16xf32>,
        %add3A_1529 = arith.constant 1536 : i32
        %add3A_1530 = arith.addi %mul3A_99, %add3A_1529 : i32
        %add3A_1531 = arith.constant 80 : i32
        %add3A_1532 = arith.addi %add3A_1530, %add3A_1531 : i32
        %swap3A_1533 = arith.index_cast %add3A_1532 : i32 to index
        %swap3A_1534 = tpu.vector_load %arg7[%swap3A_1533] {strides = array<i32>} : memref<65536xf32, #tpu.memory_space<vmem>>, vector<16xf32>,
        %swap3A_1535 = vector.shape_cast %swap3A_1534 : vector<16xf32> to vector<16xf32>
        %swap3A_1536 = vector.shape_cast %get3A_1374 : vector<16xf32> to vector<16xf32>
        tpu.vector_store %arg7[%swap3A_1533], %swap3A_1536 {strides = array<i32>} : memref<65536xf32, #tpu.memory_space<vmem>>, vector<16xf32>,
        %add3A_1537 = arith.constant 1536 : i32
        %add3A_1538 = arith.addi %mul3A_99, %add3A_1537 : i32
        %add3A_1539 = arith.constant 96 : i32
        %add3A_1540 = arith.addi %add3A_1538, %add3A_1539 : i32
        %swap3A_1541 = arith.index_cast %add3A_1540 : i32 to index
        %swap3A_1542 = tpu.vector_load %arg7[%swap3A_1541] {strides = array<i32>} : memref<65536xf32, #tpu.memory_space<vmem>>, vector<16xf32>,
        %swap3A_1543 = vector.shape_cast %swap3A_1542 : vector<16xf32> to vector<16xf32>
        %swap3A_1544 = vector.shape_cast %get3A_1379 : vector<16xf32> to vector<16xf32>
        tpu.vector_store %arg7[%swap3A_1541], %swap3A_1544 {strides = array<i32>} : memref<65536xf32, #tpu.memory_space<vmem>>, vector<16xf32>,
        %add3A_1545 = arith.constant 1536 : i32
        %add3A_1546 = arith.addi %mul3A_99, %add3A_1545 : i32
        %add3A_1547 = arith.constant 112 : i32
        %add3A_1548 = arith.addi %add3A_1546, %add3A_1547 : i32
        %swap3A_1549 = arith.index_cast %add3A_1548 : i32 to index
        %swap3A_1550 = tpu.vector_load %arg7[%swap3A_1549] {strides = array<i32>} : memref<65536xf32, #tpu.memory_space<vmem>>, vector<16xf32>,
        %swap3A_1551 = vector.shape_cast %swap3A_1550 : vector<16xf32> to vector<16xf32>
        %swap3A_1552 = vector.shape_cast %get3A_1384 : vector<16xf32> to vector<16xf32>
        tpu.vector_store %arg7[%swap3A_1549], %swap3A_1552 {strides = array<i32>} : memref<65536xf32, #tpu.memory_space<vmem>>, vector<16xf32>,
        %add3A_1553 = arith.constant 0 : i32
        %add3A_1554 = arith.addi %shift_left3A_156, %add3A_1553 : i32
        %get3A_1555 = arith.index_cast %add3A_1554 : i32 to index
        %get3A_1556 = tpu.vector_load %arg6[%get3A_1555] {strides = array<i32>} : memref<768xf32, #tpu.memory_space<vmem>>, vector<16xf32>,
        %get3A_1557 = vector.shape_cast %get3A_1556 : vector<16xf32> to vector<16xf32>
        %add3A_1558 = arith.constant 16 : i32
        %add3A_1559 = arith.addi %shift_left3A_156, %add3A_1558 : i32
        %get3A_1560 = arith.index_cast %add3A_1559 : i32 to index
        %get3A_1561 = tpu.vector_load %arg6[%get3A_1560] {strides = array<i32>} : memref<768xf32, #tpu.memory_space<vmem>>, vector<16xf32>,
        %get3A_1562 = vector.shape_cast %get3A_1561 : vector<16xf32> to vector<16xf32>
        %add3A_1563 = arith.constant 32 : i32
        %add3A_1564 = arith.addi %shift_left3A_156, %add3A_1563 : i32
        %get3A_1565 = arith.index_cast %add3A_1564 : i32 to index
        %get3A_1566 = tpu.vector_load %arg6[%get3A_1565] {strides = array<i32>} : memref<768xf32, #tpu.memory_space<vmem>>, vector<16xf32>,
        %get3A_1567 = vector.shape_cast %get3A_1566 : vector<16xf32> to vector<16xf32>
        %add3A_1568 = arith.constant 48 : i32
        %add3A_1569 = arith.addi %shift_left3A_156, %add3A_1568 : i32
        %get3A_1570 = arith.index_cast %add3A_1569 : i32 to index
        %get3A_1571 = tpu.vector_load %arg6[%get3A_1570] {strides = array<i32>} : memref<768xf32, #tpu.memory_space<vmem>>, vector<16xf32>,
        %get3A_1572 = vector.shape_cast %get3A_1571 : vector<16xf32> to vector<16xf32>
        %add3A_1573 = arith.constant 64 : i32
        %add3A_1574 = arith.addi %shift_left3A_156, %add3A_1573 : i32
        %get3A_1575 = arith.index_cast %add3A_1574 : i32 to index
        %get3A_1576 = tpu.vector_load %arg6[%get3A_1575] {strides = array<i32>} : memref<768xf32, #tpu.memory_space<vmem>>, vector<16xf32>,
        %get3A_1577 = vector.shape_cast %get3A_1576 : vector<16xf32> to vector<16xf32>
        %add3A_1578 = arith.constant 80 : i32
        %add3A_1579 = arith.addi %shift_left3A_156, %add3A_1578 : i32
        %get3A_1580 = arith.index_cast %add3A_1579 : i32 to index
        %get3A_1581 = tpu.vector_load %arg6[%get3A_1580] {strides = array<i32>} : memref<768xf32, #tpu.memory_space<vmem>>, vector<16xf32>,
        %get3A_1582 = vector.shape_cast %get3A_1581 : vector<16xf32> to vector<16xf32>
        %add3A_1583 = arith.constant 96 : i32
        %add3A_1584 = arith.addi %shift_left3A_156, %add3A_1583 : i32
        %get3A_1585 = arith.index_cast %add3A_1584 : i32 to index
        %get3A_1586 = tpu.vector_load %arg6[%get3A_1585] {strides = array<i32>} : memref<768xf32, #tpu.memory_space<vmem>>, vector<16xf32>,
        %get3A_1587 = vector.shape_cast %get3A_1586 : vector<16xf32> to vector<16xf32>
        %add3A_1588 = arith.constant 112 : i32
        %add3A_1589 = arith.addi %shift_left3A_156, %add3A_1588 : i32
        %get3A_1590 = arith.index_cast %add3A_1589 : i32 to index
        %get3A_1591 = tpu.vector_load %arg6[%get3A_1590] {strides = array<i32>} : memref<768xf32, #tpu.memory_space<vmem>>, vector<16xf32>,
        %get3A_1592 = vector.shape_cast %get3A_1591 : vector<16xf32> to vector<16xf32>
        %add3A_1593 = arith.constant 1664 : i32
        %add3A_1594 = arith.addi %mul3A_99, %add3A_1593 : i32
        %add3A_1595 = arith.constant 0 : i32
        %add3A_1596 = arith.addi %add3A_1594, %add3A_1595 : i32
        %swap3A_1597 = arith.index_cast %add3A_1596 : i32 to index
        %swap3A_1598 = tpu.vector_load %arg7[%swap3A_1597] {strides = array<i32>} : memref<65536xf32, #tpu.memory_space<vmem>>, vector<16xf32>,
        %swap3A_1599 = vector.shape_cast %swap3A_1598 : vector<16xf32> to vector<16xf32>
        %swap3A_1600 = vector.shape_cast %get3A_1453 : vector<16xf32> to vector<16xf32>
        tpu.vector_store %arg7[%swap3A_1597], %swap3A_1600 {strides = array<i32>} : memref<65536xf32, #tpu.memory_space<vmem>>, vector<16xf32>,
        %add3A_1601 = arith.constant 1664 : i32
        %add3A_1602 = arith.addi %mul3A_99, %add3A_1601 : i32
        %add3A_1603 = arith.constant 16 : i32
        %add3A_1604 = arith.addi %add3A_1602, %add3A_1603 : i32
        %swap3A_1605 = arith.index_cast %add3A_1604 : i32 to index
        %swap3A_1606 = tpu.vector_load %arg7[%swap3A_1605] {strides = array<i32>} : memref<65536xf32, #tpu.memory_space<vmem>>, vector<16xf32>,
        %swap3A_1607 = vector.shape_cast %swap3A_1606 : vector<16xf32> to vector<16xf32>
        %swap3A_1608 = vector.shape_cast %get3A_1458 : vector<16xf32> to vector<16xf32>
        tpu.vector_store %arg7[%swap3A_1605], %swap3A_1608 {strides = array<i32>} : memref<65536xf32, #tpu.memory_space<vmem>>, vector<16xf32>,
        %add3A_1609 = arith.constant 1664 : i32
        %add3A_1610 = arith.addi %mul3A_99, %add3A_1609 : i32
        %add3A_1611 = arith.constant 32 : i32
        %add3A_1612 = arith.addi %add3A_1610, %add3A_1611 : i32
        %swap3A_1613 = arith.index_cast %add3A_1612 : i32 to index
        %swap3A_1614 = tpu.vector_load %arg7[%swap3A_1613] {strides = array<i32>} : memref<65536xf32, #tpu.memory_space<vmem>>, vector<16xf32>,
        %swap3A_1615 = vector.shape_cast %swap3A_1614 : vector<16xf32> to vector<16xf32>
        %swap3A_1616 = vector.shape_cast %get3A_1463 : vector<16xf32> to vector<16xf32>
        tpu.vector_store %arg7[%swap3A_1613], %swap3A_1616 {strides = array<i32>} : memref<65536xf32, #tpu.memory_space<vmem>>, vector<16xf32>,
        %add3A_1617 = arith.constant 1664 : i32
        %add3A_1618 = arith.addi %mul3A_99, %add3A_1617 : i32
        %add3A_1619 = arith.constant 48 : i32
        %add3A_1620 = arith.addi %add3A_1618, %add3A_1619 : i32
        %swap3A_1621 = arith.index_cast %add3A_1620 : i32 to index
        %swap3A_1622 = tpu.vector_load %arg7[%swap3A_1621] {strides = array<i32>} : memref<65536xf32, #tpu.memory_space<vmem>>, vector<16xf32>,
        %swap3A_1623 = vector.shape_cast %swap3A_1622 : vector<16xf32> to vector<16xf32>
        %swap3A_1624 = vector.shape_cast %get3A_1468 : vector<16xf32> to vector<16xf32>
        tpu.vector_store %arg7[%swap3A_1621], %swap3A_1624 {strides = array<i32>} : memref<65536xf32, #tpu.memory_space<vmem>>, vector<16xf32>,
        %add3A_1625 = arith.constant 1664 : i32
        %add3A_1626 = arith.addi %mul3A_99, %add3A_1625 : i32
        %add3A_1627 = arith.constant 64 : i32
        %add3A_1628 = arith.addi %add3A_1626, %add3A_1627 : i32
        %swap3A_1629 = arith.index_cast %add3A_1628 : i32 to index
        %swap3A_1630 = tpu.vector_load %arg7[%swap3A_1629] {strides = array<i32>} : memref<65536xf32, #tpu.memory_space<vmem>>, vector<16xf32>,
        %swap3A_1631 = vector.shape_cast %swap3A_1630 : vector<16xf32> to vector<16xf32>
        %swap3A_1632 = vector.shape_cast %get3A_1473 : vector<16xf32> to vector<16xf32>
        tpu.vector_store %arg7[%swap3A_1629], %swap3A_1632 {strides = array<i32>} : memref<65536xf32, #tpu.memory_space<vmem>>, vector<16xf32>,
        %add3A_1633 = arith.constant 1664 : i32
        %add3A_1634 = arith.addi %mul3A_99, %add3A_1633 : i32
        %add3A_1635 = arith.constant 80 : i32
        %add3A_1636 = arith.addi %add3A_1634, %add3A_1635 : i32
        %swap3A_1637 = arith.index_cast %add3A_1636 : i32 to index
        %swap3A_1638 = tpu.vector_load %arg7[%swap3A_1637] {strides = array<i32>} : memref<65536xf32, #tpu.memory_space<vmem>>, vector<16xf32>,
        %swap3A_1639 = vector.shape_cast %swap3A_1638 : vector<16xf32> to vector<16xf32>
        %swap3A_1640 = vector.shape_cast %get3A_1478 : vector<16xf32> to vector<16xf32>
        tpu.vector_store %arg7[%swap3A_1637], %swap3A_1640 {strides = array<i32>} : memref<65536xf32, #tpu.memory_space<vmem>>, vector<16xf32>,
        %add3A_1641 = arith.constant 1664 : i32
        %add3A_1642 = arith.addi %mul3A_99, %add3A_1641 : i32
        %add3A_1643 = arith.constant 96 : i32
        %add3A_1644 = arith.addi %add3A_1642, %add3A_1643 : i32
        %swap3A_1645 = arith.index_cast %add3A_1644 : i32 to index
        %swap3A_1646 = tpu.vector_load %arg7[%swap3A_1645] {strides = array<i32>} : memref<65536xf32, #tpu.memory_space<vmem>>, vector<16xf32>,
        %swap3A_1647 = vector.shape_cast %swap3A_1646 : vector<16xf32> to vector<16xf32>
        %swap3A_1648 = vector.shape_cast %get3A_1483 : vector<16xf32> to vector<16xf32>
        tpu.vector_store %arg7[%swap3A_1645], %swap3A_1648 {strides = array<i32>} : memref<65536xf32, #tpu.memory_space<vmem>>, vector<16xf32>,
        %add3A_1649 = arith.constant 1664 : i32
        %add3A_1650 = arith.addi %mul3A_99, %add3A_1649 : i32
        %add3A_1651 = arith.constant 112 : i32
        %add3A_1652 = arith.addi %add3A_1650, %add3A_1651 : i32
        %swap3A_1653 = arith.index_cast %add3A_1652 : i32 to index
        %swap3A_1654 = tpu.vector_load %arg7[%swap3A_1653] {strides = array<i32>} : memref<65536xf32, #tpu.memory_space<vmem>>, vector<16xf32>,
        %swap3A_1655 = vector.shape_cast %swap3A_1654 : vector<16xf32> to vector<16xf32>
        %swap3A_1656 = vector.shape_cast %get3A_1488 : vector<16xf32> to vector<16xf32>
        tpu.vector_store %arg7[%swap3A_1653], %swap3A_1656 {strides = array<i32>} : memref<65536xf32, #tpu.memory_space<vmem>>, vector<16xf32>,
        %add3A_1657 = arith.constant 0 : i32
        %add3A_1658 = arith.addi %shift_left3A_160, %add3A_1657 : i32
        %get3A_1659 = arith.index_cast %add3A_1658 : i32 to index
        %get3A_1660 = tpu.vector_load %arg6[%get3A_1659] {strides = array<i32>} : memref<768xf32, #tpu.memory_space<vmem>>, vector<16xf32>,
        %get3A_1661 = vector.shape_cast %get3A_1660 : vector<16xf32> to vector<16xf32>
        %add3A_1662 = arith.constant 16 : i32
        %add3A_1663 = arith.addi %shift_left3A_160, %add3A_1662 : i32
        %get3A_1664 = arith.index_cast %add3A_1663 : i32 to index
        %get3A_1665 = tpu.vector_load %arg6[%get3A_1664] {strides = array<i32>} : memref<768xf32, #tpu.memory_space<vmem>>, vector<16xf32>,
        %get3A_1666 = vector.shape_cast %get3A_1665 : vector<16xf32> to vector<16xf32>
        %add3A_1667 = arith.constant 32 : i32
        %add3A_1668 = arith.addi %shift_left3A_160, %add3A_1667 : i32
        %get3A_1669 = arith.index_cast %add3A_1668 : i32 to index
        %get3A_1670 = tpu.vector_load %arg6[%get3A_1669] {strides = array<i32>} : memref<768xf32, #tpu.memory_space<vmem>>, vector<16xf32>,
        %get3A_1671 = vector.shape_cast %get3A_1670 : vector<16xf32> to vector<16xf32>
        %add3A_1672 = arith.constant 48 : i32
        %add3A_1673 = arith.addi %shift_left3A_160, %add3A_1672 : i32
        %get3A_1674 = arith.index_cast %add3A_1673 : i32 to index
        %get3A_1675 = tpu.vector_load %arg6[%get3A_1674] {strides = array<i32>} : memref<768xf32, #tpu.memory_space<vmem>>, vector<16xf32>,
        %get3A_1676 = vector.shape_cast %get3A_1675 : vector<16xf32> to vector<16xf32>
        %add3A_1677 = arith.constant 64 : i32
        %add3A_1678 = arith.addi %shift_left3A_160, %add3A_1677 : i32
        %get3A_1679 = arith.index_cast %add3A_1678 : i32 to index
        %get3A_1680 = tpu.vector_load %arg6[%get3A_1679] {strides = array<i32>} : memref<768xf32, #tpu.memory_space<vmem>>, vector<16xf32>,
        %get3A_1681 = vector.shape_cast %get3A_1680 : vector<16xf32> to vector<16xf32>
        %add3A_1682 = arith.constant 80 : i32
        %add3A_1683 = arith.addi %shift_left3A_160, %add3A_1682 : i32
        %get3A_1684 = arith.index_cast %add3A_1683 : i32 to index
        %get3A_1685 = tpu.vector_load %arg6[%get3A_1684] {strides = array<i32>} : memref<768xf32, #tpu.memory_space<vmem>>, vector<16xf32>,
        %get3A_1686 = vector.shape_cast %get3A_1685 : vector<16xf32> to vector<16xf32>
        %add3A_1687 = arith.constant 96 : i32
        %add3A_1688 = arith.addi %shift_left3A_160, %add3A_1687 : i32
        %get3A_1689 = arith.index_cast %add3A_1688 : i32 to index
        %get3A_1690 = tpu.vector_load %arg6[%get3A_1689] {strides = array<i32>} : memref<768xf32, #tpu.memory_space<vmem>>, vector<16xf32>,
        %get3A_1691 = vector.shape_cast %get3A_1690 : vector<16xf32> to vector<16xf32>
        %add3A_1692 = arith.constant 112 : i32
        %add3A_1693 = arith.addi %shift_left3A_160, %add3A_1692 : i32
        %get3A_1694 = arith.index_cast %add3A_1693 : i32 to index
        %get3A_1695 = tpu.vector_load %arg6[%get3A_1694] {strides = array<i32>} : memref<768xf32, #tpu.memory_space<vmem>>, vector<16xf32>,
        %get3A_1696 = vector.shape_cast %get3A_1695 : vector<16xf32> to vector<16xf32>
        %add3A_1697 = arith.constant 1792 : i32
        %add3A_1698 = arith.addi %mul3A_99, %add3A_1697 : i32
        %add3A_1699 = arith.constant 0 : i32
        %add3A_1700 = arith.addi %add3A_1698, %add3A_1699 : i32
        %swap3A_1701 = arith.index_cast %add3A_1700 : i32 to index
        %swap3A_1702 = tpu.vector_load %arg7[%swap3A_1701] {strides = array<i32>} : memref<65536xf32, #tpu.memory_space<vmem>>, vector<16xf32>,
        %swap3A_1703 = vector.shape_cast %swap3A_1702 : vector<16xf32> to vector<16xf32>
        %swap3A_1704 = vector.shape_cast %get3A_1557 : vector<16xf32> to vector<16xf32>
        tpu.vector_store %arg7[%swap3A_1701], %swap3A_1704 {strides = array<i32>} : memref<65536xf32, #tpu.memory_space<vmem>>, vector<16xf32>,
        %add3A_1705 = arith.constant 1792 : i32
        %add3A_1706 = arith.addi %mul3A_99, %add3A_1705 : i32
        %add3A_1707 = arith.constant 16 : i32
        %add3A_1708 = arith.addi %add3A_1706, %add3A_1707 : i32
        %swap3A_1709 = arith.index_cast %add3A_1708 : i32 to index
        %swap3A_1710 = tpu.vector_load %arg7[%swap3A_1709] {strides = array<i32>} : memref<65536xf32, #tpu.memory_space<vmem>>, vector<16xf32>,
        %swap3A_1711 = vector.shape_cast %swap3A_1710 : vector<16xf32> to vector<16xf32>
        %swap3A_1712 = vector.shape_cast %get3A_1562 : vector<16xf32> to vector<16xf32>
        tpu.vector_store %arg7[%swap3A_1709], %swap3A_1712 {strides = array<i32>} : memref<65536xf32, #tpu.memory_space<vmem>>, vector<16xf32>,
        %add3A_1713 = arith.constant 1792 : i32
        %add3A_1714 = arith.addi %mul3A_99, %add3A_1713 : i32
        %add3A_1715 = arith.constant 32 : i32
        %add3A_1716 = arith.addi %add3A_1714, %add3A_1715 : i32
        %swap3A_1717 = arith.index_cast %add3A_1716 : i32 to index
        %swap3A_1718 = tpu.vector_load %arg7[%swap3A_1717] {strides = array<i32>} : memref<65536xf32, #tpu.memory_space<vmem>>, vector<16xf32>,
        %swap3A_1719 = vector.shape_cast %swap3A_1718 : vector<16xf32> to vector<16xf32>
        %swap3A_1720 = vector.shape_cast %get3A_1567 : vector<16xf32> to vector<16xf32>
        tpu.vector_store %arg7[%swap3A_1717], %swap3A_1720 {strides = array<i32>} : memref<65536xf32, #tpu.memory_space<vmem>>, vector<16xf32>,
        %add3A_1721 = arith.constant 1792 : i32
        %add3A_1722 = arith.addi %mul3A_99, %add3A_1721 : i32
        %add3A_1723 = arith.constant 48 : i32
        %add3A_1724 = arith.addi %add3A_1722, %add3A_1723 : i32
        %swap3A_1725 = arith.index_cast %add3A_1724 : i32 to index
        %swap3A_1726 = tpu.vector_load %arg7[%swap3A_1725] {strides = array<i32>} : memref<65536xf32, #tpu.memory_space<vmem>>, vector<16xf32>,
        %swap3A_1727 = vector.shape_cast %swap3A_1726 : vector<16xf32> to vector<16xf32>
        %swap3A_1728 = vector.shape_cast %get3A_1572 : vector<16xf32> to vector<16xf32>
        tpu.vector_store %arg7[%swap3A_1725], %swap3A_1728 {strides = array<i32>} : memref<65536xf32, #tpu.memory_space<vmem>>, vector<16xf32>,
        %add3A_1729 = arith.constant 1792 : i32
        %add3A_1730 = arith.addi %mul3A_99, %add3A_1729 : i32
        %add3A_1731 = arith.constant 64 : i32
        %add3A_1732 = arith.addi %add3A_1730, %add3A_1731 : i32
        %swap3A_1733 = arith.index_cast %add3A_1732 : i32 to index
        %swap3A_1734 = tpu.vector_load %arg7[%swap3A_1733] {strides = array<i32>} : memref<65536xf32, #tpu.memory_space<vmem>>, vector<16xf32>,
        %swap3A_1735 = vector.shape_cast %swap3A_1734 : vector<16xf32> to vector<16xf32>
        %swap3A_1736 = vector.shape_cast %get3A_1577 : vector<16xf32> to vector<16xf32>
        tpu.vector_store %arg7[%swap3A_1733], %swap3A_1736 {strides = array<i32>} : memref<65536xf32, #tpu.memory_space<vmem>>, vector<16xf32>,
        %add3A_1737 = arith.constant 1792 : i32
        %add3A_1738 = arith.addi %mul3A_99, %add3A_1737 : i32
        %add3A_1739 = arith.constant 80 : i32
        %add3A_1740 = arith.addi %add3A_1738, %add3A_1739 : i32
        %swap3A_1741 = arith.index_cast %add3A_1740 : i32 to index
        %swap3A_1742 = tpu.vector_load %arg7[%swap3A_1741] {strides = array<i32>} : memref<65536xf32, #tpu.memory_space<vmem>>, vector<16xf32>,
        %swap3A_1743 = vector.shape_cast %swap3A_1742 : vector<16xf32> to vector<16xf32>
        %swap3A_1744 = vector.shape_cast %get3A_1582 : vector<16xf32> to vector<16xf32>
        tpu.vector_store %arg7[%swap3A_1741], %swap3A_1744 {strides = array<i32>} : memref<65536xf32, #tpu.memory_space<vmem>>, vector<16xf32>,
        %add3A_1745 = arith.constant 1792 : i32
        %add3A_1746 = arith.addi %mul3A_99, %add3A_1745 : i32
        %add3A_1747 = arith.constant 96 : i32
        %add3A_1748 = arith.addi %add3A_1746, %add3A_1747 : i32
        %swap3A_1749 = arith.index_cast %add3A_1748 : i32 to index
        %swap3A_1750 = tpu.vector_load %arg7[%swap3A_1749] {strides = array<i32>} : memref<65536xf32, #tpu.memory_space<vmem>>, vector<16xf32>,
        %swap3A_1751 = vector.shape_cast %swap3A_1750 : vector<16xf32> to vector<16xf32>
        %swap3A_1752 = vector.shape_cast %get3A_1587 : vector<16xf32> to vector<16xf32>
        tpu.vector_store %arg7[%swap3A_1749], %swap3A_1752 {strides = array<i32>} : memref<65536xf32, #tpu.memory_space<vmem>>, vector<16xf32>,
        %add3A_1753 = arith.constant 1792 : i32
        %add3A_1754 = arith.addi %mul3A_99, %add3A_1753 : i32
        %add3A_1755 = arith.constant 112 : i32
        %add3A_1756 = arith.addi %add3A_1754, %add3A_1755 : i32
        %swap3A_1757 = arith.index_cast %add3A_1756 : i32 to index
        %swap3A_1758 = tpu.vector_load %arg7[%swap3A_1757] {strides = array<i32>} : memref<65536xf32, #tpu.memory_space<vmem>>, vector<16xf32>,
        %swap3A_1759 = vector.shape_cast %swap3A_1758 : vector<16xf32> to vector<16xf32>
        %swap3A_1760 = vector.shape_cast %get3A_1592 : vector<16xf32> to vector<16xf32>
        tpu.vector_store %arg7[%swap3A_1757], %swap3A_1760 {strides = array<i32>} : memref<65536xf32, #tpu.memory_space<vmem>>, vector<16xf32>,
        %add3A_1761 = arith.constant 1920 : i32
        %add3A_1762 = arith.addi %mul3A_99, %add3A_1761 : i32
        %add3A_1763 = arith.constant 0 : i32
        %add3A_1764 = arith.addi %add3A_1762, %add3A_1763 : i32
        %swap3A_1765 = arith.index_cast %add3A_1764 : i32 to index
        %swap3A_1766 = tpu.vector_load %arg7[%swap3A_1765] {strides = array<i32>} : memref<65536xf32, #tpu.memory_space<vmem>>, vector<16xf32>,
        %swap3A_1767 = vector.shape_cast %swap3A_1766 : vector<16xf32> to vector<16xf32>
        %swap3A_1768 = vector.shape_cast %get3A_1661 : vector<16xf32> to vector<16xf32>
        tpu.vector_store %arg7[%swap3A_1765], %swap3A_1768 {strides = array<i32>} : memref<65536xf32, #tpu.memory_space<vmem>>, vector<16xf32>,
        %add3A_1769 = arith.constant 1920 : i32
        %add3A_1770 = arith.addi %mul3A_99, %add3A_1769 : i32
        %add3A_1771 = arith.constant 16 : i32
        %add3A_1772 = arith.addi %add3A_1770, %add3A_1771 : i32
        %swap3A_1773 = arith.index_cast %add3A_1772 : i32 to index
        %swap3A_1774 = tpu.vector_load %arg7[%swap3A_1773] {strides = array<i32>} : memref<65536xf32, #tpu.memory_space<vmem>>, vector<16xf32>,
        %swap3A_1775 = vector.shape_cast %swap3A_1774 : vector<16xf32> to vector<16xf32>
        %swap3A_1776 = vector.shape_cast %get3A_1666 : vector<16xf32> to vector<16xf32>
        tpu.vector_store %arg7[%swap3A_1773], %swap3A_1776 {strides = array<i32>} : memref<65536xf32, #tpu.memory_space<vmem>>, vector<16xf32>,
        %add3A_1777 = arith.constant 1920 : i32
        %add3A_1778 = arith.addi %mul3A_99, %add3A_1777 : i32
        %add3A_1779 = arith.constant 32 : i32
        %add3A_1780 = arith.addi %add3A_1778, %add3A_1779 : i32
        %swap3A_1781 = arith.index_cast %add3A_1780 : i32 to index
        %swap3A_1782 = tpu.vector_load %arg7[%swap3A_1781] {strides = array<i32>} : memref<65536xf32, #tpu.memory_space<vmem>>, vector<16xf32>,
        %swap3A_1783 = vector.shape_cast %swap3A_1782 : vector<16xf32> to vector<16xf32>
        %swap3A_1784 = vector.shape_cast %get3A_1671 : vector<16xf32> to vector<16xf32>
        tpu.vector_store %arg7[%swap3A_1781], %swap3A_1784 {strides = array<i32>} : memref<65536xf32, #tpu.memory_space<vmem>>, vector<16xf32>,
        %add3A_1785 = arith.constant 1920 : i32
        %add3A_1786 = arith.addi %mul3A_99, %add3A_1785 : i32
        %add3A_1787 = arith.constant 48 : i32
        %add3A_1788 = arith.addi %add3A_1786, %add3A_1787 : i32
        %swap3A_1789 = arith.index_cast %add3A_1788 : i32 to index
        %swap3A_1790 = tpu.vector_load %arg7[%swap3A_1789] {strides = array<i32>} : memref<65536xf32, #tpu.memory_space<vmem>>, vector<16xf32>,
        %swap3A_1791 = vector.shape_cast %swap3A_1790 : vector<16xf32> to vector<16xf32>
        %swap3A_1792 = vector.shape_cast %get3A_1676 : vector<16xf32> to vector<16xf32>
        tpu.vector_store %arg7[%swap3A_1789], %swap3A_1792 {strides = array<i32>} : memref<65536xf32, #tpu.memory_space<vmem>>, vector<16xf32>,
        %add3A_1793 = arith.constant 1920 : i32
        %add3A_1794 = arith.addi %mul3A_99, %add3A_1793 : i32
        %add3A_1795 = arith.constant 64 : i32
        %add3A_1796 = arith.addi %add3A_1794, %add3A_1795 : i32
        %swap3A_1797 = arith.index_cast %add3A_1796 : i32 to index
        %swap3A_1798 = tpu.vector_load %arg7[%swap3A_1797] {strides = array<i32>} : memref<65536xf32, #tpu.memory_space<vmem>>, vector<16xf32>,
        %swap3A_1799 = vector.shape_cast %swap3A_1798 : vector<16xf32> to vector<16xf32>
        %swap3A_1800 = vector.shape_cast %get3A_1681 : vector<16xf32> to vector<16xf32>
        tpu.vector_store %arg7[%swap3A_1797], %swap3A_1800 {strides = array<i32>} : memref<65536xf32, #tpu.memory_space<vmem>>, vector<16xf32>,
        %add3A_1801 = arith.constant 1920 : i32
        %add3A_1802 = arith.addi %mul3A_99, %add3A_1801 : i32
        %add3A_1803 = arith.constant 80 : i32
        %add3A_1804 = arith.addi %add3A_1802, %add3A_1803 : i32
        %swap3A_1805 = arith.index_cast %add3A_1804 : i32 to index
        %swap3A_1806 = tpu.vector_load %arg7[%swap3A_1805] {strides = array<i32>} : memref<65536xf32, #tpu.memory_space<vmem>>, vector<16xf32>,
        %swap3A_1807 = vector.shape_cast %swap3A_1806 : vector<16xf32> to vector<16xf32>
        %swap3A_1808 = vector.shape_cast %get3A_1686 : vector<16xf32> to vector<16xf32>
        tpu.vector_store %arg7[%swap3A_1805], %swap3A_1808 {strides = array<i32>} : memref<65536xf32, #tpu.memory_space<vmem>>, vector<16xf32>,
        %add3A_1809 = arith.constant 1920 : i32
        %add3A_1810 = arith.addi %mul3A_99, %add3A_1809 : i32
        %add3A_1811 = arith.constant 96 : i32
        %add3A_1812 = arith.addi %add3A_1810, %add3A_1811 : i32
        %swap3A_1813 = arith.index_cast %add3A_1812 : i32 to index
        %swap3A_1814 = tpu.vector_load %arg7[%swap3A_1813] {strides = array<i32>} : memref<65536xf32, #tpu.memory_space<vmem>>, vector<16xf32>,
        %swap3A_1815 = vector.shape_cast %swap3A_1814 : vector<16xf32> to vector<16xf32>
        %swap3A_1816 = vector.shape_cast %get3A_1691 : vector<16xf32> to vector<16xf32>
        tpu.vector_store %arg7[%swap3A_1813], %swap3A_1816 {strides = array<i32>} : memref<65536xf32, #tpu.memory_space<vmem>>, vector<16xf32>,
        %add3A_1817 = arith.constant 1920 : i32
        %add3A_1818 = arith.addi %mul3A_99, %add3A_1817 : i32
        %add3A_1819 = arith.constant 112 : i32
        %add3A_1820 = arith.addi %add3A_1818, %add3A_1819 : i32
        %swap3A_1821 = arith.index_cast %add3A_1820 : i32 to index
        %swap3A_1822 = tpu.vector_load %arg7[%swap3A_1821] {strides = array<i32>} : memref<65536xf32, #tpu.memory_space<vmem>>, vector<16xf32>,
        %swap3A_1823 = vector.shape_cast %swap3A_1822 : vector<16xf32> to vector<16xf32>
        %swap3A_1824 = vector.shape_cast %get3A_1696 : vector<16xf32> to vector<16xf32>
        tpu.vector_store %arg7[%swap3A_1821], %swap3A_1824 {strides = array<i32>} : memref<65536xf32, #tpu.memory_space<vmem>>, vector<16xf32>,
      }
      %scan3A_70 = arith.constant 8 : i32
      %mul3A_71 = arith.constant 32768 : i32
      %mul3A_72 = arith.muli %rem3A_56, %mul3A_71 : i32
      %mul3A_73 = arith.constant 16384 : i32
      %mul3A_74 = arith.muli %mul3A_2, %mul3A_73 : i32
      %mul3A_75 = arith.constant 32768 : i32
      %mul3A_76 = arith.muli %scan3A_55, %mul3A_75 : i32
      %add3A_77 = arith.addi %mul3A_74, %mul3A_76 : i32
      %dma_start3A = tpu.memref_slice %arg7[%mul3A_72] : memref<65536xf32, #tpu.memory_space<vmem>> -> memref<32768xf32, #tpu.memory_space<vmem>>
      %dma_start3A_78 = tpu.memref_slice %arg4[%add3A_77] : memref<104857600xf32, #tpu.memory_space<hbm>> -> memref<32768xf32, #tpu.memory_space<hbm>>
      %dma_start3A_79 = tpu.memref_slice %arg4[%add3A_77] : memref<104857600xf32, #tpu.memory_space<hbm>> -> memref<32768xf32, #tpu.memory_space<hbm>>
      %dma_start3A_80 = tpu.memref_slice %arg7[%mul3A_72] : memref<65536xf32, #tpu.memory_space<vmem>> -> memref<32768xf32, #tpu.memory_space<vmem>>
      tpu.enqueue_dma source(%dma_start3A_80 : memref<32768xf32, #tpu.memory_space<vmem>>) target(%dma_start3A_79 : memref<32768xf32, #tpu.memory_space<hbm>>) target_semaphore(%arg8 : memref<!tpu.dma_semaphore, #tpu.memory_space<semaphore_mem>>)
    }
    %scan3A_39 = arith.constant 100 : i32
    %dma_wait3A = arith.constant 0 : i32
    %dma_wait3A_40 = tpu.memref_slice %arg7[%dma_wait3A] : memref<65536xf32, #tpu.memory_space<vmem>> -> memref<32768xf32, #tpu.memory_space<vmem>>
    %dma_wait3A_41 = arith.constant 0 : i32
    %dma_wait3A_42 = tpu.memref_slice %arg4[%dma_wait3A_41] : memref<104857600xf32, #tpu.memory_space<hbm>> -> memref<32768xf32, #tpu.memory_space<hbm>>
    %dma_wait3A_43 = arith.constant 0 : i32
    %dma_wait3A_44 = tpu.memref_slice %arg4[%dma_wait3A_43] : memref<104857600xf32, #tpu.memory_space<hbm>> -> memref<32768xf32, #tpu.memory_space<hbm>>
    %dma_wait3A_45 = arith.constant 0 : i32
    %dma_wait3A_46 = tpu.memref_slice %arg7[%dma_wait3A_45] : memref<65536xf32, #tpu.memory_space<vmem>> -> memref<32768xf32, #tpu.memory_space<vmem>>
    tpu.wait_dma2 semaphore(%arg8 : memref<!tpu.dma_semaphore, #tpu.memory_space<semaphore_mem>>) src(%dma_wait3A_46 : memref<32768xf32, #tpu.memory_space<vmem>>) dst(%dma_wait3A_44 : memref<32768xf32, #tpu.memory_space<hbm>>)
    %dma_wait3A_47 = arith.constant 0 : i32
    %dma_wait3A_48 = tpu.memref_slice %arg7[%dma_wait3A_47] : memref<65536xf32, #tpu.memory_space<vmem>> -> memref<32768xf32, #tpu.memory_space<vmem>>
    %dma_wait3A_49 = arith.constant 0 : i32
    %dma_wait3A_50 = tpu.memref_slice %arg4[%dma_wait3A_49] : memref<104857600xf32, #tpu.memory_space<hbm>> -> memref<32768xf32, #tpu.memory_space<hbm>>
    %dma_wait3A_51 = arith.constant 0 : i32
    %dma_wait3A_52 = tpu.memref_slice %arg4[%dma_wait3A_51] : memref<104857600xf32, #tpu.memory_space<hbm>> -> memref<32768xf32, #tpu.memory_space<hbm>>
    %dma_wait3A_53 = arith.constant 0 : i32
    %dma_wait3A_54 = tpu.memref_slice %arg7[%dma_wait3A_53] : memref<65536xf32, #tpu.memory_space<vmem>> -> memref<32768xf32, #tpu.memory_space<vmem>>
    tpu.wait_dma2 semaphore(%arg8 : memref<!tpu.dma_semaphore, #tpu.memory_space<semaphore_mem>>) src(%dma_wait3A_54 : memref<32768xf32, #tpu.memory_space<vmem>>) dst(%dma_wait3A_52 : memref<32768xf32, #tpu.memory_space<hbm>>)
    return
  }
}

</mosaic_0001>

<sc_bundles>
// kernel: kernel.3.cloned.1.call-start
scs
__scs_entry_jumppad:
0x0: {  	(pc) =	sbr.rel $0x88, $3  }
0x1: {  	(tag) =	ssettag $0x0;
	lr =	simm.s32 $0x1  }
0x2: {  	[smem:$0x3F9F] =	sst lr;
	_ =	strace $0xD0000000  }
0x3: {  	_ = 	snop  }
0x4: {  	_ = 	snop  }
0x5: {  	_ = 	snop  }
0x6: {  	_ = 	snop  }
0x7: {  	_ = 	snop  }
__scs_overlays_trampoline_lowered:
0x8: {  	[smem:$0x3FAE] =	sst s0  }
0x9: {  	[smem:$0x3FAF] =	sst s1  }
0xa: {  	[smem:$0x3FB0] =	sst s2  }
0xb: {  	[smem:$0x3FB1] =	sst s3  }
0xc: {  	[smem:$0x3FB2] =	sst s4  }
0xd: {  	[smem:$0x3FB3] =	sst s5  }
0xe: {  	[smem:$0x3FB4] =	sst s6  }
0xf: {  	[smem:$0x3FB5] =	sst s7  }
0x10: {  	[smem:$0x3FB6] =	sst s8  }
0x11: {  	[smem:$0x3FB7] =	sst s9;
	s0 =	simm.s32 @!p0 $0x0  }
0x12: {  	s1 =	sld [smem:$0x3F9D];
	s0 =	simm.s32 @p0 $0x1  }
0x13: {  	[smem:$0x3FB8] =	sst s0;
	s0 =	simm.s32 @!p1 $0x0  }
0x14: {  	s2 =	sld [smem:$0x3F9C];
	s0 =	simm.s32 @p1 $0x1  }
0x15: {  	[smem:$0x3FB9] =	sst s0;
	s0 =	simm.s32 @!p2 $0x0  }
0x16: {  	s3 =	sld [smem:$0x3FDB];
	s0 =	simm.s32 @p2 $0x1  }
0x17: {  	s4 =	simm.s32 $0x1BF5;
	[smem:$0x3FBB] =	sst s0  }
0x18: {  	s0 =	sld [smem:$0x3F9E];
	_ =	swait.ge [sflag:s4], $0x0  }
0x19: {  	s7 =	sld [smem:$0x3F9F]  }
0x1a: {  	s8 =	sadd.s32 $0xFFFFE003, lr  }
0x1b: {  	s9 =	sadd.s32 $0xFFFFFEF7, lr;
	s5 =	simm.s32 $0xFFFFFFFF;
	p2 =	slt.u32 s8, $0xFFFFF086  }
0x1c: {  	p1 =	slt.u32 s9, $0xF7A;
	s5 =	simm.s32 @!p2 $0x0  }
0x1d: {  	s5 =	simm.s32 @p1 $0x1;
	p0 =	seq.s32 s7, s2  }
0x1e: {  	s7 =	smul.u32 @!p0 $0xF7A, s2;
	p2 =	seq.s32 @!p0 s5, $0x0  }
0x1f: {  	s9 =	smul.u32 $0xF7A, s1;
	s8 =	simm.s32 @!p0 $0x1BF5;
	p2 =	por !p2, p0  }
0x20: {  	[sflag:s8] =	ssyncset.s32 @!p0 $0xFFFFF086;
	s6 =	sadd.s32 @!p0 s3, s7;
	s7 =	simm.s32 @!p0 $0x108  }
0x21: {  	s3 =	sadd.s32 s3, s9;
	s6 =	sadd.s32 @!p0 $0x88, s6;
	s7 =	simm.s32 @p2 $0x1082  }
0x22: {  	[simem:s7], [sflag:s8] =	dma.local @!p0 [hbm:s6], $0xF7A  }
0x23: {  	s9 =	sor.u32 $0xD0000000, s2;
	s6 =	simm.s32 $0x108;
	_ =	swait.ge @!p0 [sflag:s8], $0x0  }
0x24: {  	s3 =	sadd.s32 $0x88, s3;
	s6 =	simm.s32 @!p1 $0x1082;
	[sflag:s4] =	ssyncset.s32 $0xFFFFF086  }
0x25: {  	[simem:s6], [sflag:s4] =	dma.local [hbm:s3], $0xF7A  }
0x26: {  	[smem:$0x3F9F] =	sst s1;
	(tag) =	ssettag s2;
	_ =	strace s9  }
0x27: {  	s1 =	sld [smem:$0x3FAF]  }
0x28: {  	s2 =	sld [smem:$0x3FB0]  }
0x29: {  	s4 =	sld [smem:$0x3FB2]  }
0x2a: {  	p0 =	seq.s32 s5, $0x0;
	s5 =	sld [smem:$0x3FB3]  }
0x2b: {  	s6 =	sld [smem:$0x3FB4]  }
0x2c: {  	s7 =	sld [smem:$0x3FB5]  }
0x2d: {  	s3 =	simm.s32 $0x108;
	s8 =	sld [smem:$0x3FB6]  }
0x2e: {  	s3 =	simm.s32 @!p0 $0x1082;
	s9 =	sld [smem:$0x3FB7]  }
0x2f: {  	lr =	sadd.s32 s0, s3;
	s0 =	sld [smem:$0x3FAE]  }
0x30: {  	s3 =	sld [smem:$0x3FB1]  }
0x31: {  	[smem:$0x3FBA] =	sst s10  }
0x32: {  	s10 =	sld [smem:$0x3FB8];
	_ =	sdelay $0x3  }
0x33: {  	p0 =	seq.s32 s10, $0x1;
	s10 =	sld [smem:$0x3FBA];
	_ =	sdelay $0x3  }
0x34: {  	[smem:$0x3FBA] =	sst s10  }
0x35: {  	s10 =	sld [smem:$0x3FB9];
	_ =	sdelay $0x3  }
0x36: {  	p1 =	seq.s32 s10, $0x1;
	s10 =	sld [smem:$0x3FBA];
	_ =	sdelay $0x3  }
0x37: {  	[smem:$0x3FBA] =	sst s10  }
0x38: {  	s10 =	sld [smem:$0x3FBB]  }
0x39: {  	_ = 	snop;
	(pc) =	sbr.ind lr, $3  }
0x3a: {  	_ = 	snop  }
0x3b: {  	_ = 	snop  }
0x3c: {  	p2 =	seq.s32 s10, $0x1;
	s10 =	sld [smem:$0x3FBA]  }
0x3d: {  	_ =	shalt  }
0x3e: {  	_ =	shalt  }
0x3f: {  	_ =	shalt  }
0x40: {  	_ =	shalt  }
0x41: {  	_ =	shalt  }
0x42: {  	_ =	shalt  }
0x43: {  	_ =	shalt  }
0x44: {  	_ =	shalt  }
0x45: {  	_ =	shalt  }
0x46: {  	_ =	shalt  }
0x47: {  	_ =	shalt  }
0x48: {  	_ =	shalt  }
0x49: {  	_ =	shalt  }
0x4a: {  	_ =	shalt  }
0x4b: {  	_ =	shalt  }
0x4c: {  	_ =	shalt  }
0x4d: {  	_ =	shalt  }
0x4e: {  	_ =	shalt  }
0x4f: {  	_ =	shalt  }
0x50: {  	_ =	shalt  }
0x51: {  	_ =	shalt  }
0x52: {  	_ =	shalt  }
0x53: {  	_ =	shalt  }
0x54: {  	_ =	shalt  }
0x55: {  	_ =	shalt  }
0x56: {  	_ =	shalt  }
0x57: {  	_ =	shalt  }
0x58: {  	_ =	shalt  }
0x59: {  	_ =	shalt  }
0x5a: {  	_ =	shalt  }
0x5b: {  	_ =	shalt  }
0x5c: {  	_ =	shalt  }
0x5d: {  	_ =	shalt  }
0x5e: {  	_ =	shalt  }
0x5f: {  	_ =	shalt  }
0x60: {  	_ =	shalt  }
0x61: {  	_ =	shalt  }
0x62: {  	_ =	shalt  }
0x63: {  	_ =	shalt  }
0x64: {  	_ =	shalt  }
0x65: {  	_ =	shalt  }
0x66: {  	_ =	shalt  }
0x67: {  	_ =	shalt  }
0x68: {  	_ =	shalt  }
0x69: {  	_ =	shalt  }
0x6a: {  	_ =	shalt  }
0x6b: {  	_ =	shalt  }
0x6c: {  	_ =	shalt  }
0x6d: {  	_ =	shalt  }
0x6e: {  	_ =	shalt  }
0x6f: {  	_ =	shalt  }
0x70: {  	_ =	shalt  }
0x71: {  	_ =	shalt  }
0x72: {  	_ =	shalt  }
0x73: {  	_ =	shalt  }
0x74: {  	_ =	shalt  }
0x75: {  	_ =	shalt  }
0x76: {  	_ =	shalt  }
0x77: {  	_ =	shalt  }
0x78: {  	_ =	shalt  }
0x79: {  	_ =	shalt  }
0x7a: {  	_ =	shalt  }
0x7b: {  	_ =	shalt  }
0x7c: {  	_ =	shalt  }
0x7d: {  	_ =	shalt  }
0x7e: {  	_ =	shalt  }
0x7f: {  	_ =	shalt  }
0x80: {  	_ =	shalt  }
0x81: {  	_ =	shalt  }
0x82: {  	_ =	shalt  }
0x83: {  	_ =	shalt  }
0x84: {  	_ =	shalt  }
0x85: {  	_ =	shalt  }
0x86: {  	_ =	shalt  }
0x87: {  	_ =	shalt  }
.Lfunc_end0:
.L_simem_size_0:
called_computation_lowered:
.L_overlay_start_0:
0x88: {  	s2 =	sld [smem:$0x3FD9]  }
0x89: {  	s3 =	sld [smem:$0x3FFE];
	_ =	sdelay $0x1  }
0x8a: {  	s1 =	srdreg.scid  }
0x8b: {  	s0 =	sand.u32 $0x1, s1  }
0x8c: {  	s17 =	sshll.u32 s0, $0xA;
	s2 =	sadd.s32 s3, s2  }
0x8d: {  	s2 =	sadd.s32 s2, s17  }
0x8e: {  	[smem:$0x3FC6] =	sst s2  }
0x8f: {  	_ = 	snop  }
0x90: {  	s2 =	sld [smem:$0x3FC8]  }
0x91: {  	s18 =	sld [smem:$0x3FD0];
	(tm) =	ssettm $0x1  }
0x92: {  	s4 =	sld [smem:$0x3FFB];
	_ =	sdelay $0x3  }
0x93: {  	_ =	strace s4  }
0x94: {  	s4 =	sld [smem:$0x3FFC];
	_ =	sdelay $0x3  }
0x95: {  	_ =	strace s4  }
0x96: {  	s4 =	sld [smem:$0x3FFD];
	_ =	sdelay $0x3  }
0x97: {  	_ =	strace s4  }
0x98: {  	_ =	strace $0x8FFFFFFF  }
0x99: {  	s19 =	sld [smem:$0x3FDB];
	_ =	sdelay $0x1  }
0x9a: {  	s5 =	simm.s32 $_scs_section_size  }
0x9b: {  	s6 =	simm.s32 $_size__tile_overlayer_lowered;
	s7 =	simm.s32 $_tile_overlayer_lowered  }
0x9c: {  	s22 =	simm.s32 $0x1BFF;
	s21 =	sshll.u32 s7, $0x1;
	s4 =	sadd.s32 s5, s19  }
0x9d: {  	s8 =	simm.s32 $0x0;
	s20 =	sshll.u32 s6, $0x1;
	s6 =	sadd.s32 s21, s4  }
0x9e: {  	[timem:s8], [sflag:s22] =	dma.local [hbm:s6], s20  }
0x9f: {  	_ =	swait.ge [sflag:s22], s20  }
0xa0: {  	s5 =	ssub.s32 $0x0, s20;
	[sflag:s22] =	ssyncset.done $0x0  }
0xa1: {  	[sflag:s22] =	ssyncadd.s32 s5;
	_ =	sdelay $0x1  }
0xa2: {  	s23 =	simm.s32 $0x1B8B  }
0xa3: {  	_ =	swait.ge [sflag:s23], $0x1  }
0xa4: {  	[sflag:s23] =	ssyncset.done $0x0  }
0xa5: {  	s25 =	simm.s32 $0x1B8E;
	s24 =	sld [smem:$0x3FFE];
	[sflag:s23] =	ssyncadd.s32 $0xFFFFFFFF  }
0xa6: {  	s26 =	simm.s32 $execute0_lowered;
	[smem:$0x3FD2] =	sst s25  }
0xa7: {  	s6 =	sshll.u32 s26, $0x1;
	_ =	strace $0x80000046;
	[dreg:$0x1] =	wrdreg $0xFFFFFFFF  }
0xa8: {  	s28 =	simm.s32 $_size_execute0_lowered;
	s4 =	sadd.s32 s4, s6;
	[dreg:$0x0] =	wrdreg $0x0  }
0xa9: {  	s6 =	sshll.u32 s28, $0x1;
	[dreg:$0x2] =	wrdreg s4  }
0xaa: {  	[dreg:$0x3] =	wrdreg s6  }
0xab: {  	[dreg:$0x4] =	wrdreg $0xC0  }
0xac: {  	_ =	task [dreg:s8], $0x5FFFF  }
0xad: {  	[dreg:$0x1] =	wrdreg $0xFFFFFFFF  }
0xae: {  	[dreg:$0x0] =	wrdreg $0x60  }
0xaf: {  	[dreg:$0x2] =	wrdreg s24  }
0xb0: {  	[dreg:$0x3] =	wrdreg s2  }
0xb1: {  	[dreg:$0x4] =	wrdreg s18  }
0xb2: {  	[dreg:$0x5] =	wrdreg $0x9  }
0xb3: {  	_ =	task.clear_ibuf [dreg:s8], $0x6FFFF;
	_ =	strace $0x90000046  }
0xb4: {  	s29 =	simm.s32 $0x9;
	_ =	strace $0x80000048  }
0xb5: {  	_ =	swait.ge [sflag:s29], $0x1  }
0xb6: {  	[sflag:s29] =	ssyncadd.s32 $0xFFFFFFFF  }
0xb7: {  	_ =	strace $0x90000048  }
0xb8: {  	_ =	sfence  }
0xb9: {  	s30 =	sld [smem:$0x0];
	_ =	sdelay $0x2  }
0xba: {  	s31 =	sshll.u32 s1, $0xD;
	s1 =	sshrl.u32 s1, $0x2  }
0xbb: {  	s3 =	sand.u32 $0x4000, s31;
	s1 =	sadd.s32 s1, s30  }
0xbc: {  	s0 =	sor.u32 s3, s0;
	s1 =	sshll.u32 s1, $0x11  }
0xbd: {  	s0 =	sor.u32 s1, s0  }
0xbe: {  	s0 =	sadd.s32 $0x8F2B, s0  }
0xbf: {  	[sflag:s0] =	ssyncadd.remote.s32 $0x1  }
0xc0: {  	_ =	sfence.sel $0xFFFF  }
0xc1: {  	[dreg:$0x0] =	wrdreg $0xFFFFFFFF;
	(pc) =	sbr.abs _section_cstart, $3  }
0xc2: {  	[dreg:$0x1] =	wrdreg $0xFFFFFFFF  }
0xc3: {  	_ =	task.clear_ibuf [dreg:s8], $0x2FFFF;
	_ =	strace $0x9FFFFFFF  }
0xc4: {  	(tm) =	ssettm $0x7FFFFFFF  }
0xc5: {  	_ =	shalt  }
tec
execute0_lowered:
.L_overlay_start_1:
0x0: {  	(tag) =	ssettag $0x1  }
0x1: {  	s5 =	rddreg [dreg:$0x0]  }
0x2: {  	s1 =	srdreg.scid;
	s2 =	rddreg [dreg:$0x1]  }
0x3: {  	s0 =	stileid.u32;
	s3 =	rddreg [dreg:$0x2];
	s4 =	simm.s32 $0x0  }
0x4: {  	s9 =	simm.s32 $0x6400;
	s6 =	sand.u32 $0x1, s1;
	s30 =	sshll.u32 s0, $0x1  }
0x5: {  	s10 =	simm.s32 $0x1;
	s11 =	simm.s32 $0x0;
	s7 =	sor.u32 s6, s30  }
0x6: {  	[smem:$0x7FF] =	sst s4;
	s6 =	ssub.s32 $0x2, s6;
	s8 =	smul.u32 $0xC80, s7  }
0x7: {  	s1 =	rddreg [dreg:$0x3];
	_ =	strace $0x80000047;
	s31 =	sshrl.u32 s6, $0x1  }
0x8: {  	s5 =	sadd.s32 s8, s5;
	s8 =	ssub.s32 s6, s31;
	s6 =	smul.u32 $0x320000, s7  }
0x9: {  	v0 =	vimm.f32 $0.0e+00;
	s5 =	sadd.s32 $0x400, s5;
	s7 =	smax.u32 s8, $0x1;
	s8 =	simm.s32 $0x2  }
.LBB2_1:
0xa: {  	[tilespmem:s4], [sflag:$0x2] =	stream.linear.gather [hbm4b:s5+s4], $0x6400, $0x38;
	[tilespmem:$0x16700] =	vst v63  }
0xb: {  	_ =	swait.ge [sflag:s8], $0x6400  }
0xc: {  	[sflag:s8] =	ssyncset.done $0x0  }
0xd: {  	[sflag:s8] =	ssyncadd.s32 $0xFFFF9C00  }
0xe: {  	[tilespmem:s9], [sflag:$0x2] =	stream.linear.gather [hbm4b:s2+s4], $0x300, $0x38;
	[tilespmem:$0x16700] =	vst v63  }
0xf: {  	_ =	swait.ge [sflag:s8], $0x300  }
0x10: {  	[sflag:s8] =	ssyncset.done $0x0  }
0x11: {  	[sflag:s8] =	ssyncadd.s32 $0xFFFFFD00  }
0x12: {  	[tilespmem:$0x6680] =	vst v0  }
0x13: {  	[tilespmem:$0x6690] =	vst v0  }
0x14: {  	[tilespmem:$0x66A0] =	vst v0  }
0x15: {  	[tilespmem:$0x66B0] =	vst v0  }
0x16: {  	[tilespmem:$0x66C0] =	vst v0  }
0x17: {  	[tilespmem:$0x66D0] =	vst v0  }
0x18: {  	p0 =	por $0x0, $0x0;
	[tilespmem:$0x66E0] =	vst v0  }
0x19: {  	s12 =	simm.s32 $0x80;
	s13 =	simm.s32 $0x0;
	s14 =	simm.s32 $0x0;
	[tilespmem:$0x66F0] =	vst v0  }
.LBB2_2:
0x1a: {  	s15 =	simm.s32 $0x1;
	p1 =	slt.u32 s14, $0x2;
	s16 =	sshll.u32 s14, $0xF  }
0x1b: {  	v1 =	vmov s13;
	s20 =	simm.s32 $0x0;
	s15 =	simm.s32 @!p0 $0x0;
	s17 =	simm.s32 @!p1 $0x1  }
0x1c: {  	s31 =	sand.u32 $0x8000, s16;
	s18 =	sshll.u32 s15, $0xF;
	_ =	swait.ge @!p1 [sflag:s17], $0x8000  }
0x1d: {  	s15 =	sor.u32 $0x6700, s18;
	[sflag:s17] =	ssyncset.done @!p1 $0x0;
	s19 =	sor.u32 $0x6B00, s18  }
0x1e: {  	s18 =	simm.s32 $0x0;
	[sflag:s17] =	ssyncadd.s32 @!p1 $0xFFFF8000;
	s17 =	sor.u32 $0x6700, s31  }
.LBB2_3:
0x1f: {  	s21 =	sshra.s32 s20, $0x2  }
0x20: {  	v2 =	vld.idx.msk [tilespmem:v1+s21+$0x0 ss:$0x1], $0xffff;
	_ =	sdelay $0x4  }
0x21: {  	v2 =	vshll.u32 v2, $0x9  }
0x22: {  	v2 =	vshra.s32 v2, $0x2  }
0x23: {  	(v2sf) =	vpush v2, $0x0;
	_ =	sdelay $0x7  }
0x24: {  	(v2sf) =	vpush v2, $0x1;
	_ =	sdelay $0x6  }
0x25: {  	s24 =	spop (v2sf)  }
0x26: {  	v3 =	vld [tilespmem:s24+$0x6400]  }
0x27: {  	v4 =	vld [tilespmem:s24+$0x6410]  }
0x28: {  	v5 =	vld [tilespmem:s24+$0x6420]  }
0x29: {  	v6 =	vld [tilespmem:s24+$0x6430]  }
0x2a: {  	v7 =	vld [tilespmem:s24+$0x6440]  }
0x2b: {  	v8 =	vld [tilespmem:s24+$0x6450]  }
0x2c: {  	v9 =	vld [tilespmem:s24+$0x6460]  }
0x2d: {  	(v2sf) =	vpush v2, $0x2;
	v10 =	vld [tilespmem:s24+$0x6470];
	s25 =	spop (v2sf)  }
0x2e: {  	v11 =	vld [tilespmem:s25+$0x6400]  }
0x2f: {  	v12 =	vld [tilespmem:s25+$0x6410]  }
0x30: {  	v13 =	vld [tilespmem:s25+$0x6420]  }
0x31: {  	v14 =	vld [tilespmem:s25+$0x6430]  }
0x32: {  	v15 =	vld [tilespmem:s25+$0x6440]  }
0x33: {  	v16 =	vld [tilespmem:s25+$0x6450]  }
0x34: {  	v17 =	vld [tilespmem:s25+$0x6460]  }
0x35: {  	v18 =	vld [tilespmem:s25+$0x6470];
	[tilespmem:s19+$0xFFFFFC00] =	vst v3  }
0x36: {  	[tilespmem:s19+$0xFFFFFC10] =	vst v4  }
0x37: {  	[tilespmem:s19+$0xFFFFFC20] =	vst v5  }
0x38: {  	[tilespmem:s19+$0xFFFFFC30] =	vst v6  }
0x39: {  	[tilespmem:s19+$0xFFFFFC40] =	vst v7  }
0x3a: {  	[tilespmem:s19+$0xFFFFFC50] =	vst v8  }
0x3b: {  	[tilespmem:s19+$0xFFFFFC60] =	vst v9  }
0x3c: {  	[tilespmem:s19+$0xFFFFFC70] =	vst v10;
	s26 =	spop (v2sf);
	(v2sf) =	vpush v2, $0x3  }
0x3d: {  	v3 =	vld [tilespmem:s26+$0x6400]  }
0x3e: {  	v4 =	vld [tilespmem:s26+$0x6410]  }
0x3f: {  	v5 =	vld [tilespmem:s26+$0x6420]  }
0x40: {  	v6 =	vld [tilespmem:s26+$0x6430]  }
0x41: {  	v7 =	vld [tilespmem:s26+$0x6440]  }
0x42: {  	v8 =	vld [tilespmem:s26+$0x6450]  }
0x43: {  	v9 =	vld [tilespmem:s26+$0x6460]  }
0x44: {  	v10 =	vld [tilespmem:s26+$0x6470];
	[tilespmem:s19+$0xFFFFFC80] =	vst v11  }
0x45: {  	[tilespmem:s19+$0xFFFFFC90] =	vst v12  }
0x46: {  	[tilespmem:s19+$0xFFFFFCA0] =	vst v13  }
0x47: {  	[tilespmem:s19+$0xFFFFFCB0] =	vst v14  }
0x48: {  	[tilespmem:s19+$0xFFFFFCC0] =	vst v15  }
0x49: {  	[tilespmem:s19+$0xFFFFFCD0] =	vst v16  }
0x4a: {  	[tilespmem:s19+$0xFFFFFCE0] =	vst v17  }
0x4b: {  	[tilespmem:s19+$0xFFFFFCF0] =	vst v18;
	s28 =	spop (v2sf);
	(v2sf) =	vpush v2, $0x4  }
0x4c: {  	v11 =	vld [tilespmem:s28+$0x6400]  }
0x4d: {  	v12 =	vld [tilespmem:s28+$0x6410]  }
0x4e: {  	v13 =	vld [tilespmem:s28+$0x6420]  }
0x4f: {  	v14 =	vld [tilespmem:s28+$0x6430]  }
0x50: {  	v15 =	vld [tilespmem:s28+$0x6440]  }
0x51: {  	v16 =	vld [tilespmem:s28+$0x6450]  }
0x52: {  	v17 =	vld [tilespmem:s28+$0x6460]  }
0x53: {  	v18 =	vld [tilespmem:s28+$0x6470];
	[tilespmem:s19+$0xFFFFFD00] =	vst v3  }
0x54: {  	[tilespmem:s19+$0xFFFFFD10] =	vst v4  }
0x55: {  	[tilespmem:s19+$0xFFFFFD20] =	vst v5  }
0x56: {  	[tilespmem:s19+$0xFFFFFD30] =	vst v6  }
0x57: {  	[tilespmem:s19+$0xFFFFFD40] =	vst v7  }
0x58: {  	[tilespmem:s19+$0xFFFFFD50] =	vst v8  }
0x59: {  	[tilespmem:s19+$0xFFFFFD60] =	vst v9  }
0x5a: {  	[tilespmem:s19+$0xFFFFFD70] =	vst v10;
	s29 =	spop (v2sf);
	(v2sf) =	vpush v2, $0x5  }
0x5b: {  	v3 =	vld [tilespmem:s29+$0x6400]  }
0x5c: {  	v4 =	vld [tilespmem:s29+$0x6410]  }
0x5d: {  	v5 =	vld [tilespmem:s29+$0x6420]  }
0x5e: {  	v6 =	vld [tilespmem:s29+$0x6430]  }
0x5f: {  	v7 =	vld [tilespmem:s29+$0x6440]  }
0x60: {  	v8 =	vld [tilespmem:s29+$0x6450]  }
0x61: {  	v9 =	vld [tilespmem:s29+$0x6460]  }
0x62: {  	v10 =	vld [tilespmem:s29+$0x6470];
	[tilespmem:s19+$0xFFFFFD80] =	vst v11  }
0x63: {  	[tilespmem:s19+$0xFFFFFD90] =	vst v12  }
0x64: {  	[tilespmem:s19+$0xFFFFFDA0] =	vst v13  }
0x65: {  	[tilespmem:s19+$0xFFFFFDB0] =	vst v14  }
0x66: {  	[tilespmem:s19+$0xFFFFFDC0] =	vst v15  }
0x67: {  	[tilespmem:s19+$0xFFFFFDD0] =	vst v16  }
0x68: {  	[tilespmem:s19+$0xFFFFFDE0] =	vst v17  }
0x69: {  	[tilespmem:s19+$0xFFFFFDF0] =	vst v18;
	s30 =	spop (v2sf);
	(v2sf) =	vpush v2, $0x6  }
0x6a: {  	v11 =	vld [tilespmem:s30+$0x6400]  }
0x6b: {  	v12 =	vld [tilespmem:s30+$0x6410]  }
0x6c: {  	v13 =	vld [tilespmem:s30+$0x6420]  }
0x6d: {  	v14 =	vld [tilespmem:s30+$0x6430]  }
0x6e: {  	v15 =	vld [tilespmem:s30+$0x6440]  }
0x6f: {  	v16 =	vld [tilespmem:s30+$0x6450]  }
0x70: {  	v17 =	vld [tilespmem:s30+$0x6460]  }
0x71: {  	v18 =	vld [tilespmem:s30+$0x6470];
	[tilespmem:s19+$0xFFFFFE00] =	vst v3  }
0x72: {  	[tilespmem:s19+$0xFFFFFE10] =	vst v4  }
0x73: {  	[tilespmem:s19+$0xFFFFFE20] =	vst v5  }
0x74: {  	[tilespmem:s19+$0xFFFFFE30] =	vst v6  }
0x75: {  	[tilespmem:s19+$0xFFFFFE40] =	vst v7  }
0x76: {  	[tilespmem:s19+$0xFFFFFE50] =	vst v8  }
0x77: {  	[tilespmem:s19+$0xFFFFFE60] =	vst v9  }
0x78: {  	[tilespmem:s19+$0xFFFFFE70] =	vst v10;
	s31 =	spop (v2sf);
	(v2sf) =	vpush v2, $0x7  }
0x79: {  	v3 =	vld [tilespmem:s31+$0x6400]  }
0x7a: {  	v4 =	vld [tilespmem:s31+$0x6410]  }
0x7b: {  	v5 =	vld [tilespmem:s31+$0x6420]  }
0x7c: {  	v6 =	vld [tilespmem:s31+$0x6430]  }
0x7d: {  	v7 =	vld [tilespmem:s31+$0x6440]  }
0x7e: {  	v8 =	vld [tilespmem:s31+$0x6450]  }
0x7f: {  	v9 =	vld [tilespmem:s31+$0x6460]  }
0x80: {  	v10 =	vld [tilespmem:s31+$0x6470];
	[tilespmem:s19+$0xFFFFFE80] =	vst v11  }
0x81: {  	[tilespmem:s19+$0xFFFFFE90] =	vst v12  }
0x82: {  	[tilespmem:s19+$0xFFFFFEA0] =	vst v13  }
0x83: {  	[tilespmem:s19+$0xFFFFFEB0] =	vst v14  }
0x84: {  	[tilespmem:s19+$0xFFFFFEC0] =	vst v15  }
0x85: {  	[tilespmem:s19+$0xFFFFFED0] =	vst v16  }
0x86: {  	[tilespmem:s19+$0xFFFFFEE0] =	vst v17  }
0x87: {  	[tilespmem:s19+$0xFFFFFEF0] =	vst v18;
	s22 =	spop (v2sf);
	(v2sf) =	vpush v2, $0x8  }
0x88: {  	v11 =	vld [tilespmem:s22+$0x6400]  }
0x89: {  	v12 =	vld [tilespmem:s22+$0x6410]  }
0x8a: {  	v13 =	vld [tilespmem:s22+$0x6420]  }
0x8b: {  	v14 =	vld [tilespmem:s22+$0x6430]  }
0x8c: {  	v15 =	vld [tilespmem:s22+$0x6440]  }
0x8d: {  	v16 =	vld [tilespmem:s22+$0x6450]  }
0x8e: {  	v17 =	vld [tilespmem:s22+$0x6460]  }
0x8f: {  	v18 =	vld [tilespmem:s22+$0x6470];
	[tilespmem:s19+$0xFFFFFF00] =	vst v3  }
0x90: {  	[tilespmem:s19+$0xFFFFFF10] =	vst v4  }
0x91: {  	[tilespmem:s19+$0xFFFFFF20] =	vst v5  }
0x92: {  	[tilespmem:s19+$0xFFFFFF30] =	vst v6  }
0x93: {  	[tilespmem:s19+$0xFFFFFF40] =	vst v7  }
0x94: {  	[tilespmem:s19+$0xFFFFFF50] =	vst v8  }
0x95: {  	[tilespmem:s19+$0xFFFFFF60] =	vst v9  }
0x96: {  	[tilespmem:s19+$0xFFFFFF70] =	vst v10;
	s23 =	spop (v2sf);
	(v2sf) =	vpush v2, $0x9  }
0x97: {  	v3 =	vld [tilespmem:s23+$0x6400]  }
0x98: {  	v4 =	vld [tilespmem:s23+$0x6410]  }
0x99: {  	v5 =	vld [tilespmem:s23+$0x6420]  }
0x9a: {  	v6 =	vld [tilespmem:s23+$0x6430]  }
0x9b: {  	v7 =	vld [tilespmem:s23+$0x6440]  }
0x9c: {  	v8 =	vld [tilespmem:s23+$0x6450]  }
0x9d: {  	v9 =	vld [tilespmem:s23+$0x6460]  }
0x9e: {  	v10 =	vld [tilespmem:s23+$0x6470];
	[tilespmem:s19+$0xFFFFFF80] =	vst v11  }
0x9f: {  	[tilespmem:s19+$0xFFFFFF90] =	vst v12  }
0xa0: {  	[tilespmem:s19+$0xFFFFFFA0] =	vst v13  }
0xa1: {  	[tilespmem:s19+$0xFFFFFFB0] =	vst v14  }
0xa2: {  	[tilespmem:s19+$0xFFFFFFC0] =	vst v15  }
0xa3: {  	[tilespmem:s19+$0xFFFFFFD0] =	vst v16  }
0xa4: {  	[tilespmem:s19+$0xFFFFFFE0] =	vst v17  }
0xa5: {  	[tilespmem:s19+$0xFFFFFFF0] =	vst v18;
	s24 =	spop (v2sf);
	(v2sf) =	vpush v2, $0xA  }
0xa6: {  	v11 =	vld [tilespmem:s24+$0x6400]  }
0xa7: {  	v12 =	vld [tilespmem:s24+$0x6410]  }
0xa8: {  	v13 =	vld [tilespmem:s24+$0x6420]  }
0xa9: {  	v14 =	vld [tilespmem:s24+$0x6430]  }
0xaa: {  	v15 =	vld [tilespmem:s24+$0x6440]  }
0xab: {  	v16 =	vld [tilespmem:s24+$0x6450]  }
0xac: {  	v17 =	vld [tilespmem:s24+$0x6460]  }
0xad: {  	v18 =	vld [tilespmem:s24+$0x6470];
	[tilespmem:s19+$0x0] =	vst v3  }
0xae: {  	[tilespmem:s19+$0x10] =	vst v4  }
0xaf: {  	[tilespmem:s19+$0x20] =	vst v5  }
0xb0: {  	[tilespmem:s19+$0x30] =	vst v6  }
0xb1: {  	[tilespmem:s19+$0x40] =	vst v7  }
0xb2: {  	[tilespmem:s19+$0x50] =	vst v8  }
0xb3: {  	[tilespmem:s19+$0x60] =	vst v9  }
0xb4: {  	[tilespmem:s19+$0x70] =	vst v10;
	s25 =	spop (v2sf);
	(v2sf) =	vpush v2, $0xB  }
0xb5: {  	v3 =	vld [tilespmem:s25+$0x6400]  }
0xb6: {  	v4 =	vld [tilespmem:s25+$0x6410]  }
0xb7: {  	v5 =	vld [tilespmem:s25+$0x6420]  }
0xb8: {  	v6 =	vld [tilespmem:s25+$0x6430]  }
0xb9: {  	v7 =	vld [tilespmem:s25+$0x6440]  }
0xba: {  	v8 =	vld [tilespmem:s25+$0x6450]  }
0xbb: {  	v9 =	vld [tilespmem:s25+$0x6460]  }
0xbc: {  	v10 =	vld [tilespmem:s25+$0x6470];
	[tilespmem:s19+$0x80] =	vst v11  }
0xbd: {  	[tilespmem:s19+$0x90] =	vst v12  }
0xbe: {  	[tilespmem:s19+$0xA0] =	vst v13  }
0xbf: {  	[tilespmem:s19+$0xB0] =	vst v14  }
0xc0: {  	[tilespmem:s19+$0xC0] =	vst v15  }
0xc1: {  	[tilespmem:s19+$0xD0] =	vst v16  }
0xc2: {  	[tilespmem:s19+$0xE0] =	vst v17  }
0xc3: {  	[tilespmem:s19+$0xF0] =	vst v18;
	s26 =	spop (v2sf);
	(v2sf) =	vpush v2, $0xC  }
0xc4: {  	v11 =	vld [tilespmem:s26+$0x6400]  }
0xc5: {  	v12 =	vld [tilespmem:s26+$0x6410]  }
0xc6: {  	v13 =	vld [tilespmem:s26+$0x6420]  }
0xc7: {  	v14 =	vld [tilespmem:s26+$0x6430]  }
0xc8: {  	v15 =	vld [tilespmem:s26+$0x6440]  }
0xc9: {  	v16 =	vld [tilespmem:s26+$0x6450]  }
0xca: {  	v17 =	vld [tilespmem:s26+$0x6460]  }
0xcb: {  	v18 =	vld [tilespmem:s26+$0x6470];
	[tilespmem:s19+$0x100] =	vst v3  }
0xcc: {  	[tilespmem:s19+$0x110] =	vst v4  }
0xcd: {  	[tilespmem:s19+$0x120] =	vst v5  }
0xce: {  	[tilespmem:s19+$0x130] =	vst v6  }
0xcf: {  	[tilespmem:s19+$0x140] =	vst v7  }
0xd0: {  	[tilespmem:s19+$0x150] =	vst v8  }
0xd1: {  	[tilespmem:s19+$0x160] =	vst v9  }
0xd2: {  	[tilespmem:s19+$0x170] =	vst v10;
	s28 =	spop (v2sf);
	(v2sf) =	vpush v2, $0xD  }
0xd3: {  	v3 =	vld [tilespmem:s28+$0x6400]  }
0xd4: {  	v4 =	vld [tilespmem:s28+$0x6410]  }
0xd5: {  	v5 =	vld [tilespmem:s28+$0x6420]  }
0xd6: {  	v6 =	vld [tilespmem:s28+$0x6430]  }
0xd7: {  	v7 =	vld [tilespmem:s28+$0x6440]  }
0xd8: {  	v8 =	vld [tilespmem:s28+$0x6450]  }
0xd9: {  	v9 =	vld [tilespmem:s28+$0x6460]  }
0xda: {  	v10 =	vld [tilespmem:s28+$0x6470];
	[tilespmem:s19+$0x180] =	vst v11  }
0xdb: {  	[tilespmem:s19+$0x190] =	vst v12  }
0xdc: {  	[tilespmem:s19+$0x1A0] =	vst v13  }
0xdd: {  	[tilespmem:s19+$0x1B0] =	vst v14  }
0xde: {  	[tilespmem:s19+$0x1C0] =	vst v15  }
0xdf: {  	[tilespmem:s19+$0x1D0] =	vst v16  }
0xe0: {  	[tilespmem:s19+$0x1E0] =	vst v17  }
0xe1: {  	[tilespmem:s19+$0x1F0] =	vst v18;
	s29 =	spop (v2sf);
	(v2sf) =	vpush v2, $0xE  }
0xe2: {  	v11 =	vld [tilespmem:s29+$0x6400]  }
0xe3: {  	v12 =	vld [tilespmem:s29+$0x6410]  }
0xe4: {  	v13 =	vld [tilespmem:s29+$0x6420]  }
0xe5: {  	v14 =	vld [tilespmem:s29+$0x6430]  }
0xe6: {  	v15 =	vld [tilespmem:s29+$0x6440]  }
0xe7: {  	v16 =	vld [tilespmem:s29+$0x6450]  }
0xe8: {  	v17 =	vld [tilespmem:s29+$0x6460]  }
0xe9: {  	v18 =	vld [tilespmem:s29+$0x6470];
	[tilespmem:s19+$0x200] =	vst v3  }
0xea: {  	[tilespmem:s19+$0x210] =	vst v4  }
0xeb: {  	[tilespmem:s19+$0x220] =	vst v5  }
0xec: {  	[tilespmem:s19+$0x230] =	vst v6  }
0xed: {  	[tilespmem:s19+$0x240] =	vst v7  }
0xee: {  	[tilespmem:s19+$0x250] =	vst v8  }
0xef: {  	[tilespmem:s19+$0x260] =	vst v9  }
0xf0: {  	[tilespmem:s19+$0x270] =	vst v10;
	s30 =	spop (v2sf);
	(v2sf) =	vpush v2, $0xF  }
0xf1: {  	v3 =	vld [tilespmem:s30+$0x6400]  }
0xf2: {  	v2 =	vld [tilespmem:s30+$0x6410]  }
0xf3: {  	v4 =	vld [tilespmem:s30+$0x6420]  }
0xf4: {  	v5 =	vld [tilespmem:s30+$0x6430]  }
0xf5: {  	v6 =	vld [tilespmem:s30+$0x6440]  }
0xf6: {  	v7 =	vld [tilespmem:s30+$0x6450]  }
0xf7: {  	v8 =	vld [tilespmem:s30+$0x6460]  }
0xf8: {  	v9 =	vld [tilespmem:s30+$0x6470];
	[tilespmem:s19+$0x280] =	vst v11  }
0xf9: {  	[tilespmem:s19+$0x290] =	vst v12  }
0xfa: {  	[tilespmem:s19+$0x2A0] =	vst v13  }
0xfb: {  	[tilespmem:s19+$0x2B0] =	vst v14  }
0xfc: {  	[tilespmem:s19+$0x2C0] =	vst v15  }
0xfd: {  	[tilespmem:s19+$0x2D0] =	vst v16  }
0xfe: {  	[tilespmem:s19+$0x2E0] =	vst v17  }
0xff: {  	[tilespmem:s19+$0x2F0] =	vst v18;
	s31 =	spop (v2sf)  }
0x100: {  	v10 =	vld [tilespmem:s31+$0x6400]  }
0x101: {  	v11 =	vld [tilespmem:s31+$0x6410]  }
0x102: {  	v12 =	vld [tilespmem:s31+$0x6420]  }
0x103: {  	v13 =	vld [tilespmem:s31+$0x6430]  }
0x104: {  	v14 =	vld [tilespmem:s31+$0x6440]  }
0x105: {  	v15 =	vld [tilespmem:s31+$0x6450]  }
0x106: {  	v16 =	vld [tilespmem:s31+$0x6460]  }
0x107: {  	v17 =	vld [tilespmem:s31+$0x6470];
	[tilespmem:s19+$0x300] =	vst v3  }
0x108: {  	[tilespmem:s19+$0x310] =	vst v2  }
0x109: {  	[tilespmem:s19+$0x320] =	vst v4  }
0x10a: {  	[tilespmem:s19+$0x330] =	vst v5  }
0x10b: {  	[tilespmem:s19+$0x340] =	vst v6  }
0x10c: {  	[tilespmem:s19+$0x350] =	vst v7  }
0x10d: {  	[tilespmem:s19+$0x360] =	vst v8  }
0x10e: {  	[tilespmem:s19+$0x370] =	vst v9  }
0x10f: {  	[tilespmem:s19+$0x380] =	vst v10  }
0x110: {  	[tilespmem:s19+$0x390] =	vst v11  }
0x111: {  	p1 =	sne.s32 s20, $0x1C0;
	[tilespmem:s19+$0x3A0] =	vst v12  }
.Ltmp0:
0x112: {  	[tilespmem:s19+$0x3B0] =	vst v13;
	(pc) =	sbr.rel @p1 .LBB2_3-.Ltmp0, $4  }
0x113: {  	[tilespmem:s19+$0x3C0] =	vst v14  }
0x114: {  	[tilespmem:s19+$0x3D0] =	vst v15  }
0x115: {  	[tilespmem:s19+$0x3E0] =	vst v16  }
0x116: {  	s20 =	sadd.s32 $0x40, s20;
	[tilespmem:s19+$0x3F0] =	vst v17;
	s19 =	sadd.s32 $0x800, s19  }
0x117: {  	s19 =	smov.u32 s12  }
.LBB2_5:
0x118: {  	v1 =	vld [tilespmem:s19+$0x0];
	_ =	sdelay $0x4  }
0x119: {  	v1 =	vshll.u32 v1, $0x9  }
0x11a: {  	v1 =	vshra.s32 v1, $0x2  }
0x11b: {  	(v2sf) =	vpush v1, $0x0;
	_ =	sdelay $0x7  }
0x11c: {  	(v2sf) =	vpush v1, $0x1;
	_ =	sdelay $0x6  }
0x11d: {  	s20 =	spop (v2sf)  }
0x11e: {  	v2 =	vld [tilespmem:s20+$0x6400]  }
0x11f: {  	v3 =	vld [tilespmem:s20+$0x6410]  }
0x120: {  	v4 =	vld [tilespmem:s20+$0x6420]  }
0x121: {  	v5 =	vld [tilespmem:s20+$0x6430]  }
0x122: {  	v6 =	vld [tilespmem:s20+$0x6440]  }
0x123: {  	v7 =	vld [tilespmem:s20+$0x6450]  }
0x124: {  	v8 =	vld [tilespmem:s20+$0x6460]  }
0x125: {  	(v2sf) =	vpush v1, $0x2;
	v9 =	vld [tilespmem:s20+$0x6470];
	s25 =	spop (v2sf)  }
0x126: {  	v10 =	vld [tilespmem:s25+$0x6400]  }
0x127: {  	v11 =	vld [tilespmem:s25+$0x6410]  }
0x128: {  	v12 =	vld [tilespmem:s25+$0x6420]  }
0x129: {  	v13 =	vld [tilespmem:s25+$0x6430]  }
0x12a: {  	v14 =	vld [tilespmem:s25+$0x6440]  }
0x12b: {  	s21 =	sshra.s32 s18, $0x2;
	v15 =	vld [tilespmem:s25+$0x6450]  }
0x12c: {  	s20 =	sadd.s32 s21, s15;
	v16 =	vld [tilespmem:s25+$0x6460]  }
0x12d: {  	v17 =	vld [tilespmem:s25+$0x6470];
	[tilespmem:s20+$0x4000] =	vst v2  }
0x12e: {  	[tilespmem:s20+$0x4010] =	vst v3  }
0x12f: {  	[tilespmem:s20+$0x4020] =	vst v4  }
0x130: {  	[tilespmem:s20+$0x4030] =	vst v5  }
0x131: {  	[tilespmem:s20+$0x4040] =	vst v6  }
0x132: {  	[tilespmem:s20+$0x4050] =	vst v7  }
0x133: {  	[tilespmem:s20+$0x4060] =	vst v8  }
0x134: {  	[tilespmem:s20+$0x4070] =	vst v9;
	s26 =	spop (v2sf);
	(v2sf) =	vpush v1, $0x3  }
0x135: {  	v2 =	vld [tilespmem:s26+$0x6400]  }
0x136: {  	v3 =	vld [tilespmem:s26+$0x6410]  }
0x137: {  	v4 =	vld [tilespmem:s26+$0x6420]  }
0x138: {  	v5 =	vld [tilespmem:s26+$0x6430]  }
0x139: {  	v6 =	vld [tilespmem:s26+$0x6440]  }
0x13a: {  	v7 =	vld [tilespmem:s26+$0x6450]  }
0x13b: {  	v8 =	vld [tilespmem:s26+$0x6460]  }
0x13c: {  	v9 =	vld [tilespmem:s26+$0x6470];
	[tilespmem:s20+$0x4080] =	vst v10  }
0x13d: {  	[tilespmem:s20+$0x4090] =	vst v11  }
0x13e: {  	[tilespmem:s20+$0x40A0] =	vst v12  }
0x13f: {  	[tilespmem:s20+$0x40B0] =	vst v13  }
0x140: {  	[tilespmem:s20+$0x40C0] =	vst v14  }
0x141: {  	[tilespmem:s20+$0x40D0] =	vst v15  }
0x142: {  	[tilespmem:s20+$0x40E0] =	vst v16  }
0x143: {  	[tilespmem:s20+$0x40F0] =	vst v17;
	s28 =	spop (v2sf);
	(v2sf) =	vpush v1, $0x4  }
0x144: {  	v10 =	vld [tilespmem:s28+$0x6400]  }
0x145: {  	v11 =	vld [tilespmem:s28+$0x6410]  }
0x146: {  	v12 =	vld [tilespmem:s28+$0x6420]  }
0x147: {  	v13 =	vld [tilespmem:s28+$0x6430]  }
0x148: {  	v14 =	vld [tilespmem:s28+$0x6440]  }
0x149: {  	v15 =	vld [tilespmem:s28+$0x6450]  }
0x14a: {  	v16 =	vld [tilespmem:s28+$0x6460]  }
0x14b: {  	v17 =	vld [tilespmem:s28+$0x6470];
	[tilespmem:s20+$0x4100] =	vst v2  }
0x14c: {  	[tilespmem:s20+$0x4110] =	vst v3  }
0x14d: {  	[tilespmem:s20+$0x4120] =	vst v4  }
0x14e: {  	[tilespmem:s20+$0x4130] =	vst v5  }
0x14f: {  	[tilespmem:s20+$0x4140] =	vst v6  }
0x150: {  	[tilespmem:s20+$0x4150] =	vst v7  }
0x151: {  	[tilespmem:s20+$0x4160] =	vst v8  }
0x152: {  	[tilespmem:s20+$0x4170] =	vst v9;
	s29 =	spop (v2sf);
	(v2sf) =	vpush v1, $0x5  }
0x153: {  	v2 =	vld [tilespmem:s29+$0x6400]  }
0x154: {  	v3 =	vld [tilespmem:s29+$0x6410]  }
0x155: {  	v4 =	vld [tilespmem:s29+$0x6420]  }
0x156: {  	v5 =	vld [tilespmem:s29+$0x6430]  }
0x157: {  	v6 =	vld [tilespmem:s29+$0x6440]  }
0x158: {  	v7 =	vld [tilespmem:s29+$0x6450]  }
0x159: {  	v8 =	vld [tilespmem:s29+$0x6460]  }
0x15a: {  	v9 =	vld [tilespmem:s29+$0x6470];
	[tilespmem:s20+$0x4180] =	vst v10  }
0x15b: {  	[tilespmem:s20+$0x4190] =	vst v11  }
0x15c: {  	[tilespmem:s20+$0x41A0] =	vst v12  }
0x15d: {  	[tilespmem:s20+$0x41B0] =	vst v13  }
0x15e: {  	[tilespmem:s20+$0x41C0] =	vst v14  }
0x15f: {  	[tilespmem:s20+$0x41D0] =	vst v15  }
0x160: {  	[tilespmem:s20+$0x41E0] =	vst v16  }
0x161: {  	[tilespmem:s20+$0x41F0] =	vst v17;
	s30 =	spop (v2sf);
	(v2sf) =	vpush v1, $0x6  }
0x162: {  	v10 =	vld [tilespmem:s30+$0x6400]  }
0x163: {  	v11 =	vld [tilespmem:s30+$0x6410]  }
0x164: {  	v12 =	vld [tilespmem:s30+$0x6420]  }
0x165: {  	v13 =	vld [tilespmem:s30+$0x6430]  }
0x166: {  	v14 =	vld [tilespmem:s30+$0x6440]  }
0x167: {  	v15 =	vld [tilespmem:s30+$0x6450]  }
0x168: {  	v16 =	vld [tilespmem:s30+$0x6460]  }
0x169: {  	v17 =	vld [tilespmem:s30+$0x6470];
	[tilespmem:s20+$0x4200] =	vst v2  }
0x16a: {  	[tilespmem:s20+$0x4210] =	vst v3  }
0x16b: {  	[tilespmem:s20+$0x4220] =	vst v4  }
0x16c: {  	[tilespmem:s20+$0x4230] =	vst v5  }
0x16d: {  	[tilespmem:s20+$0x4240] =	vst v6  }
0x16e: {  	[tilespmem:s20+$0x4250] =	vst v7  }
0x16f: {  	[tilespmem:s20+$0x4260] =	vst v8  }
0x170: {  	[tilespmem:s20+$0x4270] =	vst v9;
	s31 =	spop (v2sf);
	(v2sf) =	vpush v1, $0x7  }
0x171: {  	v2 =	vld [tilespmem:s31+$0x6400]  }
0x172: {  	v3 =	vld [tilespmem:s31+$0x6410]  }
0x173: {  	v4 =	vld [tilespmem:s31+$0x6420]  }
0x174: {  	v5 =	vld [tilespmem:s31+$0x6430]  }
0x175: {  	v6 =	vld [tilespmem:s31+$0x6440]  }
0x176: {  	v7 =	vld [tilespmem:s31+$0x6450]  }
0x177: {  	v8 =	vld [tilespmem:s31+$0x6460]  }
0x178: {  	v9 =	vld [tilespmem:s31+$0x6470];
	[tilespmem:s20+$0x4280] =	vst v10  }
0x179: {  	[tilespmem:s20+$0x4290] =	vst v11  }
0x17a: {  	[tilespmem:s20+$0x42A0] =	vst v12  }
0x17b: {  	[tilespmem:s20+$0x42B0] =	vst v13  }
0x17c: {  	[tilespmem:s20+$0x42C0] =	vst v14  }
0x17d: {  	[tilespmem:s20+$0x42D0] =	vst v15  }
0x17e: {  	[tilespmem:s20+$0x42E0] =	vst v16  }
0x17f: {  	[tilespmem:s20+$0x42F0] =	vst v17;
	s22 =	spop (v2sf);
	(v2sf) =	vpush v1, $0x8  }
0x180: {  	v10 =	vld [tilespmem:s22+$0x6400]  }
0x181: {  	v11 =	vld [tilespmem:s22+$0x6410]  }
0x182: {  	v12 =	vld [tilespmem:s22+$0x6420]  }
0x183: {  	v13 =	vld [tilespmem:s22+$0x6430]  }
0x184: {  	v14 =	vld [tilespmem:s22+$0x6440]  }
0x185: {  	v15 =	vld [tilespmem:s22+$0x6450]  }
0x186: {  	v16 =	vld [tilespmem:s22+$0x6460]  }
0x187: {  	v17 =	vld [tilespmem:s22+$0x6470];
	[tilespmem:s20+$0x4300] =	vst v2  }
0x188: {  	[tilespmem:s20+$0x4310] =	vst v3  }
0x189: {  	[tilespmem:s20+$0x4320] =	vst v4  }
0x18a: {  	[tilespmem:s20+$0x4330] =	vst v5  }
0x18b: {  	[tilespmem:s20+$0x4340] =	vst v6  }
0x18c: {  	[tilespmem:s20+$0x4350] =	vst v7  }
0x18d: {  	[tilespmem:s20+$0x4360] =	vst v8  }
0x18e: {  	[tilespmem:s20+$0x4370] =	vst v9;
	s23 =	spop (v2sf);
	(v2sf) =	vpush v1, $0x9  }
0x18f: {  	v2 =	vld [tilespmem:s23+$0x6400]  }
0x190: {  	v3 =	vld [tilespmem:s23+$0x6410]  }
0x191: {  	v4 =	vld [tilespmem:s23+$0x6420]  }
0x192: {  	v5 =	vld [tilespmem:s23+$0x6430]  }
0x193: {  	v6 =	vld [tilespmem:s23+$0x6440]  }
0x194: {  	v7 =	vld [tilespmem:s23+$0x6450]  }
0x195: {  	v8 =	vld [tilespmem:s23+$0x6460]  }
0x196: {  	v9 =	vld [tilespmem:s23+$0x6470];
	[tilespmem:s20+$0x4380] =	vst v10  }
0x197: {  	[tilespmem:s20+$0x4390] =	vst v11  }
0x198: {  	[tilespmem:s20+$0x43A0] =	vst v12  }
0x199: {  	[tilespmem:s20+$0x43B0] =	vst v13  }
0x19a: {  	[tilespmem:s20+$0x43C0] =	vst v14  }
0x19b: {  	[tilespmem:s20+$0x43D0] =	vst v15  }
0x19c: {  	[tilespmem:s20+$0x43E0] =	vst v16  }
0x19d: {  	[tilespmem:s20+$0x43F0] =	vst v17;
	s24 =	spop (v2sf);
	(v2sf) =	vpush v1, $0xA  }
0x19e: {  	v10 =	vld [tilespmem:s24+$0x6400]  }
0x19f: {  	v11 =	vld [tilespmem:s24+$0x6410]  }
0x1a0: {  	v12 =	vld [tilespmem:s24+$0x6420]  }
0x1a1: {  	v13 =	vld [tilespmem:s24+$0x6430]  }
0x1a2: {  	v14 =	vld [tilespmem:s24+$0x6440]  }
0x1a3: {  	v15 =	vld [tilespmem:s24+$0x6450]  }
0x1a4: {  	v16 =	vld [tilespmem:s24+$0x6460]  }
0x1a5: {  	v17 =	vld [tilespmem:s24+$0x6470];
	[tilespmem:s20+$0x4400] =	vst v2  }
0x1a6: {  	[tilespmem:s20+$0x4410] =	vst v3  }
0x1a7: {  	[tilespmem:s20+$0x4420] =	vst v4  }
0x1a8: {  	[tilespmem:s20+$0x4430] =	vst v5  }
0x1a9: {  	[tilespmem:s20+$0x4440] =	vst v6  }
0x1aa: {  	[tilespmem:s20+$0x4450] =	vst v7  }
0x1ab: {  	[tilespmem:s20+$0x4460] =	vst v8  }
0x1ac: {  	[tilespmem:s20+$0x4470] =	vst v9;
	s25 =	spop (v2sf);
	(v2sf) =	vpush v1, $0xB  }
0x1ad: {  	v2 =	vld [tilespmem:s25+$0x6400]  }
0x1ae: {  	v3 =	vld [tilespmem:s25+$0x6410]  }
0x1af: {  	v4 =	vld [tilespmem:s25+$0x6420]  }
0x1b0: {  	v5 =	vld [tilespmem:s25+$0x6430]  }
0x1b1: {  	v6 =	vld [tilespmem:s25+$0x6440]  }
0x1b2: {  	v7 =	vld [tilespmem:s25+$0x6450]  }
0x1b3: {  	v8 =	vld [tilespmem:s25+$0x6460]  }
0x1b4: {  	v9 =	vld [tilespmem:s25+$0x6470];
	[tilespmem:s20+$0x4480] =	vst v10  }
0x1b5: {  	[tilespmem:s20+$0x4490] =	vst v11  }
0x1b6: {  	[tilespmem:s20+$0x44A0] =	vst v12  }
0x1b7: {  	[tilespmem:s20+$0x44B0] =	vst v13  }
0x1b8: {  	[tilespmem:s20+$0x44C0] =	vst v14  }
0x1b9: {  	[tilespmem:s20+$0x44D0] =	vst v15  }
0x1ba: {  	[tilespmem:s20+$0x44E0] =	vst v16  }
0x1bb: {  	[tilespmem:s20+$0x44F0] =	vst v17;
	s26 =	spop (v2sf);
	(v2sf) =	vpush v1, $0xC  }
0x1bc: {  	v10 =	vld [tilespmem:s26+$0x6400]  }
0x1bd: {  	v11 =	vld [tilespmem:s26+$0x6410]  }
0x1be: {  	v12 =	vld [tilespmem:s26+$0x6420]  }
0x1bf: {  	v13 =	vld [tilespmem:s26+$0x6430]  }
0x1c0: {  	v14 =	vld [tilespmem:s26+$0x6440]  }
0x1c1: {  	v15 =	vld [tilespmem:s26+$0x6450]  }
0x1c2: {  	v16 =	vld [tilespmem:s26+$0x6460]  }
0x1c3: {  	v17 =	vld [tilespmem:s26+$0x6470];
	[tilespmem:s20+$0x4500] =	vst v2  }
0x1c4: {  	[tilespmem:s20+$0x4510] =	vst v3  }
0x1c5: {  	[tilespmem:s20+$0x4520] =	vst v4  }
0x1c6: {  	[tilespmem:s20+$0x4530] =	vst v5  }
0x1c7: {  	[tilespmem:s20+$0x4540] =	vst v6  }
0x1c8: {  	[tilespmem:s20+$0x4550] =	vst v7  }
0x1c9: {  	[tilespmem:s20+$0x4560] =	vst v8  }
0x1ca: {  	[tilespmem:s20+$0x4570] =	vst v9;
	s28 =	spop (v2sf);
	(v2sf) =	vpush v1, $0xD  }
0x1cb: {  	v2 =	vld [tilespmem:s28+$0x6400]  }
0x1cc: {  	v3 =	vld [tilespmem:s28+$0x6410]  }
0x1cd: {  	v4 =	vld [tilespmem:s28+$0x6420]  }
0x1ce: {  	v5 =	vld [tilespmem:s28+$0x6430]  }
0x1cf: {  	v6 =	vld [tilespmem:s28+$0x6440]  }
0x1d0: {  	v7 =	vld [tilespmem:s28+$0x6450]  }
0x1d1: {  	v8 =	vld [tilespmem:s28+$0x6460]  }
0x1d2: {  	v9 =	vld [tilespmem:s28+$0x6470];
	[tilespmem:s20+$0x4580] =	vst v10  }
0x1d3: {  	[tilespmem:s20+$0x4590] =	vst v11  }
0x1d4: {  	[tilespmem:s20+$0x45A0] =	vst v12  }
0x1d5: {  	[tilespmem:s20+$0x45B0] =	vst v13  }
0x1d6: {  	[tilespmem:s20+$0x45C0] =	vst v14  }
0x1d7: {  	[tilespmem:s20+$0x45D0] =	vst v15  }
0x1d8: {  	[tilespmem:s20+$0x45E0] =	vst v16  }
0x1d9: {  	[tilespmem:s20+$0x45F0] =	vst v17;
	s29 =	spop (v2sf);
	(v2sf) =	vpush v1, $0xE  }
0x1da: {  	v10 =	vld [tilespmem:s29+$0x6400]  }
0x1db: {  	v11 =	vld [tilespmem:s29+$0x6410]  }
0x1dc: {  	v12 =	vld [tilespmem:s29+$0x6420]  }
0x1dd: {  	v13 =	vld [tilespmem:s29+$0x6430]  }
0x1de: {  	v14 =	vld [tilespmem:s29+$0x6440]  }
0x1df: {  	v15 =	vld [tilespmem:s29+$0x6450]  }
0x1e0: {  	v16 =	vld [tilespmem:s29+$0x6460]  }
0x1e1: {  	v17 =	vld [tilespmem:s29+$0x6470];
	[tilespmem:s20+$0x4600] =	vst v2  }
0x1e2: {  	[tilespmem:s20+$0x4610] =	vst v3  }
0x1e3: {  	[tilespmem:s20+$0x4620] =	vst v4  }
0x1e4: {  	[tilespmem:s20+$0x4630] =	vst v5  }
0x1e5: {  	[tilespmem:s20+$0x4640] =	vst v6  }
0x1e6: {  	[tilespmem:s20+$0x4650] =	vst v7  }
0x1e7: {  	[tilespmem:s20+$0x4660] =	vst v8  }
0x1e8: {  	[tilespmem:s20+$0x4670] =	vst v9;
	s30 =	spop (v2sf);
	(v2sf) =	vpush v1, $0xF  }
0x1e9: {  	v2 =	vld [tilespmem:s30+$0x6400]  }
0x1ea: {  	v1 =	vld [tilespmem:s30+$0x6410]  }
0x1eb: {  	v3 =	vld [tilespmem:s30+$0x6420]  }
0x1ec: {  	v4 =	vld [tilespmem:s30+$0x6430]  }
0x1ed: {  	v5 =	vld [tilespmem:s30+$0x6440]  }
0x1ee: {  	v6 =	vld [tilespmem:s30+$0x6450]  }
0x1ef: {  	v7 =	vld [tilespmem:s30+$0x6460]  }
0x1f0: {  	v8 =	vld [tilespmem:s30+$0x6470];
	[tilespmem:s20+$0x4680] =	vst v10  }
0x1f1: {  	[tilespmem:s20+$0x4690] =	vst v11  }
0x1f2: {  	[tilespmem:s20+$0x46A0] =	vst v12  }
0x1f3: {  	[tilespmem:s20+$0x46B0] =	vst v13  }
0x1f4: {  	[tilespmem:s20+$0x46C0] =	vst v14  }
0x1f5: {  	[tilespmem:s20+$0x46D0] =	vst v15  }
0x1f6: {  	[tilespmem:s20+$0x46E0] =	vst v16  }
0x1f7: {  	[tilespmem:s20+$0x46F0] =	vst v17;
	s31 =	spop (v2sf)  }
0x1f8: {  	v9 =	vld [tilespmem:s31+$0x6400]  }
0x1f9: {  	v10 =	vld [tilespmem:s31+$0x6410]  }
0x1fa: {  	v11 =	vld [tilespmem:s31+$0x6420]  }
0x1fb: {  	v12 =	vld [tilespmem:s31+$0x6430]  }
0x1fc: {  	v13 =	vld [tilespmem:s31+$0x6440]  }
0x1fd: {  	v14 =	vld [tilespmem:s31+$0x6450]  }
0x1fe: {  	v15 =	vld [tilespmem:s31+$0x6460]  }
0x1ff: {  	v16 =	vld [tilespmem:s31+$0x6470];
	[tilespmem:s20+$0x4700] =	vst v2  }
0x200: {  	[tilespmem:s20+$0x4710] =	vst v1  }
0x201: {  	[tilespmem:s20+$0x4720] =	vst v3  }
0x202: {  	[tilespmem:s20+$0x4730] =	vst v4  }
0x203: {  	[tilespmem:s20+$0x4740] =	vst v5  }
0x204: {  	[tilespmem:s20+$0x4750] =	vst v6  }
0x205: {  	[tilespmem:s20+$0x4760] =	vst v7  }
0x206: {  	[tilespmem:s20+$0x4770] =	vst v8  }
0x207: {  	[tilespmem:s20+$0x4780] =	vst v9  }
0x208: {  	[tilespmem:s20+$0x4790] =	vst v10  }
0x209: {  	p1 =	sne.s32 s18, $0xE000;
	[tilespmem:s20+$0x47A0] =	vst v11  }
.Ltmp1:
0x20a: {  	[tilespmem:s20+$0x47B0] =	vst v12;
	(pc) =	sbr.rel @p1 .LBB2_5-.Ltmp1, $4  }
0x20b: {  	[tilespmem:s20+$0x47C0] =	vst v13  }
0x20c: {  	[tilespmem:s20+$0x47D0] =	vst v14  }
0x20d: {  	[tilespmem:s20+$0x47E0] =	vst v15  }
0x20e: {  	s19 =	sadd.s32 $0x10, s19;
	s18 =	sadd.s32 $0x2000, s18;
	[tilespmem:s20+$0x47F0] =	vst v16  }
0x20f: {  	s14 =	sadd.s32 $0x1, s14  }
0x210: {  	p1 =	sne.s32 s14, $0x64  }
.Ltmp2:
0x211: {  	_ = 	snop;
	(pc) =	sbr.rel @p1 .LBB2_2-.Ltmp2, $4  }
0x212: {  	s15 =	sadd.s32 s6, s16  }
0x213: {  	s13 =	sadd.s32 $0x100, s13;
	s15 =	sshrl.u32 s15, $0x3  }
0x214: {  	p0 =	por !p0, !p0;
	s12 =	sadd.s32 $0x100, s12;
	s15 =	sadd.s32 s3, s15  }
0x215: {  	[hbm4b:s15+s4] =	stream.linear.scatter [tilespmem:s17], [sflag:$0x1], $0x8000, $0x38;
	[tilespmem:$0x16700] =	vst v63  }
0x216: {  	s11 =	sadd.s32 $0x1, s11  }
0x217: {  	_ =	swait.ge [sflag:s10], $0x8000;
	p0 =	sne.s32 s11, s7  }
.Ltmp3:
0x218: {  	[sflag:s10] =	ssyncset.done $0x0;
	(pc) =	sbr.rel @p0 .LBB2_1-.Ltmp3, $4  }
0x219: {  	[sflag:s10] =	ssyncadd.s32 $0xFFFF8000  }
0x21a: {  	_ =	swait.ge [sflag:s10], $0x8000  }
0x21b: {  	[sflag:s10] =	ssyncset.done $0x0  }
0x21c: {  	[sflag:s10] =	ssyncadd.s32 $0xFFFF8000  }
0x21d: {  	_ =	sfence.sel $0x180000  }
0x21e: {  	[bflag:$0x0] =	sbarrier.arrive $0xFFFF  }
0x21f: {  	p0 =	sne.s32 s0, $0x0;
	_ =	strace $0x90000047  }
0x220: {  	s0 =	sadd.s32 @!p0 $0x100000, s1;
	[bflag:$0x2] =	sbarrier.arrive $0xFFFF  }
0x221: {  	[sflag:s0] =	ssyncadd.tile.s32 @!p0 $0x1;
	_ =	shalt  }
.Lfunc_end2:
_tile_overlayer_lowered:
.L_overlay_start_2:
0x222: {  	(tag) =	ssettag $0x2  }
0x223: {  	s0 =	rddreg [dreg:$0x0];
	s2 =	stileid.u32  }
0x224: {  	s1 =	rddreg [dreg:$0x1];
	p0 =	sne.s32 s2, $0x0  }
0x225: {  	s3 =	rddreg [dreg:$0x2];
	[bflag:$0x3] =	sbarrier.arrive $0xFFFF;
	s2 =	simm.s32 @!p0 $0x1C02  }
0x226: {  	[timem:s3], [sflag:s2] =	dma.local @!p0 [hbm:s0], s1  }
0x227: {  	s0 =	simm.s32 @!p0 $0x2  }
0x228: {  	_ =	swait.ge @!p0 [sflag:s0], s1  }
0x229: {  	s1 =	ssub.s32 @!p0 $0x0, s1;
	[sflag:s0] =	ssyncset.done @!p0 $0x0  }
0x22a: {  	[sflag:s0] =	ssyncadd.s32 @!p0 s1  }
0x22b: {  	[bflag:$0x3] =	sbarrier.arrive $0xFFFF  }
0x22c: {  	_ =	shalt  }

</sc_bundles>
